<compile_context>
chip_gen: v7x
topology: tpu7x:2x2x1
jax: 0.10.2.dev20260603
libtpu: 0.0.44.dev20260713+nightly
codegen_flags: <defaults>
</compile_context>

<pallas_src>
import functools

import jax
import jax.numpy as jnp
from jax import lax
from jax.experimental import pallas as pl
from jax.experimental.pallas import tpu as pltpu
from jax.experimental.pallas import tpu_sc as plsc

N = 10000
F = 128
NC, NS = 2, 16
NW = NC * NS
CHUNK = 128
NPAD = N + 112
DEGP = 10240


def _deg_body(dstc_hbm, zeros_hbm, out_hbm, dst_v, ones_v, acc_sh, cpt, srows):
    c = lax.axis_index("c")
    s = lax.axis_index("s")
    seg = DEGP // NS
    base = c * srows + s * cpt
    pltpu.sync_copy(zeros_hbm.at[pl.ds(s * seg, seg)],
                    acc_sh.at[pl.ds(s * seg, seg)])
    pltpu.sync_copy(dstc_hbm.at[pl.ds(base, cpt)], dst_v)
    for i in range(CHUNK // 16):
        ones_v[pl.ds(i * 16, 16)] = jnp.ones((16,), jnp.float32)
    plsc.subcore_barrier()

    @pl.loop(0, cpt)
    def _(j):
        pltpu.sync_copy(ones_v, acc_sh.at[dst_v.at[j]], add=True)

    plsc.subcore_barrier()
    pltpu.sync_copy(acc_sh.at[pl.ds(s * seg, seg)],
                    out_hbm.at[c, pl.ds(s * seg, seg)])


GRP = 8
NBUF = 2
IDXR = 3


def _agg_body(u_hbm, srcc_hbm, dstc_hbm, zeros_hbm, out_hbm,
              sidx, didx, rows_v, acc_sh, sl, sgs, sss, cpt, srows):
    c = lax.axis_index("c")
    s = lax.axis_index("s")
    seg = NPAD // NS
    base = c * srows + s * cpt
    ngroups = cpt // GRP
    pltpu.sync_copy(zeros_hbm.at[pl.ds(s * seg, seg)],
                    acc_sh.at[pl.ds(s * seg, seg)])
    pltpu.sync_copy(srcc_hbm.at[pl.ds(base, GRP)], sidx.at[0])
    pltpu.sync_copy(dstc_hbm.at[pl.ds(base, GRP)], didx.at[0])
    pltpu.sync_copy(srcc_hbm.at[pl.ds(base + GRP, GRP)], sidx.at[1])
    pltpu.sync_copy(dstc_hbm.at[pl.ds(base + GRP, GRP)], didx.at[1])
    plsc.subcore_barrier()

    wtg = tuple(pltpu.make_async_copy(u_hbm.at[pl.ds(0, CHUNK)],
                                      rows_v.at[b], sgs[b])
                for b in range(NBUF))
    wts = tuple(pltpu.make_async_copy(rows_v.at[b],
                                      acc_sh.at[didx.at[0, 0]], sss[b])
                for b in range(NBUF))
    wtl = (pltpu.make_async_copy(srcc_hbm.at[pl.ds(0, GRP)], sidx.at[0], sl),
           pltpu.make_async_copy(dstc_hbm.at[pl.ds(0, GRP)], didx.at[0], sl))

    def gath(slot, r, b):
        pltpu.async_copy(u_hbm.at[sidx.at[slot, r]], rows_v.at[b], sgs[b])

    def scat(slot, r, b):
        pltpu.async_copy(rows_v.at[b], acc_sh.at[didx.at[slot, r]], sss[b],
                         add=True)

    for b in range(NBUF - 1):
        gath(0, b, b)

    def do_group(g, slot, slot1, slotp, first):
        for r in range(GRP):
            wtg[r % NBUF].wait()
            scat(slot, r, r % NBUF)
            if not (first and r == 0):
                wts[(r + NBUF - 1) % NBUF].wait()
            if r == 0:
                nb = base + (g + 2) * GRP
                pltpu.async_copy(srcc_hbm.at[pl.ds(nb, GRP)], sidx.at[slotp],
                                 sl)
                pltpu.async_copy(dstc_hbm.at[pl.ds(nb, GRP)], didx.at[slotp],
                                 sl)
            ahead = r + NBUF - 1
            if ahead < GRP:
                gath(slot, ahead, ahead % NBUF)
            else:
                gath(slot1, ahead - GRP, ahead % NBUF)
            if r == GRP - 1:
                wtl[0].wait()
                wtl[1].wait()

    do_group(0, 0, 1, 2, True)

    @pl.loop(1, ngroups)
    def _(g):
        slot = lax.rem(g, IDXR)
        slot1 = lax.rem(g + 1, IDXR)
        slotp = lax.rem(g + 2, IDXR)
        do_group(g, slot, slot1, slotp, False)

    wts[NBUF - 1].wait()
    for b in range(NBUF - 1):
        wtg[b].wait()
    plsc.subcore_barrier()
    pltpu.sync_copy(acc_sh.at[pl.ds(s * seg, seg)],
                    out_hbm.at[c, pl.ds(s * seg, seg)])


def _sc_mesh():
    return plsc.VectorSubcoreMesh(core_axis_name="c", subcore_axis_name="s",
                                  num_cores=NC, num_subcores=NS)


def _deg_call(dstc, zeros1, cpt, srows):
    return pl.kernel(
        functools.partial(_deg_body, cpt=cpt, srows=srows),
        out_type=jax.ShapeDtypeStruct((NC, DEGP), jnp.float32),
        mesh=_sc_mesh(),
        scratch_types=[
            pltpu.VMEM((cpt, CHUNK), jnp.int32),
            pltpu.VMEM((CHUNK,), jnp.float32),
            pltpu.VMEM_SHARED((DEGP,), jnp.float32),
        ],
    )(dstc, zeros1)


def _agg_call(u, srcc, dstc, zeros2, cpt, srows):
    return pl.kernel(
        functools.partial(_agg_body, cpt=cpt, srows=srows),
        out_type=jax.ShapeDtypeStruct((NC, NPAD, F), jnp.float32),
        mesh=_sc_mesh(),
        compiler_params=pltpu.CompilerParams(use_tc_tiling_on_sc=False),
        scratch_types=[
            pltpu.VMEM((IDXR, GRP, CHUNK), jnp.int32),
            pltpu.VMEM((IDXR, GRP, CHUNK), jnp.int32),
            pltpu.VMEM((NBUF, CHUNK, F), jnp.float32),
            pltpu.VMEM_SHARED((NPAD, F), jnp.float32),
            pltpu.SemaphoreType.DMA,
            [pltpu.SemaphoreType.DMA] * NBUF,
            [pltpu.SemaphoreType.DMA] * NBUF,
        ],
    )(u, srcc, dstc, zeros2)


def _tc1_body(x_ref, degp_ref, u1_ref, dis_ref):
    deg = degp_ref[0] + degp_ref[1] + 1.0
    dis = lax.rsqrt(deg)
    dis_ref[...] = dis
    xw = x_ref[...] * dis
    u1_ref[0] = xw
    u1_ref[1] = xw


def _tc2_body(p_ref, u1_ref, dis_ref, w1_ref, b1_ref, w2_ref, u2_ref):
    dis = dis_ref[...]
    agg1 = (p_ref[0] + p_ref[1] + u1_ref[0]) * dis
    h1 = jax.nn.relu(
        jnp.dot(agg1, w1_ref[...], preferred_element_type=jnp.float32)
        + b1_ref[...])
    g2 = jnp.dot(h1, w2_ref[...], preferred_element_type=jnp.float32)
    u2 = g2 * dis
    u2_ref[0] = u2
    u2_ref[1] = u2


def _tc3_body(q_ref, u2_ref, dis_ref, b2_ref, wl_ref, bl_ref, out_ref):
    agg2 = (q_ref[0] + q_ref[1] + u2_ref[0]) * dis_ref[...]
    h2 = jax.nn.relu(agg2 + b2_ref[...])
    lg = jnp.dot(h2, wl_ref[...], preferred_element_type=jnp.float32) + bl_ref[...]
    m = jnp.max(lg, axis=-1, keepdims=True)
    lse = m + jnp.log(jnp.sum(jnp.exp(lg - m), axis=-1, keepdims=True))
    out_ref[...] = lg - lse


_BN = 2000


def kernel(x, edge_index, W1, b1, W2, b2, Wl, bl):
    E = edge_index.shape[1]
    n0 = E // 2
    n1 = E - n0
    cpt = -(-max(n0, n1) // (NS * CHUNK))
    cpt = -(-cpt // 8) * 8
    cap = NS * cpt * CHUNK
    src = edge_index[0]
    dst = edge_index[1]
    padrows = 16
    srows = NS * cpt + padrows
    sp0 = jnp.zeros(((cap - n0) + padrows * CHUNK,), jnp.int32)
    sp1 = jnp.zeros(((cap - n1) + padrows * CHUNK,), jnp.int32)
    srcc = jnp.concatenate(
        [src[:n0], sp0, src[n0:] + NPAD, sp1]).reshape(2 * srows, CHUNK)
    dp0 = jnp.concatenate(
        [jnp.full(((cap - n0),), N, jnp.int32),
         jnp.zeros((padrows * CHUNK,), jnp.int32)])
    dp1 = jnp.concatenate(
        [jnp.full(((cap - n1),), N, jnp.int32),
         jnp.zeros((padrows * CHUNK,), jnp.int32)])
    dstc = jnp.concatenate(
        [dst[:n0], dp0, dst[n0:], dp1]).reshape(2 * srows, CHUNK)
    zeros1 = jnp.zeros((DEGP,), jnp.float32)
    zeros2 = jnp.zeros((NPAD, F), jnp.float32)

    degp = _deg_call(dstc, zeros1, cpt, srows)
    degp2 = degp[:, :, None]

    grid = (N // _BN,)
    row3 = lambda i: (0, i, 0)
    row2 = lambda i: (i, 0)
    whole = lambda i: (0, 0)

    u1, dis = pl.pallas_call(
        _tc1_body,
        grid=grid,
        in_specs=[
            pl.BlockSpec((_BN, F), row2),
            pl.BlockSpec((NC, _BN, 1), row3),
        ],
        out_specs=[
            pl.BlockSpec((NC, _BN, F), row3),
            pl.BlockSpec((_BN, 1), row2),
        ],
        out_shape=[
            jax.ShapeDtypeStruct((NC, NPAD, F), jnp.float32),
            jax.ShapeDtypeStruct((N, 1), jnp.float32),
        ],
    )(x, degp2)

    p = _agg_call(u1.reshape(NC * NPAD, F), srcc, dstc, zeros2, cpt, srows)

    u2 = pl.pallas_call(
        _tc2_body,
        grid=grid,
        in_specs=[
            pl.BlockSpec((NC, _BN, F), row3),
            pl.BlockSpec((1, _BN, F), row3),
            pl.BlockSpec((_BN, 1), row2),
            pl.BlockSpec((F, 2 * F), whole),
            pl.BlockSpec((1, 2 * F), whole),
            pl.BlockSpec((2 * F, F), whole),
        ],
        out_specs=pl.BlockSpec((NC, _BN, F), row3),
        out_shape=jax.ShapeDtypeStruct((NC, NPAD, F), jnp.float32),
    )(p, u1, dis, W1, b1.reshape(1, -1), W2)

    q = _agg_call(u2.reshape(NC * NPAD, F), srcc, dstc, zeros2, cpt, srows)

    C = Wl.shape[1]
    out = pl.pallas_call(
        _tc3_body,
        grid=grid,
        in_specs=[
            pl.BlockSpec((NC, _BN, F), row3),
            pl.BlockSpec((1, _BN, F), row3),
            pl.BlockSpec((_BN, 1), row2),
            pl.BlockSpec((1, F), whole),
            pl.BlockSpec((F, C), whole),
            pl.BlockSpec((1, C), whole),
        ],
        out_specs=pl.BlockSpec((_BN, C), row2),
        out_shape=jax.ShapeDtypeStruct((N, C), jnp.float32),
    )(q, u2, dis, b2.reshape(1, -1), Wl, bl.reshape(1, -1))

    return out

# --- scband reference (transcript-rebuilt; emitter-appended) ---
"""Pipeline reference for scband-model-31293131718969 (READ-ONLY COPY).

The authoritative reference and input builder live on the scoring server;
editing this copy changes nothing except your own understanding.
"""

import jax, jax.numpy as jnp
import numpy as np

N = 10000
E = 320000
F_IN = 128
NHID = 128
C = 4


def setup_inputs(seed: int = 0) -> dict:
    key = jax.random.key(seed)
    ks = jax.random.split(key, 8)
    x = jax.random.normal(ks[0], (N, F_IN), dtype=jnp.float32)
    edge_index = jax.random.randint(ks[1], (2, E), 0, N, dtype=jnp.int32)
    # GCNConv layer 1: num_features -> nhid*2
    W1 = jax.random.normal(ks[2], (F_IN, 2 * NHID), dtype=jnp.float32) / jnp.sqrt(F_IN)
    b1 = jnp.zeros((2 * NHID,), dtype=jnp.float32)
    # GCNConv layer 2: nhid*2 -> nhid
    W2 = jax.random.normal(ks[3], (2 * NHID, NHID), dtype=jnp.float32) / jnp.sqrt(2 * NHID)
    b2 = jnp.zeros((NHID,), dtype=jnp.float32)
    # Final linear: nhid -> num_classes
    Wl = jax.random.normal(ks[4], (NHID, C), dtype=jnp.float32) / jnp.sqrt(NHID)
    bl = jnp.zeros((C,), dtype=jnp.float32)
    return {"x": x, "edge_index": edge_index, "W1": W1, "b1": b1, "W2": W2, "b2": b2, "Wl": Wl, "bl": bl}


def gcn_conv(x, edge_index, W, b):
    # Faithful PyG GCNConv: linear transform, gcn_norm with added self-loops,
    # sum aggregation at dst, then bias.
    n = x.shape[0]
    loop = jnp.arange(n, dtype=edge_index.dtype)
    src = jnp.concatenate([edge_index[0], loop])
    dst = jnp.concatenate([edge_index[1], loop])
    ew = jnp.ones(src.shape[0], dtype=x.dtype)
    deg = jnp.zeros((n,), dtype=x.dtype).at[dst].add(ew)
    deg_inv_sqrt = jnp.where(deg > 0, 1.0 / jnp.sqrt(deg), 0.0)
    norm = deg_inv_sqrt[src] * deg_inv_sqrt[dst]
    h = x @ W
    msg = h[src] * norm[:, None]
    out = jnp.zeros((n, h.shape[1]), dtype=x.dtype).at[dst].add(msg)
    return out + b


def reference(x, edge_index, W1, b1, W2, b2, Wl, bl):
    h = jax.nn.relu(gcn_conv(x, edge_index, W1, b1))
    h = jax.nn.relu(gcn_conv(h, edge_index, W2, b2))
    logits = h @ Wl + bl
    return jax.nn.log_softmax(logits, axis=-1)

if __name__ == "__main__":
    import jax
    _d = setup_inputs()
    print(jax.jit(kernel)(*tuple(_d.values())))

</pallas_src>

<mosaic_0001>
#map = affine_map<(d0, d1) -> (0, 0)>
#map1 = affine_map<(d0, d1) -> (0, 0, 0)>
module attributes {stable_mosaic.version = 14 : i64} {
  func.func @_agg_body(%arg0: i32, %arg1: i32, %arg2: memref<20224x128xf32, #tpu.memory_space<hbm>>, %arg3: memref<2592x128xi32, #tpu.memory_space<hbm>>, %arg4: memref<2592x128xi32, #tpu.memory_space<hbm>>, %arg5: memref<10112x128xf32, #tpu.memory_space<hbm>>, %arg6: memref<2x10112x128xf32, #tpu.memory_space<hbm>>, %arg7: memref<3x8x128xi32, #tpu.memory_space<vmem>>, %arg8: memref<3x8x128xi32, #tpu.memory_space<vmem>>, %arg9: memref<2x128x128xf32, #tpu.memory_space<vmem>>, %arg10: memref<10112x128xf32, #tpu.memory_space<vmem_shared>>, %arg11: memref<!tpu.dma_semaphore, #tpu.memory_space<semaphore_mem>>, %arg12: memref<!tpu.dma_semaphore, #tpu.memory_space<semaphore_mem>>, %arg13: memref<!tpu.dma_semaphore, #tpu.memory_space<semaphore_mem>>, %arg14: memref<!tpu.dma_semaphore, #tpu.memory_space<semaphore_mem>>, %arg15: memref<!tpu.dma_semaphore, #tpu.memory_space<semaphore_mem>>) attributes {dimension_semantics = [#tpu.dimension_semantics<core_parallel>, #tpu.dimension_semantics<subcore_parallel>], iteration_bounds = array<i64: 2, 16>, scalar_prefetch = 0 : i64, scratch_operands = 9 : i64, tpu.core_type = #tpu.core_type<sc_vector_subcore>, window_params = [{transform_indices = #map}, {transform_indices = #map}, {transform_indices = #map}, {transform_indices = #map}, {transform_indices = #map1}]} {
    %mul3A = arith.constant 1296 : i32
    %mul3A_0 = arith.muli %arg0, %mul3A : i32
    %mul3A_1 = arith.constant 80 : i32
    %mul3A_2 = arith.muli %arg1, %mul3A_1 : i32
    %add3A = arith.addi %mul3A_0, %mul3A_2 : i32
    %mul3A_3 = arith.constant 632 : i32
    %mul3A_4 = arith.muli %arg1, %mul3A_3 : i32
    %mul3A_5 = arith.constant 632 : i32
    %mul3A_6 = arith.muli %arg1, %mul3A_5 : i32
    "tpu.region"() ({
      %run_scoped3A_549 = tpu.sem_alloc : memref<!tpu.dma_semaphore, #tpu.memory_space<semaphore_mem>>
      %dma_start3A_550 = arith.constant 0 : i32
      %dma_start3A_551 = tpu.memref_slice %arg10[%mul3A_6, %dma_start3A_550] : memref<10112x128xf32, #tpu.memory_space<vmem_shared>> -> memref<632x128xf32, #tpu.memory_space<vmem_shared>>
      %dma_start3A_552 = arith.constant 0 : i32
      %dma_start3A_553 = tpu.memref_slice %arg5[%mul3A_4, %dma_start3A_552] : memref<10112x128xf32, #tpu.memory_space<hbm>> -> memref<632x128xf32, #tpu.memory_space<hbm>>
      tpu.enqueue_dma source(%dma_start3A_553 : memref<632x128xf32, #tpu.memory_space<hbm>>) target(%dma_start3A_551 : memref<632x128xf32, #tpu.memory_space<vmem_shared>>) target_semaphore(%run_scoped3A_549 : memref<!tpu.dma_semaphore, #tpu.memory_space<semaphore_mem>>)
      %dma_wait3A_554 = arith.constant 0 : i32
      %dma_wait3A_555 = tpu.memref_slice %arg10[%mul3A_6, %dma_wait3A_554] : memref<10112x128xf32, #tpu.memory_space<vmem_shared>> -> memref<632x128xf32, #tpu.memory_space<vmem_shared>>
      %dma_wait3A_556 = arith.constant 0 : i32
      %dma_wait3A_557 = tpu.memref_slice %arg5[%mul3A_4, %dma_wait3A_556] : memref<10112x128xf32, #tpu.memory_space<hbm>> -> memref<632x128xf32, #tpu.memory_space<hbm>>
      tpu.wait_dma2 semaphore(%run_scoped3A_549 : memref<!tpu.dma_semaphore, #tpu.memory_space<semaphore_mem>>) src(%dma_wait3A_557 : memref<632x128xf32, #tpu.memory_space<hbm>>) dst(%dma_wait3A_555 : memref<632x128xf32, #tpu.memory_space<vmem_shared>>)
      tpu.yield
    }) : () -> ()
    %run_scoped3A = arith.constant 0 : i32
    "tpu.region"() ({
      %run_scoped3A_549 = tpu.sem_alloc : memref<!tpu.dma_semaphore, #tpu.memory_space<semaphore_mem>>
      %dma_start3A_550 = arith.constant 0 : i32
      %dma_start3A_551 = arith.constant 0 : i32
      %dma_start3A_552 = tpu.memref_slice %arg7[%run_scoped3A, %dma_start3A_550, %dma_start3A_551] : memref<3x8x128xi32, #tpu.memory_space<vmem>> -> memref<1x8x128xi32, #tpu.memory_space<vmem>>
      %dma_start3A_553 = tpu.memref_squeeze %dma_start3A_552 : memref<1x8x128xi32, #tpu.memory_space<vmem>> -> memref<8x128xi32, #tpu.memory_space<vmem>>
      %dma_start3A_554 = arith.constant 0 : i32
      %dma_start3A_555 = tpu.memref_slice %arg3[%add3A, %dma_start3A_554] : memref<2592x128xi32, #tpu.memory_space<hbm>> -> memref<8x128xi32, #tpu.memory_space<hbm>>
      %dma_start3A_556 = arith.constant 0 : i32
      %dma_start3A_557 = arith.constant 0 : i32
      %dma_start3A_558 = tpu.memref_slice %arg7[%run_scoped3A, %dma_start3A_556, %dma_start3A_557] : memref<3x8x128xi32, #tpu.memory_space<vmem>> -> memref<1x8x128xi32, #tpu.memory_space<vmem>>
      %dma_start3A_559 = tpu.memref_squeeze %dma_start3A_558 : memref<1x8x128xi32, #tpu.memory_space<vmem>> -> memref<8x128xi32, #tpu.memory_space<vmem>>
      %dma_start3A_560 = arith.constant 0 : i32
      %dma_start3A_561 = tpu.memref_slice %arg3[%add3A, %dma_start3A_560] : memref<2592x128xi32, #tpu.memory_space<hbm>> -> memref<8x128xi32, #tpu.memory_space<hbm>>
      tpu.enqueue_dma source(%dma_start3A_561 : memref<8x128xi32, #tpu.memory_space<hbm>>) target(%dma_start3A_559 : memref<8x128xi32, #tpu.memory_space<vmem>>) target_semaphore(%run_scoped3A_549 : memref<!tpu.dma_semaphore, #tpu.memory_space<semaphore_mem>>)
      %dma_wait3A_562 = arith.constant 0 : i32
      %dma_wait3A_563 = arith.constant 0 : i32
      %dma_wait3A_564 = tpu.memref_slice %arg7[%run_scoped3A, %dma_wait3A_562, %dma_wait3A_563] : memref<3x8x128xi32, #tpu.memory_space<vmem>> -> memref<1x8x128xi32, #tpu.memory_space<vmem>>
      %dma_wait3A_565 = tpu.memref_squeeze %dma_wait3A_564 : memref<1x8x128xi32, #tpu.memory_space<vmem>> -> memref<8x128xi32, #tpu.memory_space<vmem>>
      %dma_wait3A_566 = arith.constant 0 : i32
      %dma_wait3A_567 = tpu.memref_slice %arg3[%add3A, %dma_wait3A_566] : memref<2592x128xi32, #tpu.memory_space<hbm>> -> memref<8x128xi32, #tpu.memory_space<hbm>>
      %dma_wait3A_568 = arith.constant 0 : i32
      %dma_wait3A_569 = arith.constant 0 : i32
      %dma_wait3A_570 = tpu.memref_slice %arg7[%run_scoped3A, %dma_wait3A_568, %dma_wait3A_569] : memref<3x8x128xi32, #tpu.memory_space<vmem>> -> memref<1x8x128xi32, #tpu.memory_space<vmem>>
      %dma_wait3A_571 = tpu.memref_squeeze %dma_wait3A_570 : memref<1x8x128xi32, #tpu.memory_space<vmem>> -> memref<8x128xi32, #tpu.memory_space<vmem>>
      %dma_wait3A_572 = arith.constant 0 : i32
      %dma_wait3A_573 = tpu.memref_slice %arg3[%add3A, %dma_wait3A_572] : memref<2592x128xi32, #tpu.memory_space<hbm>> -> memref<8x128xi32, #tpu.memory_space<hbm>>
      tpu.wait_dma2 semaphore(%run_scoped3A_549 : memref<!tpu.dma_semaphore, #tpu.memory_space<semaphore_mem>>) src(%dma_wait3A_573 : memref<8x128xi32, #tpu.memory_space<hbm>>) dst(%dma_wait3A_571 : memref<8x128xi32, #tpu.memory_space<vmem>>)
      tpu.yield
    }) : () -> ()
    %run_scoped3A_7 = arith.constant 0 : i32
    "tpu.region"() ({
      %run_scoped3A_549 = tpu.sem_alloc : memref<!tpu.dma_semaphore, #tpu.memory_space<semaphore_mem>>
      %dma_start3A_550 = arith.constant 0 : i32
      %dma_start3A_551 = arith.constant 0 : i32
      %dma_start3A_552 = tpu.memref_slice %arg8[%run_scoped3A_7, %dma_start3A_550, %dma_start3A_551] : memref<3x8x128xi32, #tpu.memory_space<vmem>> -> memref<1x8x128xi32, #tpu.memory_space<vmem>>
      %dma_start3A_553 = tpu.memref_squeeze %dma_start3A_552 : memref<1x8x128xi32, #tpu.memory_space<vmem>> -> memref<8x128xi32, #tpu.memory_space<vmem>>
      %dma_start3A_554 = arith.constant 0 : i32
      %dma_start3A_555 = tpu.memref_slice %arg4[%add3A, %dma_start3A_554] : memref<2592x128xi32, #tpu.memory_space<hbm>> -> memref<8x128xi32, #tpu.memory_space<hbm>>
      %dma_start3A_556 = arith.constant 0 : i32
      %dma_start3A_557 = arith.constant 0 : i32
      %dma_start3A_558 = tpu.memref_slice %arg8[%run_scoped3A_7, %dma_start3A_556, %dma_start3A_557] : memref<3x8x128xi32, #tpu.memory_space<vmem>> -> memref<1x8x128xi32, #tpu.memory_space<vmem>>
      %dma_start3A_559 = tpu.memref_squeeze %dma_start3A_558 : memref<1x8x128xi32, #tpu.memory_space<vmem>> -> memref<8x128xi32, #tpu.memory_space<vmem>>
      %dma_start3A_560 = arith.constant 0 : i32
      %dma_start3A_561 = tpu.memref_slice %arg4[%add3A, %dma_start3A_560] : memref<2592x128xi32, #tpu.memory_space<hbm>> -> memref<8x128xi32, #tpu.memory_space<hbm>>
      tpu.enqueue_dma source(%dma_start3A_561 : memref<8x128xi32, #tpu.memory_space<hbm>>) target(%dma_start3A_559 : memref<8x128xi32, #tpu.memory_space<vmem>>) target_semaphore(%run_scoped3A_549 : memref<!tpu.dma_semaphore, #tpu.memory_space<semaphore_mem>>)
      %dma_wait3A_562 = arith.constant 0 : i32
      %dma_wait3A_563 = arith.constant 0 : i32
      %dma_wait3A_564 = tpu.memref_slice %arg8[%run_scoped3A_7, %dma_wait3A_562, %dma_wait3A_563] : memref<3x8x128xi32, #tpu.memory_space<vmem>> -> memref<1x8x128xi32, #tpu.memory_space<vmem>>
      %dma_wait3A_565 = tpu.memref_squeeze %dma_wait3A_564 : memref<1x8x128xi32, #tpu.memory_space<vmem>> -> memref<8x128xi32, #tpu.memory_space<vmem>>
      %dma_wait3A_566 = arith.constant 0 : i32
      %dma_wait3A_567 = tpu.memref_slice %arg4[%add3A, %dma_wait3A_566] : memref<2592x128xi32, #tpu.memory_space<hbm>> -> memref<8x128xi32, #tpu.memory_space<hbm>>
      %dma_wait3A_568 = arith.constant 0 : i32
      %dma_wait3A_569 = arith.constant 0 : i32
      %dma_wait3A_570 = tpu.memref_slice %arg8[%run_scoped3A_7, %dma_wait3A_568, %dma_wait3A_569] : memref<3x8x128xi32, #tpu.memory_space<vmem>> -> memref<1x8x128xi32, #tpu.memory_space<vmem>>
      %dma_wait3A_571 = tpu.memref_squeeze %dma_wait3A_570 : memref<1x8x128xi32, #tpu.memory_space<vmem>> -> memref<8x128xi32, #tpu.memory_space<vmem>>
      %dma_wait3A_572 = arith.constant 0 : i32
      %dma_wait3A_573 = tpu.memref_slice %arg4[%add3A, %dma_wait3A_572] : memref<2592x128xi32, #tpu.memory_space<hbm>> -> memref<8x128xi32, #tpu.memory_space<hbm>>
      tpu.wait_dma2 semaphore(%run_scoped3A_549 : memref<!tpu.dma_semaphore, #tpu.memory_space<semaphore_mem>>) src(%dma_wait3A_573 : memref<8x128xi32, #tpu.memory_space<hbm>>) dst(%dma_wait3A_571 : memref<8x128xi32, #tpu.memory_space<vmem>>)
      tpu.yield
    }) : () -> ()
    %add3A_8 = arith.constant 8 : i32
    %add3A_9 = arith.addi %add3A, %add3A_8 : i32
    %run_scoped3A_10 = arith.constant 1 : i32
    "tpu.region"() ({
      %run_scoped3A_549 = tpu.sem_alloc : memref<!tpu.dma_semaphore, #tpu.memory_space<semaphore_mem>>
      %dma_start3A_550 = arith.constant 0 : i32
      %dma_start3A_551 = arith.constant 0 : i32
      %dma_start3A_552 = tpu.memref_slice %arg7[%run_scoped3A_10, %dma_start3A_550, %dma_start3A_551] : memref<3x8x128xi32, #tpu.memory_space<vmem>> -> memref<1x8x128xi32, #tpu.memory_space<vmem>>
      %dma_start3A_553 = tpu.memref_squeeze %dma_start3A_552 : memref<1x8x128xi32, #tpu.memory_space<vmem>> -> memref<8x128xi32, #tpu.memory_space<vmem>>
      %dma_start3A_554 = arith.constant 0 : i32
      %dma_start3A_555 = tpu.memref_slice %arg3[%add3A_9, %dma_start3A_554] : memref<2592x128xi32, #tpu.memory_space<hbm>> -> memref<8x128xi32, #tpu.memory_space<hbm>>
      %dma_start3A_556 = arith.constant 0 : i32
      %dma_start3A_557 = arith.constant 0 : i32
      %dma_start3A_558 = tpu.memref_slice %arg7[%run_scoped3A_10, %dma_start3A_556, %dma_start3A_557] : memref<3x8x128xi32, #tpu.memory_space<vmem>> -> memref<1x8x128xi32, #tpu.memory_space<vmem>>
      %dma_start3A_559 = tpu.memref_squeeze %dma_start3A_558 : memref<1x8x128xi32, #tpu.memory_space<vmem>> -> memref<8x128xi32, #tpu.memory_space<vmem>>
      %dma_start3A_560 = arith.constant 0 : i32
      %dma_start3A_561 = tpu.memref_slice %arg3[%add3A_9, %dma_start3A_560] : memref<2592x128xi32, #tpu.memory_space<hbm>> -> memref<8x128xi32, #tpu.memory_space<hbm>>
      tpu.enqueue_dma source(%dma_start3A_561 : memref<8x128xi32, #tpu.memory_space<hbm>>) target(%dma_start3A_559 : memref<8x128xi32, #tpu.memory_space<vmem>>) target_semaphore(%run_scoped3A_549 : memref<!tpu.dma_semaphore, #tpu.memory_space<semaphore_mem>>)
      %dma_wait3A_562 = arith.constant 0 : i32
      %dma_wait3A_563 = arith.constant 0 : i32
      %dma_wait3A_564 = tpu.memref_slice %arg7[%run_scoped3A_10, %dma_wait3A_562, %dma_wait3A_563] : memref<3x8x128xi32, #tpu.memory_space<vmem>> -> memref<1x8x128xi32, #tpu.memory_space<vmem>>
      %dma_wait3A_565 = tpu.memref_squeeze %dma_wait3A_564 : memref<1x8x128xi32, #tpu.memory_space<vmem>> -> memref<8x128xi32, #tpu.memory_space<vmem>>
      %dma_wait3A_566 = arith.constant 0 : i32
      %dma_wait3A_567 = tpu.memref_slice %arg3[%add3A_9, %dma_wait3A_566] : memref<2592x128xi32, #tpu.memory_space<hbm>> -> memref<8x128xi32, #tpu.memory_space<hbm>>
      %dma_wait3A_568 = arith.constant 0 : i32
      %dma_wait3A_569 = arith.constant 0 : i32
      %dma_wait3A_570 = tpu.memref_slice %arg7[%run_scoped3A_10, %dma_wait3A_568, %dma_wait3A_569] : memref<3x8x128xi32, #tpu.memory_space<vmem>> -> memref<1x8x128xi32, #tpu.memory_space<vmem>>
      %dma_wait3A_571 = tpu.memref_squeeze %dma_wait3A_570 : memref<1x8x128xi32, #tpu.memory_space<vmem>> -> memref<8x128xi32, #tpu.memory_space<vmem>>
      %dma_wait3A_572 = arith.constant 0 : i32
      %dma_wait3A_573 = tpu.memref_slice %arg3[%add3A_9, %dma_wait3A_572] : memref<2592x128xi32, #tpu.memory_space<hbm>> -> memref<8x128xi32, #tpu.memory_space<hbm>>
      tpu.wait_dma2 semaphore(%run_scoped3A_549 : memref<!tpu.dma_semaphore, #tpu.memory_space<semaphore_mem>>) src(%dma_wait3A_573 : memref<8x128xi32, #tpu.memory_space<hbm>>) dst(%dma_wait3A_571 : memref<8x128xi32, #tpu.memory_space<vmem>>)
      tpu.yield
    }) : () -> ()
    %add3A_11 = arith.constant 8 : i32
    %add3A_12 = arith.addi %add3A, %add3A_11 : i32
    %run_scoped3A_13 = arith.constant 1 : i32
    "tpu.region"() ({
      %run_scoped3A_549 = tpu.sem_alloc : memref<!tpu.dma_semaphore, #tpu.memory_space<semaphore_mem>>
      %dma_start3A_550 = arith.constant 0 : i32
      %dma_start3A_551 = arith.constant 0 : i32
      %dma_start3A_552 = tpu.memref_slice %arg8[%run_scoped3A_13, %dma_start3A_550, %dma_start3A_551] : memref<3x8x128xi32, #tpu.memory_space<vmem>> -> memref<1x8x128xi32, #tpu.memory_space<vmem>>
      %dma_start3A_553 = tpu.memref_squeeze %dma_start3A_552 : memref<1x8x128xi32, #tpu.memory_space<vmem>> -> memref<8x128xi32, #tpu.memory_space<vmem>>
      %dma_start3A_554 = arith.constant 0 : i32
      %dma_start3A_555 = tpu.memref_slice %arg4[%add3A_12, %dma_start3A_554] : memref<2592x128xi32, #tpu.memory_space<hbm>> -> memref<8x128xi32, #tpu.memory_space<hbm>>
      %dma_start3A_556 = arith.constant 0 : i32
      %dma_start3A_557 = arith.constant 0 : i32
      %dma_start3A_558 = tpu.memref_slice %arg8[%run_scoped3A_13, %dma_start3A_556, %dma_start3A_557] : memref<3x8x128xi32, #tpu.memory_space<vmem>> -> memref<1x8x128xi32, #tpu.memory_space<vmem>>
      %dma_start3A_559 = tpu.memref_squeeze %dma_start3A_558 : memref<1x8x128xi32, #tpu.memory_space<vmem>> -> memref<8x128xi32, #tpu.memory_space<vmem>>
      %dma_start3A_560 = arith.constant 0 : i32
      %dma_start3A_561 = tpu.memref_slice %arg4[%add3A_12, %dma_start3A_560] : memref<2592x128xi32, #tpu.memory_space<hbm>> -> memref<8x128xi32, #tpu.memory_space<hbm>>
      tpu.enqueue_dma source(%dma_start3A_561 : memref<8x128xi32, #tpu.memory_space<hbm>>) target(%dma_start3A_559 : memref<8x128xi32, #tpu.memory_space<vmem>>) target_semaphore(%run_scoped3A_549 : memref<!tpu.dma_semaphore, #tpu.memory_space<semaphore_mem>>)
      %dma_wait3A_562 = arith.constant 0 : i32
      %dma_wait3A_563 = arith.constant 0 : i32
      %dma_wait3A_564 = tpu.memref_slice %arg8[%run_scoped3A_13, %dma_wait3A_562, %dma_wait3A_563] : memref<3x8x128xi32, #tpu.memory_space<vmem>> -> memref<1x8x128xi32, #tpu.memory_space<vmem>>
      %dma_wait3A_565 = tpu.memref_squeeze %dma_wait3A_564 : memref<1x8x128xi32, #tpu.memory_space<vmem>> -> memref<8x128xi32, #tpu.memory_space<vmem>>
      %dma_wait3A_566 = arith.constant 0 : i32
      %dma_wait3A_567 = tpu.memref_slice %arg4[%add3A_12, %dma_wait3A_566] : memref<2592x128xi32, #tpu.memory_space<hbm>> -> memref<8x128xi32, #tpu.memory_space<hbm>>
      %dma_wait3A_568 = arith.constant 0 : i32
      %dma_wait3A_569 = arith.constant 0 : i32
      %dma_wait3A_570 = tpu.memref_slice %arg8[%run_scoped3A_13, %dma_wait3A_568, %dma_wait3A_569] : memref<3x8x128xi32, #tpu.memory_space<vmem>> -> memref<1x8x128xi32, #tpu.memory_space<vmem>>
      %dma_wait3A_571 = tpu.memref_squeeze %dma_wait3A_570 : memref<1x8x128xi32, #tpu.memory_space<vmem>> -> memref<8x128xi32, #tpu.memory_space<vmem>>
      %dma_wait3A_572 = arith.constant 0 : i32
      %dma_wait3A_573 = tpu.memref_slice %arg4[%add3A_12, %dma_wait3A_572] : memref<2592x128xi32, #tpu.memory_space<hbm>> -> memref<8x128xi32, #tpu.memory_space<hbm>>
      tpu.wait_dma2 semaphore(%run_scoped3A_549 : memref<!tpu.dma_semaphore, #tpu.memory_space<semaphore_mem>>) src(%dma_wait3A_573 : memref<8x128xi32, #tpu.memory_space<hbm>>) dst(%dma_wait3A_571 : memref<8x128xi32, #tpu.memory_space<vmem>>)
      tpu.yield
    }) : () -> ()
    %barrier3A = arith.constant 0 : index
    tpu.barrier barrier_id(%barrier3A)
    %dma_start3A = arith.constant 0 : i32
    %dma_start3A_14 = arith.constant 0 : i32
    %dma_start3A_15 = arith.constant 0 : i32
    %dma_start3A_16 = arith.constant 0 : i32
    %dma_start3A_17 = arith.constant 0 : i32
    %dma_start3A_18 = tpu.memref_slice %arg9[%dma_start3A_15, %dma_start3A_16, %dma_start3A_17] : memref<2x128x128xf32, #tpu.memory_space<vmem>> -> memref<1x128x128xf32, #tpu.memory_space<vmem>>
    %dma_start3A_19 = tpu.memref_squeeze %dma_start3A_18 : memref<1x128x128xf32, #tpu.memory_space<vmem>> -> memref<128x128xf32, #tpu.memory_space<vmem>>
    %dma_start3A_20 = arith.constant 0 : i32
    %dma_start3A_21 = tpu.memref_slice %arg7[%dma_start3A, %dma_start3A_14, %dma_start3A_20] : memref<3x8x128xi32, #tpu.memory_space<vmem>> -> memref<1x1x128xi32, #tpu.memory_space<vmem>>
    %dma_start3A_22 = tpu.memref_squeeze %dma_start3A_21 : memref<1x1x128xi32, #tpu.memory_space<vmem>> -> memref<128xi32, #tpu.memory_space<vmem>>
    %dma_start3A_23 = arith.constant 0 : i32
    %dma_start3A_24 = arith.constant 0 : i32
    %dma_start3A_25 = tpu.memref_slice %arg2[%dma_start3A_23, %dma_start3A_24] : memref<20224x128xf32, #tpu.memory_space<hbm>> -> memref<20224x128xf32, #tpu.memory_space<hbm>>
    tpu.enqueue_indirect_dma source(%dma_start3A_25 : memref<20224x128xf32, #tpu.memory_space<hbm>>) target(%dma_start3A_19 : memref<128x128xf32, #tpu.memory_space<vmem>>) offsets(%dma_start3A_22 : memref<128xi32, #tpu.memory_space<vmem>>) semaphore(%arg12 : memref<!tpu.dma_semaphore, #tpu.memory_space<semaphore_mem>>)
    %dma_wait3A = arith.constant 0 : i32
    %dma_wait3A_26 = arith.constant 0 : i32
    %dma_wait3A_27 = arith.constant 0 : i32
    %dma_wait3A_28 = tpu.memref_slice %arg9[%dma_wait3A, %dma_wait3A_26, %dma_wait3A_27] : memref<2x128x128xf32, #tpu.memory_space<vmem>> -> memref<1x128x128xf32, #tpu.memory_space<vmem>>
    %dma_wait3A_29 = tpu.memref_squeeze %dma_wait3A_28 : memref<1x128x128xf32, #tpu.memory_space<vmem>> -> memref<128x128xf32, #tpu.memory_space<vmem>>
    %dma_wait3A_30 = arith.constant 0 : i32
    %dma_wait3A_31 = arith.constant 0 : i32
    %dma_wait3A_32 = tpu.memref_slice %arg2[%dma_wait3A_30, %dma_wait3A_31] : memref<20224x128xf32, #tpu.memory_space<hbm>> -> memref<128x128xf32, #tpu.memory_space<hbm>>
    %dma_wait3A_33 = arith.constant 0 : i32
    %dma_wait3A_34 = arith.constant 0 : i32
    %dma_wait3A_35 = tpu.memref_slice %arg9[%dma_wait3A, %dma_wait3A_33, %dma_wait3A_34] : memref<2x128x128xf32, #tpu.memory_space<vmem>> -> memref<1x128x128xf32, #tpu.memory_space<vmem>>
    %dma_wait3A_36 = tpu.memref_squeeze %dma_wait3A_35 : memref<1x128x128xf32, #tpu.memory_space<vmem>> -> memref<128x128xf32, #tpu.memory_space<vmem>>
    %dma_wait3A_37 = arith.constant 0 : i32
    %dma_wait3A_38 = arith.constant 0 : i32
    %dma_wait3A_39 = tpu.memref_slice %arg2[%dma_wait3A_37, %dma_wait3A_38] : memref<20224x128xf32, #tpu.memory_space<hbm>> -> memref<128x128xf32, #tpu.memory_space<hbm>>
    tpu.wait_dma2 semaphore(%arg12 : memref<!tpu.dma_semaphore, #tpu.memory_space<semaphore_mem>>) src(%dma_wait3A_39 : memref<128x128xf32, #tpu.memory_space<hbm>>) dst(%dma_wait3A_36 : memref<128x128xf32, #tpu.memory_space<vmem>>)
    %dma_start3A_40 = arith.constant 0 : i32
    %dma_start3A_41 = arith.constant 0 : i32
    %dma_start3A_42 = arith.constant 0 : i32
    %dma_start3A_43 = arith.constant 0 : i32
    %dma_start3A_44 = arith.constant 0 : i32
    %dma_start3A_45 = tpu.memref_slice %arg9[%dma_start3A_40, %dma_start3A_43, %dma_start3A_44] : memref<2x128x128xf32, #tpu.memory_space<vmem>> -> memref<1x128x128xf32, #tpu.memory_space<vmem>>
    %dma_start3A_46 = tpu.memref_squeeze %dma_start3A_45 : memref<1x128x128xf32, #tpu.memory_space<vmem>> -> memref<128x128xf32, #tpu.memory_space<vmem>>
    %dma_start3A_47 = arith.constant 0 : i32
    %dma_start3A_48 = tpu.memref_slice %arg8[%dma_start3A_41, %dma_start3A_42, %dma_start3A_47] : memref<3x8x128xi32, #tpu.memory_space<vmem>> -> memref<1x1x128xi32, #tpu.memory_space<vmem>>
    %dma_start3A_49 = tpu.memref_squeeze %dma_start3A_48 : memref<1x1x128xi32, #tpu.memory_space<vmem>> -> memref<128xi32, #tpu.memory_space<vmem>>
    %dma_start3A_50 = arith.constant 0 : i32
    %dma_start3A_51 = arith.constant 0 : i32
    %dma_start3A_52 = tpu.memref_slice %arg10[%dma_start3A_50, %dma_start3A_51] : memref<10112x128xf32, #tpu.memory_space<vmem_shared>> -> memref<10112x128xf32, #tpu.memory_space<vmem_shared>>
    tpu.enqueue_indirect_dma source(%dma_start3A_46 : memref<128x128xf32, #tpu.memory_space<vmem>>) target(%dma_start3A_52 : memref<10112x128xf32, #tpu.memory_space<vmem_shared>>) offsets(%dma_start3A_49 : memref<128xi32, #tpu.memory_space<vmem>>) semaphore(%arg14 : memref<!tpu.dma_semaphore, #tpu.memory_space<semaphore_mem>>) {add = true}
    %add3A_53 = arith.constant 16 : i32
    %add3A_54 = arith.addi %add3A, %add3A_53 : i32
    %dma_start3A_55 = arith.constant 2 : i32
    %dma_start3A_56 = arith.constant 0 : i32
    %dma_start3A_57 = arith.constant 0 : i32
    %dma_start3A_58 = tpu.memref_slice %arg7[%dma_start3A_55, %dma_start3A_56, %dma_start3A_57] : memref<3x8x128xi32, #tpu.memory_space<vmem>> -> memref<1x8x128xi32, #tpu.memory_space<vmem>>
    %dma_start3A_59 = tpu.memref_squeeze %dma_start3A_58 : memref<1x8x128xi32, #tpu.memory_space<vmem>> -> memref<8x128xi32, #tpu.memory_space<vmem>>
    %dma_start3A_60 = arith.constant 0 : i32
    %dma_start3A_61 = tpu.memref_slice %arg3[%add3A_54, %dma_start3A_60] : memref<2592x128xi32, #tpu.memory_space<hbm>> -> memref<8x128xi32, #tpu.memory_space<hbm>>
    %dma_start3A_62 = arith.constant 0 : i32
    %dma_start3A_63 = arith.constant 0 : i32
    %dma_start3A_64 = tpu.memref_slice %arg7[%dma_start3A_55, %dma_start3A_62, %dma_start3A_63] : memref<3x8x128xi32, #tpu.memory_space<vmem>> -> memref<1x8x128xi32, #tpu.memory_space<vmem>>
    %dma_start3A_65 = tpu.memref_squeeze %dma_start3A_64 : memref<1x8x128xi32, #tpu.memory_space<vmem>> -> memref<8x128xi32, #tpu.memory_space<vmem>>
    %dma_start3A_66 = arith.constant 0 : i32
    %dma_start3A_67 = tpu.memref_slice %arg3[%add3A_54, %dma_start3A_66] : memref<2592x128xi32, #tpu.memory_space<hbm>> -> memref<8x128xi32, #tpu.memory_space<hbm>>
    tpu.enqueue_dma source(%dma_start3A_67 : memref<8x128xi32, #tpu.memory_space<hbm>>) target(%dma_start3A_65 : memref<8x128xi32, #tpu.memory_space<vmem>>) target_semaphore(%arg11 : memref<!tpu.dma_semaphore, #tpu.memory_space<semaphore_mem>>)
    %dma_start3A_68 = arith.constant 2 : i32
    %dma_start3A_69 = arith.constant 0 : i32
    %dma_start3A_70 = arith.constant 0 : i32
    %dma_start3A_71 = tpu.memref_slice %arg8[%dma_start3A_68, %dma_start3A_69, %dma_start3A_70] : memref<3x8x128xi32, #tpu.memory_space<vmem>> -> memref<1x8x128xi32, #tpu.memory_space<vmem>>
    %dma_start3A_72 = tpu.memref_squeeze %dma_start3A_71 : memref<1x8x128xi32, #tpu.memory_space<vmem>> -> memref<8x128xi32, #tpu.memory_space<vmem>>
    %dma_start3A_73 = arith.constant 0 : i32
    %dma_start3A_74 = tpu.memref_slice %arg4[%add3A_54, %dma_start3A_73] : memref<2592x128xi32, #tpu.memory_space<hbm>> -> memref<8x128xi32, #tpu.memory_space<hbm>>
    %dma_start3A_75 = arith.constant 0 : i32
    %dma_start3A_76 = arith.constant 0 : i32
    %dma_start3A_77 = tpu.memref_slice %arg8[%dma_start3A_68, %dma_start3A_75, %dma_start3A_76] : memref<3x8x128xi32, #tpu.memory_space<vmem>> -> memref<1x8x128xi32, #tpu.memory_space<vmem>>
    %dma_start3A_78 = tpu.memref_squeeze %dma_start3A_77 : memref<1x8x128xi32, #tpu.memory_space<vmem>> -> memref<8x128xi32, #tpu.memory_space<vmem>>
    %dma_start3A_79 = arith.constant 0 : i32
    %dma_start3A_80 = tpu.memref_slice %arg4[%add3A_54, %dma_start3A_79] : memref<2592x128xi32, #tpu.memory_space<hbm>> -> memref<8x128xi32, #tpu.memory_space<hbm>>
    tpu.enqueue_dma source(%dma_start3A_80 : memref<8x128xi32, #tpu.memory_space<hbm>>) target(%dma_start3A_78 : memref<8x128xi32, #tpu.memory_space<vmem>>) target_semaphore(%arg11 : memref<!tpu.dma_semaphore, #tpu.memory_space<semaphore_mem>>)
    %dma_start3A_81 = arith.constant 0 : i32
    %dma_start3A_82 = arith.constant 1 : i32
    %dma_start3A_83 = arith.constant 1 : i32
    %dma_start3A_84 = arith.constant 0 : i32
    %dma_start3A_85 = arith.constant 0 : i32
    %dma_start3A_86 = tpu.memref_slice %arg9[%dma_start3A_83, %dma_start3A_84, %dma_start3A_85] : memref<2x128x128xf32, #tpu.memory_space<vmem>> -> memref<1x128x128xf32, #tpu.memory_space<vmem>>
    %dma_start3A_87 = tpu.memref_squeeze %dma_start3A_86 : memref<1x128x128xf32, #tpu.memory_space<vmem>> -> memref<128x128xf32, #tpu.memory_space<vmem>>
    %dma_start3A_88 = arith.constant 0 : i32
    %dma_start3A_89 = tpu.memref_slice %arg7[%dma_start3A_81, %dma_start3A_82, %dma_start3A_88] : memref<3x8x128xi32, #tpu.memory_space<vmem>> -> memref<1x1x128xi32, #tpu.memory_space<vmem>>
    %dma_start3A_90 = tpu.memref_squeeze %dma_start3A_89 : memref<1x1x128xi32, #tpu.memory_space<vmem>> -> memref<128xi32, #tpu.memory_space<vmem>>
    %dma_start3A_91 = arith.constant 0 : i32
    %dma_start3A_92 = arith.constant 0 : i32
    %dma_start3A_93 = tpu.memref_slice %arg2[%dma_start3A_91, %dma_start3A_92] : memref<20224x128xf32, #tpu.memory_space<hbm>> -> memref<20224x128xf32, #tpu.memory_space<hbm>>
    tpu.enqueue_indirect_dma source(%dma_start3A_93 : memref<20224x128xf32, #tpu.memory_space<hbm>>) target(%dma_start3A_87 : memref<128x128xf32, #tpu.memory_space<vmem>>) offsets(%dma_start3A_90 : memref<128xi32, #tpu.memory_space<vmem>>) semaphore(%arg13 : memref<!tpu.dma_semaphore, #tpu.memory_space<semaphore_mem>>)
    %dma_wait3A_94 = arith.constant 1 : i32
    %dma_wait3A_95 = arith.constant 0 : i32
    %dma_wait3A_96 = arith.constant 0 : i32
    %dma_wait3A_97 = tpu.memref_slice %arg9[%dma_wait3A_94, %dma_wait3A_95, %dma_wait3A_96] : memref<2x128x128xf32, #tpu.memory_space<vmem>> -> memref<1x128x128xf32, #tpu.memory_space<vmem>>
    %dma_wait3A_98 = tpu.memref_squeeze %dma_wait3A_97 : memref<1x128x128xf32, #tpu.memory_space<vmem>> -> memref<128x128xf32, #tpu.memory_space<vmem>>
    %dma_wait3A_99 = arith.constant 0 : i32
    %dma_wait3A_100 = arith.constant 0 : i32
    %dma_wait3A_101 = tpu.memref_slice %arg2[%dma_wait3A_99, %dma_wait3A_100] : memref<20224x128xf32, #tpu.memory_space<hbm>> -> memref<128x128xf32, #tpu.memory_space<hbm>>
    %dma_wait3A_102 = arith.constant 0 : i32
    %dma_wait3A_103 = arith.constant 0 : i32
    %dma_wait3A_104 = tpu.memref_slice %arg9[%dma_wait3A_94, %dma_wait3A_102, %dma_wait3A_103] : memref<2x128x128xf32, #tpu.memory_space<vmem>> -> memref<1x128x128xf32, #tpu.memory_space<vmem>>
    %dma_wait3A_105 = tpu.memref_squeeze %dma_wait3A_104 : memref<1x128x128xf32, #tpu.memory_space<vmem>> -> memref<128x128xf32, #tpu.memory_space<vmem>>
    %dma_wait3A_106 = arith.constant 0 : i32
    %dma_wait3A_107 = arith.constant 0 : i32
    %dma_wait3A_108 = tpu.memref_slice %arg2[%dma_wait3A_106, %dma_wait3A_107] : memref<20224x128xf32, #tpu.memory_space<hbm>> -> memref<128x128xf32, #tpu.memory_space<hbm>>
    tpu.wait_dma2 semaphore(%arg13 : memref<!tpu.dma_semaphore, #tpu.memory_space<semaphore_mem>>) src(%dma_wait3A_108 : memref<128x128xf32, #tpu.memory_space<hbm>>) dst(%dma_wait3A_105 : memref<128x128xf32, #tpu.memory_space<vmem>>)
    %dma_start3A_109 = arith.constant 1 : i32
    %dma_start3A_110 = arith.constant 0 : i32
    %dma_start3A_111 = arith.constant 1 : i32
    %dma_start3A_112 = arith.constant 0 : i32
    %dma_start3A_113 = arith.constant 0 : i32
    %dma_start3A_114 = tpu.memref_slice %arg9[%dma_start3A_109, %dma_start3A_112, %dma_start3A_113] : memref<2x128x128xf32, #tpu.memory_space<vmem>> -> memref<1x128x128xf32, #tpu.memory_space<vmem>>
    %dma_start3A_115 = tpu.memref_squeeze %dma_start3A_114 : memref<1x128x128xf32, #tpu.memory_space<vmem>> -> memref<128x128xf32, #tpu.memory_space<vmem>>
    %dma_start3A_116 = arith.constant 0 : i32
    %dma_start3A_117 = tpu.memref_slice %arg8[%dma_start3A_110, %dma_start3A_111, %dma_start3A_116] : memref<3x8x128xi32, #tpu.memory_space<vmem>> -> memref<1x1x128xi32, #tpu.memory_space<vmem>>
    %dma_start3A_118 = tpu.memref_squeeze %dma_start3A_117 : memref<1x1x128xi32, #tpu.memory_space<vmem>> -> memref<128xi32, #tpu.memory_space<vmem>>
    %dma_start3A_119 = arith.constant 0 : i32
    %dma_start3A_120 = arith.constant 0 : i32
    %dma_start3A_121 = tpu.memref_slice %arg10[%dma_start3A_119, %dma_start3A_120] : memref<10112x128xf32, #tpu.memory_space<vmem_shared>> -> memref<10112x128xf32, #tpu.memory_space<vmem_shared>>
    tpu.enqueue_indirect_dma source(%dma_start3A_115 : memref<128x128xf32, #tpu.memory_space<vmem>>) target(%dma_start3A_121 : memref<10112x128xf32, #tpu.memory_space<vmem_shared>>) offsets(%dma_start3A_118 : memref<128xi32, #tpu.memory_space<vmem>>) semaphore(%arg15 : memref<!tpu.dma_semaphore, #tpu.memory_space<semaphore_mem>>) {add = true}
    %dma_wait3A_122 = arith.constant 0 : i32
    %dma_wait3A_123 = arith.constant 0 : i32
    %dma_wait3A_124 = arith.constant 0 : i32
    %dma_wait3A_125 = arith.constant 0 : i32
    %dma_wait3A_126 = arith.constant 0 : i32
    %dma_wait3A_127 = tpu.memref_slice %arg9[%dma_wait3A_122, %dma_wait3A_125, %dma_wait3A_126] : memref<2x128x128xf32, #tpu.memory_space<vmem>> -> memref<1x128x128xf32, #tpu.memory_space<vmem>>
    %dma_wait3A_128 = tpu.memref_squeeze %dma_wait3A_127 : memref<1x128x128xf32, #tpu.memory_space<vmem>> -> memref<128x128xf32, #tpu.memory_space<vmem>>
    %dma_wait3A_129 = arith.constant 0 : i32
    %dma_wait3A_130 = tpu.memref_slice %arg8[%dma_wait3A_123, %dma_wait3A_124, %dma_wait3A_129] : memref<3x8x128xi32, #tpu.memory_space<vmem>> -> memref<1x1x128xi32, #tpu.memory_space<vmem>>
    %dma_wait3A_131 = tpu.memref_squeeze %dma_wait3A_130 : memref<1x1x128xi32, #tpu.memory_space<vmem>> -> memref<128xi32, #tpu.memory_space<vmem>>
    %dma_wait3A_132 = arith.constant 0 : i32
    %dma_wait3A_133 = arith.constant 0 : i32
    %dma_wait3A_134 = tpu.memref_slice %arg10[%dma_wait3A_132, %dma_wait3A_133] : memref<10112x128xf32, #tpu.memory_space<vmem_shared>> -> memref<10112x128xf32, #tpu.memory_space<vmem_shared>>
    tpu.wait_indirect_dma semaphore(%arg14 : memref<!tpu.dma_semaphore, #tpu.memory_space<semaphore_mem>>) src(%dma_wait3A_128 : memref<128x128xf32, #tpu.memory_space<vmem>>) dst(%dma_wait3A_134 : memref<10112x128xf32, #tpu.memory_space<vmem_shared>>)
    %dma_start3A_135 = arith.constant 0 : i32
    %dma_start3A_136 = arith.constant 2 : i32
    %dma_start3A_137 = arith.constant 0 : i32
    %dma_start3A_138 = arith.constant 0 : i32
    %dma_start3A_139 = arith.constant 0 : i32
    %dma_start3A_140 = tpu.memref_slice %arg9[%dma_start3A_137, %dma_start3A_138, %dma_start3A_139] : memref<2x128x128xf32, #tpu.memory_space<vmem>> -> memref<1x128x128xf32, #tpu.memory_space<vmem>>
    %dma_start3A_141 = tpu.memref_squeeze %dma_start3A_140 : memref<1x128x128xf32, #tpu.memory_space<vmem>> -> memref<128x128xf32, #tpu.memory_space<vmem>>
    %dma_start3A_142 = arith.constant 0 : i32
    %dma_start3A_143 = tpu.memref_slice %arg7[%dma_start3A_135, %dma_start3A_136, %dma_start3A_142] : memref<3x8x128xi32, #tpu.memory_space<vmem>> -> memref<1x1x128xi32, #tpu.memory_space<vmem>>
    %dma_start3A_144 = tpu.memref_squeeze %dma_start3A_143 : memref<1x1x128xi32, #tpu.memory_space<vmem>> -> memref<128xi32, #tpu.memory_space<vmem>>
    %dma_start3A_145 = arith.constant 0 : i32
    %dma_start3A_146 = arith.constant 0 : i32
    %dma_start3A_147 = tpu.memref_slice %arg2[%dma_start3A_145, %dma_start3A_146] : memref<20224x128xf32, #tpu.memory_space<hbm>> -> memref<20224x128xf32, #tpu.memory_space<hbm>>
    tpu.enqueue_indirect_dma source(%dma_start3A_147 : memref<20224x128xf32, #tpu.memory_space<hbm>>) target(%dma_start3A_141 : memref<128x128xf32, #tpu.memory_space<vmem>>) offsets(%dma_start3A_144 : memref<128xi32, #tpu.memory_space<vmem>>) semaphore(%arg12 : memref<!tpu.dma_semaphore, #tpu.memory_space<semaphore_mem>>)
    %dma_wait3A_148 = arith.constant 0 : i32
    %dma_wait3A_149 = arith.constant 0 : i32
    %dma_wait3A_150 = arith.constant 0 : i32
    %dma_wait3A_151 = tpu.memref_slice %arg9[%dma_wait3A_148, %dma_wait3A_149, %dma_wait3A_150] : memref<2x128x128xf32, #tpu.memory_space<vmem>> -> memref<1x128x128xf32, #tpu.memory_space<vmem>>
    %dma_wait3A_152 = tpu.memref_squeeze %dma_wait3A_151 : memref<1x128x128xf32, #tpu.memory_space<vmem>> -> memref<128x128xf32, #tpu.memory_space<vmem>>
    %dma_wait3A_153 = arith.constant 0 : i32
    %dma_wait3A_154 = arith.constant 0 : i32
    %dma_wait3A_155 = tpu.memref_slice %arg2[%dma_wait3A_153, %dma_wait3A_154] : memref<20224x128xf32, #tpu.memory_space<hbm>> -> memref<128x128xf32, #tpu.memory_space<hbm>>
    %dma_wait3A_156 = arith.constant 0 : i32
    %dma_wait3A_157 = arith.constant 0 : i32
    %dma_wait3A_158 = tpu.memref_slice %arg9[%dma_wait3A_148, %dma_wait3A_156, %dma_wait3A_157] : memref<2x128x128xf32, #tpu.memory_space<vmem>> -> memref<1x128x128xf32, #tpu.memory_space<vmem>>
    %dma_wait3A_159 = tpu.memref_squeeze %dma_wait3A_158 : memref<1x128x128xf32, #tpu.memory_space<vmem>> -> memref<128x128xf32, #tpu.memory_space<vmem>>
    %dma_wait3A_160 = arith.constant 0 : i32
    %dma_wait3A_161 = arith.constant 0 : i32
    %dma_wait3A_162 = tpu.memref_slice %arg2[%dma_wait3A_160, %dma_wait3A_161] : memref<20224x128xf32, #tpu.memory_space<hbm>> -> memref<128x128xf32, #tpu.memory_space<hbm>>
    tpu.wait_dma2 semaphore(%arg12 : memref<!tpu.dma_semaphore, #tpu.memory_space<semaphore_mem>>) src(%dma_wait3A_162 : memref<128x128xf32, #tpu.memory_space<hbm>>) dst(%dma_wait3A_159 : memref<128x128xf32, #tpu.memory_space<vmem>>)
    %dma_start3A_163 = arith.constant 0 : i32
    %dma_start3A_164 = arith.constant 0 : i32
    %dma_start3A_165 = arith.constant 2 : i32
    %dma_start3A_166 = arith.constant 0 : i32
    %dma_start3A_167 = arith.constant 0 : i32
    %dma_start3A_168 = tpu.memref_slice %arg9[%dma_start3A_163, %dma_start3A_166, %dma_start3A_167] : memref<2x128x128xf32, #tpu.memory_space<vmem>> -> memref<1x128x128xf32, #tpu.memory_space<vmem>>
    %dma_start3A_169 = tpu.memref_squeeze %dma_start3A_168 : memref<1x128x128xf32, #tpu.memory_space<vmem>> -> memref<128x128xf32, #tpu.memory_space<vmem>>
    %dma_start3A_170 = arith.constant 0 : i32
    %dma_start3A_171 = tpu.memref_slice %arg8[%dma_start3A_164, %dma_start3A_165, %dma_start3A_170] : memref<3x8x128xi32, #tpu.memory_space<vmem>> -> memref<1x1x128xi32, #tpu.memory_space<vmem>>
    %dma_start3A_172 = tpu.memref_squeeze %dma_start3A_171 : memref<1x1x128xi32, #tpu.memory_space<vmem>> -> memref<128xi32, #tpu.memory_space<vmem>>
    %dma_start3A_173 = arith.constant 0 : i32
    %dma_start3A_174 = arith.constant 0 : i32
    %dma_start3A_175 = tpu.memref_slice %arg10[%dma_start3A_173, %dma_start3A_174] : memref<10112x128xf32, #tpu.memory_space<vmem_shared>> -> memref<10112x128xf32, #tpu.memory_space<vmem_shared>>
    tpu.enqueue_indirect_dma source(%dma_start3A_169 : memref<128x128xf32, #tpu.memory_space<vmem>>) target(%dma_start3A_175 : memref<10112x128xf32, #tpu.memory_space<vmem_shared>>) offsets(%dma_start3A_172 : memref<128xi32, #tpu.memory_space<vmem>>) semaphore(%arg14 : memref<!tpu.dma_semaphore, #tpu.memory_space<semaphore_mem>>) {add = true}
    %dma_wait3A_176 = arith.constant 1 : i32
    %dma_wait3A_177 = arith.constant 0 : i32
    %dma_wait3A_178 = arith.constant 0 : i32
    %dma_wait3A_179 = arith.constant 0 : i32
    %dma_wait3A_180 = arith.constant 0 : i32
    %dma_wait3A_181 = tpu.memref_slice %arg9[%dma_wait3A_176, %dma_wait3A_179, %dma_wait3A_180] : memref<2x128x128xf32, #tpu.memory_space<vmem>> -> memref<1x128x128xf32, #tpu.memory_space<vmem>>
    %dma_wait3A_182 = tpu.memref_squeeze %dma_wait3A_181 : memref<1x128x128xf32, #tpu.memory_space<vmem>> -> memref<128x128xf32, #tpu.memory_space<vmem>>
    %dma_wait3A_183 = arith.constant 0 : i32
    %dma_wait3A_184 = tpu.memref_slice %arg8[%dma_wait3A_177, %dma_wait3A_178, %dma_wait3A_183] : memref<3x8x128xi32, #tpu.memory_space<vmem>> -> memref<1x1x128xi32, #tpu.memory_space<vmem>>
    %dma_wait3A_185 = tpu.memref_squeeze %dma_wait3A_184 : memref<1x1x128xi32, #tpu.memory_space<vmem>> -> memref<128xi32, #tpu.memory_space<vmem>>
    %dma_wait3A_186 = arith.constant 0 : i32
    %dma_wait3A_187 = arith.constant 0 : i32
    %dma_wait3A_188 = tpu.memref_slice %arg10[%dma_wait3A_186, %dma_wait3A_187] : memref<10112x128xf32, #tpu.memory_space<vmem_shared>> -> memref<10112x128xf32, #tpu.memory_space<vmem_shared>>
    tpu.wait_indirect_dma semaphore(%arg15 : memref<!tpu.dma_semaphore, #tpu.memory_space<semaphore_mem>>) src(%dma_wait3A_182 : memref<128x128xf32, #tpu.memory_space<vmem>>) dst(%dma_wait3A_188 : memref<10112x128xf32, #tpu.memory_space<vmem_shared>>)
    %dma_start3A_189 = arith.constant 0 : i32
    %dma_start3A_190 = arith.constant 3 : i32
    %dma_start3A_191 = arith.constant 1 : i32
    %dma_start3A_192 = arith.constant 0 : i32
    %dma_start3A_193 = arith.constant 0 : i32
    %dma_start3A_194 = tpu.memref_slice %arg9[%dma_start3A_191, %dma_start3A_192, %dma_start3A_193] : memref<2x128x128xf32, #tpu.memory_space<vmem>> -> memref<1x128x128xf32, #tpu.memory_space<vmem>>
    %dma_start3A_195 = tpu.memref_squeeze %dma_start3A_194 : memref<1x128x128xf32, #tpu.memory_space<vmem>> -> memref<128x128xf32, #tpu.memory_space<vmem>>
    %dma_start3A_196 = arith.constant 0 : i32
    %dma_start3A_197 = tpu.memref_slice %arg7[%dma_start3A_189, %dma_start3A_190, %dma_start3A_196] : memref<3x8x128xi32, #tpu.memory_space<vmem>> -> memref<1x1x128xi32, #tpu.memory_space<vmem>>
    %dma_start3A_198 = tpu.memref_squeeze %dma_start3A_197 : memref<1x1x128xi32, #tpu.memory_space<vmem>> -> memref<128xi32, #tpu.memory_space<vmem>>
    %dma_start3A_199 = arith.constant 0 : i32
    %dma_start3A_200 = arith.constant 0 : i32
    %dma_start3A_201 = tpu.memref_slice %arg2[%dma_start3A_199, %dma_start3A_200] : memref<20224x128xf32, #tpu.memory_space<hbm>> -> memref<20224x128xf32, #tpu.memory_space<hbm>>
    tpu.enqueue_indirect_dma source(%dma_start3A_201 : memref<20224x128xf32, #tpu.memory_space<hbm>>) target(%dma_start3A_195 : memref<128x128xf32, #tpu.memory_space<vmem>>) offsets(%dma_start3A_198 : memref<128xi32, #tpu.memory_space<vmem>>) semaphore(%arg13 : memref<!tpu.dma_semaphore, #tpu.memory_space<semaphore_mem>>)
    %dma_wait3A_202 = arith.constant 1 : i32
    %dma_wait3A_203 = arith.constant 0 : i32
    %dma_wait3A_204 = arith.constant 0 : i32
    %dma_wait3A_205 = tpu.memref_slice %arg9[%dma_wait3A_202, %dma_wait3A_203, %dma_wait3A_204] : memref<2x128x128xf32, #tpu.memory_space<vmem>> -> memref<1x128x128xf32, #tpu.memory_space<vmem>>
    %dma_wait3A_206 = tpu.memref_squeeze %dma_wait3A_205 : memref<1x128x128xf32, #tpu.memory_space<vmem>> -> memref<128x128xf32, #tpu.memory_space<vmem>>
    %dma_wait3A_207 = arith.constant 0 : i32
    %dma_wait3A_208 = arith.constant 0 : i32
    %dma_wait3A_209 = tpu.memref_slice %arg2[%dma_wait3A_207, %dma_wait3A_208] : memref<20224x128xf32, #tpu.memory_space<hbm>> -> memref<128x128xf32, #tpu.memory_space<hbm>>
    %dma_wait3A_210 = arith.constant 0 : i32
    %dma_wait3A_211 = arith.constant 0 : i32
    %dma_wait3A_212 = tpu.memref_slice %arg9[%dma_wait3A_202, %dma_wait3A_210, %dma_wait3A_211] : memref<2x128x128xf32, #tpu.memory_space<vmem>> -> memref<1x128x128xf32, #tpu.memory_space<vmem>>
    %dma_wait3A_213 = tpu.memref_squeeze %dma_wait3A_212 : memref<1x128x128xf32, #tpu.memory_space<vmem>> -> memref<128x128xf32, #tpu.memory_space<vmem>>
    %dma_wait3A_214 = arith.constant 0 : i32
    %dma_wait3A_215 = arith.constant 0 : i32
    %dma_wait3A_216 = tpu.memref_slice %arg2[%dma_wait3A_214, %dma_wait3A_215] : memref<20224x128xf32, #tpu.memory_space<hbm>> -> memref<128x128xf32, #tpu.memory_space<hbm>>
    tpu.wait_dma2 semaphore(%arg13 : memref<!tpu.dma_semaphore, #tpu.memory_space<semaphore_mem>>) src(%dma_wait3A_216 : memref<128x128xf32, #tpu.memory_space<hbm>>) dst(%dma_wait3A_213 : memref<128x128xf32, #tpu.memory_space<vmem>>)
    %dma_start3A_217 = arith.constant 1 : i32
    %dma_start3A_218 = arith.constant 0 : i32
    %dma_start3A_219 = arith.constant 3 : i32
    %dma_start3A_220 = arith.constant 0 : i32
    %dma_start3A_221 = arith.constant 0 : i32
    %dma_start3A_222 = tpu.memref_slice %arg9[%dma_start3A_217, %dma_start3A_220, %dma_start3A_221] : memref<2x128x128xf32, #tpu.memory_space<vmem>> -> memref<1x128x128xf32, #tpu.memory_space<vmem>>
    %dma_start3A_223 = tpu.memref_squeeze %dma_start3A_222 : memref<1x128x128xf32, #tpu.memory_space<vmem>> -> memref<128x128xf32, #tpu.memory_space<vmem>>
    %dma_start3A_224 = arith.constant 0 : i32
    %dma_start3A_225 = tpu.memref_slice %arg8[%dma_start3A_218, %dma_start3A_219, %dma_start3A_224] : memref<3x8x128xi32, #tpu.memory_space<vmem>> -> memref<1x1x128xi32, #tpu.memory_space<vmem>>
    %dma_start3A_226 = tpu.memref_squeeze %dma_start3A_225 : memref<1x1x128xi32, #tpu.memory_space<vmem>> -> memref<128xi32, #tpu.memory_space<vmem>>
    %dma_start3A_227 = arith.constant 0 : i32
    %dma_start3A_228 = arith.constant 0 : i32
    %dma_start3A_229 = tpu.memref_slice %arg10[%dma_start3A_227, %dma_start3A_228] : memref<10112x128xf32, #tpu.memory_space<vmem_shared>> -> memref<10112x128xf32, #tpu.memory_space<vmem_shared>>
    tpu.enqueue_indirect_dma source(%dma_start3A_223 : memref<128x128xf32, #tpu.memory_space<vmem>>) target(%dma_start3A_229 : memref<10112x128xf32, #tpu.memory_space<vmem_shared>>) offsets(%dma_start3A_226 : memref<128xi32, #tpu.memory_space<vmem>>) semaphore(%arg15 : memref<!tpu.dma_semaphore, #tpu.memory_space<semaphore_mem>>) {add = true}
    %dma_wait3A_230 = arith.constant 0 : i32
    %dma_wait3A_231 = arith.constant 0 : i32
    %dma_wait3A_232 = arith.constant 0 : i32
    %dma_wait3A_233 = arith.constant 0 : i32
    %dma_wait3A_234 = arith.constant 0 : i32
    %dma_wait3A_235 = tpu.memref_slice %arg9[%dma_wait3A_230, %dma_wait3A_233, %dma_wait3A_234] : memref<2x128x128xf32, #tpu.memory_space<vmem>> -> memref<1x128x128xf32, #tpu.memory_space<vmem>>
    %dma_wait3A_236 = tpu.memref_squeeze %dma_wait3A_235 : memref<1x128x128xf32, #tpu.memory_space<vmem>> -> memref<128x128xf32, #tpu.memory_space<vmem>>
    %dma_wait3A_237 = arith.constant 0 : i32
    %dma_wait3A_238 = tpu.memref_slice %arg8[%dma_wait3A_231, %dma_wait3A_232, %dma_wait3A_237] : memref<3x8x128xi32, #tpu.memory_space<vmem>> -> memref<1x1x128xi32, #tpu.memory_space<vmem>>
    %dma_wait3A_239 = tpu.memref_squeeze %dma_wait3A_238 : memref<1x1x128xi32, #tpu.memory_space<vmem>> -> memref<128xi32, #tpu.memory_space<vmem>>
    %dma_wait3A_240 = arith.constant 0 : i32
    %dma_wait3A_241 = arith.constant 0 : i32
    %dma_wait3A_242 = tpu.memref_slice %arg10[%dma_wait3A_240, %dma_wait3A_241] : memref<10112x128xf32, #tpu.memory_space<vmem_shared>> -> memref<10112x128xf32, #tpu.memory_space<vmem_shared>>
    tpu.wait_indirect_dma semaphore(%arg14 : memref<!tpu.dma_semaphore, #tpu.memory_space<semaphore_mem>>) src(%dma_wait3A_236 : memref<128x128xf32, #tpu.memory_space<vmem>>) dst(%dma_wait3A_242 : memref<10112x128xf32, #tpu.memory_space<vmem_shared>>)
    %dma_start3A_243 = arith.constant 0 : i32
    %dma_start3A_244 = arith.constant 4 : i32
    %dma_start3A_245 = arith.constant 0 : i32
    %dma_start3A_246 = arith.constant 0 : i32
    %dma_start3A_247 = arith.constant 0 : i32
    %dma_start3A_248 = tpu.memref_slice %arg9[%dma_start3A_245, %dma_start3A_246, %dma_start3A_247] : memref<2x128x128xf32, #tpu.memory_space<vmem>> -> memref<1x128x128xf32, #tpu.memory_space<vmem>>
    %dma_start3A_249 = tpu.memref_squeeze %dma_start3A_248 : memref<1x128x128xf32, #tpu.memory_space<vmem>> -> memref<128x128xf32, #tpu.memory_space<vmem>>
    %dma_start3A_250 = arith.constant 0 : i32
    %dma_start3A_251 = tpu.memref_slice %arg7[%dma_start3A_243, %dma_start3A_244, %dma_start3A_250] : memref<3x8x128xi32, #tpu.memory_space<vmem>> -> memref<1x1x128xi32, #tpu.memory_space<vmem>>
    %dma_start3A_252 = tpu.memref_squeeze %dma_start3A_251 : memref<1x1x128xi32, #tpu.memory_space<vmem>> -> memref<128xi32, #tpu.memory_space<vmem>>
    %dma_start3A_253 = arith.constant 0 : i32
    %dma_start3A_254 = arith.constant 0 : i32
    %dma_start3A_255 = tpu.memref_slice %arg2[%dma_start3A_253, %dma_start3A_254] : memref<20224x128xf32, #tpu.memory_space<hbm>> -> memref<20224x128xf32, #tpu.memory_space<hbm>>
    tpu.enqueue_indirect_dma source(%dma_start3A_255 : memref<20224x128xf32, #tpu.memory_space<hbm>>) target(%dma_start3A_249 : memref<128x128xf32, #tpu.memory_space<vmem>>) offsets(%dma_start3A_252 : memref<128xi32, #tpu.memory_space<vmem>>) semaphore(%arg12 : memref<!tpu.dma_semaphore, #tpu.memory_space<semaphore_mem>>)
    %dma_wait3A_256 = arith.constant 0 : i32
    %dma_wait3A_257 = arith.constant 0 : i32
    %dma_wait3A_258 = arith.constant 0 : i32
    %dma_wait3A_259 = tpu.memref_slice %arg9[%dma_wait3A_256, %dma_wait3A_257, %dma_wait3A_258] : memref<2x128x128xf32, #tpu.memory_space<vmem>> -> memref<1x128x128xf32, #tpu.memory_space<vmem>>
    %dma_wait3A_260 = tpu.memref_squeeze %dma_wait3A_259 : memref<1x128x128xf32, #tpu.memory_space<vmem>> -> memref<128x128xf32, #tpu.memory_space<vmem>>
    %dma_wait3A_261 = arith.constant 0 : i32
    %dma_wait3A_262 = arith.constant 0 : i32
    %dma_wait3A_263 = tpu.memref_slice %arg2[%dma_wait3A_261, %dma_wait3A_262] : memref<20224x128xf32, #tpu.memory_space<hbm>> -> memref<128x128xf32, #tpu.memory_space<hbm>>
    %dma_wait3A_264 = arith.constant 0 : i32
    %dma_wait3A_265 = arith.constant 0 : i32
    %dma_wait3A_266 = tpu.memref_slice %arg9[%dma_wait3A_256, %dma_wait3A_264, %dma_wait3A_265] : memref<2x128x128xf32, #tpu.memory_space<vmem>> -> memref<1x128x128xf32, #tpu.memory_space<vmem>>
    %dma_wait3A_267 = tpu.memref_squeeze %dma_wait3A_266 : memref<1x128x128xf32, #tpu.memory_space<vmem>> -> memref<128x128xf32, #tpu.memory_space<vmem>>
    %dma_wait3A_268 = arith.constant 0 : i32
    %dma_wait3A_269 = arith.constant 0 : i32
    %dma_wait3A_270 = tpu.memref_slice %arg2[%dma_wait3A_268, %dma_wait3A_269] : memref<20224x128xf32, #tpu.memory_space<hbm>> -> memref<128x128xf32, #tpu.memory_space<hbm>>
    tpu.wait_dma2 semaphore(%arg12 : memref<!tpu.dma_semaphore, #tpu.memory_space<semaphore_mem>>) src(%dma_wait3A_270 : memref<128x128xf32, #tpu.memory_space<hbm>>) dst(%dma_wait3A_267 : memref<128x128xf32, #tpu.memory_space<vmem>>)
    %dma_start3A_271 = arith.constant 0 : i32
    %dma_start3A_272 = arith.constant 0 : i32
    %dma_start3A_273 = arith.constant 4 : i32
    %dma_start3A_274 = arith.constant 0 : i32
    %dma_start3A_275 = arith.constant 0 : i32
    %dma_start3A_276 = tpu.memref_slice %arg9[%dma_start3A_271, %dma_start3A_274, %dma_start3A_275] : memref<2x128x128xf32, #tpu.memory_space<vmem>> -> memref<1x128x128xf32, #tpu.memory_space<vmem>>
    %dma_start3A_277 = tpu.memref_squeeze %dma_start3A_276 : memref<1x128x128xf32, #tpu.memory_space<vmem>> -> memref<128x128xf32, #tpu.memory_space<vmem>>
    %dma_start3A_278 = arith.constant 0 : i32
    %dma_start3A_279 = tpu.memref_slice %arg8[%dma_start3A_272, %dma_start3A_273, %dma_start3A_278] : memref<3x8x128xi32, #tpu.memory_space<vmem>> -> memref<1x1x128xi32, #tpu.memory_space<vmem>>
    %dma_start3A_280 = tpu.memref_squeeze %dma_start3A_279 : memref<1x1x128xi32, #tpu.memory_space<vmem>> -> memref<128xi32, #tpu.memory_space<vmem>>
    %dma_start3A_281 = arith.constant 0 : i32
    %dma_start3A_282 = arith.constant 0 : i32
    %dma_start3A_283 = tpu.memref_slice %arg10[%dma_start3A_281, %dma_start3A_282] : memref<10112x128xf32, #tpu.memory_space<vmem_shared>> -> memref<10112x128xf32, #tpu.memory_space<vmem_shared>>
    tpu.enqueue_indirect_dma source(%dma_start3A_277 : memref<128x128xf32, #tpu.memory_space<vmem>>) target(%dma_start3A_283 : memref<10112x128xf32, #tpu.memory_space<vmem_shared>>) offsets(%dma_start3A_280 : memref<128xi32, #tpu.memory_space<vmem>>) semaphore(%arg14 : memref<!tpu.dma_semaphore, #tpu.memory_space<semaphore_mem>>) {add = true}
    %dma_wait3A_284 = arith.constant 1 : i32
    %dma_wait3A_285 = arith.constant 0 : i32
    %dma_wait3A_286 = arith.constant 0 : i32
    %dma_wait3A_287 = arith.constant 0 : i32
    %dma_wait3A_288 = arith.constant 0 : i32
    %dma_wait3A_289 = tpu.memref_slice %arg9[%dma_wait3A_284, %dma_wait3A_287, %dma_wait3A_288] : memref<2x128x128xf32, #tpu.memory_space<vmem>> -> memref<1x128x128xf32, #tpu.memory_space<vmem>>
    %dma_wait3A_290 = tpu.memref_squeeze %dma_wait3A_289 : memref<1x128x128xf32, #tpu.memory_space<vmem>> -> memref<128x128xf32, #tpu.memory_space<vmem>>
    %dma_wait3A_291 = arith.constant 0 : i32
    %dma_wait3A_292 = tpu.memref_slice %arg8[%dma_wait3A_285, %dma_wait3A_286, %dma_wait3A_291] : memref<3x8x128xi32, #tpu.memory_space<vmem>> -> memref<1x1x128xi32, #tpu.memory_space<vmem>>
    %dma_wait3A_293 = tpu.memref_squeeze %dma_wait3A_292 : memref<1x1x128xi32, #tpu.memory_space<vmem>> -> memref<128xi32, #tpu.memory_space<vmem>>
    %dma_wait3A_294 = arith.constant 0 : i32
    %dma_wait3A_295 = arith.constant 0 : i32
    %dma_wait3A_296 = tpu.memref_slice %arg10[%dma_wait3A_294, %dma_wait3A_295] : memref<10112x128xf32, #tpu.memory_space<vmem_shared>> -> memref<10112x128xf32, #tpu.memory_space<vmem_shared>>
    tpu.wait_indirect_dma semaphore(%arg15 : memref<!tpu.dma_semaphore, #tpu.memory_space<semaphore_mem>>) src(%dma_wait3A_290 : memref<128x128xf32, #tpu.memory_space<vmem>>) dst(%dma_wait3A_296 : memref<10112x128xf32, #tpu.memory_space<vmem_shared>>)
    %dma_start3A_297 = arith.constant 0 : i32
    %dma_start3A_298 = arith.constant 5 : i32
    %dma_start3A_299 = arith.constant 1 : i32
    %dma_start3A_300 = arith.constant 0 : i32
    %dma_start3A_301 = arith.constant 0 : i32
    %dma_start3A_302 = tpu.memref_slice %arg9[%dma_start3A_299, %dma_start3A_300, %dma_start3A_301] : memref<2x128x128xf32, #tpu.memory_space<vmem>> -> memref<1x128x128xf32, #tpu.memory_space<vmem>>
    %dma_start3A_303 = tpu.memref_squeeze %dma_start3A_302 : memref<1x128x128xf32, #tpu.memory_space<vmem>> -> memref<128x128xf32, #tpu.memory_space<vmem>>
    %dma_start3A_304 = arith.constant 0 : i32
    %dma_start3A_305 = tpu.memref_slice %arg7[%dma_start3A_297, %dma_start3A_298, %dma_start3A_304] : memref<3x8x128xi32, #tpu.memory_space<vmem>> -> memref<1x1x128xi32, #tpu.memory_space<vmem>>
    %dma_start3A_306 = tpu.memref_squeeze %dma_start3A_305 : memref<1x1x128xi32, #tpu.memory_space<vmem>> -> memref<128xi32, #tpu.memory_space<vmem>>
    %dma_start3A_307 = arith.constant 0 : i32
    %dma_start3A_308 = arith.constant 0 : i32
    %dma_start3A_309 = tpu.memref_slice %arg2[%dma_start3A_307, %dma_start3A_308] : memref<20224x128xf32, #tpu.memory_space<hbm>> -> memref<20224x128xf32, #tpu.memory_space<hbm>>
    tpu.enqueue_indirect_dma source(%dma_start3A_309 : memref<20224x128xf32, #tpu.memory_space<hbm>>) target(%dma_start3A_303 : memref<128x128xf32, #tpu.memory_space<vmem>>) offsets(%dma_start3A_306 : memref<128xi32, #tpu.memory_space<vmem>>) semaphore(%arg13 : memref<!tpu.dma_semaphore, #tpu.memory_space<semaphore_mem>>)
    %dma_wait3A_310 = arith.constant 1 : i32
    %dma_wait3A_311 = arith.constant 0 : i32
    %dma_wait3A_312 = arith.constant 0 : i32
    %dma_wait3A_313 = tpu.memref_slice %arg9[%dma_wait3A_310, %dma_wait3A_311, %dma_wait3A_312] : memref<2x128x128xf32, #tpu.memory_space<vmem>> -> memref<1x128x128xf32, #tpu.memory_space<vmem>>
    %dma_wait3A_314 = tpu.memref_squeeze %dma_wait3A_313 : memref<1x128x128xf32, #tpu.memory_space<vmem>> -> memref<128x128xf32, #tpu.memory_space<vmem>>
    %dma_wait3A_315 = arith.constant 0 : i32
    %dma_wait3A_316 = arith.constant 0 : i32
    %dma_wait3A_317 = tpu.memref_slice %arg2[%dma_wait3A_315, %dma_wait3A_316] : memref<20224x128xf32, #tpu.memory_space<hbm>> -> memref<128x128xf32, #tpu.memory_space<hbm>>
    %dma_wait3A_318 = arith.constant 0 : i32
    %dma_wait3A_319 = arith.constant 0 : i32
    %dma_wait3A_320 = tpu.memref_slice %arg9[%dma_wait3A_310, %dma_wait3A_318, %dma_wait3A_319] : memref<2x128x128xf32, #tpu.memory_space<vmem>> -> memref<1x128x128xf32, #tpu.memory_space<vmem>>
    %dma_wait3A_321 = tpu.memref_squeeze %dma_wait3A_320 : memref<1x128x128xf32, #tpu.memory_space<vmem>> -> memref<128x128xf32, #tpu.memory_space<vmem>>
    %dma_wait3A_322 = arith.constant 0 : i32
    %dma_wait3A_323 = arith.constant 0 : i32
    %dma_wait3A_324 = tpu.memref_slice %arg2[%dma_wait3A_322, %dma_wait3A_323] : memref<20224x128xf32, #tpu.memory_space<hbm>> -> memref<128x128xf32, #tpu.memory_space<hbm>>
    tpu.wait_dma2 semaphore(%arg13 : memref<!tpu.dma_semaphore, #tpu.memory_space<semaphore_mem>>) src(%dma_wait3A_324 : memref<128x128xf32, #tpu.memory_space<hbm>>) dst(%dma_wait3A_321 : memref<128x128xf32, #tpu.memory_space<vmem>>)
    %dma_start3A_325 = arith.constant 1 : i32
    %dma_start3A_326 = arith.constant 0 : i32
    %dma_start3A_327 = arith.constant 5 : i32
    %dma_start3A_328 = arith.constant 0 : i32
    %dma_start3A_329 = arith.constant 0 : i32
    %dma_start3A_330 = tpu.memref_slice %arg9[%dma_start3A_325, %dma_start3A_328, %dma_start3A_329] : memref<2x128x128xf32, #tpu.memory_space<vmem>> -> memref<1x128x128xf32, #tpu.memory_space<vmem>>
    %dma_start3A_331 = tpu.memref_squeeze %dma_start3A_330 : memref<1x128x128xf32, #tpu.memory_space<vmem>> -> memref<128x128xf32, #tpu.memory_space<vmem>>
    %dma_start3A_332 = arith.constant 0 : i32
    %dma_start3A_333 = tpu.memref_slice %arg8[%dma_start3A_326, %dma_start3A_327, %dma_start3A_332] : memref<3x8x128xi32, #tpu.memory_space<vmem>> -> memref<1x1x128xi32, #tpu.memory_space<vmem>>
    %dma_start3A_334 = tpu.memref_squeeze %dma_start3A_333 : memref<1x1x128xi32, #tpu.memory_space<vmem>> -> memref<128xi32, #tpu.memory_space<vmem>>
    %dma_start3A_335 = arith.constant 0 : i32
    %dma_start3A_336 = arith.constant 0 : i32
    %dma_start3A_337 = tpu.memref_slice %arg10[%dma_start3A_335, %dma_start3A_336] : memref<10112x128xf32, #tpu.memory_space<vmem_shared>> -> memref<10112x128xf32, #tpu.memory_space<vmem_shared>>
    tpu.enqueue_indirect_dma source(%dma_start3A_331 : memref<128x128xf32, #tpu.memory_space<vmem>>) target(%dma_start3A_337 : memref<10112x128xf32, #tpu.memory_space<vmem_shared>>) offsets(%dma_start3A_334 : memref<128xi32, #tpu.memory_space<vmem>>) semaphore(%arg15 : memref<!tpu.dma_semaphore, #tpu.memory_space<semaphore_mem>>) {add = true}
    %dma_wait3A_338 = arith.constant 0 : i32
    %dma_wait3A_339 = arith.constant 0 : i32
    %dma_wait3A_340 = arith.constant 0 : i32
    %dma_wait3A_341 = arith.constant 0 : i32
    %dma_wait3A_342 = arith.constant 0 : i32
    %dma_wait3A_343 = tpu.memref_slice %arg9[%dma_wait3A_338, %dma_wait3A_341, %dma_wait3A_342] : memref<2x128x128xf32, #tpu.memory_space<vmem>> -> memref<1x128x128xf32, #tpu.memory_space<vmem>>
    %dma_wait3A_344 = tpu.memref_squeeze %dma_wait3A_343 : memref<1x128x128xf32, #tpu.memory_space<vmem>> -> memref<128x128xf32, #tpu.memory_space<vmem>>
    %dma_wait3A_345 = arith.constant 0 : i32
    %dma_wait3A_346 = tpu.memref_slice %arg8[%dma_wait3A_339, %dma_wait3A_340, %dma_wait3A_345] : memref<3x8x128xi32, #tpu.memory_space<vmem>> -> memref<1x1x128xi32, #tpu.memory_space<vmem>>
    %dma_wait3A_347 = tpu.memref_squeeze %dma_wait3A_346 : memref<1x1x128xi32, #tpu.memory_space<vmem>> -> memref<128xi32, #tpu.memory_space<vmem>>
    %dma_wait3A_348 = arith.constant 0 : i32
    %dma_wait3A_349 = arith.constant 0 : i32
    %dma_wait3A_350 = tpu.memref_slice %arg10[%dma_wait3A_348, %dma_wait3A_349] : memref<10112x128xf32, #tpu.memory_space<vmem_shared>> -> memref<10112x128xf32, #tpu.memory_space<vmem_shared>>
    tpu.wait_indirect_dma semaphore(%arg14 : memref<!tpu.dma_semaphore, #tpu.memory_space<semaphore_mem>>) src(%dma_wait3A_344 : memref<128x128xf32, #tpu.memory_space<vmem>>) dst(%dma_wait3A_350 : memref<10112x128xf32, #tpu.memory_space<vmem_shared>>)
    %dma_start3A_351 = arith.constant 0 : i32
    %dma_start3A_352 = arith.constant 6 : i32
    %dma_start3A_353 = arith.constant 0 : i32
    %dma_start3A_354 = arith.constant 0 : i32
    %dma_start3A_355 = arith.constant 0 : i32
    %dma_start3A_356 = tpu.memref_slice %arg9[%dma_start3A_353, %dma_start3A_354, %dma_start3A_355] : memref<2x128x128xf32, #tpu.memory_space<vmem>> -> memref<1x128x128xf32, #tpu.memory_space<vmem>>
    %dma_start3A_357 = tpu.memref_squeeze %dma_start3A_356 : memref<1x128x128xf32, #tpu.memory_space<vmem>> -> memref<128x128xf32, #tpu.memory_space<vmem>>
    %dma_start3A_358 = arith.constant 0 : i32
    %dma_start3A_359 = tpu.memref_slice %arg7[%dma_start3A_351, %dma_start3A_352, %dma_start3A_358] : memref<3x8x128xi32, #tpu.memory_space<vmem>> -> memref<1x1x128xi32, #tpu.memory_space<vmem>>
    %dma_start3A_360 = tpu.memref_squeeze %dma_start3A_359 : memref<1x1x128xi32, #tpu.memory_space<vmem>> -> memref<128xi32, #tpu.memory_space<vmem>>
    %dma_start3A_361 = arith.constant 0 : i32
    %dma_start3A_362 = arith.constant 0 : i32
    %dma_start3A_363 = tpu.memref_slice %arg2[%dma_start3A_361, %dma_start3A_362] : memref<20224x128xf32, #tpu.memory_space<hbm>> -> memref<20224x128xf32, #tpu.memory_space<hbm>>
    tpu.enqueue_indirect_dma source(%dma_start3A_363 : memref<20224x128xf32, #tpu.memory_space<hbm>>) target(%dma_start3A_357 : memref<128x128xf32, #tpu.memory_space<vmem>>) offsets(%dma_start3A_360 : memref<128xi32, #tpu.memory_space<vmem>>) semaphore(%arg12 : memref<!tpu.dma_semaphore, #tpu.memory_space<semaphore_mem>>)
    %dma_wait3A_364 = arith.constant 0 : i32
    %dma_wait3A_365 = arith.constant 0 : i32
    %dma_wait3A_366 = arith.constant 0 : i32
    %dma_wait3A_367 = tpu.memref_slice %arg9[%dma_wait3A_364, %dma_wait3A_365, %dma_wait3A_366] : memref<2x128x128xf32, #tpu.memory_space<vmem>> -> memref<1x128x128xf32, #tpu.memory_space<vmem>>
    %dma_wait3A_368 = tpu.memref_squeeze %dma_wait3A_367 : memref<1x128x128xf32, #tpu.memory_space<vmem>> -> memref<128x128xf32, #tpu.memory_space<vmem>>
    %dma_wait3A_369 = arith.constant 0 : i32
    %dma_wait3A_370 = arith.constant 0 : i32
    %dma_wait3A_371 = tpu.memref_slice %arg2[%dma_wait3A_369, %dma_wait3A_370] : memref<20224x128xf32, #tpu.memory_space<hbm>> -> memref<128x128xf32, #tpu.memory_space<hbm>>
    %dma_wait3A_372 = arith.constant 0 : i32
    %dma_wait3A_373 = arith.constant 0 : i32
    %dma_wait3A_374 = tpu.memref_slice %arg9[%dma_wait3A_364, %dma_wait3A_372, %dma_wait3A_373] : memref<2x128x128xf32, #tpu.memory_space<vmem>> -> memref<1x128x128xf32, #tpu.memory_space<vmem>>
    %dma_wait3A_375 = tpu.memref_squeeze %dma_wait3A_374 : memref<1x128x128xf32, #tpu.memory_space<vmem>> -> memref<128x128xf32, #tpu.memory_space<vmem>>
    %dma_wait3A_376 = arith.constant 0 : i32
    %dma_wait3A_377 = arith.constant 0 : i32
    %dma_wait3A_378 = tpu.memref_slice %arg2[%dma_wait3A_376, %dma_wait3A_377] : memref<20224x128xf32, #tpu.memory_space<hbm>> -> memref<128x128xf32, #tpu.memory_space<hbm>>
    tpu.wait_dma2 semaphore(%arg12 : memref<!tpu.dma_semaphore, #tpu.memory_space<semaphore_mem>>) src(%dma_wait3A_378 : memref<128x128xf32, #tpu.memory_space<hbm>>) dst(%dma_wait3A_375 : memref<128x128xf32, #tpu.memory_space<vmem>>)
    %dma_start3A_379 = arith.constant 0 : i32
    %dma_start3A_380 = arith.constant 0 : i32
    %dma_start3A_381 = arith.constant 6 : i32
    %dma_start3A_382 = arith.constant 0 : i32
    %dma_start3A_383 = arith.constant 0 : i32
    %dma_start3A_384 = tpu.memref_slice %arg9[%dma_start3A_379, %dma_start3A_382, %dma_start3A_383] : memref<2x128x128xf32, #tpu.memory_space<vmem>> -> memref<1x128x128xf32, #tpu.memory_space<vmem>>
    %dma_start3A_385 = tpu.memref_squeeze %dma_start3A_384 : memref<1x128x128xf32, #tpu.memory_space<vmem>> -> memref<128x128xf32, #tpu.memory_space<vmem>>
    %dma_start3A_386 = arith.constant 0 : i32
    %dma_start3A_387 = tpu.memref_slice %arg8[%dma_start3A_380, %dma_start3A_381, %dma_start3A_386] : memref<3x8x128xi32, #tpu.memory_space<vmem>> -> memref<1x1x128xi32, #tpu.memory_space<vmem>>
    %dma_start3A_388 = tpu.memref_squeeze %dma_start3A_387 : memref<1x1x128xi32, #tpu.memory_space<vmem>> -> memref<128xi32, #tpu.memory_space<vmem>>
    %dma_start3A_389 = arith.constant 0 : i32
    %dma_start3A_390 = arith.constant 0 : i32
    %dma_start3A_391 = tpu.memref_slice %arg10[%dma_start3A_389, %dma_start3A_390] : memref<10112x128xf32, #tpu.memory_space<vmem_shared>> -> memref<10112x128xf32, #tpu.memory_space<vmem_shared>>
    tpu.enqueue_indirect_dma source(%dma_start3A_385 : memref<128x128xf32, #tpu.memory_space<vmem>>) target(%dma_start3A_391 : memref<10112x128xf32, #tpu.memory_space<vmem_shared>>) offsets(%dma_start3A_388 : memref<128xi32, #tpu.memory_space<vmem>>) semaphore(%arg14 : memref<!tpu.dma_semaphore, #tpu.memory_space<semaphore_mem>>) {add = true}
    %dma_wait3A_392 = arith.constant 1 : i32
    %dma_wait3A_393 = arith.constant 0 : i32
    %dma_wait3A_394 = arith.constant 0 : i32
    %dma_wait3A_395 = arith.constant 0 : i32
    %dma_wait3A_396 = arith.constant 0 : i32
    %dma_wait3A_397 = tpu.memref_slice %arg9[%dma_wait3A_392, %dma_wait3A_395, %dma_wait3A_396] : memref<2x128x128xf32, #tpu.memory_space<vmem>> -> memref<1x128x128xf32, #tpu.memory_space<vmem>>
    %dma_wait3A_398 = tpu.memref_squeeze %dma_wait3A_397 : memref<1x128x128xf32, #tpu.memory_space<vmem>> -> memref<128x128xf32, #tpu.memory_space<vmem>>
    %dma_wait3A_399 = arith.constant 0 : i32
    %dma_wait3A_400 = tpu.memref_slice %arg8[%dma_wait3A_393, %dma_wait3A_394, %dma_wait3A_399] : memref<3x8x128xi32, #tpu.memory_space<vmem>> -> memref<1x1x128xi32, #tpu.memory_space<vmem>>
    %dma_wait3A_401 = tpu.memref_squeeze %dma_wait3A_400 : memref<1x1x128xi32, #tpu.memory_space<vmem>> -> memref<128xi32, #tpu.memory_space<vmem>>
    %dma_wait3A_402 = arith.constant 0 : i32
    %dma_wait3A_403 = arith.constant 0 : i32
    %dma_wait3A_404 = tpu.memref_slice %arg10[%dma_wait3A_402, %dma_wait3A_403] : memref<10112x128xf32, #tpu.memory_space<vmem_shared>> -> memref<10112x128xf32, #tpu.memory_space<vmem_shared>>
    tpu.wait_indirect_dma semaphore(%arg15 : memref<!tpu.dma_semaphore, #tpu.memory_space<semaphore_mem>>) src(%dma_wait3A_398 : memref<128x128xf32, #tpu.memory_space<vmem>>) dst(%dma_wait3A_404 : memref<10112x128xf32, #tpu.memory_space<vmem_shared>>)
    %dma_start3A_405 = arith.constant 0 : i32
    %dma_start3A_406 = arith.constant 7 : i32
    %dma_start3A_407 = arith.constant 1 : i32
    %dma_start3A_408 = arith.constant 0 : i32
    %dma_start3A_409 = arith.constant 0 : i32
    %dma_start3A_410 = tpu.memref_slice %arg9[%dma_start3A_407, %dma_start3A_408, %dma_start3A_409] : memref<2x128x128xf32, #tpu.memory_space<vmem>> -> memref<1x128x128xf32, #tpu.memory_space<vmem>>
    %dma_start3A_411 = tpu.memref_squeeze %dma_start3A_410 : memref<1x128x128xf32, #tpu.memory_space<vmem>> -> memref<128x128xf32, #tpu.memory_space<vmem>>
    %dma_start3A_412 = arith.constant 0 : i32
    %dma_start3A_413 = tpu.memref_slice %arg7[%dma_start3A_405, %dma_start3A_406, %dma_start3A_412] : memref<3x8x128xi32, #tpu.memory_space<vmem>> -> memref<1x1x128xi32, #tpu.memory_space<vmem>>
    %dma_start3A_414 = tpu.memref_squeeze %dma_start3A_413 : memref<1x1x128xi32, #tpu.memory_space<vmem>> -> memref<128xi32, #tpu.memory_space<vmem>>
    %dma_start3A_415 = arith.constant 0 : i32
    %dma_start3A_416 = arith.constant 0 : i32
    %dma_start3A_417 = tpu.memref_slice %arg2[%dma_start3A_415, %dma_start3A_416] : memref<20224x128xf32, #tpu.memory_space<hbm>> -> memref<20224x128xf32, #tpu.memory_space<hbm>>
    tpu.enqueue_indirect_dma source(%dma_start3A_417 : memref<20224x128xf32, #tpu.memory_space<hbm>>) target(%dma_start3A_411 : memref<128x128xf32, #tpu.memory_space<vmem>>) offsets(%dma_start3A_414 : memref<128xi32, #tpu.memory_space<vmem>>) semaphore(%arg13 : memref<!tpu.dma_semaphore, #tpu.memory_space<semaphore_mem>>)
    %dma_wait3A_418 = arith.constant 1 : i32
    %dma_wait3A_419 = arith.constant 0 : i32
    %dma_wait3A_420 = arith.constant 0 : i32
    %dma_wait3A_421 = tpu.memref_slice %arg9[%dma_wait3A_418, %dma_wait3A_419, %dma_wait3A_420] : memref<2x128x128xf32, #tpu.memory_space<vmem>> -> memref<1x128x128xf32, #tpu.memory_space<vmem>>
    %dma_wait3A_422 = tpu.memref_squeeze %dma_wait3A_421 : memref<1x128x128xf32, #tpu.memory_space<vmem>> -> memref<128x128xf32, #tpu.memory_space<vmem>>
    %dma_wait3A_423 = arith.constant 0 : i32
    %dma_wait3A_424 = arith.constant 0 : i32
    %dma_wait3A_425 = tpu.memref_slice %arg2[%dma_wait3A_423, %dma_wait3A_424] : memref<20224x128xf32, #tpu.memory_space<hbm>> -> memref<128x128xf32, #tpu.memory_space<hbm>>
    %dma_wait3A_426 = arith.constant 0 : i32
    %dma_wait3A_427 = arith.constant 0 : i32
    %dma_wait3A_428 = tpu.memref_slice %arg9[%dma_wait3A_418, %dma_wait3A_426, %dma_wait3A_427] : memref<2x128x128xf32, #tpu.memory_space<vmem>> -> memref<1x128x128xf32, #tpu.memory_space<vmem>>
    %dma_wait3A_429 = tpu.memref_squeeze %dma_wait3A_428 : memref<1x128x128xf32, #tpu.memory_space<vmem>> -> memref<128x128xf32, #tpu.memory_space<vmem>>
    %dma_wait3A_430 = arith.constant 0 : i32
    %dma_wait3A_431 = arith.constant 0 : i32
    %dma_wait3A_432 = tpu.memref_slice %arg2[%dma_wait3A_430, %dma_wait3A_431] : memref<20224x128xf32, #tpu.memory_space<hbm>> -> memref<128x128xf32, #tpu.memory_space<hbm>>
    tpu.wait_dma2 semaphore(%arg13 : memref<!tpu.dma_semaphore, #tpu.memory_space<semaphore_mem>>) src(%dma_wait3A_432 : memref<128x128xf32, #tpu.memory_space<hbm>>) dst(%dma_wait3A_429 : memref<128x128xf32, #tpu.memory_space<vmem>>)
    %dma_start3A_433 = arith.constant 1 : i32
    %dma_start3A_434 = arith.constant 0 : i32
    %dma_start3A_435 = arith.constant 7 : i32
    %dma_start3A_436 = arith.constant 0 : i32
    %dma_start3A_437 = arith.constant 0 : i32
    %dma_start3A_438 = tpu.memref_slice %arg9[%dma_start3A_433, %dma_start3A_436, %dma_start3A_437] : memref<2x128x128xf32, #tpu.memory_space<vmem>> -> memref<1x128x128xf32, #tpu.memory_space<vmem>>
    %dma_start3A_439 = tpu.memref_squeeze %dma_start3A_438 : memref<1x128x128xf32, #tpu.memory_space<vmem>> -> memref<128x128xf32, #tpu.memory_space<vmem>>
    %dma_start3A_440 = arith.constant 0 : i32
    %dma_start3A_441 = tpu.memref_slice %arg8[%dma_start3A_434, %dma_start3A_435, %dma_start3A_440] : memref<3x8x128xi32, #tpu.memory_space<vmem>> -> memref<1x1x128xi32, #tpu.memory_space<vmem>>
    %dma_start3A_442 = tpu.memref_squeeze %dma_start3A_441 : memref<1x1x128xi32, #tpu.memory_space<vmem>> -> memref<128xi32, #tpu.memory_space<vmem>>
    %dma_start3A_443 = arith.constant 0 : i32
    %dma_start3A_444 = arith.constant 0 : i32
    %dma_start3A_445 = tpu.memref_slice %arg10[%dma_start3A_443, %dma_start3A_444] : memref<10112x128xf32, #tpu.memory_space<vmem_shared>> -> memref<10112x128xf32, #tpu.memory_space<vmem_shared>>
    tpu.enqueue_indirect_dma source(%dma_start3A_439 : memref<128x128xf32, #tpu.memory_space<vmem>>) target(%dma_start3A_445 : memref<10112x128xf32, #tpu.memory_space<vmem_shared>>) offsets(%dma_start3A_442 : memref<128xi32, #tpu.memory_space<vmem>>) semaphore(%arg15 : memref<!tpu.dma_semaphore, #tpu.memory_space<semaphore_mem>>) {add = true}
    %dma_wait3A_446 = arith.constant 0 : i32
    %dma_wait3A_447 = arith.constant 0 : i32
    %dma_wait3A_448 = arith.constant 0 : i32
    %dma_wait3A_449 = arith.constant 0 : i32
    %dma_wait3A_450 = arith.constant 0 : i32
    %dma_wait3A_451 = tpu.memref_slice %arg9[%dma_wait3A_446, %dma_wait3A_449, %dma_wait3A_450] : memref<2x128x128xf32, #tpu.memory_space<vmem>> -> memref<1x128x128xf32, #tpu.memory_space<vmem>>
    %dma_wait3A_452 = tpu.memref_squeeze %dma_wait3A_451 : memref<1x128x128xf32, #tpu.memory_space<vmem>> -> memref<128x128xf32, #tpu.memory_space<vmem>>
    %dma_wait3A_453 = arith.constant 0 : i32
    %dma_wait3A_454 = tpu.memref_slice %arg8[%dma_wait3A_447, %dma_wait3A_448, %dma_wait3A_453] : memref<3x8x128xi32, #tpu.memory_space<vmem>> -> memref<1x1x128xi32, #tpu.memory_space<vmem>>
    %dma_wait3A_455 = tpu.memref_squeeze %dma_wait3A_454 : memref<1x1x128xi32, #tpu.memory_space<vmem>> -> memref<128xi32, #tpu.memory_space<vmem>>
    %dma_wait3A_456 = arith.constant 0 : i32
    %dma_wait3A_457 = arith.constant 0 : i32
    %dma_wait3A_458 = tpu.memref_slice %arg10[%dma_wait3A_456, %dma_wait3A_457] : memref<10112x128xf32, #tpu.memory_space<vmem_shared>> -> memref<10112x128xf32, #tpu.memory_space<vmem_shared>>
    tpu.wait_indirect_dma semaphore(%arg14 : memref<!tpu.dma_semaphore, #tpu.memory_space<semaphore_mem>>) src(%dma_wait3A_452 : memref<128x128xf32, #tpu.memory_space<vmem>>) dst(%dma_wait3A_458 : memref<10112x128xf32, #tpu.memory_space<vmem_shared>>)
    %dma_start3A_459 = arith.constant 1 : i32
    %dma_start3A_460 = arith.constant 0 : i32
    %dma_start3A_461 = arith.constant 0 : i32
    %dma_start3A_462 = arith.constant 0 : i32
    %dma_start3A_463 = arith.constant 0 : i32
    %dma_start3A_464 = tpu.memref_slice %arg9[%dma_start3A_461, %dma_start3A_462, %dma_start3A_463] : memref<2x128x128xf32, #tpu.memory_space<vmem>> -> memref<1x128x128xf32, #tpu.memory_space<vmem>>
    %dma_start3A_465 = tpu.memref_squeeze %dma_start3A_464 : memref<1x128x128xf32, #tpu.memory_space<vmem>> -> memref<128x128xf32, #tpu.memory_space<vmem>>
    %dma_start3A_466 = arith.constant 0 : i32
    %dma_start3A_467 = tpu.memref_slice %arg7[%dma_start3A_459, %dma_start3A_460, %dma_start3A_466] : memref<3x8x128xi32, #tpu.memory_space<vmem>> -> memref<1x1x128xi32, #tpu.memory_space<vmem>>
    %dma_start3A_468 = tpu.memref_squeeze %dma_start3A_467 : memref<1x1x128xi32, #tpu.memory_space<vmem>> -> memref<128xi32, #tpu.memory_space<vmem>>
    %dma_start3A_469 = arith.constant 0 : i32
    %dma_start3A_470 = arith.constant 0 : i32
    %dma_start3A_471 = tpu.memref_slice %arg2[%dma_start3A_469, %dma_start3A_470] : memref<20224x128xf32, #tpu.memory_space<hbm>> -> memref<20224x128xf32, #tpu.memory_space<hbm>>
    tpu.enqueue_indirect_dma source(%dma_start3A_471 : memref<20224x128xf32, #tpu.memory_space<hbm>>) target(%dma_start3A_465 : memref<128x128xf32, #tpu.memory_space<vmem>>) offsets(%dma_start3A_468 : memref<128xi32, #tpu.memory_space<vmem>>) semaphore(%arg12 : memref<!tpu.dma_semaphore, #tpu.memory_space<semaphore_mem>>)
    %dma_wait3A_472 = arith.constant 0 : i32
    %dma_wait3A_473 = arith.constant 0 : i32
    %dma_wait3A_474 = arith.constant 0 : i32
    %dma_wait3A_475 = tpu.memref_slice %arg7[%dma_wait3A_472, %dma_wait3A_473, %dma_wait3A_474] : memref<3x8x128xi32, #tpu.memory_space<vmem>> -> memref<1x8x128xi32, #tpu.memory_space<vmem>>
    %dma_wait3A_476 = tpu.memref_squeeze %dma_wait3A_475 : memref<1x8x128xi32, #tpu.memory_space<vmem>> -> memref<8x128xi32, #tpu.memory_space<vmem>>
    %dma_wait3A_477 = arith.constant 0 : i32
    %dma_wait3A_478 = arith.constant 0 : i32
    %dma_wait3A_479 = tpu.memref_slice %arg3[%dma_wait3A_477, %dma_wait3A_478] : memref<2592x128xi32, #tpu.memory_space<hbm>> -> memref<8x128xi32, #tpu.memory_space<hbm>>
    %dma_wait3A_480 = arith.constant 0 : i32
    %dma_wait3A_481 = arith.constant 0 : i32
    %dma_wait3A_482 = tpu.memref_slice %arg7[%dma_wait3A_472, %dma_wait3A_480, %dma_wait3A_481] : memref<3x8x128xi32, #tpu.memory_space<vmem>> -> memref<1x8x128xi32, #tpu.memory_space<vmem>>
    %dma_wait3A_483 = tpu.memref_squeeze %dma_wait3A_482 : memref<1x8x128xi32, #tpu.memory_space<vmem>> -> memref<8x128xi32, #tpu.memory_space<vmem>>
    %dma_wait3A_484 = arith.constant 0 : i32
    %dma_wait3A_485 = arith.constant 0 : i32
    %dma_wait3A_486 = tpu.memref_slice %arg3[%dma_wait3A_484, %dma_wait3A_485] : memref<2592x128xi32, #tpu.memory_space<hbm>> -> memref<8x128xi32, #tpu.memory_space<hbm>>
    tpu.wait_dma2 semaphore(%arg11 : memref<!tpu.dma_semaphore, #tpu.memory_space<semaphore_mem>>) src(%dma_wait3A_486 : memref<8x128xi32, #tpu.memory_space<hbm>>) dst(%dma_wait3A_483 : memref<8x128xi32, #tpu.memory_space<vmem>>)
    %dma_wait3A_487 = arith.constant 0 : i32
    %dma_wait3A_488 = arith.constant 0 : i32
    %dma_wait3A_489 = arith.constant 0 : i32
    %dma_wait3A_490 = tpu.memref_slice %arg8[%dma_wait3A_487, %dma_wait3A_488, %dma_wait3A_489] : memref<3x8x128xi32, #tpu.memory_space<vmem>> -> memref<1x8x128xi32, #tpu.memory_space<vmem>>
    %dma_wait3A_491 = tpu.memref_squeeze %dma_wait3A_490 : memref<1x8x128xi32, #tpu.memory_space<vmem>> -> memref<8x128xi32, #tpu.memory_space<vmem>>
    %dma_wait3A_492 = arith.constant 0 : i32
    %dma_wait3A_493 = arith.constant 0 : i32
    %dma_wait3A_494 = tpu.memref_slice %arg4[%dma_wait3A_492, %dma_wait3A_493] : memref<2592x128xi32, #tpu.memory_space<hbm>> -> memref<8x128xi32, #tpu.memory_space<hbm>>
    %dma_wait3A_495 = arith.constant 0 : i32
    %dma_wait3A_496 = arith.constant 0 : i32
    %dma_wait3A_497 = tpu.memref_slice %arg8[%dma_wait3A_487, %dma_wait3A_495, %dma_wait3A_496] : memref<3x8x128xi32, #tpu.memory_space<vmem>> -> memref<1x8x128xi32, #tpu.memory_space<vmem>>
    %dma_wait3A_498 = tpu.memref_squeeze %dma_wait3A_497 : memref<1x8x128xi32, #tpu.memory_space<vmem>> -> memref<8x128xi32, #tpu.memory_space<vmem>>
    %dma_wait3A_499 = arith.constant 0 : i32
    %dma_wait3A_500 = arith.constant 0 : i32
    %dma_wait3A_501 = tpu.memref_slice %arg4[%dma_wait3A_499, %dma_wait3A_500] : memref<2592x128xi32, #tpu.memory_space<hbm>> -> memref<8x128xi32, #tpu.memory_space<hbm>>
    tpu.wait_dma2 semaphore(%arg11 : memref<!tpu.dma_semaphore, #tpu.memory_space<semaphore_mem>>) src(%dma_wait3A_501 : memref<8x128xi32, #tpu.memory_space<hbm>>) dst(%dma_wait3A_498 : memref<8x128xi32, #tpu.memory_space<vmem>>)
    %scan3A = arith.constant 0 : i32
    %scan3A_502 = arith.constant 1 : i32
    %scan3A_503 = arith.constant 0 : i32
    %scan3A_504 = arith.constant 0 : i32
    %scan3A_505 = arith.constant 1 : i32
    %scan3A_506 = arith.constant 0 : i32
    %scan3A_507 = arith.constant 0 : i32
    %scan3A_508 = arith.constant 0 : i32
    %scan3A_509 = arith.constant 0 : i32
    %scan3A_510 = arith.constant 0 : i32
    %scan3A_511 = arith.constant 0 : i32
    %scan3A_512 = arith.constant 9 : i32
    %scan3A_513 = arith.addi %scan3A_511, %scan3A_512 : i32
    %scan3A_514 = arith.constant 1 : i32
    scf.for %scan3A_549 = %scan3A_511 to %scan3A_513 step %scan3A_514  : i32 {
      %mul3A_550 = arith.constant 1 : i32
      %mul3A_551 = arith.muli %scan3A_549, %mul3A_550 : i32
      %add3A_552 = arith.constant 1 : i32
      %add3A_553 = arith.addi %add3A_552, %mul3A_551 : i32
      %rem3A = arith.constant 3 : i32
      %rem3A_554 = arith.remsi %add3A_553, %rem3A : i32
      %add3A_555 = arith.constant 1 : i32
      %add3A_556 = arith.addi %add3A_553, %add3A_555 : i32
      %rem3A_557 = arith.constant 3 : i32
      %rem3A_558 = arith.remsi %add3A_556, %rem3A_557 : i32
      %add3A_559 = arith.constant 2 : i32
      %add3A_560 = arith.addi %add3A_553, %add3A_559 : i32
      %rem3A_561 = arith.constant 3 : i32
      %rem3A_562 = arith.remsi %add3A_560, %rem3A_561 : i32
      %dma_wait3A_563 = arith.constant 0 : i32
      %dma_wait3A_564 = arith.constant 0 : i32
      %dma_wait3A_565 = tpu.memref_slice %arg9[%scan3A, %dma_wait3A_563, %dma_wait3A_564] : memref<2x128x128xf32, #tpu.memory_space<vmem>> -> memref<1x128x128xf32, #tpu.memory_space<vmem>>
      %dma_wait3A_566 = tpu.memref_squeeze %dma_wait3A_565 : memref<1x128x128xf32, #tpu.memory_space<vmem>> -> memref<128x128xf32, #tpu.memory_space<vmem>>
      %dma_wait3A_567 = arith.constant 0 : i32
      %dma_wait3A_568 = arith.constant 0 : i32
      %dma_wait3A_569 = tpu.memref_slice %arg2[%dma_wait3A_567, %dma_wait3A_568] : memref<20224x128xf32, #tpu.memory_space<hbm>> -> memref<128x128xf32, #tpu.memory_space<hbm>>
      %dma_wait3A_570 = arith.constant 0 : i32
      %dma_wait3A_571 = arith.constant 0 : i32
      %dma_wait3A_572 = tpu.memref_slice %arg9[%scan3A, %dma_wait3A_570, %dma_wait3A_571] : memref<2x128x128xf32, #tpu.memory_space<vmem>> -> memref<1x128x128xf32, #tpu.memory_space<vmem>>
      %dma_wait3A_573 = tpu.memref_squeeze %dma_wait3A_572 : memref<1x128x128xf32, #tpu.memory_space<vmem>> -> memref<128x128xf32, #tpu.memory_space<vmem>>
      %dma_wait3A_574 = arith.constant 0 : i32
      %dma_wait3A_575 = arith.constant 0 : i32
      %dma_wait3A_576 = tpu.memref_slice %arg2[%dma_wait3A_574, %dma_wait3A_575] : memref<20224x128xf32, #tpu.memory_space<hbm>> -> memref<128x128xf32, #tpu.memory_space<hbm>>
      tpu.wait_dma2 semaphore(%arg12 : memref<!tpu.dma_semaphore, #tpu.memory_space<semaphore_mem>>) src(%dma_wait3A_576 : memref<128x128xf32, #tpu.memory_space<hbm>>) dst(%dma_wait3A_573 : memref<128x128xf32, #tpu.memory_space<vmem>>)
      %dma_start3A_577 = arith.constant 0 : i32
      %dma_start3A_578 = arith.constant 0 : i32
      %dma_start3A_579 = arith.constant 0 : i32
      %dma_start3A_580 = arith.constant 0 : i32
      %dma_start3A_581 = tpu.memref_slice %arg9[%dma_start3A_577, %dma_start3A_579, %dma_start3A_580] : memref<2x128x128xf32, #tpu.memory_space<vmem>> -> memref<1x128x128xf32, #tpu.memory_space<vmem>>
      %dma_start3A_582 = tpu.memref_squeeze %dma_start3A_581 : memref<1x128x128xf32, #tpu.memory_space<vmem>> -> memref<128x128xf32, #tpu.memory_space<vmem>>
      %dma_start3A_583 = arith.constant 0 : i32
      %dma_start3A_584 = tpu.memref_slice %arg8[%rem3A_554, %dma_start3A_578, %dma_start3A_583] : memref<3x8x128xi32, #tpu.memory_space<vmem>> -> memref<1x1x128xi32, #tpu.memory_space<vmem>>
      %dma_start3A_585 = tpu.memref_squeeze %dma_start3A_584 : memref<1x1x128xi32, #tpu.memory_space<vmem>> -> memref<128xi32, #tpu.memory_space<vmem>>
      %dma_start3A_586 = arith.constant 0 : i32
      %dma_start3A_587 = arith.constant 0 : i32
      %dma_start3A_588 = tpu.memref_slice %arg10[%dma_start3A_586, %dma_start3A_587] : memref<10112x128xf32, #tpu.memory_space<vmem_shared>> -> memref<10112x128xf32, #tpu.memory_space<vmem_shared>>
      tpu.enqueue_indirect_dma source(%dma_start3A_582 : memref<128x128xf32, #tpu.memory_space<vmem>>) target(%dma_start3A_588 : memref<10112x128xf32, #tpu.memory_space<vmem_shared>>) offsets(%dma_start3A_585 : memref<128xi32, #tpu.memory_space<vmem>>) semaphore(%arg14 : memref<!tpu.dma_semaphore, #tpu.memory_space<semaphore_mem>>) {add = true}
      %dma_wait3A_589 = arith.constant 0 : i32
      %dma_wait3A_590 = arith.constant 0 : i32
      %dma_wait3A_591 = tpu.memref_slice %arg9[%scan3A_502, %dma_wait3A_589, %dma_wait3A_590] : memref<2x128x128xf32, #tpu.memory_space<vmem>> -> memref<1x128x128xf32, #tpu.memory_space<vmem>>
      %dma_wait3A_592 = tpu.memref_squeeze %dma_wait3A_591 : memref<1x128x128xf32, #tpu.memory_space<vmem>> -> memref<128x128xf32, #tpu.memory_space<vmem>>
      %dma_wait3A_593 = arith.constant 0 : i32
      %dma_wait3A_594 = tpu.memref_slice %arg8[%scan3A_503, %scan3A_504, %dma_wait3A_593] : memref<3x8x128xi32, #tpu.memory_space<vmem>> -> memref<1x1x128xi32, #tpu.memory_space<vmem>>
      %dma_wait3A_595 = tpu.memref_squeeze %dma_wait3A_594 : memref<1x1x128xi32, #tpu.memory_space<vmem>> -> memref<128xi32, #tpu.memory_space<vmem>>
      %dma_wait3A_596 = arith.constant 0 : i32
      %dma_wait3A_597 = arith.constant 0 : i32
      %dma_wait3A_598 = tpu.memref_slice %arg10[%dma_wait3A_596, %dma_wait3A_597] : memref<10112x128xf32, #tpu.memory_space<vmem_shared>> -> memref<10112x128xf32, #tpu.memory_space<vmem_shared>>
      tpu.wait_indirect_dma semaphore(%arg15 : memref<!tpu.dma_semaphore, #tpu.memory_space<semaphore_mem>>) src(%dma_wait3A_592 : memref<128x128xf32, #tpu.memory_space<vmem>>) dst(%dma_wait3A_598 : memref<10112x128xf32, #tpu.memory_space<vmem_shared>>)
      %add3A_599 = arith.constant 2 : i32
      %add3A_600 = arith.addi %add3A_553, %add3A_599 : i32
      %mul3A_601 = arith.constant 8 : i32
      %mul3A_602 = arith.muli %add3A_600, %mul3A_601 : i32
      %add3A_603 = arith.addi %add3A, %mul3A_602 : i32
      %dma_start3A_604 = arith.constant 0 : i32
      %dma_start3A_605 = arith.constant 0 : i32
      %dma_start3A_606 = tpu.memref_slice %arg7[%rem3A_562, %dma_start3A_604, %dma_start3A_605] : memref<3x8x128xi32, #tpu.memory_space<vmem>> -> memref<1x8x128xi32, #tpu.memory_space<vmem>>
      %dma_start3A_607 = tpu.memref_squeeze %dma_start3A_606 : memref<1x8x128xi32, #tpu.memory_space<vmem>> -> memref<8x128xi32, #tpu.memory_space<vmem>>
      %dma_start3A_608 = arith.constant 0 : i32
      %dma_start3A_609 = tpu.memref_slice %arg3[%add3A_603, %dma_start3A_608] : memref<2592x128xi32, #tpu.memory_space<hbm>> -> memref<8x128xi32, #tpu.memory_space<hbm>>
      %dma_start3A_610 = arith.constant 0 : i32
      %dma_start3A_611 = arith.constant 0 : i32
      %dma_start3A_612 = tpu.memref_slice %arg7[%rem3A_562, %dma_start3A_610, %dma_start3A_611] : memref<3x8x128xi32, #tpu.memory_space<vmem>> -> memref<1x8x128xi32, #tpu.memory_space<vmem>>
      %dma_start3A_613 = tpu.memref_squeeze %dma_start3A_612 : memref<1x8x128xi32, #tpu.memory_space<vmem>> -> memref<8x128xi32, #tpu.memory_space<vmem>>
      %dma_start3A_614 = arith.constant 0 : i32
      %dma_start3A_615 = tpu.memref_slice %arg3[%add3A_603, %dma_start3A_614] : memref<2592x128xi32, #tpu.memory_space<hbm>> -> memref<8x128xi32, #tpu.memory_space<hbm>>
      tpu.enqueue_dma source(%dma_start3A_615 : memref<8x128xi32, #tpu.memory_space<hbm>>) target(%dma_start3A_613 : memref<8x128xi32, #tpu.memory_space<vmem>>) target_semaphore(%arg11 : memref<!tpu.dma_semaphore, #tpu.memory_space<semaphore_mem>>)
      %dma_start3A_616 = arith.constant 0 : i32
      %dma_start3A_617 = arith.constant 0 : i32
      %dma_start3A_618 = tpu.memref_slice %arg8[%rem3A_562, %dma_start3A_616, %dma_start3A_617] : memref<3x8x128xi32, #tpu.memory_space<vmem>> -> memref<1x8x128xi32, #tpu.memory_space<vmem>>
      %dma_start3A_619 = tpu.memref_squeeze %dma_start3A_618 : memref<1x8x128xi32, #tpu.memory_space<vmem>> -> memref<8x128xi32, #tpu.memory_space<vmem>>
      %dma_start3A_620 = arith.constant 0 : i32
      %dma_start3A_621 = tpu.memref_slice %arg4[%add3A_603, %dma_start3A_620] : memref<2592x128xi32, #tpu.memory_space<hbm>> -> memref<8x128xi32, #tpu.memory_space<hbm>>
      %dma_start3A_622 = arith.constant 0 : i32
      %dma_start3A_623 = arith.constant 0 : i32
      %dma_start3A_624 = tpu.memref_slice %arg8[%rem3A_562, %dma_start3A_622, %dma_start3A_623] : memref<3x8x128xi32, #tpu.memory_space<vmem>> -> memref<1x8x128xi32, #tpu.memory_space<vmem>>
      %dma_start3A_625 = tpu.memref_squeeze %dma_start3A_624 : memref<1x8x128xi32, #tpu.memory_space<vmem>> -> memref<8x128xi32, #tpu.memory_space<vmem>>
      %dma_start3A_626 = arith.constant 0 : i32
      %dma_start3A_627 = tpu.memref_slice %arg4[%add3A_603, %dma_start3A_626] : memref<2592x128xi32, #tpu.memory_space<hbm>> -> memref<8x128xi32, #tpu.memory_space<hbm>>
      tpu.enqueue_dma source(%dma_start3A_627 : memref<8x128xi32, #tpu.memory_space<hbm>>) target(%dma_start3A_625 : memref<8x128xi32, #tpu.memory_space<vmem>>) target_semaphore(%arg11 : memref<!tpu.dma_semaphore, #tpu.memory_space<semaphore_mem>>)
      %dma_start3A_628 = arith.constant 1 : i32
      %dma_start3A_629 = arith.constant 1 : i32
      %dma_start3A_630 = arith.constant 0 : i32
      %dma_start3A_631 = arith.constant 0 : i32
      %dma_start3A_632 = tpu.memref_slice %arg9[%dma_start3A_629, %dma_start3A_630, %dma_start3A_631] : memref<2x128x128xf32, #tpu.memory_space<vmem>> -> memref<1x128x128xf32, #tpu.memory_space<vmem>>
      %dma_start3A_633 = tpu.memref_squeeze %dma_start3A_632 : memref<1x128x128xf32, #tpu.memory_space<vmem>> -> memref<128x128xf32, #tpu.memory_space<vmem>>
      %dma_start3A_634 = arith.constant 0 : i32
      %dma_start3A_635 = tpu.memref_slice %arg7[%rem3A_554, %dma_start3A_628, %dma_start3A_634] : memref<3x8x128xi32, #tpu.memory_space<vmem>> -> memref<1x1x128xi32, #tpu.memory_space<vmem>>
      %dma_start3A_636 = tpu.memref_squeeze %dma_start3A_635 : memref<1x1x128xi32, #tpu.memory_space<vmem>> -> memref<128xi32, #tpu.memory_space<vmem>>
      %dma_start3A_637 = arith.constant 0 : i32
      %dma_start3A_638 = arith.constant 0 : i32
      %dma_start3A_639 = tpu.memref_slice %arg2[%dma_start3A_637, %dma_start3A_638] : memref<20224x128xf32, #tpu.memory_space<hbm>> -> memref<20224x128xf32, #tpu.memory_space<hbm>>
      tpu.enqueue_indirect_dma source(%dma_start3A_639 : memref<20224x128xf32, #tpu.memory_space<hbm>>) target(%dma_start3A_633 : memref<128x128xf32, #tpu.memory_space<vmem>>) offsets(%dma_start3A_636 : memref<128xi32, #tpu.memory_space<vmem>>) semaphore(%arg13 : memref<!tpu.dma_semaphore, #tpu.memory_space<semaphore_mem>>)
      %dma_wait3A_640 = arith.constant 0 : i32
      %dma_wait3A_641 = arith.constant 0 : i32
      %dma_wait3A_642 = tpu.memref_slice %arg9[%scan3A_505, %dma_wait3A_640, %dma_wait3A_641] : memref<2x128x128xf32, #tpu.memory_space<vmem>> -> memref<1x128x128xf32, #tpu.memory_space<vmem>>
      %dma_wait3A_643 = tpu.memref_squeeze %dma_wait3A_642 : memref<1x128x128xf32, #tpu.memory_space<vmem>> -> memref<128x128xf32, #tpu.memory_space<vmem>>
      %dma_wait3A_644 = arith.constant 0 : i32
      %dma_wait3A_645 = arith.constant 0 : i32
      %dma_wait3A_646 = tpu.memref_slice %arg2[%dma_wait3A_644, %dma_wait3A_645] : memref<20224x128xf32, #tpu.memory_space<hbm>> -> memref<128x128xf32, #tpu.memory_space<hbm>>
      %dma_wait3A_647 = arith.constant 0 : i32
      %dma_wait3A_648 = arith.constant 0 : i32
      %dma_wait3A_649 = tpu.memref_slice %arg9[%scan3A_505, %dma_wait3A_647, %dma_wait3A_648] : memref<2x128x128xf32, #tpu.memory_space<vmem>> -> memref<1x128x128xf32, #tpu.memory_space<vmem>>
      %dma_wait3A_650 = tpu.memref_squeeze %dma_wait3A_649 : memref<1x128x128xf32, #tpu.memory_space<vmem>> -> memref<128x128xf32, #tpu.memory_space<vmem>>
      %dma_wait3A_651 = arith.constant 0 : i32
      %dma_wait3A_652 = arith.constant 0 : i32
      %dma_wait3A_653 = tpu.memref_slice %arg2[%dma_wait3A_651, %dma_wait3A_652] : memref<20224x128xf32, #tpu.memory_space<hbm>> -> memref<128x128xf32, #tpu.memory_space<hbm>>
      tpu.wait_dma2 semaphore(%arg13 : memref<!tpu.dma_semaphore, #tpu.memory_space<semaphore_mem>>) src(%dma_wait3A_653 : memref<128x128xf32, #tpu.memory_space<hbm>>) dst(%dma_wait3A_650 : memref<128x128xf32, #tpu.memory_space<vmem>>)
      %dma_start3A_654 = arith.constant 1 : i32
      %dma_start3A_655 = arith.constant 1 : i32
      %dma_start3A_656 = arith.constant 0 : i32
      %dma_start3A_657 = arith.constant 0 : i32
      %dma_start3A_658 = tpu.memref_slice %arg9[%dma_start3A_654, %dma_start3A_656, %dma_start3A_657] : memref<2x128x128xf32, #tpu.memory_space<vmem>> -> memref<1x128x128xf32, #tpu.memory_space<vmem>>
      %dma_start3A_659 = tpu.memref_squeeze %dma_start3A_658 : memref<1x128x128xf32, #tpu.memory_space<vmem>> -> memref<128x128xf32, #tpu.memory_space<vmem>>
      %dma_start3A_660 = arith.constant 0 : i32
      %dma_start3A_661 = tpu.memref_slice %arg8[%rem3A_554, %dma_start3A_655, %dma_start3A_660] : memref<3x8x128xi32, #tpu.memory_space<vmem>> -> memref<1x1x128xi32, #tpu.memory_space<vmem>>
      %dma_start3A_662 = tpu.memref_squeeze %dma_start3A_661 : memref<1x1x128xi32, #tpu.memory_space<vmem>> -> memref<128xi32, #tpu.memory_space<vmem>>
      %dma_start3A_663 = arith.constant 0 : i32
      %dma_start3A_664 = arith.constant 0 : i32
      %dma_start3A_665 = tpu.memref_slice %arg10[%dma_start3A_663, %dma_start3A_664] : memref<10112x128xf32, #tpu.memory_space<vmem_shared>> -> memref<10112x128xf32, #tpu.memory_space<vmem_shared>>
      tpu.enqueue_indirect_dma source(%dma_start3A_659 : memref<128x128xf32, #tpu.memory_space<vmem>>) target(%dma_start3A_665 : memref<10112x128xf32, #tpu.memory_space<vmem_shared>>) offsets(%dma_start3A_662 : memref<128xi32, #tpu.memory_space<vmem>>) semaphore(%arg15 : memref<!tpu.dma_semaphore, #tpu.memory_space<semaphore_mem>>) {add = true}
      %dma_wait3A_666 = arith.constant 0 : i32
      %dma_wait3A_667 = arith.constant 0 : i32
      %dma_wait3A_668 = tpu.memref_slice %arg9[%scan3A_506, %dma_wait3A_666, %dma_wait3A_667] : memref<2x128x128xf32, #tpu.memory_space<vmem>> -> memref<1x128x128xf32, #tpu.memory_space<vmem>>
      %dma_wait3A_669 = tpu.memref_squeeze %dma_wait3A_668 : memref<1x128x128xf32, #tpu.memory_space<vmem>> -> memref<128x128xf32, #tpu.memory_space<vmem>>
      %dma_wait3A_670 = arith.constant 0 : i32
      %dma_wait3A_671 = tpu.memref_slice %arg8[%scan3A_507, %scan3A_508, %dma_wait3A_670] : memref<3x8x128xi32, #tpu.memory_space<vmem>> -> memref<1x1x128xi32, #tpu.memory_space<vmem>>
      %dma_wait3A_672 = tpu.memref_squeeze %dma_wait3A_671 : memref<1x1x128xi32, #tpu.memory_space<vmem>> -> memref<128xi32, #tpu.memory_space<vmem>>
      %dma_wait3A_673 = arith.constant 0 : i32
      %dma_wait3A_674 = arith.constant 0 : i32
      %dma_wait3A_675 = tpu.memref_slice %arg10[%dma_wait3A_673, %dma_wait3A_674] : memref<10112x128xf32, #tpu.memory_space<vmem_shared>> -> memref<10112x128xf32, #tpu.memory_space<vmem_shared>>
      tpu.wait_indirect_dma semaphore(%arg14 : memref<!tpu.dma_semaphore, #tpu.memory_space<semaphore_mem>>) src(%dma_wait3A_669 : memref<128x128xf32, #tpu.memory_space<vmem>>) dst(%dma_wait3A_675 : memref<10112x128xf32, #tpu.memory_space<vmem_shared>>)
      %dma_start3A_676 = arith.constant 2 : i32
      %dma_start3A_677 = arith.constant 0 : i32
      %dma_start3A_678 = arith.constant 0 : i32
      %dma_start3A_679 = arith.constant 0 : i32
      %dma_start3A_680 = tpu.memref_slice %arg9[%dma_start3A_677, %dma_start3A_678, %dma_start3A_679] : memref<2x128x128xf32, #tpu.memory_space<vmem>> -> memref<1x128x128xf32, #tpu.memory_space<vmem>>
      %dma_start3A_681 = tpu.memref_squeeze %dma_start3A_680 : memref<1x128x128xf32, #tpu.memory_space<vmem>> -> memref<128x128xf32, #tpu.memory_space<vmem>>
      %dma_start3A_682 = arith.constant 0 : i32
      %dma_start3A_683 = tpu.memref_slice %arg7[%rem3A_554, %dma_start3A_676, %dma_start3A_682] : memref<3x8x128xi32, #tpu.memory_space<vmem>> -> memref<1x1x128xi32, #tpu.memory_space<vmem>>
      %dma_start3A_684 = tpu.memref_squeeze %dma_start3A_683 : memref<1x1x128xi32, #tpu.memory_space<vmem>> -> memref<128xi32, #tpu.memory_space<vmem>>
      %dma_start3A_685 = arith.constant 0 : i32
      %dma_start3A_686 = arith.constant 0 : i32
      %dma_start3A_687 = tpu.memref_slice %arg2[%dma_start3A_685, %dma_start3A_686] : memref<20224x128xf32, #tpu.memory_space<hbm>> -> memref<20224x128xf32, #tpu.memory_space<hbm>>
      tpu.enqueue_indirect_dma source(%dma_start3A_687 : memref<20224x128xf32, #tpu.memory_space<hbm>>) target(%dma_start3A_681 : memref<128x128xf32, #tpu.memory_space<vmem>>) offsets(%dma_start3A_684 : memref<128xi32, #tpu.memory_space<vmem>>) semaphore(%arg12 : memref<!tpu.dma_semaphore, #tpu.memory_space<semaphore_mem>>)
      %dma_wait3A_688 = arith.constant 0 : i32
      %dma_wait3A_689 = arith.constant 0 : i32
      %dma_wait3A_690 = tpu.memref_slice %arg9[%scan3A, %dma_wait3A_688, %dma_wait3A_689] : memref<2x128x128xf32, #tpu.memory_space<vmem>> -> memref<1x128x128xf32, #tpu.memory_space<vmem>>
      %dma_wait3A_691 = tpu.memref_squeeze %dma_wait3A_690 : memref<1x128x128xf32, #tpu.memory_space<vmem>> -> memref<128x128xf32, #tpu.memory_space<vmem>>
      %dma_wait3A_692 = arith.constant 0 : i32
      %dma_wait3A_693 = arith.constant 0 : i32
      %dma_wait3A_694 = tpu.memref_slice %arg2[%dma_wait3A_692, %dma_wait3A_693] : memref<20224x128xf32, #tpu.memory_space<hbm>> -> memref<128x128xf32, #tpu.memory_space<hbm>>
      %dma_wait3A_695 = arith.constant 0 : i32
      %dma_wait3A_696 = arith.constant 0 : i32
      %dma_wait3A_697 = tpu.memref_slice %arg9[%scan3A, %dma_wait3A_695, %dma_wait3A_696] : memref<2x128x128xf32, #tpu.memory_space<vmem>> -> memref<1x128x128xf32, #tpu.memory_space<vmem>>
      %dma_wait3A_698 = tpu.memref_squeeze %dma_wait3A_697 : memref<1x128x128xf32, #tpu.memory_space<vmem>> -> memref<128x128xf32, #tpu.memory_space<vmem>>
      %dma_wait3A_699 = arith.constant 0 : i32
      %dma_wait3A_700 = arith.constant 0 : i32
      %dma_wait3A_701 = tpu.memref_slice %arg2[%dma_wait3A_699, %dma_wait3A_700] : memref<20224x128xf32, #tpu.memory_space<hbm>> -> memref<128x128xf32, #tpu.memory_space<hbm>>
      tpu.wait_dma2 semaphore(%arg12 : memref<!tpu.dma_semaphore, #tpu.memory_space<semaphore_mem>>) src(%dma_wait3A_701 : memref<128x128xf32, #tpu.memory_space<hbm>>) dst(%dma_wait3A_698 : memref<128x128xf32, #tpu.memory_space<vmem>>)
      %dma_start3A_702 = arith.constant 0 : i32
      %dma_start3A_703 = arith.constant 2 : i32
      %dma_start3A_704 = arith.constant 0 : i32
      %dma_start3A_705 = arith.constant 0 : i32
      %dma_start3A_706 = tpu.memref_slice %arg9[%dma_start3A_702, %dma_start3A_704, %dma_start3A_705] : memref<2x128x128xf32, #tpu.memory_space<vmem>> -> memref<1x128x128xf32, #tpu.memory_space<vmem>>
      %dma_start3A_707 = tpu.memref_squeeze %dma_start3A_706 : memref<1x128x128xf32, #tpu.memory_space<vmem>> -> memref<128x128xf32, #tpu.memory_space<vmem>>
      %dma_start3A_708 = arith.constant 0 : i32
      %dma_start3A_709 = tpu.memref_slice %arg8[%rem3A_554, %dma_start3A_703, %dma_start3A_708] : memref<3x8x128xi32, #tpu.memory_space<vmem>> -> memref<1x1x128xi32, #tpu.memory_space<vmem>>
      %dma_start3A_710 = tpu.memref_squeeze %dma_start3A_709 : memref<1x1x128xi32, #tpu.memory_space<vmem>> -> memref<128xi32, #tpu.memory_space<vmem>>
      %dma_start3A_711 = arith.constant 0 : i32
      %dma_start3A_712 = arith.constant 0 : i32
      %dma_start3A_713 = tpu.memref_slice %arg10[%dma_start3A_711, %dma_start3A_712] : memref<10112x128xf32, #tpu.memory_space<vmem_shared>> -> memref<10112x128xf32, #tpu.memory_space<vmem_shared>>
      tpu.enqueue_indirect_dma source(%dma_start3A_707 : memref<128x128xf32, #tpu.memory_space<vmem>>) target(%dma_start3A_713 : memref<10112x128xf32, #tpu.memory_space<vmem_shared>>) offsets(%dma_start3A_710 : memref<128xi32, #tpu.memory_space<vmem>>) semaphore(%arg14 : memref<!tpu.dma_semaphore, #tpu.memory_space<semaphore_mem>>) {add = true}
      %dma_wait3A_714 = arith.constant 0 : i32
      %dma_wait3A_715 = arith.constant 0 : i32
      %dma_wait3A_716 = tpu.memref_slice %arg9[%scan3A_502, %dma_wait3A_714, %dma_wait3A_715] : memref<2x128x128xf32, #tpu.memory_space<vmem>> -> memref<1x128x128xf32, #tpu.memory_space<vmem>>
      %dma_wait3A_717 = tpu.memref_squeeze %dma_wait3A_716 : memref<1x128x128xf32, #tpu.memory_space<vmem>> -> memref<128x128xf32, #tpu.memory_space<vmem>>
      %dma_wait3A_718 = arith.constant 0 : i32
      %dma_wait3A_719 = tpu.memref_slice %arg8[%scan3A_503, %scan3A_504, %dma_wait3A_718] : memref<3x8x128xi32, #tpu.memory_space<vmem>> -> memref<1x1x128xi32, #tpu.memory_space<vmem>>
      %dma_wait3A_720 = tpu.memref_squeeze %dma_wait3A_719 : memref<1x1x128xi32, #tpu.memory_space<vmem>> -> memref<128xi32, #tpu.memory_space<vmem>>
      %dma_wait3A_721 = arith.constant 0 : i32
      %dma_wait3A_722 = arith.constant 0 : i32
      %dma_wait3A_723 = tpu.memref_slice %arg10[%dma_wait3A_721, %dma_wait3A_722] : memref<10112x128xf32, #tpu.memory_space<vmem_shared>> -> memref<10112x128xf32, #tpu.memory_space<vmem_shared>>
      tpu.wait_indirect_dma semaphore(%arg15 : memref<!tpu.dma_semaphore, #tpu.memory_space<semaphore_mem>>) src(%dma_wait3A_717 : memref<128x128xf32, #tpu.memory_space<vmem>>) dst(%dma_wait3A_723 : memref<10112x128xf32, #tpu.memory_space<vmem_shared>>)
      %dma_start3A_724 = arith.constant 3 : i32
      %dma_start3A_725 = arith.constant 1 : i32
      %dma_start3A_726 = arith.constant 0 : i32
      %dma_start3A_727 = arith.constant 0 : i32
      %dma_start3A_728 = tpu.memref_slice %arg9[%dma_start3A_725, %dma_start3A_726, %dma_start3A_727] : memref<2x128x128xf32, #tpu.memory_space<vmem>> -> memref<1x128x128xf32, #tpu.memory_space<vmem>>
      %dma_start3A_729 = tpu.memref_squeeze %dma_start3A_728 : memref<1x128x128xf32, #tpu.memory_space<vmem>> -> memref<128x128xf32, #tpu.memory_space<vmem>>
      %dma_start3A_730 = arith.constant 0 : i32
      %dma_start3A_731 = tpu.memref_slice %arg7[%rem3A_554, %dma_start3A_724, %dma_start3A_730] : memref<3x8x128xi32, #tpu.memory_space<vmem>> -> memref<1x1x128xi32, #tpu.memory_space<vmem>>
      %dma_start3A_732 = tpu.memref_squeeze %dma_start3A_731 : memref<1x1x128xi32, #tpu.memory_space<vmem>> -> memref<128xi32, #tpu.memory_space<vmem>>
      %dma_start3A_733 = arith.constant 0 : i32
      %dma_start3A_734 = arith.constant 0 : i32
      %dma_start3A_735 = tpu.memref_slice %arg2[%dma_start3A_733, %dma_start3A_734] : memref<20224x128xf32, #tpu.memory_space<hbm>> -> memref<20224x128xf32, #tpu.memory_space<hbm>>
      tpu.enqueue_indirect_dma source(%dma_start3A_735 : memref<20224x128xf32, #tpu.memory_space<hbm>>) target(%dma_start3A_729 : memref<128x128xf32, #tpu.memory_space<vmem>>) offsets(%dma_start3A_732 : memref<128xi32, #tpu.memory_space<vmem>>) semaphore(%arg13 : memref<!tpu.dma_semaphore, #tpu.memory_space<semaphore_mem>>)
      %dma_wait3A_736 = arith.constant 0 : i32
      %dma_wait3A_737 = arith.constant 0 : i32
      %dma_wait3A_738 = tpu.memref_slice %arg9[%scan3A_505, %dma_wait3A_736, %dma_wait3A_737] : memref<2x128x128xf32, #tpu.memory_space<vmem>> -> memref<1x128x128xf32, #tpu.memory_space<vmem>>
      %dma_wait3A_739 = tpu.memref_squeeze %dma_wait3A_738 : memref<1x128x128xf32, #tpu.memory_space<vmem>> -> memref<128x128xf32, #tpu.memory_space<vmem>>
      %dma_wait3A_740 = arith.constant 0 : i32
      %dma_wait3A_741 = arith.constant 0 : i32
      %dma_wait3A_742 = tpu.memref_slice %arg2[%dma_wait3A_740, %dma_wait3A_741] : memref<20224x128xf32, #tpu.memory_space<hbm>> -> memref<128x128xf32, #tpu.memory_space<hbm>>
      %dma_wait3A_743 = arith.constant 0 : i32
      %dma_wait3A_744 = arith.constant 0 : i32
      %dma_wait3A_745 = tpu.memref_slice %arg9[%scan3A_505, %dma_wait3A_743, %dma_wait3A_744] : memref<2x128x128xf32, #tpu.memory_space<vmem>> -> memref<1x128x128xf32, #tpu.memory_space<vmem>>
      %dma_wait3A_746 = tpu.memref_squeeze %dma_wait3A_745 : memref<1x128x128xf32, #tpu.memory_space<vmem>> -> memref<128x128xf32, #tpu.memory_space<vmem>>
      %dma_wait3A_747 = arith.constant 0 : i32
      %dma_wait3A_748 = arith.constant 0 : i32
      %dma_wait3A_749 = tpu.memref_slice %arg2[%dma_wait3A_747, %dma_wait3A_748] : memref<20224x128xf32, #tpu.memory_space<hbm>> -> memref<128x128xf32, #tpu.memory_space<hbm>>
      tpu.wait_dma2 semaphore(%arg13 : memref<!tpu.dma_semaphore, #tpu.memory_space<semaphore_mem>>) src(%dma_wait3A_749 : memref<128x128xf32, #tpu.memory_space<hbm>>) dst(%dma_wait3A_746 : memref<128x128xf32, #tpu.memory_space<vmem>>)
      %dma_start3A_750 = arith.constant 1 : i32
      %dma_start3A_751 = arith.constant 3 : i32
      %dma_start3A_752 = arith.constant 0 : i32
      %dma_start3A_753 = arith.constant 0 : i32
      %dma_start3A_754 = tpu.memref_slice %arg9[%dma_start3A_750, %dma_start3A_752, %dma_start3A_753] : memref<2x128x128xf32, #tpu.memory_space<vmem>> -> memref<1x128x128xf32, #tpu.memory_space<vmem>>
      %dma_start3A_755 = tpu.memref_squeeze %dma_start3A_754 : memref<1x128x128xf32, #tpu.memory_space<vmem>> -> memref<128x128xf32, #tpu.memory_space<vmem>>
      %dma_start3A_756 = arith.constant 0 : i32
      %dma_start3A_757 = tpu.memref_slice %arg8[%rem3A_554, %dma_start3A_751, %dma_start3A_756] : memref<3x8x128xi32, #tpu.memory_space<vmem>> -> memref<1x1x128xi32, #tpu.memory_space<vmem>>
      %dma_start3A_758 = tpu.memref_squeeze %dma_start3A_757 : memref<1x1x128xi32, #tpu.memory_space<vmem>> -> memref<128xi32, #tpu.memory_space<vmem>>
      %dma_start3A_759 = arith.constant 0 : i32
      %dma_start3A_760 = arith.constant 0 : i32
      %dma_start3A_761 = tpu.memref_slice %arg10[%dma_start3A_759, %dma_start3A_760] : memref<10112x128xf32, #tpu.memory_space<vmem_shared>> -> memref<10112x128xf32, #tpu.memory_space<vmem_shared>>
      tpu.enqueue_indirect_dma source(%dma_start3A_755 : memref<128x128xf32, #tpu.memory_space<vmem>>) target(%dma_start3A_761 : memref<10112x128xf32, #tpu.memory_space<vmem_shared>>) offsets(%dma_start3A_758 : memref<128xi32, #tpu.memory_space<vmem>>) semaphore(%arg15 : memref<!tpu.dma_semaphore, #tpu.memory_space<semaphore_mem>>) {add = true}
      %dma_wait3A_762 = arith.constant 0 : i32
      %dma_wait3A_763 = arith.constant 0 : i32
      %dma_wait3A_764 = tpu.memref_slice %arg9[%scan3A_506, %dma_wait3A_762, %dma_wait3A_763] : memref<2x128x128xf32, #tpu.memory_space<vmem>> -> memref<1x128x128xf32, #tpu.memory_space<vmem>>
      %dma_wait3A_765 = tpu.memref_squeeze %dma_wait3A_764 : memref<1x128x128xf32, #tpu.memory_space<vmem>> -> memref<128x128xf32, #tpu.memory_space<vmem>>
      %dma_wait3A_766 = arith.constant 0 : i32
      %dma_wait3A_767 = tpu.memref_slice %arg8[%scan3A_507, %scan3A_508, %dma_wait3A_766] : memref<3x8x128xi32, #tpu.memory_space<vmem>> -> memref<1x1x128xi32, #tpu.memory_space<vmem>>
      %dma_wait3A_768 = tpu.memref_squeeze %dma_wait3A_767 : memref<1x1x128xi32, #tpu.memory_space<vmem>> -> memref<128xi32, #tpu.memory_space<vmem>>
      %dma_wait3A_769 = arith.constant 0 : i32
      %dma_wait3A_770 = arith.constant 0 : i32
      %dma_wait3A_771 = tpu.memref_slice %arg10[%dma_wait3A_769, %dma_wait3A_770] : memref<10112x128xf32, #tpu.memory_space<vmem_shared>> -> memref<10112x128xf32, #tpu.memory_space<vmem_shared>>
      tpu.wait_indirect_dma semaphore(%arg14 : memref<!tpu.dma_semaphore, #tpu.memory_space<semaphore_mem>>) src(%dma_wait3A_765 : memref<128x128xf32, #tpu.memory_space<vmem>>) dst(%dma_wait3A_771 : memref<10112x128xf32, #tpu.memory_space<vmem_shared>>)
      %dma_start3A_772 = arith.constant 4 : i32
      %dma_start3A_773 = arith.constant 0 : i32
      %dma_start3A_774 = arith.constant 0 : i32
      %dma_start3A_775 = arith.constant 0 : i32
      %dma_start3A_776 = tpu.memref_slice %arg9[%dma_start3A_773, %dma_start3A_774, %dma_start3A_775] : memref<2x128x128xf32, #tpu.memory_space<vmem>> -> memref<1x128x128xf32, #tpu.memory_space<vmem>>
      %dma_start3A_777 = tpu.memref_squeeze %dma_start3A_776 : memref<1x128x128xf32, #tpu.memory_space<vmem>> -> memref<128x128xf32, #tpu.memory_space<vmem>>
      %dma_start3A_778 = arith.constant 0 : i32
      %dma_start3A_779 = tpu.memref_slice %arg7[%rem3A_554, %dma_start3A_772, %dma_start3A_778] : memref<3x8x128xi32, #tpu.memory_space<vmem>> -> memref<1x1x128xi32, #tpu.memory_space<vmem>>
      %dma_start3A_780 = tpu.memref_squeeze %dma_start3A_779 : memref<1x1x128xi32, #tpu.memory_space<vmem>> -> memref<128xi32, #tpu.memory_space<vmem>>
      %dma_start3A_781 = arith.constant 0 : i32
      %dma_start3A_782 = arith.constant 0 : i32
      %dma_start3A_783 = tpu.memref_slice %arg2[%dma_start3A_781, %dma_start3A_782] : memref<20224x128xf32, #tpu.memory_space<hbm>> -> memref<20224x128xf32, #tpu.memory_space<hbm>>
      tpu.enqueue_indirect_dma source(%dma_start3A_783 : memref<20224x128xf32, #tpu.memory_space<hbm>>) target(%dma_start3A_777 : memref<128x128xf32, #tpu.memory_space<vmem>>) offsets(%dma_start3A_780 : memref<128xi32, #tpu.memory_space<vmem>>) semaphore(%arg12 : memref<!tpu.dma_semaphore, #tpu.memory_space<semaphore_mem>>)
      %dma_wait3A_784 = arith.constant 0 : i32
      %dma_wait3A_785 = arith.constant 0 : i32
      %dma_wait3A_786 = tpu.memref_slice %arg9[%scan3A, %dma_wait3A_784, %dma_wait3A_785] : memref<2x128x128xf32, #tpu.memory_space<vmem>> -> memref<1x128x128xf32, #tpu.memory_space<vmem>>
      %dma_wait3A_787 = tpu.memref_squeeze %dma_wait3A_786 : memref<1x128x128xf32, #tpu.memory_space<vmem>> -> memref<128x128xf32, #tpu.memory_space<vmem>>
      %dma_wait3A_788 = arith.constant 0 : i32
      %dma_wait3A_789 = arith.constant 0 : i32
      %dma_wait3A_790 = tpu.memref_slice %arg2[%dma_wait3A_788, %dma_wait3A_789] : memref<20224x128xf32, #tpu.memory_space<hbm>> -> memref<128x128xf32, #tpu.memory_space<hbm>>
      %dma_wait3A_791 = arith.constant 0 : i32
      %dma_wait3A_792 = arith.constant 0 : i32
      %dma_wait3A_793 = tpu.memref_slice %arg9[%scan3A, %dma_wait3A_791, %dma_wait3A_792] : memref<2x128x128xf32, #tpu.memory_space<vmem>> -> memref<1x128x128xf32, #tpu.memory_space<vmem>>
      %dma_wait3A_794 = tpu.memref_squeeze %dma_wait3A_793 : memref<1x128x128xf32, #tpu.memory_space<vmem>> -> memref<128x128xf32, #tpu.memory_space<vmem>>
      %dma_wait3A_795 = arith.constant 0 : i32
      %dma_wait3A_796 = arith.constant 0 : i32
      %dma_wait3A_797 = tpu.memref_slice %arg2[%dma_wait3A_795, %dma_wait3A_796] : memref<20224x128xf32, #tpu.memory_space<hbm>> -> memref<128x128xf32, #tpu.memory_space<hbm>>
      tpu.wait_dma2 semaphore(%arg12 : memref<!tpu.dma_semaphore, #tpu.memory_space<semaphore_mem>>) src(%dma_wait3A_797 : memref<128x128xf32, #tpu.memory_space<hbm>>) dst(%dma_wait3A_794 : memref<128x128xf32, #tpu.memory_space<vmem>>)
      %dma_start3A_798 = arith.constant 0 : i32
      %dma_start3A_799 = arith.constant 4 : i32
      %dma_start3A_800 = arith.constant 0 : i32
      %dma_start3A_801 = arith.constant 0 : i32
      %dma_start3A_802 = tpu.memref_slice %arg9[%dma_start3A_798, %dma_start3A_800, %dma_start3A_801] : memref<2x128x128xf32, #tpu.memory_space<vmem>> -> memref<1x128x128xf32, #tpu.memory_space<vmem>>
      %dma_start3A_803 = tpu.memref_squeeze %dma_start3A_802 : memref<1x128x128xf32, #tpu.memory_space<vmem>> -> memref<128x128xf32, #tpu.memory_space<vmem>>
      %dma_start3A_804 = arith.constant 0 : i32
      %dma_start3A_805 = tpu.memref_slice %arg8[%rem3A_554, %dma_start3A_799, %dma_start3A_804] : memref<3x8x128xi32, #tpu.memory_space<vmem>> -> memref<1x1x128xi32, #tpu.memory_space<vmem>>
      %dma_start3A_806 = tpu.memref_squeeze %dma_start3A_805 : memref<1x1x128xi32, #tpu.memory_space<vmem>> -> memref<128xi32, #tpu.memory_space<vmem>>
      %dma_start3A_807 = arith.constant 0 : i32
      %dma_start3A_808 = arith.constant 0 : i32
      %dma_start3A_809 = tpu.memref_slice %arg10[%dma_start3A_807, %dma_start3A_808] : memref<10112x128xf32, #tpu.memory_space<vmem_shared>> -> memref<10112x128xf32, #tpu.memory_space<vmem_shared>>
      tpu.enqueue_indirect_dma source(%dma_start3A_803 : memref<128x128xf32, #tpu.memory_space<vmem>>) target(%dma_start3A_809 : memref<10112x128xf32, #tpu.memory_space<vmem_shared>>) offsets(%dma_start3A_806 : memref<128xi32, #tpu.memory_space<vmem>>) semaphore(%arg14 : memref<!tpu.dma_semaphore, #tpu.memory_space<semaphore_mem>>) {add = true}
      %dma_wait3A_810 = arith.constant 0 : i32
      %dma_wait3A_811 = arith.constant 0 : i32
      %dma_wait3A_812 = tpu.memref_slice %arg9[%scan3A_502, %dma_wait3A_810, %dma_wait3A_811] : memref<2x128x128xf32, #tpu.memory_space<vmem>> -> memref<1x128x128xf32, #tpu.memory_space<vmem>>
      %dma_wait3A_813 = tpu.memref_squeeze %dma_wait3A_812 : memref<1x128x128xf32, #tpu.memory_space<vmem>> -> memref<128x128xf32, #tpu.memory_space<vmem>>
      %dma_wait3A_814 = arith.constant 0 : i32
      %dma_wait3A_815 = tpu.memref_slice %arg8[%scan3A_503, %scan3A_504, %dma_wait3A_814] : memref<3x8x128xi32, #tpu.memory_space<vmem>> -> memref<1x1x128xi32, #tpu.memory_space<vmem>>
      %dma_wait3A_816 = tpu.memref_squeeze %dma_wait3A_815 : memref<1x1x128xi32, #tpu.memory_space<vmem>> -> memref<128xi32, #tpu.memory_space<vmem>>
      %dma_wait3A_817 = arith.constant 0 : i32
      %dma_wait3A_818 = arith.constant 0 : i32
      %dma_wait3A_819 = tpu.memref_slice %arg10[%dma_wait3A_817, %dma_wait3A_818] : memref<10112x128xf32, #tpu.memory_space<vmem_shared>> -> memref<10112x128xf32, #tpu.memory_space<vmem_shared>>
      tpu.wait_indirect_dma semaphore(%arg15 : memref<!tpu.dma_semaphore, #tpu.memory_space<semaphore_mem>>) src(%dma_wait3A_813 : memref<128x128xf32, #tpu.memory_space<vmem>>) dst(%dma_wait3A_819 : memref<10112x128xf32, #tpu.memory_space<vmem_shared>>)
      %dma_start3A_820 = arith.constant 5 : i32
      %dma_start3A_821 = arith.constant 1 : i32
      %dma_start3A_822 = arith.constant 0 : i32
      %dma_start3A_823 = arith.constant 0 : i32
      %dma_start3A_824 = tpu.memref_slice %arg9[%dma_start3A_821, %dma_start3A_822, %dma_start3A_823] : memref<2x128x128xf32, #tpu.memory_space<vmem>> -> memref<1x128x128xf32, #tpu.memory_space<vmem>>
      %dma_start3A_825 = tpu.memref_squeeze %dma_start3A_824 : memref<1x128x128xf32, #tpu.memory_space<vmem>> -> memref<128x128xf32, #tpu.memory_space<vmem>>
      %dma_start3A_826 = arith.constant 0 : i32
      %dma_start3A_827 = tpu.memref_slice %arg7[%rem3A_554, %dma_start3A_820, %dma_start3A_826] : memref<3x8x128xi32, #tpu.memory_space<vmem>> -> memref<1x1x128xi32, #tpu.memory_space<vmem>>
      %dma_start3A_828 = tpu.memref_squeeze %dma_start3A_827 : memref<1x1x128xi32, #tpu.memory_space<vmem>> -> memref<128xi32, #tpu.memory_space<vmem>>
      %dma_start3A_829 = arith.constant 0 : i32
      %dma_start3A_830 = arith.constant 0 : i32
      %dma_start3A_831 = tpu.memref_slice %arg2[%dma_start3A_829, %dma_start3A_830] : memref<20224x128xf32, #tpu.memory_space<hbm>> -> memref<20224x128xf32, #tpu.memory_space<hbm>>
      tpu.enqueue_indirect_dma source(%dma_start3A_831 : memref<20224x128xf32, #tpu.memory_space<hbm>>) target(%dma_start3A_825 : memref<128x128xf32, #tpu.memory_space<vmem>>) offsets(%dma_start3A_828 : memref<128xi32, #tpu.memory_space<vmem>>) semaphore(%arg13 : memref<!tpu.dma_semaphore, #tpu.memory_space<semaphore_mem>>)
      %dma_wait3A_832 = arith.constant 0 : i32
      %dma_wait3A_833 = arith.constant 0 : i32
      %dma_wait3A_834 = tpu.memref_slice %arg9[%scan3A_505, %dma_wait3A_832, %dma_wait3A_833] : memref<2x128x128xf32, #tpu.memory_space<vmem>> -> memref<1x128x128xf32, #tpu.memory_space<vmem>>
      %dma_wait3A_835 = tpu.memref_squeeze %dma_wait3A_834 : memref<1x128x128xf32, #tpu.memory_space<vmem>> -> memref<128x128xf32, #tpu.memory_space<vmem>>
      %dma_wait3A_836 = arith.constant 0 : i32
      %dma_wait3A_837 = arith.constant 0 : i32
      %dma_wait3A_838 = tpu.memref_slice %arg2[%dma_wait3A_836, %dma_wait3A_837] : memref<20224x128xf32, #tpu.memory_space<hbm>> -> memref<128x128xf32, #tpu.memory_space<hbm>>
      %dma_wait3A_839 = arith.constant 0 : i32
      %dma_wait3A_840 = arith.constant 0 : i32
      %dma_wait3A_841 = tpu.memref_slice %arg9[%scan3A_505, %dma_wait3A_839, %dma_wait3A_840] : memref<2x128x128xf32, #tpu.memory_space<vmem>> -> memref<1x128x128xf32, #tpu.memory_space<vmem>>
      %dma_wait3A_842 = tpu.memref_squeeze %dma_wait3A_841 : memref<1x128x128xf32, #tpu.memory_space<vmem>> -> memref<128x128xf32, #tpu.memory_space<vmem>>
      %dma_wait3A_843 = arith.constant 0 : i32
      %dma_wait3A_844 = arith.constant 0 : i32
      %dma_wait3A_845 = tpu.memref_slice %arg2[%dma_wait3A_843, %dma_wait3A_844] : memref<20224x128xf32, #tpu.memory_space<hbm>> -> memref<128x128xf32, #tpu.memory_space<hbm>>
      tpu.wait_dma2 semaphore(%arg13 : memref<!tpu.dma_semaphore, #tpu.memory_space<semaphore_mem>>) src(%dma_wait3A_845 : memref<128x128xf32, #tpu.memory_space<hbm>>) dst(%dma_wait3A_842 : memref<128x128xf32, #tpu.memory_space<vmem>>)
      %dma_start3A_846 = arith.constant 1 : i32
      %dma_start3A_847 = arith.constant 5 : i32
      %dma_start3A_848 = arith.constant 0 : i32
      %dma_start3A_849 = arith.constant 0 : i32
      %dma_start3A_850 = tpu.memref_slice %arg9[%dma_start3A_846, %dma_start3A_848, %dma_start3A_849] : memref<2x128x128xf32, #tpu.memory_space<vmem>> -> memref<1x128x128xf32, #tpu.memory_space<vmem>>
      %dma_start3A_851 = tpu.memref_squeeze %dma_start3A_850 : memref<1x128x128xf32, #tpu.memory_space<vmem>> -> memref<128x128xf32, #tpu.memory_space<vmem>>
      %dma_start3A_852 = arith.constant 0 : i32
      %dma_start3A_853 = tpu.memref_slice %arg8[%rem3A_554, %dma_start3A_847, %dma_start3A_852] : memref<3x8x128xi32, #tpu.memory_space<vmem>> -> memref<1x1x128xi32, #tpu.memory_space<vmem>>
      %dma_start3A_854 = tpu.memref_squeeze %dma_start3A_853 : memref<1x1x128xi32, #tpu.memory_space<vmem>> -> memref<128xi32, #tpu.memory_space<vmem>>
      %dma_start3A_855 = arith.constant 0 : i32
      %dma_start3A_856 = arith.constant 0 : i32
      %dma_start3A_857 = tpu.memref_slice %arg10[%dma_start3A_855, %dma_start3A_856] : memref<10112x128xf32, #tpu.memory_space<vmem_shared>> -> memref<10112x128xf32, #tpu.memory_space<vmem_shared>>
      tpu.enqueue_indirect_dma source(%dma_start3A_851 : memref<128x128xf32, #tpu.memory_space<vmem>>) target(%dma_start3A_857 : memref<10112x128xf32, #tpu.memory_space<vmem_shared>>) offsets(%dma_start3A_854 : memref<128xi32, #tpu.memory_space<vmem>>) semaphore(%arg15 : memref<!tpu.dma_semaphore, #tpu.memory_space<semaphore_mem>>) {add = true}
      %dma_wait3A_858 = arith.constant 0 : i32
      %dma_wait3A_859 = arith.constant 0 : i32
      %dma_wait3A_860 = tpu.memref_slice %arg9[%scan3A_506, %dma_wait3A_858, %dma_wait3A_859] : memref<2x128x128xf32, #tpu.memory_space<vmem>> -> memref<1x128x128xf32, #tpu.memory_space<vmem>>
      %dma_wait3A_861 = tpu.memref_squeeze %dma_wait3A_860 : memref<1x128x128xf32, #tpu.memory_space<vmem>> -> memref<128x128xf32, #tpu.memory_space<vmem>>
      %dma_wait3A_862 = arith.constant 0 : i32
      %dma_wait3A_863 = tpu.memref_slice %arg8[%scan3A_507, %scan3A_508, %dma_wait3A_862] : memref<3x8x128xi32, #tpu.memory_space<vmem>> -> memref<1x1x128xi32, #tpu.memory_space<vmem>>
      %dma_wait3A_864 = tpu.memref_squeeze %dma_wait3A_863 : memref<1x1x128xi32, #tpu.memory_space<vmem>> -> memref<128xi32, #tpu.memory_space<vmem>>
      %dma_wait3A_865 = arith.constant 0 : i32
      %dma_wait3A_866 = arith.constant 0 : i32
      %dma_wait3A_867 = tpu.memref_slice %arg10[%dma_wait3A_865, %dma_wait3A_866] : memref<10112x128xf32, #tpu.memory_space<vmem_shared>> -> memref<10112x128xf32, #tpu.memory_space<vmem_shared>>
      tpu.wait_indirect_dma semaphore(%arg14 : memref<!tpu.dma_semaphore, #tpu.memory_space<semaphore_mem>>) src(%dma_wait3A_861 : memref<128x128xf32, #tpu.memory_space<vmem>>) dst(%dma_wait3A_867 : memref<10112x128xf32, #tpu.memory_space<vmem_shared>>)
      %dma_start3A_868 = arith.constant 6 : i32
      %dma_start3A_869 = arith.constant 0 : i32
      %dma_start3A_870 = arith.constant 0 : i32
      %dma_start3A_871 = arith.constant 0 : i32
      %dma_start3A_872 = tpu.memref_slice %arg9[%dma_start3A_869, %dma_start3A_870, %dma_start3A_871] : memref<2x128x128xf32, #tpu.memory_space<vmem>> -> memref<1x128x128xf32, #tpu.memory_space<vmem>>
      %dma_start3A_873 = tpu.memref_squeeze %dma_start3A_872 : memref<1x128x128xf32, #tpu.memory_space<vmem>> -> memref<128x128xf32, #tpu.memory_space<vmem>>
      %dma_start3A_874 = arith.constant 0 : i32
      %dma_start3A_875 = tpu.memref_slice %arg7[%rem3A_554, %dma_start3A_868, %dma_start3A_874] : memref<3x8x128xi32, #tpu.memory_space<vmem>> -> memref<1x1x128xi32, #tpu.memory_space<vmem>>
      %dma_start3A_876 = tpu.memref_squeeze %dma_start3A_875 : memref<1x1x128xi32, #tpu.memory_space<vmem>> -> memref<128xi32, #tpu.memory_space<vmem>>
      %dma_start3A_877 = arith.constant 0 : i32
      %dma_start3A_878 = arith.constant 0 : i32
      %dma_start3A_879 = tpu.memref_slice %arg2[%dma_start3A_877, %dma_start3A_878] : memref<20224x128xf32, #tpu.memory_space<hbm>> -> memref<20224x128xf32, #tpu.memory_space<hbm>>
      tpu.enqueue_indirect_dma source(%dma_start3A_879 : memref<20224x128xf32, #tpu.memory_space<hbm>>) target(%dma_start3A_873 : memref<128x128xf32, #tpu.memory_space<vmem>>) offsets(%dma_start3A_876 : memref<128xi32, #tpu.memory_space<vmem>>) semaphore(%arg12 : memref<!tpu.dma_semaphore, #tpu.memory_space<semaphore_mem>>)
      %dma_wait3A_880 = arith.constant 0 : i32
      %dma_wait3A_881 = arith.constant 0 : i32
      %dma_wait3A_882 = tpu.memref_slice %arg9[%scan3A, %dma_wait3A_880, %dma_wait3A_881] : memref<2x128x128xf32, #tpu.memory_space<vmem>> -> memref<1x128x128xf32, #tpu.memory_space<vmem>>
      %dma_wait3A_883 = tpu.memref_squeeze %dma_wait3A_882 : memref<1x128x128xf32, #tpu.memory_space<vmem>> -> memref<128x128xf32, #tpu.memory_space<vmem>>
      %dma_wait3A_884 = arith.constant 0 : i32
      %dma_wait3A_885 = arith.constant 0 : i32
      %dma_wait3A_886 = tpu.memref_slice %arg2[%dma_wait3A_884, %dma_wait3A_885] : memref<20224x128xf32, #tpu.memory_space<hbm>> -> memref<128x128xf32, #tpu.memory_space<hbm>>
      %dma_wait3A_887 = arith.constant 0 : i32
      %dma_wait3A_888 = arith.constant 0 : i32
      %dma_wait3A_889 = tpu.memref_slice %arg9[%scan3A, %dma_wait3A_887, %dma_wait3A_888] : memref<2x128x128xf32, #tpu.memory_space<vmem>> -> memref<1x128x128xf32, #tpu.memory_space<vmem>>
      %dma_wait3A_890 = tpu.memref_squeeze %dma_wait3A_889 : memref<1x128x128xf32, #tpu.memory_space<vmem>> -> memref<128x128xf32, #tpu.memory_space<vmem>>
      %dma_wait3A_891 = arith.constant 0 : i32
      %dma_wait3A_892 = arith.constant 0 : i32
      %dma_wait3A_893 = tpu.memref_slice %arg2[%dma_wait3A_891, %dma_wait3A_892] : memref<20224x128xf32, #tpu.memory_space<hbm>> -> memref<128x128xf32, #tpu.memory_space<hbm>>
      tpu.wait_dma2 semaphore(%arg12 : memref<!tpu.dma_semaphore, #tpu.memory_space<semaphore_mem>>) src(%dma_wait3A_893 : memref<128x128xf32, #tpu.memory_space<hbm>>) dst(%dma_wait3A_890 : memref<128x128xf32, #tpu.memory_space<vmem>>)
      %dma_start3A_894 = arith.constant 0 : i32
      %dma_start3A_895 = arith.constant 6 : i32
      %dma_start3A_896 = arith.constant 0 : i32
      %dma_start3A_897 = arith.constant 0 : i32
      %dma_start3A_898 = tpu.memref_slice %arg9[%dma_start3A_894, %dma_start3A_896, %dma_start3A_897] : memref<2x128x128xf32, #tpu.memory_space<vmem>> -> memref<1x128x128xf32, #tpu.memory_space<vmem>>
      %dma_start3A_899 = tpu.memref_squeeze %dma_start3A_898 : memref<1x128x128xf32, #tpu.memory_space<vmem>> -> memref<128x128xf32, #tpu.memory_space<vmem>>
      %dma_start3A_900 = arith.constant 0 : i32
      %dma_start3A_901 = tpu.memref_slice %arg8[%rem3A_554, %dma_start3A_895, %dma_start3A_900] : memref<3x8x128xi32, #tpu.memory_space<vmem>> -> memref<1x1x128xi32, #tpu.memory_space<vmem>>
      %dma_start3A_902 = tpu.memref_squeeze %dma_start3A_901 : memref<1x1x128xi32, #tpu.memory_space<vmem>> -> memref<128xi32, #tpu.memory_space<vmem>>
      %dma_start3A_903 = arith.constant 0 : i32
      %dma_start3A_904 = arith.constant 0 : i32
      %dma_start3A_905 = tpu.memref_slice %arg10[%dma_start3A_903, %dma_start3A_904] : memref<10112x128xf32, #tpu.memory_space<vmem_shared>> -> memref<10112x128xf32, #tpu.memory_space<vmem_shared>>
      tpu.enqueue_indirect_dma source(%dma_start3A_899 : memref<128x128xf32, #tpu.memory_space<vmem>>) target(%dma_start3A_905 : memref<10112x128xf32, #tpu.memory_space<vmem_shared>>) offsets(%dma_start3A_902 : memref<128xi32, #tpu.memory_space<vmem>>) semaphore(%arg14 : memref<!tpu.dma_semaphore, #tpu.memory_space<semaphore_mem>>) {add = true}
      %dma_wait3A_906 = arith.constant 0 : i32
      %dma_wait3A_907 = arith.constant 0 : i32
      %dma_wait3A_908 = tpu.memref_slice %arg9[%scan3A_502, %dma_wait3A_906, %dma_wait3A_907] : memref<2x128x128xf32, #tpu.memory_space<vmem>> -> memref<1x128x128xf32, #tpu.memory_space<vmem>>
      %dma_wait3A_909 = tpu.memref_squeeze %dma_wait3A_908 : memref<1x128x128xf32, #tpu.memory_space<vmem>> -> memref<128x128xf32, #tpu.memory_space<vmem>>
      %dma_wait3A_910 = arith.constant 0 : i32
      %dma_wait3A_911 = tpu.memref_slice %arg8[%scan3A_503, %scan3A_504, %dma_wait3A_910] : memref<3x8x128xi32, #tpu.memory_space<vmem>> -> memref<1x1x128xi32, #tpu.memory_space<vmem>>
      %dma_wait3A_912 = tpu.memref_squeeze %dma_wait3A_911 : memref<1x1x128xi32, #tpu.memory_space<vmem>> -> memref<128xi32, #tpu.memory_space<vmem>>
      %dma_wait3A_913 = arith.constant 0 : i32
      %dma_wait3A_914 = arith.constant 0 : i32
      %dma_wait3A_915 = tpu.memref_slice %arg10[%dma_wait3A_913, %dma_wait3A_914] : memref<10112x128xf32, #tpu.memory_space<vmem_shared>> -> memref<10112x128xf32, #tpu.memory_space<vmem_shared>>
      tpu.wait_indirect_dma semaphore(%arg15 : memref<!tpu.dma_semaphore, #tpu.memory_space<semaphore_mem>>) src(%dma_wait3A_909 : memref<128x128xf32, #tpu.memory_space<vmem>>) dst(%dma_wait3A_915 : memref<10112x128xf32, #tpu.memory_space<vmem_shared>>)
      %dma_start3A_916 = arith.constant 7 : i32
      %dma_start3A_917 = arith.constant 1 : i32
      %dma_start3A_918 = arith.constant 0 : i32
      %dma_start3A_919 = arith.constant 0 : i32
      %dma_start3A_920 = tpu.memref_slice %arg9[%dma_start3A_917, %dma_start3A_918, %dma_start3A_919] : memref<2x128x128xf32, #tpu.memory_space<vmem>> -> memref<1x128x128xf32, #tpu.memory_space<vmem>>
      %dma_start3A_921 = tpu.memref_squeeze %dma_start3A_920 : memref<1x128x128xf32, #tpu.memory_space<vmem>> -> memref<128x128xf32, #tpu.memory_space<vmem>>
      %dma_start3A_922 = arith.constant 0 : i32
      %dma_start3A_923 = tpu.memref_slice %arg7[%rem3A_554, %dma_start3A_916, %dma_start3A_922] : memref<3x8x128xi32, #tpu.memory_space<vmem>> -> memref<1x1x128xi32, #tpu.memory_space<vmem>>
      %dma_start3A_924 = tpu.memref_squeeze %dma_start3A_923 : memref<1x1x128xi32, #tpu.memory_space<vmem>> -> memref<128xi32, #tpu.memory_space<vmem>>
      %dma_start3A_925 = arith.constant 0 : i32
      %dma_start3A_926 = arith.constant 0 : i32
      %dma_start3A_927 = tpu.memref_slice %arg2[%dma_start3A_925, %dma_start3A_926] : memref<20224x128xf32, #tpu.memory_space<hbm>> -> memref<20224x128xf32, #tpu.memory_space<hbm>>
      tpu.enqueue_indirect_dma source(%dma_start3A_927 : memref<20224x128xf32, #tpu.memory_space<hbm>>) target(%dma_start3A_921 : memref<128x128xf32, #tpu.memory_space<vmem>>) offsets(%dma_start3A_924 : memref<128xi32, #tpu.memory_space<vmem>>) semaphore(%arg13 : memref<!tpu.dma_semaphore, #tpu.memory_space<semaphore_mem>>)
      %dma_wait3A_928 = arith.constant 0 : i32
      %dma_wait3A_929 = arith.constant 0 : i32
      %dma_wait3A_930 = tpu.memref_slice %arg9[%scan3A_505, %dma_wait3A_928, %dma_wait3A_929] : memref<2x128x128xf32, #tpu.memory_space<vmem>> -> memref<1x128x128xf32, #tpu.memory_space<vmem>>
      %dma_wait3A_931 = tpu.memref_squeeze %dma_wait3A_930 : memref<1x128x128xf32, #tpu.memory_space<vmem>> -> memref<128x128xf32, #tpu.memory_space<vmem>>
      %dma_wait3A_932 = arith.constant 0 : i32
      %dma_wait3A_933 = arith.constant 0 : i32
      %dma_wait3A_934 = tpu.memref_slice %arg2[%dma_wait3A_932, %dma_wait3A_933] : memref<20224x128xf32, #tpu.memory_space<hbm>> -> memref<128x128xf32, #tpu.memory_space<hbm>>
      %dma_wait3A_935 = arith.constant 0 : i32
      %dma_wait3A_936 = arith.constant 0 : i32
      %dma_wait3A_937 = tpu.memref_slice %arg9[%scan3A_505, %dma_wait3A_935, %dma_wait3A_936] : memref<2x128x128xf32, #tpu.memory_space<vmem>> -> memref<1x128x128xf32, #tpu.memory_space<vmem>>
      %dma_wait3A_938 = tpu.memref_squeeze %dma_wait3A_937 : memref<1x128x128xf32, #tpu.memory_space<vmem>> -> memref<128x128xf32, #tpu.memory_space<vmem>>
      %dma_wait3A_939 = arith.constant 0 : i32
      %dma_wait3A_940 = arith.constant 0 : i32
      %dma_wait3A_941 = tpu.memref_slice %arg2[%dma_wait3A_939, %dma_wait3A_940] : memref<20224x128xf32, #tpu.memory_space<hbm>> -> memref<128x128xf32, #tpu.memory_space<hbm>>
      tpu.wait_dma2 semaphore(%arg13 : memref<!tpu.dma_semaphore, #tpu.memory_space<semaphore_mem>>) src(%dma_wait3A_941 : memref<128x128xf32, #tpu.memory_space<hbm>>) dst(%dma_wait3A_938 : memref<128x128xf32, #tpu.memory_space<vmem>>)
      %dma_start3A_942 = arith.constant 1 : i32
      %dma_start3A_943 = arith.constant 7 : i32
      %dma_start3A_944 = arith.constant 0 : i32
      %dma_start3A_945 = arith.constant 0 : i32
      %dma_start3A_946 = tpu.memref_slice %arg9[%dma_start3A_942, %dma_start3A_944, %dma_start3A_945] : memref<2x128x128xf32, #tpu.memory_space<vmem>> -> memref<1x128x128xf32, #tpu.memory_space<vmem>>
      %dma_start3A_947 = tpu.memref_squeeze %dma_start3A_946 : memref<1x128x128xf32, #tpu.memory_space<vmem>> -> memref<128x128xf32, #tpu.memory_space<vmem>>
      %dma_start3A_948 = arith.constant 0 : i32
      %dma_start3A_949 = tpu.memref_slice %arg8[%rem3A_554, %dma_start3A_943, %dma_start3A_948] : memref<3x8x128xi32, #tpu.memory_space<vmem>> -> memref<1x1x128xi32, #tpu.memory_space<vmem>>
      %dma_start3A_950 = tpu.memref_squeeze %dma_start3A_949 : memref<1x1x128xi32, #tpu.memory_space<vmem>> -> memref<128xi32, #tpu.memory_space<vmem>>
      %dma_start3A_951 = arith.constant 0 : i32
      %dma_start3A_952 = arith.constant 0 : i32
      %dma_start3A_953 = tpu.memref_slice %arg10[%dma_start3A_951, %dma_start3A_952] : memref<10112x128xf32, #tpu.memory_space<vmem_shared>> -> memref<10112x128xf32, #tpu.memory_space<vmem_shared>>
      tpu.enqueue_indirect_dma source(%dma_start3A_947 : memref<128x128xf32, #tpu.memory_space<vmem>>) target(%dma_start3A_953 : memref<10112x128xf32, #tpu.memory_space<vmem_shared>>) offsets(%dma_start3A_950 : memref<128xi32, #tpu.memory_space<vmem>>) semaphore(%arg15 : memref<!tpu.dma_semaphore, #tpu.memory_space<semaphore_mem>>) {add = true}
      %dma_wait3A_954 = arith.constant 0 : i32
      %dma_wait3A_955 = arith.constant 0 : i32
      %dma_wait3A_956 = tpu.memref_slice %arg9[%scan3A_506, %dma_wait3A_954, %dma_wait3A_955] : memref<2x128x128xf32, #tpu.memory_space<vmem>> -> memref<1x128x128xf32, #tpu.memory_space<vmem>>
      %dma_wait3A_957 = tpu.memref_squeeze %dma_wait3A_956 : memref<1x128x128xf32, #tpu.memory_space<vmem>> -> memref<128x128xf32, #tpu.memory_space<vmem>>
      %dma_wait3A_958 = arith.constant 0 : i32
      %dma_wait3A_959 = tpu.memref_slice %arg8[%scan3A_507, %scan3A_508, %dma_wait3A_958] : memref<3x8x128xi32, #tpu.memory_space<vmem>> -> memref<1x1x128xi32, #tpu.memory_space<vmem>>
      %dma_wait3A_960 = tpu.memref_squeeze %dma_wait3A_959 : memref<1x1x128xi32, #tpu.memory_space<vmem>> -> memref<128xi32, #tpu.memory_space<vmem>>
      %dma_wait3A_961 = arith.constant 0 : i32
      %dma_wait3A_962 = arith.constant 0 : i32
      %dma_wait3A_963 = tpu.memref_slice %arg10[%dma_wait3A_961, %dma_wait3A_962] : memref<10112x128xf32, #tpu.memory_space<vmem_shared>> -> memref<10112x128xf32, #tpu.memory_space<vmem_shared>>
      tpu.wait_indirect_dma semaphore(%arg14 : memref<!tpu.dma_semaphore, #tpu.memory_space<semaphore_mem>>) src(%dma_wait3A_957 : memref<128x128xf32, #tpu.memory_space<vmem>>) dst(%dma_wait3A_963 : memref<10112x128xf32, #tpu.memory_space<vmem_shared>>)
      %dma_start3A_964 = arith.constant 0 : i32
      %dma_start3A_965 = arith.constant 0 : i32
      %dma_start3A_966 = arith.constant 0 : i32
      %dma_start3A_967 = arith.constant 0 : i32
      %dma_start3A_968 = tpu.memref_slice %arg9[%dma_start3A_965, %dma_start3A_966, %dma_start3A_967] : memref<2x128x128xf32, #tpu.memory_space<vmem>> -> memref<1x128x128xf32, #tpu.memory_space<vmem>>
      %dma_start3A_969 = tpu.memref_squeeze %dma_start3A_968 : memref<1x128x128xf32, #tpu.memory_space<vmem>> -> memref<128x128xf32, #tpu.memory_space<vmem>>
      %dma_start3A_970 = arith.constant 0 : i32
      %dma_start3A_971 = tpu.memref_slice %arg7[%rem3A_558, %dma_start3A_964, %dma_start3A_970] : memref<3x8x128xi32, #tpu.memory_space<vmem>> -> memref<1x1x128xi32, #tpu.memory_space<vmem>>
      %dma_start3A_972 = tpu.memref_squeeze %dma_start3A_971 : memref<1x1x128xi32, #tpu.memory_space<vmem>> -> memref<128xi32, #tpu.memory_space<vmem>>
      %dma_start3A_973 = arith.constant 0 : i32
      %dma_start3A_974 = arith.constant 0 : i32
      %dma_start3A_975 = tpu.memref_slice %arg2[%dma_start3A_973, %dma_start3A_974] : memref<20224x128xf32, #tpu.memory_space<hbm>> -> memref<20224x128xf32, #tpu.memory_space<hbm>>
      tpu.enqueue_indirect_dma source(%dma_start3A_975 : memref<20224x128xf32, #tpu.memory_space<hbm>>) target(%dma_start3A_969 : memref<128x128xf32, #tpu.memory_space<vmem>>) offsets(%dma_start3A_972 : memref<128xi32, #tpu.memory_space<vmem>>) semaphore(%arg12 : memref<!tpu.dma_semaphore, #tpu.memory_space<semaphore_mem>>)
      %dma_wait3A_976 = arith.constant 0 : i32
      %dma_wait3A_977 = arith.constant 0 : i32
      %dma_wait3A_978 = tpu.memref_slice %arg7[%scan3A_509, %dma_wait3A_976, %dma_wait3A_977] : memref<3x8x128xi32, #tpu.memory_space<vmem>> -> memref<1x8x128xi32, #tpu.memory_space<vmem>>
      %dma_wait3A_979 = tpu.memref_squeeze %dma_wait3A_978 : memref<1x8x128xi32, #tpu.memory_space<vmem>> -> memref<8x128xi32, #tpu.memory_space<vmem>>
      %dma_wait3A_980 = arith.constant 0 : i32
      %dma_wait3A_981 = arith.constant 0 : i32
      %dma_wait3A_982 = tpu.memref_slice %arg3[%dma_wait3A_980, %dma_wait3A_981] : memref<2592x128xi32, #tpu.memory_space<hbm>> -> memref<8x128xi32, #tpu.memory_space<hbm>>
      %dma_wait3A_983 = arith.constant 0 : i32
      %dma_wait3A_984 = arith.constant 0 : i32
      %dma_wait3A_985 = tpu.memref_slice %arg7[%scan3A_509, %dma_wait3A_983, %dma_wait3A_984] : memref<3x8x128xi32, #tpu.memory_space<vmem>> -> memref<1x8x128xi32, #tpu.memory_space<vmem>>
      %dma_wait3A_986 = tpu.memref_squeeze %dma_wait3A_985 : memref<1x8x128xi32, #tpu.memory_space<vmem>> -> memref<8x128xi32, #tpu.memory_space<vmem>>
      %dma_wait3A_987 = arith.constant 0 : i32
      %dma_wait3A_988 = arith.constant 0 : i32
      %dma_wait3A_989 = tpu.memref_slice %arg3[%dma_wait3A_987, %dma_wait3A_988] : memref<2592x128xi32, #tpu.memory_space<hbm>> -> memref<8x128xi32, #tpu.memory_space<hbm>>
      tpu.wait_dma2 semaphore(%arg11 : memref<!tpu.dma_semaphore, #tpu.memory_space<semaphore_mem>>) src(%dma_wait3A_989 : memref<8x128xi32, #tpu.memory_space<hbm>>) dst(%dma_wait3A_986 : memref<8x128xi32, #tpu.memory_space<vmem>>)
      %dma_wait3A_990 = arith.constant 0 : i32
      %dma_wait3A_991 = arith.constant 0 : i32
      %dma_wait3A_992 = tpu.memref_slice %arg8[%scan3A_510, %dma_wait3A_990, %dma_wait3A_991] : memref<3x8x128xi32, #tpu.memory_space<vmem>> -> memref<1x8x128xi32, #tpu.memory_space<vmem>>
      %dma_wait3A_993 = tpu.memref_squeeze %dma_wait3A_992 : memref<1x8x128xi32, #tpu.memory_space<vmem>> -> memref<8x128xi32, #tpu.memory_space<vmem>>
      %dma_wait3A_994 = arith.constant 0 : i32
      %dma_wait3A_995 = arith.constant 0 : i32
      %dma_wait3A_996 = tpu.memref_slice %arg4[%dma_wait3A_994, %dma_wait3A_995] : memref<2592x128xi32, #tpu.memory_space<hbm>> -> memref<8x128xi32, #tpu.memory_space<hbm>>
      %dma_wait3A_997 = arith.constant 0 : i32
      %dma_wait3A_998 = arith.constant 0 : i32
      %dma_wait3A_999 = tpu.memref_slice %arg8[%scan3A_510, %dma_wait3A_997, %dma_wait3A_998] : memref<3x8x128xi32, #tpu.memory_space<vmem>> -> memref<1x8x128xi32, #tpu.memory_space<vmem>>
      %dma_wait3A_1000 = tpu.memref_squeeze %dma_wait3A_999 : memref<1x8x128xi32, #tpu.memory_space<vmem>> -> memref<8x128xi32, #tpu.memory_space<vmem>>
      %dma_wait3A_1001 = arith.constant 0 : i32
      %dma_wait3A_1002 = arith.constant 0 : i32
      %dma_wait3A_1003 = tpu.memref_slice %arg4[%dma_wait3A_1001, %dma_wait3A_1002] : memref<2592x128xi32, #tpu.memory_space<hbm>> -> memref<8x128xi32, #tpu.memory_space<hbm>>
      tpu.wait_dma2 semaphore(%arg11 : memref<!tpu.dma_semaphore, #tpu.memory_space<semaphore_mem>>) src(%dma_wait3A_1003 : memref<8x128xi32, #tpu.memory_space<hbm>>) dst(%dma_wait3A_1000 : memref<8x128xi32, #tpu.memory_space<vmem>>)
    }
    %scan3A_515 = arith.constant 9 : i32
    %dma_wait3A_516 = arith.constant 1 : i32
    %dma_wait3A_517 = arith.constant 0 : i32
    %dma_wait3A_518 = arith.constant 0 : i32
    %dma_wait3A_519 = arith.constant 0 : i32
    %dma_wait3A_520 = arith.constant 0 : i32
    %dma_wait3A_521 = tpu.memref_slice %arg9[%dma_wait3A_516, %dma_wait3A_519, %dma_wait3A_520] : memref<2x128x128xf32, #tpu.memory_space<vmem>> -> memref<1x128x128xf32, #tpu.memory_space<vmem>>
    %dma_wait3A_522 = tpu.memref_squeeze %dma_wait3A_521 : memref<1x128x128xf32, #tpu.memory_space<vmem>> -> memref<128x128xf32, #tpu.memory_space<vmem>>
    %dma_wait3A_523 = arith.constant 0 : i32
    %dma_wait3A_524 = tpu.memref_slice %arg8[%dma_wait3A_517, %dma_wait3A_518, %dma_wait3A_523] : memref<3x8x128xi32, #tpu.memory_space<vmem>> -> memref<1x1x128xi32, #tpu.memory_space<vmem>>
    %dma_wait3A_525 = tpu.memref_squeeze %dma_wait3A_524 : memref<1x1x128xi32, #tpu.memory_space<vmem>> -> memref<128xi32, #tpu.memory_space<vmem>>
    %dma_wait3A_526 = arith.constant 0 : i32
    %dma_wait3A_527 = arith.constant 0 : i32
    %dma_wait3A_528 = tpu.memref_slice %arg10[%dma_wait3A_526, %dma_wait3A_527] : memref<10112x128xf32, #tpu.memory_space<vmem_shared>> -> memref<10112x128xf32, #tpu.memory_space<vmem_shared>>
    tpu.wait_indirect_dma semaphore(%arg15 : memref<!tpu.dma_semaphore, #tpu.memory_space<semaphore_mem>>) src(%dma_wait3A_522 : memref<128x128xf32, #tpu.memory_space<vmem>>) dst(%dma_wait3A_528 : memref<10112x128xf32, #tpu.memory_space<vmem_shared>>)
    %dma_wait3A_529 = arith.constant 0 : i32
    %dma_wait3A_530 = arith.constant 0 : i32
    %dma_wait3A_531 = arith.constant 0 : i32
    %dma_wait3A_532 = tpu.memref_slice %arg9[%dma_wait3A_529, %dma_wait3A_530, %dma_wait3A_531] : memref<2x128x128xf32, #tpu.memory_space<vmem>> -> memref<1x128x128xf32, #tpu.memory_space<vmem>>
    %dma_wait3A_533 = tpu.memref_squeeze %dma_wait3A_532 : memref<1x128x128xf32, #tpu.memory_space<vmem>> -> memref<128x128xf32, #tpu.memory_space<vmem>>
    %dma_wait3A_534 = arith.constant 0 : i32
    %dma_wait3A_535 = arith.constant 0 : i32
    %dma_wait3A_536 = tpu.memref_slice %arg2[%dma_wait3A_534, %dma_wait3A_535] : memref<20224x128xf32, #tpu.memory_space<hbm>> -> memref<128x128xf32, #tpu.memory_space<hbm>>
    %dma_wait3A_537 = arith.constant 0 : i32
    %dma_wait3A_538 = arith.constant 0 : i32
    %dma_wait3A_539 = tpu.memref_slice %arg9[%dma_wait3A_529, %dma_wait3A_537, %dma_wait3A_538] : memref<2x128x128xf32, #tpu.memory_space<vmem>> -> memref<1x128x128xf32, #tpu.memory_space<vmem>>
    %dma_wait3A_540 = tpu.memref_squeeze %dma_wait3A_539 : memref<1x128x128xf32, #tpu.memory_space<vmem>> -> memref<128x128xf32, #tpu.memory_space<vmem>>
    %dma_wait3A_541 = arith.constant 0 : i32
    %dma_wait3A_542 = arith.constant 0 : i32
    %dma_wait3A_543 = tpu.memref_slice %arg2[%dma_wait3A_541, %dma_wait3A_542] : memref<20224x128xf32, #tpu.memory_space<hbm>> -> memref<128x128xf32, #tpu.memory_space<hbm>>
    tpu.wait_dma2 semaphore(%arg12 : memref<!tpu.dma_semaphore, #tpu.memory_space<semaphore_mem>>) src(%dma_wait3A_543 : memref<128x128xf32, #tpu.memory_space<hbm>>) dst(%dma_wait3A_540 : memref<128x128xf32, #tpu.memory_space<vmem>>)
    %barrier3A_544 = arith.constant 0 : index
    tpu.barrier barrier_id(%barrier3A_544)
    %mul3A_545 = arith.constant 632 : i32
    %mul3A_546 = arith.muli %arg1, %mul3A_545 : i32
    %mul3A_547 = arith.constant 632 : i32
    %mul3A_548 = arith.muli %arg1, %mul3A_547 : i32
    "tpu.region"() ({
      %run_scoped3A_549 = tpu.sem_alloc : memref<!tpu.dma_semaphore, #tpu.memory_space<semaphore_mem>>
      %dma_start3A_550 = arith.constant 0 : i32
      %dma_start3A_551 = tpu.memref_slice %arg6[%arg0, %mul3A_548, %dma_start3A_550] : memref<2x10112x128xf32, #tpu.memory_space<hbm>> -> memref<1x632x128xf32, #tpu.memory_space<hbm>>
      %dma_start3A_552 = tpu.memref_squeeze %dma_start3A_551 : memref<1x632x128xf32, #tpu.memory_space<hbm>> -> memref<632x128xf32, #tpu.memory_space<hbm>>
      %dma_start3A_553 = arith.constant 0 : i32
      %dma_start3A_554 = tpu.memref_slice %arg10[%mul3A_546, %dma_start3A_553] : memref<10112x128xf32, #tpu.memory_space<vmem_shared>> -> memref<632x128xf32, #tpu.memory_space<vmem_shared>>
      tpu.enqueue_dma source(%dma_start3A_554 : memref<632x128xf32, #tpu.memory_space<vmem_shared>>) target(%dma_start3A_552 : memref<632x128xf32, #tpu.memory_space<hbm>>) target_semaphore(%run_scoped3A_549 : memref<!tpu.dma_semaphore, #tpu.memory_space<semaphore_mem>>)
      %dma_wait3A_555 = arith.constant 0 : i32
      %dma_wait3A_556 = tpu.memref_slice %arg6[%arg0, %mul3A_548, %dma_wait3A_555] : memref<2x10112x128xf32, #tpu.memory_space<hbm>> -> memref<1x632x128xf32, #tpu.memory_space<hbm>>
      %dma_wait3A_557 = tpu.memref_squeeze %dma_wait3A_556 : memref<1x632x128xf32, #tpu.memory_space<hbm>> -> memref<632x128xf32, #tpu.memory_space<hbm>>
      %dma_wait3A_558 = arith.constant 0 : i32
      %dma_wait3A_559 = tpu.memref_slice %arg10[%mul3A_546, %dma_wait3A_558] : memref<10112x128xf32, #tpu.memory_space<vmem_shared>> -> memref<632x128xf32, #tpu.memory_space<vmem_shared>>
      tpu.wait_dma2 semaphore(%run_scoped3A_549 : memref<!tpu.dma_semaphore, #tpu.memory_space<semaphore_mem>>) src(%dma_wait3A_559 : memref<632x128xf32, #tpu.memory_space<vmem_shared>>) dst(%dma_wait3A_557 : memref<632x128xf32, #tpu.memory_space<hbm>>)
      tpu.yield
    }) : () -> ()
    return
  }
}

#map = affine_map<(d0, d1) -> (0, 0)>
#map1 = affine_map<(d0, d1) -> (0)>
module attributes {stable_mosaic.version = 14 : i64} {
  func.func @_deg_body(%arg0: i32, %arg1: i32, %arg2: memref<2592x128xi32, #tpu.memory_space<hbm>>, %arg3: memref<10240xf32, #tpu.memory_space<hbm>>, %arg4: memref<2x10240xf32, #tpu.memory_space<hbm>>, %arg5: memref<80x128xi32, #tpu.memory_space<vmem>>, %arg6: memref<128xf32, #tpu.memory_space<vmem>>, %arg7: memref<10240xf32, #tpu.memory_space<vmem_shared>>) attributes {dimension_semantics = [#tpu.dimension_semantics<core_parallel>, #tpu.dimension_semantics<subcore_parallel>], iteration_bounds = array<i64: 2, 16>, scalar_prefetch = 0 : i64, scratch_operands = 3 : i64, tpu.core_type = #tpu.core_type<sc_vector_subcore>, window_params = [{transform_indices = #map}, {transform_indices = #map1}, {transform_indices = #map}]} {
    %mul3A = arith.constant 1296 : i32
    %mul3A_0 = arith.muli %arg0, %mul3A : i32
    %mul3A_1 = arith.constant 80 : i32
    %mul3A_2 = arith.muli %arg1, %mul3A_1 : i32
    %add3A = arith.addi %mul3A_0, %mul3A_2 : i32
    %mul3A_3 = arith.constant 640 : i32
    %mul3A_4 = arith.muli %arg1, %mul3A_3 : i32
    %mul3A_5 = arith.constant 640 : i32
    %mul3A_6 = arith.muli %arg1, %mul3A_5 : i32
    "tpu.region"() ({
      %run_scoped3A = tpu.sem_alloc : memref<!tpu.dma_semaphore, #tpu.memory_space<semaphore_mem>>
      %dma_start3A = tpu.memref_slice %arg7[%mul3A_6] : memref<10240xf32, #tpu.memory_space<vmem_shared>> -> memref<640xf32, #tpu.memory_space<vmem_shared>>
      %dma_start3A_62 = tpu.memref_slice %arg3[%mul3A_4] : memref<10240xf32, #tpu.memory_space<hbm>> -> memref<640xf32, #tpu.memory_space<hbm>>
      tpu.enqueue_dma source(%dma_start3A_62 : memref<640xf32, #tpu.memory_space<hbm>>) target(%dma_start3A : memref<640xf32, #tpu.memory_space<vmem_shared>>) target_semaphore(%run_scoped3A : memref<!tpu.dma_semaphore, #tpu.memory_space<semaphore_mem>>)
      %dma_wait3A = tpu.memref_slice %arg7[%mul3A_6] : memref<10240xf32, #tpu.memory_space<vmem_shared>> -> memref<640xf32, #tpu.memory_space<vmem_shared>>
      %dma_wait3A_63 = tpu.memref_slice %arg3[%mul3A_4] : memref<10240xf32, #tpu.memory_space<hbm>> -> memref<640xf32, #tpu.memory_space<hbm>>
      tpu.wait_dma2 semaphore(%run_scoped3A : memref<!tpu.dma_semaphore, #tpu.memory_space<semaphore_mem>>) src(%dma_wait3A_63 : memref<640xf32, #tpu.memory_space<hbm>>) dst(%dma_wait3A : memref<640xf32, #tpu.memory_space<vmem_shared>>)
      tpu.yield
    }) : () -> ()
    "tpu.region"() ({
      %run_scoped3A = tpu.sem_alloc : memref<!tpu.dma_semaphore, #tpu.memory_space<semaphore_mem>>
      %dma_start3A = arith.constant 0 : i32
      %dma_start3A_62 = tpu.memref_slice %arg2[%add3A, %dma_start3A] : memref<2592x128xi32, #tpu.memory_space<hbm>> -> memref<80x128xi32, #tpu.memory_space<hbm>>
      %dma_start3A_63 = arith.constant 0 : i32
      %dma_start3A_64 = tpu.memref_slice %arg2[%add3A, %dma_start3A_63] : memref<2592x128xi32, #tpu.memory_space<hbm>> -> memref<80x128xi32, #tpu.memory_space<hbm>>
      tpu.enqueue_dma source(%dma_start3A_64 : memref<80x128xi32, #tpu.memory_space<hbm>>) target(%arg5 : memref<80x128xi32, #tpu.memory_space<vmem>>) target_semaphore(%run_scoped3A : memref<!tpu.dma_semaphore, #tpu.memory_space<semaphore_mem>>)
      %dma_wait3A = arith.constant 0 : i32
      %dma_wait3A_65 = tpu.memref_slice %arg2[%add3A, %dma_wait3A] : memref<2592x128xi32, #tpu.memory_space<hbm>> -> memref<80x128xi32, #tpu.memory_space<hbm>>
      %dma_wait3A_66 = arith.constant 0 : i32
      %dma_wait3A_67 = tpu.memref_slice %arg2[%add3A, %dma_wait3A_66] : memref<2592x128xi32, #tpu.memory_space<hbm>> -> memref<80x128xi32, #tpu.memory_space<hbm>>
      tpu.wait_dma2 semaphore(%run_scoped3A : memref<!tpu.dma_semaphore, #tpu.memory_space<semaphore_mem>>) src(%dma_wait3A_67 : memref<80x128xi32, #tpu.memory_space<hbm>>) dst(%arg5 : memref<80x128xi32, #tpu.memory_space<vmem>>)
      tpu.yield
    }) : () -> ()
    %broadcast_in_dim3A = arith.constant 1.000000e+00 : f32
    %broadcast_in_dim3A_7 = vector.broadcast %broadcast_in_dim3A : f32 to vector<16xf32>
    %swap3A = arith.constant 0 : index
    %swap3A_8 = tpu.vector_load %arg6[%swap3A] {strides = array<i32>} : memref<128xf32, #tpu.memory_space<vmem>>, vector<16xf32>,
    %swap3A_9 = vector.shape_cast %swap3A_8 : vector<16xf32> to vector<16xf32>
    %swap3A_10 = vector.shape_cast %broadcast_in_dim3A_7 : vector<16xf32> to vector<16xf32>
    tpu.vector_store %arg6[%swap3A], %swap3A_10 {strides = array<i32>} : memref<128xf32, #tpu.memory_space<vmem>>, vector<16xf32>,
    %broadcast_in_dim3A_11 = arith.constant 1.000000e+00 : f32
    %broadcast_in_dim3A_12 = vector.broadcast %broadcast_in_dim3A_11 : f32 to vector<16xf32>
    %swap3A_13 = arith.constant 16 : index
    %swap3A_14 = tpu.vector_load %arg6[%swap3A_13] {strides = array<i32>} : memref<128xf32, #tpu.memory_space<vmem>>, vector<16xf32>,
    %swap3A_15 = vector.shape_cast %swap3A_14 : vector<16xf32> to vector<16xf32>
    %swap3A_16 = vector.shape_cast %broadcast_in_dim3A_12 : vector<16xf32> to vector<16xf32>
    tpu.vector_store %arg6[%swap3A_13], %swap3A_16 {strides = array<i32>} : memref<128xf32, #tpu.memory_space<vmem>>, vector<16xf32>,
    %broadcast_in_dim3A_17 = arith.constant 1.000000e+00 : f32
    %broadcast_in_dim3A_18 = vector.broadcast %broadcast_in_dim3A_17 : f32 to vector<16xf32>
    %swap3A_19 = arith.constant 32 : index
    %swap3A_20 = tpu.vector_load %arg6[%swap3A_19] {strides = array<i32>} : memref<128xf32, #tpu.memory_space<vmem>>, vector<16xf32>,
    %swap3A_21 = vector.shape_cast %swap3A_20 : vector<16xf32> to vector<16xf32>
    %swap3A_22 = vector.shape_cast %broadcast_in_dim3A_18 : vector<16xf32> to vector<16xf32>
    tpu.vector_store %arg6[%swap3A_19], %swap3A_22 {strides = array<i32>} : memref<128xf32, #tpu.memory_space<vmem>>, vector<16xf32>,
    %broadcast_in_dim3A_23 = arith.constant 1.000000e+00 : f32
    %broadcast_in_dim3A_24 = vector.broadcast %broadcast_in_dim3A_23 : f32 to vector<16xf32>
    %swap3A_25 = arith.constant 48 : index
    %swap3A_26 = tpu.vector_load %arg6[%swap3A_25] {strides = array<i32>} : memref<128xf32, #tpu.memory_space<vmem>>, vector<16xf32>,
    %swap3A_27 = vector.shape_cast %swap3A_26 : vector<16xf32> to vector<16xf32>
    %swap3A_28 = vector.shape_cast %broadcast_in_dim3A_24 : vector<16xf32> to vector<16xf32>
    tpu.vector_store %arg6[%swap3A_25], %swap3A_28 {strides = array<i32>} : memref<128xf32, #tpu.memory_space<vmem>>, vector<16xf32>,
    %broadcast_in_dim3A_29 = arith.constant 1.000000e+00 : f32
    %broadcast_in_dim3A_30 = vector.broadcast %broadcast_in_dim3A_29 : f32 to vector<16xf32>
    %swap3A_31 = arith.constant 64 : index
    %swap3A_32 = tpu.vector_load %arg6[%swap3A_31] {strides = array<i32>} : memref<128xf32, #tpu.memory_space<vmem>>, vector<16xf32>,
    %swap3A_33 = vector.shape_cast %swap3A_32 : vector<16xf32> to vector<16xf32>
    %swap3A_34 = vector.shape_cast %broadcast_in_dim3A_30 : vector<16xf32> to vector<16xf32>
    tpu.vector_store %arg6[%swap3A_31], %swap3A_34 {strides = array<i32>} : memref<128xf32, #tpu.memory_space<vmem>>, vector<16xf32>,
    %broadcast_in_dim3A_35 = arith.constant 1.000000e+00 : f32
    %broadcast_in_dim3A_36 = vector.broadcast %broadcast_in_dim3A_35 : f32 to vector<16xf32>
    %swap3A_37 = arith.constant 80 : index
    %swap3A_38 = tpu.vector_load %arg6[%swap3A_37] {strides = array<i32>} : memref<128xf32, #tpu.memory_space<vmem>>, vector<16xf32>,
    %swap3A_39 = vector.shape_cast %swap3A_38 : vector<16xf32> to vector<16xf32>
    %swap3A_40 = vector.shape_cast %broadcast_in_dim3A_36 : vector<16xf32> to vector<16xf32>
    tpu.vector_store %arg6[%swap3A_37], %swap3A_40 {strides = array<i32>} : memref<128xf32, #tpu.memory_space<vmem>>, vector<16xf32>,
    %broadcast_in_dim3A_41 = arith.constant 1.000000e+00 : f32
    %broadcast_in_dim3A_42 = vector.broadcast %broadcast_in_dim3A_41 : f32 to vector<16xf32>
    %swap3A_43 = arith.constant 96 : index
    %swap3A_44 = tpu.vector_load %arg6[%swap3A_43] {strides = array<i32>} : memref<128xf32, #tpu.memory_space<vmem>>, vector<16xf32>,
    %swap3A_45 = vector.shape_cast %swap3A_44 : vector<16xf32> to vector<16xf32>
    %swap3A_46 = vector.shape_cast %broadcast_in_dim3A_42 : vector<16xf32> to vector<16xf32>
    tpu.vector_store %arg6[%swap3A_43], %swap3A_46 {strides = array<i32>} : memref<128xf32, #tpu.memory_space<vmem>>, vector<16xf32>,
    %broadcast_in_dim3A_47 = arith.constant 1.000000e+00 : f32
    %broadcast_in_dim3A_48 = vector.broadcast %broadcast_in_dim3A_47 : f32 to vector<16xf32>
    %swap3A_49 = arith.constant 112 : index
    %swap3A_50 = tpu.vector_load %arg6[%swap3A_49] {strides = array<i32>} : memref<128xf32, #tpu.memory_space<vmem>>, vector<16xf32>,
    %swap3A_51 = vector.shape_cast %swap3A_50 : vector<16xf32> to vector<16xf32>
    %swap3A_52 = vector.shape_cast %broadcast_in_dim3A_48 : vector<16xf32> to vector<16xf32>
    tpu.vector_store %arg6[%swap3A_49], %swap3A_52 {strides = array<i32>} : memref<128xf32, #tpu.memory_space<vmem>>, vector<16xf32>,
    %barrier3A = arith.constant 0 : index
    tpu.barrier barrier_id(%barrier3A)
    %scan3A = arith.constant 0 : i32
    %scan3A_53 = arith.constant 80 : i32
    %scan3A_54 = arith.addi %scan3A, %scan3A_53 : i32
    %scan3A_55 = arith.constant 1 : i32
    scf.for %scan3A_62 = %scan3A to %scan3A_54 step %scan3A_55  : i32 {
      %mul3A_63 = arith.constant 1 : i32
      %mul3A_64 = arith.muli %scan3A_62, %mul3A_63 : i32
      %add3A_65 = arith.constant 0 : i32
      %add3A_66 = arith.addi %add3A_65, %mul3A_64 : i32
      "tpu.region"() ({
        %run_scoped3A = tpu.sem_alloc : memref<!tpu.dma_semaphore, #tpu.memory_space<semaphore_mem>>
        %dma_start3A = arith.constant 0 : i32
        %dma_start3A_67 = tpu.memref_slice %arg5[%add3A_66, %dma_start3A] : memref<80x128xi32, #tpu.memory_space<vmem>> -> memref<1x128xi32, #tpu.memory_space<vmem>>
        %dma_start3A_68 = tpu.memref_squeeze %dma_start3A_67 : memref<1x128xi32, #tpu.memory_space<vmem>> -> memref<128xi32, #tpu.memory_space<vmem>>
        %dma_start3A_69 = arith.constant 0 : i32
        %dma_start3A_70 = tpu.memref_slice %arg7[%dma_start3A_69] : memref<10240xf32, #tpu.memory_space<vmem_shared>> -> memref<10240xf32, #tpu.memory_space<vmem_shared>>
        tpu.enqueue_indirect_dma source(%arg6 : memref<128xf32, #tpu.memory_space<vmem>>) target(%dma_start3A_70 : memref<10240xf32, #tpu.memory_space<vmem_shared>>) offsets(%dma_start3A_68 : memref<128xi32, #tpu.memory_space<vmem>>) semaphore(%run_scoped3A : memref<!tpu.dma_semaphore, #tpu.memory_space<semaphore_mem>>) {add = true}
        %dma_wait3A = arith.constant 0 : i32
        %dma_wait3A_71 = tpu.memref_slice %arg5[%add3A_66, %dma_wait3A] : memref<80x128xi32, #tpu.memory_space<vmem>> -> memref<1x128xi32, #tpu.memory_space<vmem>>
        %dma_wait3A_72 = tpu.memref_squeeze %dma_wait3A_71 : memref<1x128xi32, #tpu.memory_space<vmem>> -> memref<128xi32, #tpu.memory_space<vmem>>
        %dma_wait3A_73 = arith.constant 0 : i32
        %dma_wait3A_74 = tpu.memref_slice %arg7[%dma_wait3A_73] : memref<10240xf32, #tpu.memory_space<vmem_shared>> -> memref<10240xf32, #tpu.memory_space<vmem_shared>>
        tpu.wait_indirect_dma semaphore(%run_scoped3A : memref<!tpu.dma_semaphore, #tpu.memory_space<semaphore_mem>>) src(%arg6 : memref<128xf32, #tpu.memory_space<vmem>>) dst(%dma_wait3A_74 : memref<10240xf32, #tpu.memory_space<vmem_shared>>)
        tpu.yield
      }) : () -> ()
    }
    %scan3A_56 = arith.constant 80 : i32
    %barrier3A_57 = arith.constant 0 : index
    tpu.barrier barrier_id(%barrier3A_57)
    %mul3A_58 = arith.constant 640 : i32
    %mul3A_59 = arith.muli %arg1, %mul3A_58 : i32
    %mul3A_60 = arith.constant 640 : i32
    %mul3A_61 = arith.muli %arg1, %mul3A_60 : i32
    "tpu.region"() ({
      %run_scoped3A = tpu.sem_alloc : memref<!tpu.dma_semaphore, #tpu.memory_space<semaphore_mem>>
      %dma_start3A = tpu.memref_slice %arg4[%arg0, %mul3A_61] : memref<2x10240xf32, #tpu.memory_space<hbm>> -> memref<1x640xf32, #tpu.memory_space<hbm>>
      %dma_start3A_62 = tpu.memref_squeeze %dma_start3A : memref<1x640xf32, #tpu.memory_space<hbm>> -> memref<640xf32, #tpu.memory_space<hbm>>
      %dma_start3A_63 = tpu.memref_slice %arg7[%mul3A_59] : memref<10240xf32, #tpu.memory_space<vmem_shared>> -> memref<640xf32, #tpu.memory_space<vmem_shared>>
      tpu.enqueue_dma source(%dma_start3A_63 : memref<640xf32, #tpu.memory_space<vmem_shared>>) target(%dma_start3A_62 : memref<640xf32, #tpu.memory_space<hbm>>) target_semaphore(%run_scoped3A : memref<!tpu.dma_semaphore, #tpu.memory_space<semaphore_mem>>)
      %dma_wait3A = tpu.memref_slice %arg4[%arg0, %mul3A_61] : memref<2x10240xf32, #tpu.memory_space<hbm>> -> memref<1x640xf32, #tpu.memory_space<hbm>>
      %dma_wait3A_64 = tpu.memref_squeeze %dma_wait3A : memref<1x640xf32, #tpu.memory_space<hbm>> -> memref<640xf32, #tpu.memory_space<hbm>>
      %dma_wait3A_65 = tpu.memref_slice %arg7[%mul3A_59] : memref<10240xf32, #tpu.memory_space<vmem_shared>> -> memref<640xf32, #tpu.memory_space<vmem_shared>>
      tpu.wait_dma2 semaphore(%run_scoped3A : memref<!tpu.dma_semaphore, #tpu.memory_space<semaphore_mem>>) src(%dma_wait3A_65 : memref<640xf32, #tpu.memory_space<vmem_shared>>) dst(%dma_wait3A_64 : memref<640xf32, #tpu.memory_space<hbm>>)
      tpu.yield
    }) : () -> ()
    return
  }
}

#map = affine_map<(d0, d1) -> (0, 0)>
#map1 = affine_map<(d0, d1) -> (0, 0, 0)>
module attributes {stable_mosaic.version = 14 : i64} {
  func.func @_agg_body(%arg0: i32, %arg1: i32, %arg2: memref<20224x128xf32, #tpu.memory_space<hbm>>, %arg3: memref<2592x128xi32, #tpu.memory_space<hbm>>, %arg4: memref<2592x128xi32, #tpu.memory_space<hbm>>, %arg5: memref<10112x128xf32, #tpu.memory_space<hbm>>, %arg6: memref<2x10112x128xf32, #tpu.memory_space<hbm>>, %arg7: memref<3x8x128xi32, #tpu.memory_space<vmem>>, %arg8: memref<3x8x128xi32, #tpu.memory_space<vmem>>, %arg9: memref<2x128x128xf32, #tpu.memory_space<vmem>>, %arg10: memref<10112x128xf32, #tpu.memory_space<vmem_shared>>, %arg11: memref<!tpu.dma_semaphore, #tpu.memory_space<semaphore_mem>>, %arg12: memref<!tpu.dma_semaphore, #tpu.memory_space<semaphore_mem>>, %arg13: memref<!tpu.dma_semaphore, #tpu.memory_space<semaphore_mem>>, %arg14: memref<!tpu.dma_semaphore, #tpu.memory_space<semaphore_mem>>, %arg15: memref<!tpu.dma_semaphore, #tpu.memory_space<semaphore_mem>>) attributes {dimension_semantics = [#tpu.dimension_semantics<core_parallel>, #tpu.dimension_semantics<subcore_parallel>], iteration_bounds = array<i64: 2, 16>, scalar_prefetch = 0 : i64, scratch_operands = 9 : i64, tpu.core_type = #tpu.core_type<sc_vector_subcore>, window_params = [{transform_indices = #map}, {transform_indices = #map}, {transform_indices = #map}, {transform_indices = #map}, {transform_indices = #map1}]} {
    %mul3A = arith.constant 1296 : i32
    %mul3A_0 = arith.muli %arg0, %mul3A : i32
    %mul3A_1 = arith.constant 80 : i32
    %mul3A_2 = arith.muli %arg1, %mul3A_1 : i32
    %add3A = arith.addi %mul3A_0, %mul3A_2 : i32
    %mul3A_3 = arith.constant 632 : i32
    %mul3A_4 = arith.muli %arg1, %mul3A_3 : i32
    %mul3A_5 = arith.constant 632 : i32
    %mul3A_6 = arith.muli %arg1, %mul3A_5 : i32
    "tpu.region"() ({
      %run_scoped3A_549 = tpu.sem_alloc : memref<!tpu.dma_semaphore, #tpu.memory_space<semaphore_mem>>
      %dma_start3A_550 = arith.constant 0 : i32
      %dma_start3A_551 = tpu.memref_slice %arg10[%mul3A_6, %dma_start3A_550] : memref<10112x128xf32, #tpu.memory_space<vmem_shared>> -> memref<632x128xf32, #tpu.memory_space<vmem_shared>>
      %dma_start3A_552 = arith.constant 0 : i32
      %dma_start3A_553 = tpu.memref_slice %arg5[%mul3A_4, %dma_start3A_552] : memref<10112x128xf32, #tpu.memory_space<hbm>> -> memref<632x128xf32, #tpu.memory_space<hbm>>
      tpu.enqueue_dma source(%dma_start3A_553 : memref<632x128xf32, #tpu.memory_space<hbm>>) target(%dma_start3A_551 : memref<632x128xf32, #tpu.memory_space<vmem_shared>>) target_semaphore(%run_scoped3A_549 : memref<!tpu.dma_semaphore, #tpu.memory_space<semaphore_mem>>)
      %dma_wait3A_554 = arith.constant 0 : i32
      %dma_wait3A_555 = tpu.memref_slice %arg10[%mul3A_6, %dma_wait3A_554] : memref<10112x128xf32, #tpu.memory_space<vmem_shared>> -> memref<632x128xf32, #tpu.memory_space<vmem_shared>>
      %dma_wait3A_556 = arith.constant 0 : i32
      %dma_wait3A_557 = tpu.memref_slice %arg5[%mul3A_4, %dma_wait3A_556] : memref<10112x128xf32, #tpu.memory_space<hbm>> -> memref<632x128xf32, #tpu.memory_space<hbm>>
      tpu.wait_dma2 semaphore(%run_scoped3A_549 : memref<!tpu.dma_semaphore, #tpu.memory_space<semaphore_mem>>) src(%dma_wait3A_557 : memref<632x128xf32, #tpu.memory_space<hbm>>) dst(%dma_wait3A_555 : memref<632x128xf32, #tpu.memory_space<vmem_shared>>)
      tpu.yield
    }) : () -> ()
    %run_scoped3A = arith.constant 0 : i32
    "tpu.region"() ({
      %run_scoped3A_549 = tpu.sem_alloc : memref<!tpu.dma_semaphore, #tpu.memory_space<semaphore_mem>>
      %dma_start3A_550 = arith.constant 0 : i32
      %dma_start3A_551 = arith.constant 0 : i32
      %dma_start3A_552 = tpu.memref_slice %arg7[%run_scoped3A, %dma_start3A_550, %dma_start3A_551] : memref<3x8x128xi32, #tpu.memory_space<vmem>> -> memref<1x8x128xi32, #tpu.memory_space<vmem>>
      %dma_start3A_553 = tpu.memref_squeeze %dma_start3A_552 : memref<1x8x128xi32, #tpu.memory_space<vmem>> -> memref<8x128xi32, #tpu.memory_space<vmem>>
      %dma_start3A_554 = arith.constant 0 : i32
      %dma_start3A_555 = tpu.memref_slice %arg3[%add3A, %dma_start3A_554] : memref<2592x128xi32, #tpu.memory_space<hbm>> -> memref<8x128xi32, #tpu.memory_space<hbm>>
      %dma_start3A_556 = arith.constant 0 : i32
      %dma_start3A_557 = arith.constant 0 : i32
      %dma_start3A_558 = tpu.memref_slice %arg7[%run_scoped3A, %dma_start3A_556, %dma_start3A_557] : memref<3x8x128xi32, #tpu.memory_space<vmem>> -> memref<1x8x128xi32, #tpu.memory_space<vmem>>
      %dma_start3A_559 = tpu.memref_squeeze %dma_start3A_558 : memref<1x8x128xi32, #tpu.memory_space<vmem>> -> memref<8x128xi32, #tpu.memory_space<vmem>>
      %dma_start3A_560 = arith.constant 0 : i32
      %dma_start3A_561 = tpu.memref_slice %arg3[%add3A, %dma_start3A_560] : memref<2592x128xi32, #tpu.memory_space<hbm>> -> memref<8x128xi32, #tpu.memory_space<hbm>>
      tpu.enqueue_dma source(%dma_start3A_561 : memref<8x128xi32, #tpu.memory_space<hbm>>) target(%dma_start3A_559 : memref<8x128xi32, #tpu.memory_space<vmem>>) target_semaphore(%run_scoped3A_549 : memref<!tpu.dma_semaphore, #tpu.memory_space<semaphore_mem>>)
      %dma_wait3A_562 = arith.constant 0 : i32
      %dma_wait3A_563 = arith.constant 0 : i32
      %dma_wait3A_564 = tpu.memref_slice %arg7[%run_scoped3A, %dma_wait3A_562, %dma_wait3A_563] : memref<3x8x128xi32, #tpu.memory_space<vmem>> -> memref<1x8x128xi32, #tpu.memory_space<vmem>>
      %dma_wait3A_565 = tpu.memref_squeeze %dma_wait3A_564 : memref<1x8x128xi32, #tpu.memory_space<vmem>> -> memref<8x128xi32, #tpu.memory_space<vmem>>
      %dma_wait3A_566 = arith.constant 0 : i32
      %dma_wait3A_567 = tpu.memref_slice %arg3[%add3A, %dma_wait3A_566] : memref<2592x128xi32, #tpu.memory_space<hbm>> -> memref<8x128xi32, #tpu.memory_space<hbm>>
      %dma_wait3A_568 = arith.constant 0 : i32
      %dma_wait3A_569 = arith.constant 0 : i32
      %dma_wait3A_570 = tpu.memref_slice %arg7[%run_scoped3A, %dma_wait3A_568, %dma_wait3A_569] : memref<3x8x128xi32, #tpu.memory_space<vmem>> -> memref<1x8x128xi32, #tpu.memory_space<vmem>>
      %dma_wait3A_571 = tpu.memref_squeeze %dma_wait3A_570 : memref<1x8x128xi32, #tpu.memory_space<vmem>> -> memref<8x128xi32, #tpu.memory_space<vmem>>
      %dma_wait3A_572 = arith.constant 0 : i32
      %dma_wait3A_573 = tpu.memref_slice %arg3[%add3A, %dma_wait3A_572] : memref<2592x128xi32, #tpu.memory_space<hbm>> -> memref<8x128xi32, #tpu.memory_space<hbm>>
      tpu.wait_dma2 semaphore(%run_scoped3A_549 : memref<!tpu.dma_semaphore, #tpu.memory_space<semaphore_mem>>) src(%dma_wait3A_573 : memref<8x128xi32, #tpu.memory_space<hbm>>) dst(%dma_wait3A_571 : memref<8x128xi32, #tpu.memory_space<vmem>>)
      tpu.yield
    }) : () -> ()
    %run_scoped3A_7 = arith.constant 0 : i32
    "tpu.region"() ({
      %run_scoped3A_549 = tpu.sem_alloc : memref<!tpu.dma_semaphore, #tpu.memory_space<semaphore_mem>>
      %dma_start3A_550 = arith.constant 0 : i32
      %dma_start3A_551 = arith.constant 0 : i32
      %dma_start3A_552 = tpu.memref_slice %arg8[%run_scoped3A_7, %dma_start3A_550, %dma_start3A_551] : memref<3x8x128xi32, #tpu.memory_space<vmem>> -> memref<1x8x128xi32, #tpu.memory_space<vmem>>
      %dma_start3A_553 = tpu.memref_squeeze %dma_start3A_552 : memref<1x8x128xi32, #tpu.memory_space<vmem>> -> memref<8x128xi32, #tpu.memory_space<vmem>>
      %dma_start3A_554 = arith.constant 0 : i32
      %dma_start3A_555 = tpu.memref_slice %arg4[%add3A, %dma_start3A_554] : memref<2592x128xi32, #tpu.memory_space<hbm>> -> memref<8x128xi32, #tpu.memory_space<hbm>>
      %dma_start3A_556 = arith.constant 0 : i32
      %dma_start3A_557 = arith.constant 0 : i32
      %dma_start3A_558 = tpu.memref_slice %arg8[%run_scoped3A_7, %dma_start3A_556, %dma_start3A_557] : memref<3x8x128xi32, #tpu.memory_space<vmem>> -> memref<1x8x128xi32, #tpu.memory_space<vmem>>
      %dma_start3A_559 = tpu.memref_squeeze %dma_start3A_558 : memref<1x8x128xi32, #tpu.memory_space<vmem>> -> memref<8x128xi32, #tpu.memory_space<vmem>>
      %dma_start3A_560 = arith.constant 0 : i32
      %dma_start3A_561 = tpu.memref_slice %arg4[%add3A, %dma_start3A_560] : memref<2592x128xi32, #tpu.memory_space<hbm>> -> memref<8x128xi32, #tpu.memory_space<hbm>>
      tpu.enqueue_dma source(%dma_start3A_561 : memref<8x128xi32, #tpu.memory_space<hbm>>) target(%dma_start3A_559 : memref<8x128xi32, #tpu.memory_space<vmem>>) target_semaphore(%run_scoped3A_549 : memref<!tpu.dma_semaphore, #tpu.memory_space<semaphore_mem>>)
      %dma_wait3A_562 = arith.constant 0 : i32
      %dma_wait3A_563 = arith.constant 0 : i32
      %dma_wait3A_564 = tpu.memref_slice %arg8[%run_scoped3A_7, %dma_wait3A_562, %dma_wait3A_563] : memref<3x8x128xi32, #tpu.memory_space<vmem>> -> memref<1x8x128xi32, #tpu.memory_space<vmem>>
      %dma_wait3A_565 = tpu.memref_squeeze %dma_wait3A_564 : memref<1x8x128xi32, #tpu.memory_space<vmem>> -> memref<8x128xi32, #tpu.memory_space<vmem>>
      %dma_wait3A_566 = arith.constant 0 : i32
      %dma_wait3A_567 = tpu.memref_slice %arg4[%add3A, %dma_wait3A_566] : memref<2592x128xi32, #tpu.memory_space<hbm>> -> memref<8x128xi32, #tpu.memory_space<hbm>>
      %dma_wait3A_568 = arith.constant 0 : i32
      %dma_wait3A_569 = arith.constant 0 : i32
      %dma_wait3A_570 = tpu.memref_slice %arg8[%run_scoped3A_7, %dma_wait3A_568, %dma_wait3A_569] : memref<3x8x128xi32, #tpu.memory_space<vmem>> -> memref<1x8x128xi32, #tpu.memory_space<vmem>>
      %dma_wait3A_571 = tpu.memref_squeeze %dma_wait3A_570 : memref<1x8x128xi32, #tpu.memory_space<vmem>> -> memref<8x128xi32, #tpu.memory_space<vmem>>
      %dma_wait3A_572 = arith.constant 0 : i32
      %dma_wait3A_573 = tpu.memref_slice %arg4[%add3A, %dma_wait3A_572] : memref<2592x128xi32, #tpu.memory_space<hbm>> -> memref<8x128xi32, #tpu.memory_space<hbm>>
      tpu.wait_dma2 semaphore(%run_scoped3A_549 : memref<!tpu.dma_semaphore, #tpu.memory_space<semaphore_mem>>) src(%dma_wait3A_573 : memref<8x128xi32, #tpu.memory_space<hbm>>) dst(%dma_wait3A_571 : memref<8x128xi32, #tpu.memory_space<vmem>>)
      tpu.yield
    }) : () -> ()
    %add3A_8 = arith.constant 8 : i32
    %add3A_9 = arith.addi %add3A, %add3A_8 : i32
    %run_scoped3A_10 = arith.constant 1 : i32
    "tpu.region"() ({
      %run_scoped3A_549 = tpu.sem_alloc : memref<!tpu.dma_semaphore, #tpu.memory_space<semaphore_mem>>
      %dma_start3A_550 = arith.constant 0 : i32
      %dma_start3A_551 = arith.constant 0 : i32
      %dma_start3A_552 = tpu.memref_slice %arg7[%run_scoped3A_10, %dma_start3A_550, %dma_start3A_551] : memref<3x8x128xi32, #tpu.memory_space<vmem>> -> memref<1x8x128xi32, #tpu.memory_space<vmem>>
      %dma_start3A_553 = tpu.memref_squeeze %dma_start3A_552 : memref<1x8x128xi32, #tpu.memory_space<vmem>> -> memref<8x128xi32, #tpu.memory_space<vmem>>
      %dma_start3A_554 = arith.constant 0 : i32
      %dma_start3A_555 = tpu.memref_slice %arg3[%add3A_9, %dma_start3A_554] : memref<2592x128xi32, #tpu.memory_space<hbm>> -> memref<8x128xi32, #tpu.memory_space<hbm>>
      %dma_start3A_556 = arith.constant 0 : i32
      %dma_start3A_557 = arith.constant 0 : i32
      %dma_start3A_558 = tpu.memref_slice %arg7[%run_scoped3A_10, %dma_start3A_556, %dma_start3A_557] : memref<3x8x128xi32, #tpu.memory_space<vmem>> -> memref<1x8x128xi32, #tpu.memory_space<vmem>>
      %dma_start3A_559 = tpu.memref_squeeze %dma_start3A_558 : memref<1x8x128xi32, #tpu.memory_space<vmem>> -> memref<8x128xi32, #tpu.memory_space<vmem>>
      %dma_start3A_560 = arith.constant 0 : i32
      %dma_start3A_561 = tpu.memref_slice %arg3[%add3A_9, %dma_start3A_560] : memref<2592x128xi32, #tpu.memory_space<hbm>> -> memref<8x128xi32, #tpu.memory_space<hbm>>
      tpu.enqueue_dma source(%dma_start3A_561 : memref<8x128xi32, #tpu.memory_space<hbm>>) target(%dma_start3A_559 : memref<8x128xi32, #tpu.memory_space<vmem>>) target_semaphore(%run_scoped3A_549 : memref<!tpu.dma_semaphore, #tpu.memory_space<semaphore_mem>>)
      %dma_wait3A_562 = arith.constant 0 : i32
      %dma_wait3A_563 = arith.constant 0 : i32
      %dma_wait3A_564 = tpu.memref_slice %arg7[%run_scoped3A_10, %dma_wait3A_562, %dma_wait3A_563] : memref<3x8x128xi32, #tpu.memory_space<vmem>> -> memref<1x8x128xi32, #tpu.memory_space<vmem>>
      %dma_wait3A_565 = tpu.memref_squeeze %dma_wait3A_564 : memref<1x8x128xi32, #tpu.memory_space<vmem>> -> memref<8x128xi32, #tpu.memory_space<vmem>>
      %dma_wait3A_566 = arith.constant 0 : i32
      %dma_wait3A_567 = tpu.memref_slice %arg3[%add3A_9, %dma_wait3A_566] : memref<2592x128xi32, #tpu.memory_space<hbm>> -> memref<8x128xi32, #tpu.memory_space<hbm>>
      %dma_wait3A_568 = arith.constant 0 : i32
      %dma_wait3A_569 = arith.constant 0 : i32
      %dma_wait3A_570 = tpu.memref_slice %arg7[%run_scoped3A_10, %dma_wait3A_568, %dma_wait3A_569] : memref<3x8x128xi32, #tpu.memory_space<vmem>> -> memref<1x8x128xi32, #tpu.memory_space<vmem>>
      %dma_wait3A_571 = tpu.memref_squeeze %dma_wait3A_570 : memref<1x8x128xi32, #tpu.memory_space<vmem>> -> memref<8x128xi32, #tpu.memory_space<vmem>>
      %dma_wait3A_572 = arith.constant 0 : i32
      %dma_wait3A_573 = tpu.memref_slice %arg3[%add3A_9, %dma_wait3A_572] : memref<2592x128xi32, #tpu.memory_space<hbm>> -> memref<8x128xi32, #tpu.memory_space<hbm>>
      tpu.wait_dma2 semaphore(%run_scoped3A_549 : memref<!tpu.dma_semaphore, #tpu.memory_space<semaphore_mem>>) src(%dma_wait3A_573 : memref<8x128xi32, #tpu.memory_space<hbm>>) dst(%dma_wait3A_571 : memref<8x128xi32, #tpu.memory_space<vmem>>)
      tpu.yield
    }) : () -> ()
    %add3A_11 = arith.constant 8 : i32
    %add3A_12 = arith.addi %add3A, %add3A_11 : i32
    %run_scoped3A_13 = arith.constant 1 : i32
    "tpu.region"() ({
      %run_scoped3A_549 = tpu.sem_alloc : memref<!tpu.dma_semaphore, #tpu.memory_space<semaphore_mem>>
      %dma_start3A_550 = arith.constant 0 : i32
      %dma_start3A_551 = arith.constant 0 : i32
      %dma_start3A_552 = tpu.memref_slice %arg8[%run_scoped3A_13, %dma_start3A_550, %dma_start3A_551] : memref<3x8x128xi32, #tpu.memory_space<vmem>> -> memref<1x8x128xi32, #tpu.memory_space<vmem>>
      %dma_start3A_553 = tpu.memref_squeeze %dma_start3A_552 : memref<1x8x128xi32, #tpu.memory_space<vmem>> -> memref<8x128xi32, #tpu.memory_space<vmem>>
      %dma_start3A_554 = arith.constant 0 : i32
      %dma_start3A_555 = tpu.memref_slice %arg4[%add3A_12, %dma_start3A_554] : memref<2592x128xi32, #tpu.memory_space<hbm>> -> memref<8x128xi32, #tpu.memory_space<hbm>>
      %dma_start3A_556 = arith.constant 0 : i32
      %dma_start3A_557 = arith.constant 0 : i32
      %dma_start3A_558 = tpu.memref_slice %arg8[%run_scoped3A_13, %dma_start3A_556, %dma_start3A_557] : memref<3x8x128xi32, #tpu.memory_space<vmem>> -> memref<1x8x128xi32, #tpu.memory_space<vmem>>
      %dma_start3A_559 = tpu.memref_squeeze %dma_start3A_558 : memref<1x8x128xi32, #tpu.memory_space<vmem>> -> memref<8x128xi32, #tpu.memory_space<vmem>>
      %dma_start3A_560 = arith.constant 0 : i32
      %dma_start3A_561 = tpu.memref_slice %arg4[%add3A_12, %dma_start3A_560] : memref<2592x128xi32, #tpu.memory_space<hbm>> -> memref<8x128xi32, #tpu.memory_space<hbm>>
      tpu.enqueue_dma source(%dma_start3A_561 : memref<8x128xi32, #tpu.memory_space<hbm>>) target(%dma_start3A_559 : memref<8x128xi32, #tpu.memory_space<vmem>>) target_semaphore(%run_scoped3A_549 : memref<!tpu.dma_semaphore, #tpu.memory_space<semaphore_mem>>)
      %dma_wait3A_562 = arith.constant 0 : i32
      %dma_wait3A_563 = arith.constant 0 : i32
      %dma_wait3A_564 = tpu.memref_slice %arg8[%run_scoped3A_13, %dma_wait3A_562, %dma_wait3A_563] : memref<3x8x128xi32, #tpu.memory_space<vmem>> -> memref<1x8x128xi32, #tpu.memory_space<vmem>>
      %dma_wait3A_565 = tpu.memref_squeeze %dma_wait3A_564 : memref<1x8x128xi32, #tpu.memory_space<vmem>> -> memref<8x128xi32, #tpu.memory_space<vmem>>
      %dma_wait3A_566 = arith.constant 0 : i32
      %dma_wait3A_567 = tpu.memref_slice %arg4[%add3A_12, %dma_wait3A_566] : memref<2592x128xi32, #tpu.memory_space<hbm>> -> memref<8x128xi32, #tpu.memory_space<hbm>>
      %dma_wait3A_568 = arith.constant 0 : i32
      %dma_wait3A_569 = arith.constant 0 : i32
      %dma_wait3A_570 = tpu.memref_slice %arg8[%run_scoped3A_13, %dma_wait3A_568, %dma_wait3A_569] : memref<3x8x128xi32, #tpu.memory_space<vmem>> -> memref<1x8x128xi32, #tpu.memory_space<vmem>>
      %dma_wait3A_571 = tpu.memref_squeeze %dma_wait3A_570 : memref<1x8x128xi32, #tpu.memory_space<vmem>> -> memref<8x128xi32, #tpu.memory_space<vmem>>
      %dma_wait3A_572 = arith.constant 0 : i32
      %dma_wait3A_573 = tpu.memref_slice %arg4[%add3A_12, %dma_wait3A_572] : memref<2592x128xi32, #tpu.memory_space<hbm>> -> memref<8x128xi32, #tpu.memory_space<hbm>>
      tpu.wait_dma2 semaphore(%run_scoped3A_549 : memref<!tpu.dma_semaphore, #tpu.memory_space<semaphore_mem>>) src(%dma_wait3A_573 : memref<8x128xi32, #tpu.memory_space<hbm>>) dst(%dma_wait3A_571 : memref<8x128xi32, #tpu.memory_space<vmem>>)
      tpu.yield
    }) : () -> ()
    %barrier3A = arith.constant 0 : index
    tpu.barrier barrier_id(%barrier3A)
    %dma_start3A = arith.constant 0 : i32
    %dma_start3A_14 = arith.constant 0 : i32
    %dma_start3A_15 = arith.constant 0 : i32
    %dma_start3A_16 = arith.constant 0 : i32
    %dma_start3A_17 = arith.constant 0 : i32
    %dma_start3A_18 = tpu.memref_slice %arg9[%dma_start3A_15, %dma_start3A_16, %dma_start3A_17] : memref<2x128x128xf32, #tpu.memory_space<vmem>> -> memref<1x128x128xf32, #tpu.memory_space<vmem>>
    %dma_start3A_19 = tpu.memref_squeeze %dma_start3A_18 : memref<1x128x128xf32, #tpu.memory_space<vmem>> -> memref<128x128xf32, #tpu.memory_space<vmem>>
    %dma_start3A_20 = arith.constant 0 : i32
    %dma_start3A_21 = tpu.memref_slice %arg7[%dma_start3A, %dma_start3A_14, %dma_start3A_20] : memref<3x8x128xi32, #tpu.memory_space<vmem>> -> memref<1x1x128xi32, #tpu.memory_space<vmem>>
    %dma_start3A_22 = tpu.memref_squeeze %dma_start3A_21 : memref<1x1x128xi32, #tpu.memory_space<vmem>> -> memref<128xi32, #tpu.memory_space<vmem>>
    %dma_start3A_23 = arith.constant 0 : i32
    %dma_start3A_24 = arith.constant 0 : i32
    %dma_start3A_25 = tpu.memref_slice %arg2[%dma_start3A_23, %dma_start3A_24] : memref<20224x128xf32, #tpu.memory_space<hbm>> -> memref<20224x128xf32, #tpu.memory_space<hbm>>
    tpu.enqueue_indirect_dma source(%dma_start3A_25 : memref<20224x128xf32, #tpu.memory_space<hbm>>) target(%dma_start3A_19 : memref<128x128xf32, #tpu.memory_space<vmem>>) offsets(%dma_start3A_22 : memref<128xi32, #tpu.memory_space<vmem>>) semaphore(%arg12 : memref<!tpu.dma_semaphore, #tpu.memory_space<semaphore_mem>>)
    %dma_wait3A = arith.constant 0 : i32
    %dma_wait3A_26 = arith.constant 0 : i32
    %dma_wait3A_27 = arith.constant 0 : i32
    %dma_wait3A_28 = tpu.memref_slice %arg9[%dma_wait3A, %dma_wait3A_26, %dma_wait3A_27] : memref<2x128x128xf32, #tpu.memory_space<vmem>> -> memref<1x128x128xf32, #tpu.memory_space<vmem>>
    %dma_wait3A_29 = tpu.memref_squeeze %dma_wait3A_28 : memref<1x128x128xf32, #tpu.memory_space<vmem>> -> memref<128x128xf32, #tpu.memory_space<vmem>>
    %dma_wait3A_30 = arith.constant 0 : i32
    %dma_wait3A_31 = arith.constant 0 : i32
    %dma_wait3A_32 = tpu.memref_slice %arg2[%dma_wait3A_30, %dma_wait3A_31] : memref<20224x128xf32, #tpu.memory_space<hbm>> -> memref<128x128xf32, #tpu.memory_space<hbm>>
    %dma_wait3A_33 = arith.constant 0 : i32
    %dma_wait3A_34 = arith.constant 0 : i32
    %dma_wait3A_35 = tpu.memref_slice %arg9[%dma_wait3A, %dma_wait3A_33, %dma_wait3A_34] : memref<2x128x128xf32, #tpu.memory_space<vmem>> -> memref<1x128x128xf32, #tpu.memory_space<vmem>>
    %dma_wait3A_36 = tpu.memref_squeeze %dma_wait3A_35 : memref<1x128x128xf32, #tpu.memory_space<vmem>> -> memref<128x128xf32, #tpu.memory_space<vmem>>
    %dma_wait3A_37 = arith.constant 0 : i32
    %dma_wait3A_38 = arith.constant 0 : i32
    %dma_wait3A_39 = tpu.memref_slice %arg2[%dma_wait3A_37, %dma_wait3A_38] : memref<20224x128xf32, #tpu.memory_space<hbm>> -> memref<128x128xf32, #tpu.memory_space<hbm>>
    tpu.wait_dma2 semaphore(%arg12 : memref<!tpu.dma_semaphore, #tpu.memory_space<semaphore_mem>>) src(%dma_wait3A_39 : memref<128x128xf32, #tpu.memory_space<hbm>>) dst(%dma_wait3A_36 : memref<128x128xf32, #tpu.memory_space<vmem>>)
    %dma_start3A_40 = arith.constant 0 : i32
    %dma_start3A_41 = arith.constant 0 : i32
    %dma_start3A_42 = arith.constant 0 : i32
    %dma_start3A_43 = arith.constant 0 : i32
    %dma_start3A_44 = arith.constant 0 : i32
    %dma_start3A_45 = tpu.memref_slice %arg9[%dma_start3A_40, %dma_start3A_43, %dma_start3A_44] : memref<2x128x128xf32, #tpu.memory_space<vmem>> -> memref<1x128x128xf32, #tpu.memory_space<vmem>>
    %dma_start3A_46 = tpu.memref_squeeze %dma_start3A_45 : memref<1x128x128xf32, #tpu.memory_space<vmem>> -> memref<128x128xf32, #tpu.memory_space<vmem>>
    %dma_start3A_47 = arith.constant 0 : i32
    %dma_start3A_48 = tpu.memref_slice %arg8[%dma_start3A_41, %dma_start3A_42, %dma_start3A_47] : memref<3x8x128xi32, #tpu.memory_space<vmem>> -> memref<1x1x128xi32, #tpu.memory_space<vmem>>
    %dma_start3A_49 = tpu.memref_squeeze %dma_start3A_48 : memref<1x1x128xi32, #tpu.memory_space<vmem>> -> memref<128xi32, #tpu.memory_space<vmem>>
    %dma_start3A_50 = arith.constant 0 : i32
    %dma_start3A_51 = arith.constant 0 : i32
    %dma_start3A_52 = tpu.memref_slice %arg10[%dma_start3A_50, %dma_start3A_51] : memref<10112x128xf32, #tpu.memory_space<vmem_shared>> -> memref<10112x128xf32, #tpu.memory_space<vmem_shared>>
    tpu.enqueue_indirect_dma source(%dma_start3A_46 : memref<128x128xf32, #tpu.memory_space<vmem>>) target(%dma_start3A_52 : memref<10112x128xf32, #tpu.memory_space<vmem_shared>>) offsets(%dma_start3A_49 : memref<128xi32, #tpu.memory_space<vmem>>) semaphore(%arg14 : memref<!tpu.dma_semaphore, #tpu.memory_space<semaphore_mem>>) {add = true}
    %add3A_53 = arith.constant 16 : i32
    %add3A_54 = arith.addi %add3A, %add3A_53 : i32
    %dma_start3A_55 = arith.constant 2 : i32
    %dma_start3A_56 = arith.constant 0 : i32
    %dma_start3A_57 = arith.constant 0 : i32
    %dma_start3A_58 = tpu.memref_slice %arg7[%dma_start3A_55, %dma_start3A_56, %dma_start3A_57] : memref<3x8x128xi32, #tpu.memory_space<vmem>> -> memref<1x8x128xi32, #tpu.memory_space<vmem>>
    %dma_start3A_59 = tpu.memref_squeeze %dma_start3A_58 : memref<1x8x128xi32, #tpu.memory_space<vmem>> -> memref<8x128xi32, #tpu.memory_space<vmem>>
    %dma_start3A_60 = arith.constant 0 : i32
    %dma_start3A_61 = tpu.memref_slice %arg3[%add3A_54, %dma_start3A_60] : memref<2592x128xi32, #tpu.memory_space<hbm>> -> memref<8x128xi32, #tpu.memory_space<hbm>>
    %dma_start3A_62 = arith.constant 0 : i32
    %dma_start3A_63 = arith.constant 0 : i32
    %dma_start3A_64 = tpu.memref_slice %arg7[%dma_start3A_55, %dma_start3A_62, %dma_start3A_63] : memref<3x8x128xi32, #tpu.memory_space<vmem>> -> memref<1x8x128xi32, #tpu.memory_space<vmem>>
    %dma_start3A_65 = tpu.memref_squeeze %dma_start3A_64 : memref<1x8x128xi32, #tpu.memory_space<vmem>> -> memref<8x128xi32, #tpu.memory_space<vmem>>
    %dma_start3A_66 = arith.constant 0 : i32
    %dma_start3A_67 = tpu.memref_slice %arg3[%add3A_54, %dma_start3A_66] : memref<2592x128xi32, #tpu.memory_space<hbm>> -> memref<8x128xi32, #tpu.memory_space<hbm>>
    tpu.enqueue_dma source(%dma_start3A_67 : memref<8x128xi32, #tpu.memory_space<hbm>>) target(%dma_start3A_65 : memref<8x128xi32, #tpu.memory_space<vmem>>) target_semaphore(%arg11 : memref<!tpu.dma_semaphore, #tpu.memory_space<semaphore_mem>>)
    %dma_start3A_68 = arith.constant 2 : i32
    %dma_start3A_69 = arith.constant 0 : i32
    %dma_start3A_70 = arith.constant 0 : i32
    %dma_start3A_71 = tpu.memref_slice %arg8[%dma_start3A_68, %dma_start3A_69, %dma_start3A_70] : memref<3x8x128xi32, #tpu.memory_space<vmem>> -> memref<1x8x128xi32, #tpu.memory_space<vmem>>
    %dma_start3A_72 = tpu.memref_squeeze %dma_start3A_71 : memref<1x8x128xi32, #tpu.memory_space<vmem>> -> memref<8x128xi32, #tpu.memory_space<vmem>>
    %dma_start3A_73 = arith.constant 0 : i32
    %dma_start3A_74 = tpu.memref_slice %arg4[%add3A_54, %dma_start3A_73] : memref<2592x128xi32, #tpu.memory_space<hbm>> -> memref<8x128xi32, #tpu.memory_space<hbm>>
    %dma_start3A_75 = arith.constant 0 : i32
    %dma_start3A_76 = arith.constant 0 : i32
    %dma_start3A_77 = tpu.memref_slice %arg8[%dma_start3A_68, %dma_start3A_75, %dma_start3A_76] : memref<3x8x128xi32, #tpu.memory_space<vmem>> -> memref<1x8x128xi32, #tpu.memory_space<vmem>>
    %dma_start3A_78 = tpu.memref_squeeze %dma_start3A_77 : memref<1x8x128xi32, #tpu.memory_space<vmem>> -> memref<8x128xi32, #tpu.memory_space<vmem>>
    %dma_start3A_79 = arith.constant 0 : i32
    %dma_start3A_80 = tpu.memref_slice %arg4[%add3A_54, %dma_start3A_79] : memref<2592x128xi32, #tpu.memory_space<hbm>> -> memref<8x128xi32, #tpu.memory_space<hbm>>
    tpu.enqueue_dma source(%dma_start3A_80 : memref<8x128xi32, #tpu.memory_space<hbm>>) target(%dma_start3A_78 : memref<8x128xi32, #tpu.memory_space<vmem>>) target_semaphore(%arg11 : memref<!tpu.dma_semaphore, #tpu.memory_space<semaphore_mem>>)
    %dma_start3A_81 = arith.constant 0 : i32
    %dma_start3A_82 = arith.constant 1 : i32
    %dma_start3A_83 = arith.constant 1 : i32
    %dma_start3A_84 = arith.constant 0 : i32
    %dma_start3A_85 = arith.constant 0 : i32
    %dma_start3A_86 = tpu.memref_slice %arg9[%dma_start3A_83, %dma_start3A_84, %dma_start3A_85] : memref<2x128x128xf32, #tpu.memory_space<vmem>> -> memref<1x128x128xf32, #tpu.memory_space<vmem>>
    %dma_start3A_87 = tpu.memref_squeeze %dma_start3A_86 : memref<1x128x128xf32, #tpu.memory_space<vmem>> -> memref<128x128xf32, #tpu.memory_space<vmem>>
    %dma_start3A_88 = arith.constant 0 : i32
    %dma_start3A_89 = tpu.memref_slice %arg7[%dma_start3A_81, %dma_start3A_82, %dma_start3A_88] : memref<3x8x128xi32, #tpu.memory_space<vmem>> -> memref<1x1x128xi32, #tpu.memory_space<vmem>>
    %dma_start3A_90 = tpu.memref_squeeze %dma_start3A_89 : memref<1x1x128xi32, #tpu.memory_space<vmem>> -> memref<128xi32, #tpu.memory_space<vmem>>
    %dma_start3A_91 = arith.constant 0 : i32
    %dma_start3A_92 = arith.constant 0 : i32
    %dma_start3A_93 = tpu.memref_slice %arg2[%dma_start3A_91, %dma_start3A_92] : memref<20224x128xf32, #tpu.memory_space<hbm>> -> memref<20224x128xf32, #tpu.memory_space<hbm>>
    tpu.enqueue_indirect_dma source(%dma_start3A_93 : memref<20224x128xf32, #tpu.memory_space<hbm>>) target(%dma_start3A_87 : memref<128x128xf32, #tpu.memory_space<vmem>>) offsets(%dma_start3A_90 : memref<128xi32, #tpu.memory_space<vmem>>) semaphore(%arg13 : memref<!tpu.dma_semaphore, #tpu.memory_space<semaphore_mem>>)
    %dma_wait3A_94 = arith.constant 1 : i32
    %dma_wait3A_95 = arith.constant 0 : i32
    %dma_wait3A_96 = arith.constant 0 : i32
    %dma_wait3A_97 = tpu.memref_slice %arg9[%dma_wait3A_94, %dma_wait3A_95, %dma_wait3A_96] : memref<2x128x128xf32, #tpu.memory_space<vmem>> -> memref<1x128x128xf32, #tpu.memory_space<vmem>>
    %dma_wait3A_98 = tpu.memref_squeeze %dma_wait3A_97 : memref<1x128x128xf32, #tpu.memory_space<vmem>> -> memref<128x128xf32, #tpu.memory_space<vmem>>
    %dma_wait3A_99 = arith.constant 0 : i32
    %dma_wait3A_100 = arith.constant 0 : i32
    %dma_wait3A_101 = tpu.memref_slice %arg2[%dma_wait3A_99, %dma_wait3A_100] : memref<20224x128xf32, #tpu.memory_space<hbm>> -> memref<128x128xf32, #tpu.memory_space<hbm>>
    %dma_wait3A_102 = arith.constant 0 : i32
    %dma_wait3A_103 = arith.constant 0 : i32
    %dma_wait3A_104 = tpu.memref_slice %arg9[%dma_wait3A_94, %dma_wait3A_102, %dma_wait3A_103] : memref<2x128x128xf32, #tpu.memory_space<vmem>> -> memref<1x128x128xf32, #tpu.memory_space<vmem>>
    %dma_wait3A_105 = tpu.memref_squeeze %dma_wait3A_104 : memref<1x128x128xf32, #tpu.memory_space<vmem>> -> memref<128x128xf32, #tpu.memory_space<vmem>>
    %dma_wait3A_106 = arith.constant 0 : i32
    %dma_wait3A_107 = arith.constant 0 : i32
    %dma_wait3A_108 = tpu.memref_slice %arg2[%dma_wait3A_106, %dma_wait3A_107] : memref<20224x128xf32, #tpu.memory_space<hbm>> -> memref<128x128xf32, #tpu.memory_space<hbm>>
    tpu.wait_dma2 semaphore(%arg13 : memref<!tpu.dma_semaphore, #tpu.memory_space<semaphore_mem>>) src(%dma_wait3A_108 : memref<128x128xf32, #tpu.memory_space<hbm>>) dst(%dma_wait3A_105 : memref<128x128xf32, #tpu.memory_space<vmem>>)
    %dma_start3A_109 = arith.constant 1 : i32
    %dma_start3A_110 = arith.constant 0 : i32
    %dma_start3A_111 = arith.constant 1 : i32
    %dma_start3A_112 = arith.constant 0 : i32
    %dma_start3A_113 = arith.constant 0 : i32
    %dma_start3A_114 = tpu.memref_slice %arg9[%dma_start3A_109, %dma_start3A_112, %dma_start3A_113] : memref<2x128x128xf32, #tpu.memory_space<vmem>> -> memref<1x128x128xf32, #tpu.memory_space<vmem>>
    %dma_start3A_115 = tpu.memref_squeeze %dma_start3A_114 : memref<1x128x128xf32, #tpu.memory_space<vmem>> -> memref<128x128xf32, #tpu.memory_space<vmem>>
    %dma_start3A_116 = arith.constant 0 : i32
    %dma_start3A_117 = tpu.memref_slice %arg8[%dma_start3A_110, %dma_start3A_111, %dma_start3A_116] : memref<3x8x128xi32, #tpu.memory_space<vmem>> -> memref<1x1x128xi32, #tpu.memory_space<vmem>>
    %dma_start3A_118 = tpu.memref_squeeze %dma_start3A_117 : memref<1x1x128xi32, #tpu.memory_space<vmem>> -> memref<128xi32, #tpu.memory_space<vmem>>
    %dma_start3A_119 = arith.constant 0 : i32
    %dma_start3A_120 = arith.constant 0 : i32
    %dma_start3A_121 = tpu.memref_slice %arg10[%dma_start3A_119, %dma_start3A_120] : memref<10112x128xf32, #tpu.memory_space<vmem_shared>> -> memref<10112x128xf32, #tpu.memory_space<vmem_shared>>
    tpu.enqueue_indirect_dma source(%dma_start3A_115 : memref<128x128xf32, #tpu.memory_space<vmem>>) target(%dma_start3A_121 : memref<10112x128xf32, #tpu.memory_space<vmem_shared>>) offsets(%dma_start3A_118 : memref<128xi32, #tpu.memory_space<vmem>>) semaphore(%arg15 : memref<!tpu.dma_semaphore, #tpu.memory_space<semaphore_mem>>) {add = true}
    %dma_wait3A_122 = arith.constant 0 : i32
    %dma_wait3A_123 = arith.constant 0 : i32
    %dma_wait3A_124 = arith.constant 0 : i32
    %dma_wait3A_125 = arith.constant 0 : i32
    %dma_wait3A_126 = arith.constant 0 : i32
    %dma_wait3A_127 = tpu.memref_slice %arg9[%dma_wait3A_122, %dma_wait3A_125, %dma_wait3A_126] : memref<2x128x128xf32, #tpu.memory_space<vmem>> -> memref<1x128x128xf32, #tpu.memory_space<vmem>>
    %dma_wait3A_128 = tpu.memref_squeeze %dma_wait3A_127 : memref<1x128x128xf32, #tpu.memory_space<vmem>> -> memref<128x128xf32, #tpu.memory_space<vmem>>
    %dma_wait3A_129 = arith.constant 0 : i32
    %dma_wait3A_130 = tpu.memref_slice %arg8[%dma_wait3A_123, %dma_wait3A_124, %dma_wait3A_129] : memref<3x8x128xi32, #tpu.memory_space<vmem>> -> memref<1x1x128xi32, #tpu.memory_space<vmem>>
    %dma_wait3A_131 = tpu.memref_squeeze %dma_wait3A_130 : memref<1x1x128xi32, #tpu.memory_space<vmem>> -> memref<128xi32, #tpu.memory_space<vmem>>
    %dma_wait3A_132 = arith.constant 0 : i32
    %dma_wait3A_133 = arith.constant 0 : i32
    %dma_wait3A_134 = tpu.memref_slice %arg10[%dma_wait3A_132, %dma_wait3A_133] : memref<10112x128xf32, #tpu.memory_space<vmem_shared>> -> memref<10112x128xf32, #tpu.memory_space<vmem_shared>>
    tpu.wait_indirect_dma semaphore(%arg14 : memref<!tpu.dma_semaphore, #tpu.memory_space<semaphore_mem>>) src(%dma_wait3A_128 : memref<128x128xf32, #tpu.memory_space<vmem>>) dst(%dma_wait3A_134 : memref<10112x128xf32, #tpu.memory_space<vmem_shared>>)
    %dma_start3A_135 = arith.constant 0 : i32
    %dma_start3A_136 = arith.constant 2 : i32
    %dma_start3A_137 = arith.constant 0 : i32
    %dma_start3A_138 = arith.constant 0 : i32
    %dma_start3A_139 = arith.constant 0 : i32
    %dma_start3A_140 = tpu.memref_slice %arg9[%dma_start3A_137, %dma_start3A_138, %dma_start3A_139] : memref<2x128x128xf32, #tpu.memory_space<vmem>> -> memref<1x128x128xf32, #tpu.memory_space<vmem>>
    %dma_start3A_141 = tpu.memref_squeeze %dma_start3A_140 : memref<1x128x128xf32, #tpu.memory_space<vmem>> -> memref<128x128xf32, #tpu.memory_space<vmem>>
    %dma_start3A_142 = arith.constant 0 : i32
    %dma_start3A_143 = tpu.memref_slice %arg7[%dma_start3A_135, %dma_start3A_136, %dma_start3A_142] : memref<3x8x128xi32, #tpu.memory_space<vmem>> -> memref<1x1x128xi32, #tpu.memory_space<vmem>>
    %dma_start3A_144 = tpu.memref_squeeze %dma_start3A_143 : memref<1x1x128xi32, #tpu.memory_space<vmem>> -> memref<128xi32, #tpu.memory_space<vmem>>
    %dma_start3A_145 = arith.constant 0 : i32
    %dma_start3A_146 = arith.constant 0 : i32
    %dma_start3A_147 = tpu.memref_slice %arg2[%dma_start3A_145, %dma_start3A_146] : memref<20224x128xf32, #tpu.memory_space<hbm>> -> memref<20224x128xf32, #tpu.memory_space<hbm>>
    tpu.enqueue_indirect_dma source(%dma_start3A_147 : memref<20224x128xf32, #tpu.memory_space<hbm>>) target(%dma_start3A_141 : memref<128x128xf32, #tpu.memory_space<vmem>>) offsets(%dma_start3A_144 : memref<128xi32, #tpu.memory_space<vmem>>) semaphore(%arg12 : memref<!tpu.dma_semaphore, #tpu.memory_space<semaphore_mem>>)
    %dma_wait3A_148 = arith.constant 0 : i32
    %dma_wait3A_149 = arith.constant 0 : i32
    %dma_wait3A_150 = arith.constant 0 : i32
    %dma_wait3A_151 = tpu.memref_slice %arg9[%dma_wait3A_148, %dma_wait3A_149, %dma_wait3A_150] : memref<2x128x128xf32, #tpu.memory_space<vmem>> -> memref<1x128x128xf32, #tpu.memory_space<vmem>>
    %dma_wait3A_152 = tpu.memref_squeeze %dma_wait3A_151 : memref<1x128x128xf32, #tpu.memory_space<vmem>> -> memref<128x128xf32, #tpu.memory_space<vmem>>
    %dma_wait3A_153 = arith.constant 0 : i32
    %dma_wait3A_154 = arith.constant 0 : i32
    %dma_wait3A_155 = tpu.memref_slice %arg2[%dma_wait3A_153, %dma_wait3A_154] : memref<20224x128xf32, #tpu.memory_space<hbm>> -> memref<128x128xf32, #tpu.memory_space<hbm>>
    %dma_wait3A_156 = arith.constant 0 : i32
    %dma_wait3A_157 = arith.constant 0 : i32
    %dma_wait3A_158 = tpu.memref_slice %arg9[%dma_wait3A_148, %dma_wait3A_156, %dma_wait3A_157] : memref<2x128x128xf32, #tpu.memory_space<vmem>> -> memref<1x128x128xf32, #tpu.memory_space<vmem>>
    %dma_wait3A_159 = tpu.memref_squeeze %dma_wait3A_158 : memref<1x128x128xf32, #tpu.memory_space<vmem>> -> memref<128x128xf32, #tpu.memory_space<vmem>>
    %dma_wait3A_160 = arith.constant 0 : i32
    %dma_wait3A_161 = arith.constant 0 : i32
    %dma_wait3A_162 = tpu.memref_slice %arg2[%dma_wait3A_160, %dma_wait3A_161] : memref<20224x128xf32, #tpu.memory_space<hbm>> -> memref<128x128xf32, #tpu.memory_space<hbm>>
    tpu.wait_dma2 semaphore(%arg12 : memref<!tpu.dma_semaphore, #tpu.memory_space<semaphore_mem>>) src(%dma_wait3A_162 : memref<128x128xf32, #tpu.memory_space<hbm>>) dst(%dma_wait3A_159 : memref<128x128xf32, #tpu.memory_space<vmem>>)
    %dma_start3A_163 = arith.constant 0 : i32
    %dma_start3A_164 = arith.constant 0 : i32
    %dma_start3A_165 = arith.constant 2 : i32
    %dma_start3A_166 = arith.constant 0 : i32
    %dma_start3A_167 = arith.constant 0 : i32
    %dma_start3A_168 = tpu.memref_slice %arg9[%dma_start3A_163, %dma_start3A_166, %dma_start3A_167] : memref<2x128x128xf32, #tpu.memory_space<vmem>> -> memref<1x128x128xf32, #tpu.memory_space<vmem>>
    %dma_start3A_169 = tpu.memref_squeeze %dma_start3A_168 : memref<1x128x128xf32, #tpu.memory_space<vmem>> -> memref<128x128xf32, #tpu.memory_space<vmem>>
    %dma_start3A_170 = arith.constant 0 : i32
    %dma_start3A_171 = tpu.memref_slice %arg8[%dma_start3A_164, %dma_start3A_165, %dma_start3A_170] : memref<3x8x128xi32, #tpu.memory_space<vmem>> -> memref<1x1x128xi32, #tpu.memory_space<vmem>>
    %dma_start3A_172 = tpu.memref_squeeze %dma_start3A_171 : memref<1x1x128xi32, #tpu.memory_space<vmem>> -> memref<128xi32, #tpu.memory_space<vmem>>
    %dma_start3A_173 = arith.constant 0 : i32
    %dma_start3A_174 = arith.constant 0 : i32
    %dma_start3A_175 = tpu.memref_slice %arg10[%dma_start3A_173, %dma_start3A_174] : memref<10112x128xf32, #tpu.memory_space<vmem_shared>> -> memref<10112x128xf32, #tpu.memory_space<vmem_shared>>
    tpu.enqueue_indirect_dma source(%dma_start3A_169 : memref<128x128xf32, #tpu.memory_space<vmem>>) target(%dma_start3A_175 : memref<10112x128xf32, #tpu.memory_space<vmem_shared>>) offsets(%dma_start3A_172 : memref<128xi32, #tpu.memory_space<vmem>>) semaphore(%arg14 : memref<!tpu.dma_semaphore, #tpu.memory_space<semaphore_mem>>) {add = true}
    %dma_wait3A_176 = arith.constant 1 : i32
    %dma_wait3A_177 = arith.constant 0 : i32
    %dma_wait3A_178 = arith.constant 0 : i32
    %dma_wait3A_179 = arith.constant 0 : i32
    %dma_wait3A_180 = arith.constant 0 : i32
    %dma_wait3A_181 = tpu.memref_slice %arg9[%dma_wait3A_176, %dma_wait3A_179, %dma_wait3A_180] : memref<2x128x128xf32, #tpu.memory_space<vmem>> -> memref<1x128x128xf32, #tpu.memory_space<vmem>>
    %dma_wait3A_182 = tpu.memref_squeeze %dma_wait3A_181 : memref<1x128x128xf32, #tpu.memory_space<vmem>> -> memref<128x128xf32, #tpu.memory_space<vmem>>
    %dma_wait3A_183 = arith.constant 0 : i32
    %dma_wait3A_184 = tpu.memref_slice %arg8[%dma_wait3A_177, %dma_wait3A_178, %dma_wait3A_183] : memref<3x8x128xi32, #tpu.memory_space<vmem>> -> memref<1x1x128xi32, #tpu.memory_space<vmem>>
    %dma_wait3A_185 = tpu.memref_squeeze %dma_wait3A_184 : memref<1x1x128xi32, #tpu.memory_space<vmem>> -> memref<128xi32, #tpu.memory_space<vmem>>
    %dma_wait3A_186 = arith.constant 0 : i32
    %dma_wait3A_187 = arith.constant 0 : i32
    %dma_wait3A_188 = tpu.memref_slice %arg10[%dma_wait3A_186, %dma_wait3A_187] : memref<10112x128xf32, #tpu.memory_space<vmem_shared>> -> memref<10112x128xf32, #tpu.memory_space<vmem_shared>>
    tpu.wait_indirect_dma semaphore(%arg15 : memref<!tpu.dma_semaphore, #tpu.memory_space<semaphore_mem>>) src(%dma_wait3A_182 : memref<128x128xf32, #tpu.memory_space<vmem>>) dst(%dma_wait3A_188 : memref<10112x128xf32, #tpu.memory_space<vmem_shared>>)
    %dma_start3A_189 = arith.constant 0 : i32
    %dma_start3A_190 = arith.constant 3 : i32
    %dma_start3A_191 = arith.constant 1 : i32
    %dma_start3A_192 = arith.constant 0 : i32
    %dma_start3A_193 = arith.constant 0 : i32
    %dma_start3A_194 = tpu.memref_slice %arg9[%dma_start3A_191, %dma_start3A_192, %dma_start3A_193] : memref<2x128x128xf32, #tpu.memory_space<vmem>> -> memref<1x128x128xf32, #tpu.memory_space<vmem>>
    %dma_start3A_195 = tpu.memref_squeeze %dma_start3A_194 : memref<1x128x128xf32, #tpu.memory_space<vmem>> -> memref<128x128xf32, #tpu.memory_space<vmem>>
    %dma_start3A_196 = arith.constant 0 : i32
    %dma_start3A_197 = tpu.memref_slice %arg7[%dma_start3A_189, %dma_start3A_190, %dma_start3A_196] : memref<3x8x128xi32, #tpu.memory_space<vmem>> -> memref<1x1x128xi32, #tpu.memory_space<vmem>>
    %dma_start3A_198 = tpu.memref_squeeze %dma_start3A_197 : memref<1x1x128xi32, #tpu.memory_space<vmem>> -> memref<128xi32, #tpu.memory_space<vmem>>
    %dma_start3A_199 = arith.constant 0 : i32
    %dma_start3A_200 = arith.constant 0 : i32
    %dma_start3A_201 = tpu.memref_slice %arg2[%dma_start3A_199, %dma_start3A_200] : memref<20224x128xf32, #tpu.memory_space<hbm>> -> memref<20224x128xf32, #tpu.memory_space<hbm>>
    tpu.enqueue_indirect_dma source(%dma_start3A_201 : memref<20224x128xf32, #tpu.memory_space<hbm>>) target(%dma_start3A_195 : memref<128x128xf32, #tpu.memory_space<vmem>>) offsets(%dma_start3A_198 : memref<128xi32, #tpu.memory_space<vmem>>) semaphore(%arg13 : memref<!tpu.dma_semaphore, #tpu.memory_space<semaphore_mem>>)
    %dma_wait3A_202 = arith.constant 1 : i32
    %dma_wait3A_203 = arith.constant 0 : i32
    %dma_wait3A_204 = arith.constant 0 : i32
    %dma_wait3A_205 = tpu.memref_slice %arg9[%dma_wait3A_202, %dma_wait3A_203, %dma_wait3A_204] : memref<2x128x128xf32, #tpu.memory_space<vmem>> -> memref<1x128x128xf32, #tpu.memory_space<vmem>>
    %dma_wait3A_206 = tpu.memref_squeeze %dma_wait3A_205 : memref<1x128x128xf32, #tpu.memory_space<vmem>> -> memref<128x128xf32, #tpu.memory_space<vmem>>
    %dma_wait3A_207 = arith.constant 0 : i32
    %dma_wait3A_208 = arith.constant 0 : i32
    %dma_wait3A_209 = tpu.memref_slice %arg2[%dma_wait3A_207, %dma_wait3A_208] : memref<20224x128xf32, #tpu.memory_space<hbm>> -> memref<128x128xf32, #tpu.memory_space<hbm>>
    %dma_wait3A_210 = arith.constant 0 : i32
    %dma_wait3A_211 = arith.constant 0 : i32
    %dma_wait3A_212 = tpu.memref_slice %arg9[%dma_wait3A_202, %dma_wait3A_210, %dma_wait3A_211] : memref<2x128x128xf32, #tpu.memory_space<vmem>> -> memref<1x128x128xf32, #tpu.memory_space<vmem>>
    %dma_wait3A_213 = tpu.memref_squeeze %dma_wait3A_212 : memref<1x128x128xf32, #tpu.memory_space<vmem>> -> memref<128x128xf32, #tpu.memory_space<vmem>>
    %dma_wait3A_214 = arith.constant 0 : i32
    %dma_wait3A_215 = arith.constant 0 : i32
    %dma_wait3A_216 = tpu.memref_slice %arg2[%dma_wait3A_214, %dma_wait3A_215] : memref<20224x128xf32, #tpu.memory_space<hbm>> -> memref<128x128xf32, #tpu.memory_space<hbm>>
    tpu.wait_dma2 semaphore(%arg13 : memref<!tpu.dma_semaphore, #tpu.memory_space<semaphore_mem>>) src(%dma_wait3A_216 : memref<128x128xf32, #tpu.memory_space<hbm>>) dst(%dma_wait3A_213 : memref<128x128xf32, #tpu.memory_space<vmem>>)
    %dma_start3A_217 = arith.constant 1 : i32
    %dma_start3A_218 = arith.constant 0 : i32
    %dma_start3A_219 = arith.constant 3 : i32
    %dma_start3A_220 = arith.constant 0 : i32
    %dma_start3A_221 = arith.constant 0 : i32
    %dma_start3A_222 = tpu.memref_slice %arg9[%dma_start3A_217, %dma_start3A_220, %dma_start3A_221] : memref<2x128x128xf32, #tpu.memory_space<vmem>> -> memref<1x128x128xf32, #tpu.memory_space<vmem>>
    %dma_start3A_223 = tpu.memref_squeeze %dma_start3A_222 : memref<1x128x128xf32, #tpu.memory_space<vmem>> -> memref<128x128xf32, #tpu.memory_space<vmem>>
    %dma_start3A_224 = arith.constant 0 : i32
    %dma_start3A_225 = tpu.memref_slice %arg8[%dma_start3A_218, %dma_start3A_219, %dma_start3A_224] : memref<3x8x128xi32, #tpu.memory_space<vmem>> -> memref<1x1x128xi32, #tpu.memory_space<vmem>>
    %dma_start3A_226 = tpu.memref_squeeze %dma_start3A_225 : memref<1x1x128xi32, #tpu.memory_space<vmem>> -> memref<128xi32, #tpu.memory_space<vmem>>
    %dma_start3A_227 = arith.constant 0 : i32
    %dma_start3A_228 = arith.constant 0 : i32
    %dma_start3A_229 = tpu.memref_slice %arg10[%dma_start3A_227, %dma_start3A_228] : memref<10112x128xf32, #tpu.memory_space<vmem_shared>> -> memref<10112x128xf32, #tpu.memory_space<vmem_shared>>
    tpu.enqueue_indirect_dma source(%dma_start3A_223 : memref<128x128xf32, #tpu.memory_space<vmem>>) target(%dma_start3A_229 : memref<10112x128xf32, #tpu.memory_space<vmem_shared>>) offsets(%dma_start3A_226 : memref<128xi32, #tpu.memory_space<vmem>>) semaphore(%arg15 : memref<!tpu.dma_semaphore, #tpu.memory_space<semaphore_mem>>) {add = true}
    %dma_wait3A_230 = arith.constant 0 : i32
    %dma_wait3A_231 = arith.constant 0 : i32
    %dma_wait3A_232 = arith.constant 0 : i32
    %dma_wait3A_233 = arith.constant 0 : i32
    %dma_wait3A_234 = arith.constant 0 : i32
    %dma_wait3A_235 = tpu.memref_slice %arg9[%dma_wait3A_230, %dma_wait3A_233, %dma_wait3A_234] : memref<2x128x128xf32, #tpu.memory_space<vmem>> -> memref<1x128x128xf32, #tpu.memory_space<vmem>>
    %dma_wait3A_236 = tpu.memref_squeeze %dma_wait3A_235 : memref<1x128x128xf32, #tpu.memory_space<vmem>> -> memref<128x128xf32, #tpu.memory_space<vmem>>
    %dma_wait3A_237 = arith.constant 0 : i32
    %dma_wait3A_238 = tpu.memref_slice %arg8[%dma_wait3A_231, %dma_wait3A_232, %dma_wait3A_237] : memref<3x8x128xi32, #tpu.memory_space<vmem>> -> memref<1x1x128xi32, #tpu.memory_space<vmem>>
    %dma_wait3A_239 = tpu.memref_squeeze %dma_wait3A_238 : memref<1x1x128xi32, #tpu.memory_space<vmem>> -> memref<128xi32, #tpu.memory_space<vmem>>
    %dma_wait3A_240 = arith.constant 0 : i32
    %dma_wait3A_241 = arith.constant 0 : i32
    %dma_wait3A_242 = tpu.memref_slice %arg10[%dma_wait3A_240, %dma_wait3A_241] : memref<10112x128xf32, #tpu.memory_space<vmem_shared>> -> memref<10112x128xf32, #tpu.memory_space<vmem_shared>>
    tpu.wait_indirect_dma semaphore(%arg14 : memref<!tpu.dma_semaphore, #tpu.memory_space<semaphore_mem>>) src(%dma_wait3A_236 : memref<128x128xf32, #tpu.memory_space<vmem>>) dst(%dma_wait3A_242 : memref<10112x128xf32, #tpu.memory_space<vmem_shared>>)
    %dma_start3A_243 = arith.constant 0 : i32
    %dma_start3A_244 = arith.constant 4 : i32
    %dma_start3A_245 = arith.constant 0 : i32
    %dma_start3A_246 = arith.constant 0 : i32
    %dma_start3A_247 = arith.constant 0 : i32
    %dma_start3A_248 = tpu.memref_slice %arg9[%dma_start3A_245, %dma_start3A_246, %dma_start3A_247] : memref<2x128x128xf32, #tpu.memory_space<vmem>> -> memref<1x128x128xf32, #tpu.memory_space<vmem>>
    %dma_start3A_249 = tpu.memref_squeeze %dma_start3A_248 : memref<1x128x128xf32, #tpu.memory_space<vmem>> -> memref<128x128xf32, #tpu.memory_space<vmem>>
    %dma_start3A_250 = arith.constant 0 : i32
    %dma_start3A_251 = tpu.memref_slice %arg7[%dma_start3A_243, %dma_start3A_244, %dma_start3A_250] : memref<3x8x128xi32, #tpu.memory_space<vmem>> -> memref<1x1x128xi32, #tpu.memory_space<vmem>>
    %dma_start3A_252 = tpu.memref_squeeze %dma_start3A_251 : memref<1x1x128xi32, #tpu.memory_space<vmem>> -> memref<128xi32, #tpu.memory_space<vmem>>
    %dma_start3A_253 = arith.constant 0 : i32
    %dma_start3A_254 = arith.constant 0 : i32
    %dma_start3A_255 = tpu.memref_slice %arg2[%dma_start3A_253, %dma_start3A_254] : memref<20224x128xf32, #tpu.memory_space<hbm>> -> memref<20224x128xf32, #tpu.memory_space<hbm>>
    tpu.enqueue_indirect_dma source(%dma_start3A_255 : memref<20224x128xf32, #tpu.memory_space<hbm>>) target(%dma_start3A_249 : memref<128x128xf32, #tpu.memory_space<vmem>>) offsets(%dma_start3A_252 : memref<128xi32, #tpu.memory_space<vmem>>) semaphore(%arg12 : memref<!tpu.dma_semaphore, #tpu.memory_space<semaphore_mem>>)
    %dma_wait3A_256 = arith.constant 0 : i32
    %dma_wait3A_257 = arith.constant 0 : i32
    %dma_wait3A_258 = arith.constant 0 : i32
    %dma_wait3A_259 = tpu.memref_slice %arg9[%dma_wait3A_256, %dma_wait3A_257, %dma_wait3A_258] : memref<2x128x128xf32, #tpu.memory_space<vmem>> -> memref<1x128x128xf32, #tpu.memory_space<vmem>>
    %dma_wait3A_260 = tpu.memref_squeeze %dma_wait3A_259 : memref<1x128x128xf32, #tpu.memory_space<vmem>> -> memref<128x128xf32, #tpu.memory_space<vmem>>
    %dma_wait3A_261 = arith.constant 0 : i32
    %dma_wait3A_262 = arith.constant 0 : i32
    %dma_wait3A_263 = tpu.memref_slice %arg2[%dma_wait3A_261, %dma_wait3A_262] : memref<20224x128xf32, #tpu.memory_space<hbm>> -> memref<128x128xf32, #tpu.memory_space<hbm>>
    %dma_wait3A_264 = arith.constant 0 : i32
    %dma_wait3A_265 = arith.constant 0 : i32
    %dma_wait3A_266 = tpu.memref_slice %arg9[%dma_wait3A_256, %dma_wait3A_264, %dma_wait3A_265] : memref<2x128x128xf32, #tpu.memory_space<vmem>> -> memref<1x128x128xf32, #tpu.memory_space<vmem>>
    %dma_wait3A_267 = tpu.memref_squeeze %dma_wait3A_266 : memref<1x128x128xf32, #tpu.memory_space<vmem>> -> memref<128x128xf32, #tpu.memory_space<vmem>>
    %dma_wait3A_268 = arith.constant 0 : i32
    %dma_wait3A_269 = arith.constant 0 : i32
    %dma_wait3A_270 = tpu.memref_slice %arg2[%dma_wait3A_268, %dma_wait3A_269] : memref<20224x128xf32, #tpu.memory_space<hbm>> -> memref<128x128xf32, #tpu.memory_space<hbm>>
    tpu.wait_dma2 semaphore(%arg12 : memref<!tpu.dma_semaphore, #tpu.memory_space<semaphore_mem>>) src(%dma_wait3A_270 : memref<128x128xf32, #tpu.memory_space<hbm>>) dst(%dma_wait3A_267 : memref<128x128xf32, #tpu.memory_space<vmem>>)
    %dma_start3A_271 = arith.constant 0 : i32
    %dma_start3A_272 = arith.constant 0 : i32
    %dma_start3A_273 = arith.constant 4 : i32
    %dma_start3A_274 = arith.constant 0 : i32
    %dma_start3A_275 = arith.constant 0 : i32
    %dma_start3A_276 = tpu.memref_slice %arg9[%dma_start3A_271, %dma_start3A_274, %dma_start3A_275] : memref<2x128x128xf32, #tpu.memory_space<vmem>> -> memref<1x128x128xf32, #tpu.memory_space<vmem>>
    %dma_start3A_277 = tpu.memref_squeeze %dma_start3A_276 : memref<1x128x128xf32, #tpu.memory_space<vmem>> -> memref<128x128xf32, #tpu.memory_space<vmem>>
    %dma_start3A_278 = arith.constant 0 : i32
    %dma_start3A_279 = tpu.memref_slice %arg8[%dma_start3A_272, %dma_start3A_273, %dma_start3A_278] : memref<3x8x128xi32, #tpu.memory_space<vmem>> -> memref<1x1x128xi32, #tpu.memory_space<vmem>>
    %dma_start3A_280 = tpu.memref_squeeze %dma_start3A_279 : memref<1x1x128xi32, #tpu.memory_space<vmem>> -> memref<128xi32, #tpu.memory_space<vmem>>
    %dma_start3A_281 = arith.constant 0 : i32
    %dma_start3A_282 = arith.constant 0 : i32
    %dma_start3A_283 = tpu.memref_slice %arg10[%dma_start3A_281, %dma_start3A_282] : memref<10112x128xf32, #tpu.memory_space<vmem_shared>> -> memref<10112x128xf32, #tpu.memory_space<vmem_shared>>
    tpu.enqueue_indirect_dma source(%dma_start3A_277 : memref<128x128xf32, #tpu.memory_space<vmem>>) target(%dma_start3A_283 : memref<10112x128xf32, #tpu.memory_space<vmem_shared>>) offsets(%dma_start3A_280 : memref<128xi32, #tpu.memory_space<vmem>>) semaphore(%arg14 : memref<!tpu.dma_semaphore, #tpu.memory_space<semaphore_mem>>) {add = true}
    %dma_wait3A_284 = arith.constant 1 : i32
    %dma_wait3A_285 = arith.constant 0 : i32
    %dma_wait3A_286 = arith.constant 0 : i32
    %dma_wait3A_287 = arith.constant 0 : i32
    %dma_wait3A_288 = arith.constant 0 : i32
    %dma_wait3A_289 = tpu.memref_slice %arg9[%dma_wait3A_284, %dma_wait3A_287, %dma_wait3A_288] : memref<2x128x128xf32, #tpu.memory_space<vmem>> -> memref<1x128x128xf32, #tpu.memory_space<vmem>>
    %dma_wait3A_290 = tpu.memref_squeeze %dma_wait3A_289 : memref<1x128x128xf32, #tpu.memory_space<vmem>> -> memref<128x128xf32, #tpu.memory_space<vmem>>
    %dma_wait3A_291 = arith.constant 0 : i32
    %dma_wait3A_292 = tpu.memref_slice %arg8[%dma_wait3A_285, %dma_wait3A_286, %dma_wait3A_291] : memref<3x8x128xi32, #tpu.memory_space<vmem>> -> memref<1x1x128xi32, #tpu.memory_space<vmem>>
    %dma_wait3A_293 = tpu.memref_squeeze %dma_wait3A_292 : memref<1x1x128xi32, #tpu.memory_space<vmem>> -> memref<128xi32, #tpu.memory_space<vmem>>
    %dma_wait3A_294 = arith.constant 0 : i32
    %dma_wait3A_295 = arith.constant 0 : i32
    %dma_wait3A_296 = tpu.memref_slice %arg10[%dma_wait3A_294, %dma_wait3A_295] : memref<10112x128xf32, #tpu.memory_space<vmem_shared>> -> memref<10112x128xf32, #tpu.memory_space<vmem_shared>>
    tpu.wait_indirect_dma semaphore(%arg15 : memref<!tpu.dma_semaphore, #tpu.memory_space<semaphore_mem>>) src(%dma_wait3A_290 : memref<128x128xf32, #tpu.memory_space<vmem>>) dst(%dma_wait3A_296 : memref<10112x128xf32, #tpu.memory_space<vmem_shared>>)
    %dma_start3A_297 = arith.constant 0 : i32
    %dma_start3A_298 = arith.constant 5 : i32
    %dma_start3A_299 = arith.constant 1 : i32
    %dma_start3A_300 = arith.constant 0 : i32
    %dma_start3A_301 = arith.constant 0 : i32
    %dma_start3A_302 = tpu.memref_slice %arg9[%dma_start3A_299, %dma_start3A_300, %dma_start3A_301] : memref<2x128x128xf32, #tpu.memory_space<vmem>> -> memref<1x128x128xf32, #tpu.memory_space<vmem>>
    %dma_start3A_303 = tpu.memref_squeeze %dma_start3A_302 : memref<1x128x128xf32, #tpu.memory_space<vmem>> -> memref<128x128xf32, #tpu.memory_space<vmem>>
    %dma_start3A_304 = arith.constant 0 : i32
    %dma_start3A_305 = tpu.memref_slice %arg7[%dma_start3A_297, %dma_start3A_298, %dma_start3A_304] : memref<3x8x128xi32, #tpu.memory_space<vmem>> -> memref<1x1x128xi32, #tpu.memory_space<vmem>>
    %dma_start3A_306 = tpu.memref_squeeze %dma_start3A_305 : memref<1x1x128xi32, #tpu.memory_space<vmem>> -> memref<128xi32, #tpu.memory_space<vmem>>
    %dma_start3A_307 = arith.constant 0 : i32
    %dma_start3A_308 = arith.constant 0 : i32
    %dma_start3A_309 = tpu.memref_slice %arg2[%dma_start3A_307, %dma_start3A_308] : memref<20224x128xf32, #tpu.memory_space<hbm>> -> memref<20224x128xf32, #tpu.memory_space<hbm>>
    tpu.enqueue_indirect_dma source(%dma_start3A_309 : memref<20224x128xf32, #tpu.memory_space<hbm>>) target(%dma_start3A_303 : memref<128x128xf32, #tpu.memory_space<vmem>>) offsets(%dma_start3A_306 : memref<128xi32, #tpu.memory_space<vmem>>) semaphore(%arg13 : memref<!tpu.dma_semaphore, #tpu.memory_space<semaphore_mem>>)
    %dma_wait3A_310 = arith.constant 1 : i32
    %dma_wait3A_311 = arith.constant 0 : i32
    %dma_wait3A_312 = arith.constant 0 : i32
    %dma_wait3A_313 = tpu.memref_slice %arg9[%dma_wait3A_310, %dma_wait3A_311, %dma_wait3A_312] : memref<2x128x128xf32, #tpu.memory_space<vmem>> -> memref<1x128x128xf32, #tpu.memory_space<vmem>>
    %dma_wait3A_314 = tpu.memref_squeeze %dma_wait3A_313 : memref<1x128x128xf32, #tpu.memory_space<vmem>> -> memref<128x128xf32, #tpu.memory_space<vmem>>
    %dma_wait3A_315 = arith.constant 0 : i32
    %dma_wait3A_316 = arith.constant 0 : i32
    %dma_wait3A_317 = tpu.memref_slice %arg2[%dma_wait3A_315, %dma_wait3A_316] : memref<20224x128xf32, #tpu.memory_space<hbm>> -> memref<128x128xf32, #tpu.memory_space<hbm>>
    %dma_wait3A_318 = arith.constant 0 : i32
    %dma_wait3A_319 = arith.constant 0 : i32
    %dma_wait3A_320 = tpu.memref_slice %arg9[%dma_wait3A_310, %dma_wait3A_318, %dma_wait3A_319] : memref<2x128x128xf32, #tpu.memory_space<vmem>> -> memref<1x128x128xf32, #tpu.memory_space<vmem>>
    %dma_wait3A_321 = tpu.memref_squeeze %dma_wait3A_320 : memref<1x128x128xf32, #tpu.memory_space<vmem>> -> memref<128x128xf32, #tpu.memory_space<vmem>>
    %dma_wait3A_322 = arith.constant 0 : i32
    %dma_wait3A_323 = arith.constant 0 : i32
    %dma_wait3A_324 = tpu.memref_slice %arg2[%dma_wait3A_322, %dma_wait3A_323] : memref<20224x128xf32, #tpu.memory_space<hbm>> -> memref<128x128xf32, #tpu.memory_space<hbm>>
    tpu.wait_dma2 semaphore(%arg13 : memref<!tpu.dma_semaphore, #tpu.memory_space<semaphore_mem>>) src(%dma_wait3A_324 : memref<128x128xf32, #tpu.memory_space<hbm>>) dst(%dma_wait3A_321 : memref<128x128xf32, #tpu.memory_space<vmem>>)
    %dma_start3A_325 = arith.constant 1 : i32
    %dma_start3A_326 = arith.constant 0 : i32
    %dma_start3A_327 = arith.constant 5 : i32
    %dma_start3A_328 = arith.constant 0 : i32
    %dma_start3A_329 = arith.constant 0 : i32
    %dma_start3A_330 = tpu.memref_slice %arg9[%dma_start3A_325, %dma_start3A_328, %dma_start3A_329] : memref<2x128x128xf32, #tpu.memory_space<vmem>> -> memref<1x128x128xf32, #tpu.memory_space<vmem>>
    %dma_start3A_331 = tpu.memref_squeeze %dma_start3A_330 : memref<1x128x128xf32, #tpu.memory_space<vmem>> -> memref<128x128xf32, #tpu.memory_space<vmem>>
    %dma_start3A_332 = arith.constant 0 : i32
    %dma_start3A_333 = tpu.memref_slice %arg8[%dma_start3A_326, %dma_start3A_327, %dma_start3A_332] : memref<3x8x128xi32, #tpu.memory_space<vmem>> -> memref<1x1x128xi32, #tpu.memory_space<vmem>>
    %dma_start3A_334 = tpu.memref_squeeze %dma_start3A_333 : memref<1x1x128xi32, #tpu.memory_space<vmem>> -> memref<128xi32, #tpu.memory_space<vmem>>
    %dma_start3A_335 = arith.constant 0 : i32
    %dma_start3A_336 = arith.constant 0 : i32
    %dma_start3A_337 = tpu.memref_slice %arg10[%dma_start3A_335, %dma_start3A_336] : memref<10112x128xf32, #tpu.memory_space<vmem_shared>> -> memref<10112x128xf32, #tpu.memory_space<vmem_shared>>
    tpu.enqueue_indirect_dma source(%dma_start3A_331 : memref<128x128xf32, #tpu.memory_space<vmem>>) target(%dma_start3A_337 : memref<10112x128xf32, #tpu.memory_space<vmem_shared>>) offsets(%dma_start3A_334 : memref<128xi32, #tpu.memory_space<vmem>>) semaphore(%arg15 : memref<!tpu.dma_semaphore, #tpu.memory_space<semaphore_mem>>) {add = true}
    %dma_wait3A_338 = arith.constant 0 : i32
    %dma_wait3A_339 = arith.constant 0 : i32
    %dma_wait3A_340 = arith.constant 0 : i32
    %dma_wait3A_341 = arith.constant 0 : i32
    %dma_wait3A_342 = arith.constant 0 : i32
    %dma_wait3A_343 = tpu.memref_slice %arg9[%dma_wait3A_338, %dma_wait3A_341, %dma_wait3A_342] : memref<2x128x128xf32, #tpu.memory_space<vmem>> -> memref<1x128x128xf32, #tpu.memory_space<vmem>>
    %dma_wait3A_344 = tpu.memref_squeeze %dma_wait3A_343 : memref<1x128x128xf32, #tpu.memory_space<vmem>> -> memref<128x128xf32, #tpu.memory_space<vmem>>
    %dma_wait3A_345 = arith.constant 0 : i32
    %dma_wait3A_346 = tpu.memref_slice %arg8[%dma_wait3A_339, %dma_wait3A_340, %dma_wait3A_345] : memref<3x8x128xi32, #tpu.memory_space<vmem>> -> memref<1x1x128xi32, #tpu.memory_space<vmem>>
    %dma_wait3A_347 = tpu.memref_squeeze %dma_wait3A_346 : memref<1x1x128xi32, #tpu.memory_space<vmem>> -> memref<128xi32, #tpu.memory_space<vmem>>
    %dma_wait3A_348 = arith.constant 0 : i32
    %dma_wait3A_349 = arith.constant 0 : i32
    %dma_wait3A_350 = tpu.memref_slice %arg10[%dma_wait3A_348, %dma_wait3A_349] : memref<10112x128xf32, #tpu.memory_space<vmem_shared>> -> memref<10112x128xf32, #tpu.memory_space<vmem_shared>>
    tpu.wait_indirect_dma semaphore(%arg14 : memref<!tpu.dma_semaphore, #tpu.memory_space<semaphore_mem>>) src(%dma_wait3A_344 : memref<128x128xf32, #tpu.memory_space<vmem>>) dst(%dma_wait3A_350 : memref<10112x128xf32, #tpu.memory_space<vmem_shared>>)
    %dma_start3A_351 = arith.constant 0 : i32
    %dma_start3A_352 = arith.constant 6 : i32
    %dma_start3A_353 = arith.constant 0 : i32
    %dma_start3A_354 = arith.constant 0 : i32
    %dma_start3A_355 = arith.constant 0 : i32
    %dma_start3A_356 = tpu.memref_slice %arg9[%dma_start3A_353, %dma_start3A_354, %dma_start3A_355] : memref<2x128x128xf32, #tpu.memory_space<vmem>> -> memref<1x128x128xf32, #tpu.memory_space<vmem>>
    %dma_start3A_357 = tpu.memref_squeeze %dma_start3A_356 : memref<1x128x128xf32, #tpu.memory_space<vmem>> -> memref<128x128xf32, #tpu.memory_space<vmem>>
    %dma_start3A_358 = arith.constant 0 : i32
    %dma_start3A_359 = tpu.memref_slice %arg7[%dma_start3A_351, %dma_start3A_352, %dma_start3A_358] : memref<3x8x128xi32, #tpu.memory_space<vmem>> -> memref<1x1x128xi32, #tpu.memory_space<vmem>>
    %dma_start3A_360 = tpu.memref_squeeze %dma_start3A_359 : memref<1x1x128xi32, #tpu.memory_space<vmem>> -> memref<128xi32, #tpu.memory_space<vmem>>
    %dma_start3A_361 = arith.constant 0 : i32
    %dma_start3A_362 = arith.constant 0 : i32
    %dma_start3A_363 = tpu.memref_slice %arg2[%dma_start3A_361, %dma_start3A_362] : memref<20224x128xf32, #tpu.memory_space<hbm>> -> memref<20224x128xf32, #tpu.memory_space<hbm>>
    tpu.enqueue_indirect_dma source(%dma_start3A_363 : memref<20224x128xf32, #tpu.memory_space<hbm>>) target(%dma_start3A_357 : memref<128x128xf32, #tpu.memory_space<vmem>>) offsets(%dma_start3A_360 : memref<128xi32, #tpu.memory_space<vmem>>) semaphore(%arg12 : memref<!tpu.dma_semaphore, #tpu.memory_space<semaphore_mem>>)
    %dma_wait3A_364 = arith.constant 0 : i32
    %dma_wait3A_365 = arith.constant 0 : i32
    %dma_wait3A_366 = arith.constant 0 : i32
    %dma_wait3A_367 = tpu.memref_slice %arg9[%dma_wait3A_364, %dma_wait3A_365, %dma_wait3A_366] : memref<2x128x128xf32, #tpu.memory_space<vmem>> -> memref<1x128x128xf32, #tpu.memory_space<vmem>>
    %dma_wait3A_368 = tpu.memref_squeeze %dma_wait3A_367 : memref<1x128x128xf32, #tpu.memory_space<vmem>> -> memref<128x128xf32, #tpu.memory_space<vmem>>
    %dma_wait3A_369 = arith.constant 0 : i32
    %dma_wait3A_370 = arith.constant 0 : i32
    %dma_wait3A_371 = tpu.memref_slice %arg2[%dma_wait3A_369, %dma_wait3A_370] : memref<20224x128xf32, #tpu.memory_space<hbm>> -> memref<128x128xf32, #tpu.memory_space<hbm>>
    %dma_wait3A_372 = arith.constant 0 : i32
    %dma_wait3A_373 = arith.constant 0 : i32
    %dma_wait3A_374 = tpu.memref_slice %arg9[%dma_wait3A_364, %dma_wait3A_372, %dma_wait3A_373] : memref<2x128x128xf32, #tpu.memory_space<vmem>> -> memref<1x128x128xf32, #tpu.memory_space<vmem>>
    %dma_wait3A_375 = tpu.memref_squeeze %dma_wait3A_374 : memref<1x128x128xf32, #tpu.memory_space<vmem>> -> memref<128x128xf32, #tpu.memory_space<vmem>>
    %dma_wait3A_376 = arith.constant 0 : i32
    %dma_wait3A_377 = arith.constant 0 : i32
    %dma_wait3A_378 = tpu.memref_slice %arg2[%dma_wait3A_376, %dma_wait3A_377] : memref<20224x128xf32, #tpu.memory_space<hbm>> -> memref<128x128xf32, #tpu.memory_space<hbm>>
    tpu.wait_dma2 semaphore(%arg12 : memref<!tpu.dma_semaphore, #tpu.memory_space<semaphore_mem>>) src(%dma_wait3A_378 : memref<128x128xf32, #tpu.memory_space<hbm>>) dst(%dma_wait3A_375 : memref<128x128xf32, #tpu.memory_space<vmem>>)
    %dma_start3A_379 = arith.constant 0 : i32
    %dma_start3A_380 = arith.constant 0 : i32
    %dma_start3A_381 = arith.constant 6 : i32
    %dma_start3A_382 = arith.constant 0 : i32
    %dma_start3A_383 = arith.constant 0 : i32
    %dma_start3A_384 = tpu.memref_slice %arg9[%dma_start3A_379, %dma_start3A_382, %dma_start3A_383] : memref<2x128x128xf32, #tpu.memory_space<vmem>> -> memref<1x128x128xf32, #tpu.memory_space<vmem>>
    %dma_start3A_385 = tpu.memref_squeeze %dma_start3A_384 : memref<1x128x128xf32, #tpu.memory_space<vmem>> -> memref<128x128xf32, #tpu.memory_space<vmem>>
    %dma_start3A_386 = arith.constant 0 : i32
    %dma_start3A_387 = tpu.memref_slice %arg8[%dma_start3A_380, %dma_start3A_381, %dma_start3A_386] : memref<3x8x128xi32, #tpu.memory_space<vmem>> -> memref<1x1x128xi32, #tpu.memory_space<vmem>>
    %dma_start3A_388 = tpu.memref_squeeze %dma_start3A_387 : memref<1x1x128xi32, #tpu.memory_space<vmem>> -> memref<128xi32, #tpu.memory_space<vmem>>
    %dma_start3A_389 = arith.constant 0 : i32
    %dma_start3A_390 = arith.constant 0 : i32
    %dma_start3A_391 = tpu.memref_slice %arg10[%dma_start3A_389, %dma_start3A_390] : memref<10112x128xf32, #tpu.memory_space<vmem_shared>> -> memref<10112x128xf32, #tpu.memory_space<vmem_shared>>
    tpu.enqueue_indirect_dma source(%dma_start3A_385 : memref<128x128xf32, #tpu.memory_space<vmem>>) target(%dma_start3A_391 : memref<10112x128xf32, #tpu.memory_space<vmem_shared>>) offsets(%dma_start3A_388 : memref<128xi32, #tpu.memory_space<vmem>>) semaphore(%arg14 : memref<!tpu.dma_semaphore, #tpu.memory_space<semaphore_mem>>) {add = true}
    %dma_wait3A_392 = arith.constant 1 : i32
    %dma_wait3A_393 = arith.constant 0 : i32
    %dma_wait3A_394 = arith.constant 0 : i32
    %dma_wait3A_395 = arith.constant 0 : i32
    %dma_wait3A_396 = arith.constant 0 : i32
    %dma_wait3A_397 = tpu.memref_slice %arg9[%dma_wait3A_392, %dma_wait3A_395, %dma_wait3A_396] : memref<2x128x128xf32, #tpu.memory_space<vmem>> -> memref<1x128x128xf32, #tpu.memory_space<vmem>>
    %dma_wait3A_398 = tpu.memref_squeeze %dma_wait3A_397 : memref<1x128x128xf32, #tpu.memory_space<vmem>> -> memref<128x128xf32, #tpu.memory_space<vmem>>
    %dma_wait3A_399 = arith.constant 0 : i32
    %dma_wait3A_400 = tpu.memref_slice %arg8[%dma_wait3A_393, %dma_wait3A_394, %dma_wait3A_399] : memref<3x8x128xi32, #tpu.memory_space<vmem>> -> memref<1x1x128xi32, #tpu.memory_space<vmem>>
    %dma_wait3A_401 = tpu.memref_squeeze %dma_wait3A_400 : memref<1x1x128xi32, #tpu.memory_space<vmem>> -> memref<128xi32, #tpu.memory_space<vmem>>
    %dma_wait3A_402 = arith.constant 0 : i32
    %dma_wait3A_403 = arith.constant 0 : i32
    %dma_wait3A_404 = tpu.memref_slice %arg10[%dma_wait3A_402, %dma_wait3A_403] : memref<10112x128xf32, #tpu.memory_space<vmem_shared>> -> memref<10112x128xf32, #tpu.memory_space<vmem_shared>>
    tpu.wait_indirect_dma semaphore(%arg15 : memref<!tpu.dma_semaphore, #tpu.memory_space<semaphore_mem>>) src(%dma_wait3A_398 : memref<128x128xf32, #tpu.memory_space<vmem>>) dst(%dma_wait3A_404 : memref<10112x128xf32, #tpu.memory_space<vmem_shared>>)
    %dma_start3A_405 = arith.constant 0 : i32
    %dma_start3A_406 = arith.constant 7 : i32
    %dma_start3A_407 = arith.constant 1 : i32
    %dma_start3A_408 = arith.constant 0 : i32
    %dma_start3A_409 = arith.constant 0 : i32
    %dma_start3A_410 = tpu.memref_slice %arg9[%dma_start3A_407, %dma_start3A_408, %dma_start3A_409] : memref<2x128x128xf32, #tpu.memory_space<vmem>> -> memref<1x128x128xf32, #tpu.memory_space<vmem>>
    %dma_start3A_411 = tpu.memref_squeeze %dma_start3A_410 : memref<1x128x128xf32, #tpu.memory_space<vmem>> -> memref<128x128xf32, #tpu.memory_space<vmem>>
    %dma_start3A_412 = arith.constant 0 : i32
    %dma_start3A_413 = tpu.memref_slice %arg7[%dma_start3A_405, %dma_start3A_406, %dma_start3A_412] : memref<3x8x128xi32, #tpu.memory_space<vmem>> -> memref<1x1x128xi32, #tpu.memory_space<vmem>>
    %dma_start3A_414 = tpu.memref_squeeze %dma_start3A_413 : memref<1x1x128xi32, #tpu.memory_space<vmem>> -> memref<128xi32, #tpu.memory_space<vmem>>
    %dma_start3A_415 = arith.constant 0 : i32
    %dma_start3A_416 = arith.constant 0 : i32
    %dma_start3A_417 = tpu.memref_slice %arg2[%dma_start3A_415, %dma_start3A_416] : memref<20224x128xf32, #tpu.memory_space<hbm>> -> memref<20224x128xf32, #tpu.memory_space<hbm>>
    tpu.enqueue_indirect_dma source(%dma_start3A_417 : memref<20224x128xf32, #tpu.memory_space<hbm>>) target(%dma_start3A_411 : memref<128x128xf32, #tpu.memory_space<vmem>>) offsets(%dma_start3A_414 : memref<128xi32, #tpu.memory_space<vmem>>) semaphore(%arg13 : memref<!tpu.dma_semaphore, #tpu.memory_space<semaphore_mem>>)
    %dma_wait3A_418 = arith.constant 1 : i32
    %dma_wait3A_419 = arith.constant 0 : i32
    %dma_wait3A_420 = arith.constant 0 : i32
    %dma_wait3A_421 = tpu.memref_slice %arg9[%dma_wait3A_418, %dma_wait3A_419, %dma_wait3A_420] : memref<2x128x128xf32, #tpu.memory_space<vmem>> -> memref<1x128x128xf32, #tpu.memory_space<vmem>>
    %dma_wait3A_422 = tpu.memref_squeeze %dma_wait3A_421 : memref<1x128x128xf32, #tpu.memory_space<vmem>> -> memref<128x128xf32, #tpu.memory_space<vmem>>
    %dma_wait3A_423 = arith.constant 0 : i32
    %dma_wait3A_424 = arith.constant 0 : i32
    %dma_wait3A_425 = tpu.memref_slice %arg2[%dma_wait3A_423, %dma_wait3A_424] : memref<20224x128xf32, #tpu.memory_space<hbm>> -> memref<128x128xf32, #tpu.memory_space<hbm>>
    %dma_wait3A_426 = arith.constant 0 : i32
    %dma_wait3A_427 = arith.constant 0 : i32
    %dma_wait3A_428 = tpu.memref_slice %arg9[%dma_wait3A_418, %dma_wait3A_426, %dma_wait3A_427] : memref<2x128x128xf32, #tpu.memory_space<vmem>> -> memref<1x128x128xf32, #tpu.memory_space<vmem>>
    %dma_wait3A_429 = tpu.memref_squeeze %dma_wait3A_428 : memref<1x128x128xf32, #tpu.memory_space<vmem>> -> memref<128x128xf32, #tpu.memory_space<vmem>>
    %dma_wait3A_430 = arith.constant 0 : i32
    %dma_wait3A_431 = arith.constant 0 : i32
    %dma_wait3A_432 = tpu.memref_slice %arg2[%dma_wait3A_430, %dma_wait3A_431] : memref<20224x128xf32, #tpu.memory_space<hbm>> -> memref<128x128xf32, #tpu.memory_space<hbm>>
    tpu.wait_dma2 semaphore(%arg13 : memref<!tpu.dma_semaphore, #tpu.memory_space<semaphore_mem>>) src(%dma_wait3A_432 : memref<128x128xf32, #tpu.memory_space<hbm>>) dst(%dma_wait3A_429 : memref<128x128xf32, #tpu.memory_space<vmem>>)
    %dma_start3A_433 = arith.constant 1 : i32
    %dma_start3A_434 = arith.constant 0 : i32
    %dma_start3A_435 = arith.constant 7 : i32
    %dma_start3A_436 = arith.constant 0 : i32
    %dma_start3A_437 = arith.constant 0 : i32
    %dma_start3A_438 = tpu.memref_slice %arg9[%dma_start3A_433, %dma_start3A_436, %dma_start3A_437] : memref<2x128x128xf32, #tpu.memory_space<vmem>> -> memref<1x128x128xf32, #tpu.memory_space<vmem>>
    %dma_start3A_439 = tpu.memref_squeeze %dma_start3A_438 : memref<1x128x128xf32, #tpu.memory_space<vmem>> -> memref<128x128xf32, #tpu.memory_space<vmem>>
    %dma_start3A_440 = arith.constant 0 : i32
    %dma_start3A_441 = tpu.memref_slice %arg8[%dma_start3A_434, %dma_start3A_435, %dma_start3A_440] : memref<3x8x128xi32, #tpu.memory_space<vmem>> -> memref<1x1x128xi32, #tpu.memory_space<vmem>>
    %dma_start3A_442 = tpu.memref_squeeze %dma_start3A_441 : memref<1x1x128xi32, #tpu.memory_space<vmem>> -> memref<128xi32, #tpu.memory_space<vmem>>
    %dma_start3A_443 = arith.constant 0 : i32
    %dma_start3A_444 = arith.constant 0 : i32
    %dma_start3A_445 = tpu.memref_slice %arg10[%dma_start3A_443, %dma_start3A_444] : memref<10112x128xf32, #tpu.memory_space<vmem_shared>> -> memref<10112x128xf32, #tpu.memory_space<vmem_shared>>
    tpu.enqueue_indirect_dma source(%dma_start3A_439 : memref<128x128xf32, #tpu.memory_space<vmem>>) target(%dma_start3A_445 : memref<10112x128xf32, #tpu.memory_space<vmem_shared>>) offsets(%dma_start3A_442 : memref<128xi32, #tpu.memory_space<vmem>>) semaphore(%arg15 : memref<!tpu.dma_semaphore, #tpu.memory_space<semaphore_mem>>) {add = true}
    %dma_wait3A_446 = arith.constant 0 : i32
    %dma_wait3A_447 = arith.constant 0 : i32
    %dma_wait3A_448 = arith.constant 0 : i32
    %dma_wait3A_449 = arith.constant 0 : i32
    %dma_wait3A_450 = arith.constant 0 : i32
    %dma_wait3A_451 = tpu.memref_slice %arg9[%dma_wait3A_446, %dma_wait3A_449, %dma_wait3A_450] : memref<2x128x128xf32, #tpu.memory_space<vmem>> -> memref<1x128x128xf32, #tpu.memory_space<vmem>>
    %dma_wait3A_452 = tpu.memref_squeeze %dma_wait3A_451 : memref<1x128x128xf32, #tpu.memory_space<vmem>> -> memref<128x128xf32, #tpu.memory_space<vmem>>
    %dma_wait3A_453 = arith.constant 0 : i32
    %dma_wait3A_454 = tpu.memref_slice %arg8[%dma_wait3A_447, %dma_wait3A_448, %dma_wait3A_453] : memref<3x8x128xi32, #tpu.memory_space<vmem>> -> memref<1x1x128xi32, #tpu.memory_space<vmem>>
    %dma_wait3A_455 = tpu.memref_squeeze %dma_wait3A_454 : memref<1x1x128xi32, #tpu.memory_space<vmem>> -> memref<128xi32, #tpu.memory_space<vmem>>
    %dma_wait3A_456 = arith.constant 0 : i32
    %dma_wait3A_457 = arith.constant 0 : i32
    %dma_wait3A_458 = tpu.memref_slice %arg10[%dma_wait3A_456, %dma_wait3A_457] : memref<10112x128xf32, #tpu.memory_space<vmem_shared>> -> memref<10112x128xf32, #tpu.memory_space<vmem_shared>>
    tpu.wait_indirect_dma semaphore(%arg14 : memref<!tpu.dma_semaphore, #tpu.memory_space<semaphore_mem>>) src(%dma_wait3A_452 : memref<128x128xf32, #tpu.memory_space<vmem>>) dst(%dma_wait3A_458 : memref<10112x128xf32, #tpu.memory_space<vmem_shared>>)
    %dma_start3A_459 = arith.constant 1 : i32
    %dma_start3A_460 = arith.constant 0 : i32
    %dma_start3A_461 = arith.constant 0 : i32
    %dma_start3A_462 = arith.constant 0 : i32
    %dma_start3A_463 = arith.constant 0 : i32
    %dma_start3A_464 = tpu.memref_slice %arg9[%dma_start3A_461, %dma_start3A_462, %dma_start3A_463] : memref<2x128x128xf32, #tpu.memory_space<vmem>> -> memref<1x128x128xf32, #tpu.memory_space<vmem>>
    %dma_start3A_465 = tpu.memref_squeeze %dma_start3A_464 : memref<1x128x128xf32, #tpu.memory_space<vmem>> -> memref<128x128xf32, #tpu.memory_space<vmem>>
    %dma_start3A_466 = arith.constant 0 : i32
    %dma_start3A_467 = tpu.memref_slice %arg7[%dma_start3A_459, %dma_start3A_460, %dma_start3A_466] : memref<3x8x128xi32, #tpu.memory_space<vmem>> -> memref<1x1x128xi32, #tpu.memory_space<vmem>>
    %dma_start3A_468 = tpu.memref_squeeze %dma_start3A_467 : memref<1x1x128xi32, #tpu.memory_space<vmem>> -> memref<128xi32, #tpu.memory_space<vmem>>
    %dma_start3A_469 = arith.constant 0 : i32
    %dma_start3A_470 = arith.constant 0 : i32
    %dma_start3A_471 = tpu.memref_slice %arg2[%dma_start3A_469, %dma_start3A_470] : memref<20224x128xf32, #tpu.memory_space<hbm>> -> memref<20224x128xf32, #tpu.memory_space<hbm>>
    tpu.enqueue_indirect_dma source(%dma_start3A_471 : memref<20224x128xf32, #tpu.memory_space<hbm>>) target(%dma_start3A_465 : memref<128x128xf32, #tpu.memory_space<vmem>>) offsets(%dma_start3A_468 : memref<128xi32, #tpu.memory_space<vmem>>) semaphore(%arg12 : memref<!tpu.dma_semaphore, #tpu.memory_space<semaphore_mem>>)
    %dma_wait3A_472 = arith.constant 0 : i32
    %dma_wait3A_473 = arith.constant 0 : i32
    %dma_wait3A_474 = arith.constant 0 : i32
    %dma_wait3A_475 = tpu.memref_slice %arg7[%dma_wait3A_472, %dma_wait3A_473, %dma_wait3A_474] : memref<3x8x128xi32, #tpu.memory_space<vmem>> -> memref<1x8x128xi32, #tpu.memory_space<vmem>>
    %dma_wait3A_476 = tpu.memref_squeeze %dma_wait3A_475 : memref<1x8x128xi32, #tpu.memory_space<vmem>> -> memref<8x128xi32, #tpu.memory_space<vmem>>
    %dma_wait3A_477 = arith.constant 0 : i32
    %dma_wait3A_478 = arith.constant 0 : i32
    %dma_wait3A_479 = tpu.memref_slice %arg3[%dma_wait3A_477, %dma_wait3A_478] : memref<2592x128xi32, #tpu.memory_space<hbm>> -> memref<8x128xi32, #tpu.memory_space<hbm>>
    %dma_wait3A_480 = arith.constant 0 : i32
    %dma_wait3A_481 = arith.constant 0 : i32
    %dma_wait3A_482 = tpu.memref_slice %arg7[%dma_wait3A_472, %dma_wait3A_480, %dma_wait3A_481] : memref<3x8x128xi32, #tpu.memory_space<vmem>> -> memref<1x8x128xi32, #tpu.memory_space<vmem>>
    %dma_wait3A_483 = tpu.memref_squeeze %dma_wait3A_482 : memref<1x8x128xi32, #tpu.memory_space<vmem>> -> memref<8x128xi32, #tpu.memory_space<vmem>>
    %dma_wait3A_484 = arith.constant 0 : i32
    %dma_wait3A_485 = arith.constant 0 : i32
    %dma_wait3A_486 = tpu.memref_slice %arg3[%dma_wait3A_484, %dma_wait3A_485] : memref<2592x128xi32, #tpu.memory_space<hbm>> -> memref<8x128xi32, #tpu.memory_space<hbm>>
    tpu.wait_dma2 semaphore(%arg11 : memref<!tpu.dma_semaphore, #tpu.memory_space<semaphore_mem>>) src(%dma_wait3A_486 : memref<8x128xi32, #tpu.memory_space<hbm>>) dst(%dma_wait3A_483 : memref<8x128xi32, #tpu.memory_space<vmem>>)
    %dma_wait3A_487 = arith.constant 0 : i32
    %dma_wait3A_488 = arith.constant 0 : i32
    %dma_wait3A_489 = arith.constant 0 : i32
    %dma_wait3A_490 = tpu.memref_slice %arg8[%dma_wait3A_487, %dma_wait3A_488, %dma_wait3A_489] : memref<3x8x128xi32, #tpu.memory_space<vmem>> -> memref<1x8x128xi32, #tpu.memory_space<vmem>>
    %dma_wait3A_491 = tpu.memref_squeeze %dma_wait3A_490 : memref<1x8x128xi32, #tpu.memory_space<vmem>> -> memref<8x128xi32, #tpu.memory_space<vmem>>
    %dma_wait3A_492 = arith.constant 0 : i32
    %dma_wait3A_493 = arith.constant 0 : i32
    %dma_wait3A_494 = tpu.memref_slice %arg4[%dma_wait3A_492, %dma_wait3A_493] : memref<2592x128xi32, #tpu.memory_space<hbm>> -> memref<8x128xi32, #tpu.memory_space<hbm>>
    %dma_wait3A_495 = arith.constant 0 : i32
    %dma_wait3A_496 = arith.constant 0 : i32
    %dma_wait3A_497 = tpu.memref_slice %arg8[%dma_wait3A_487, %dma_wait3A_495, %dma_wait3A_496] : memref<3x8x128xi32, #tpu.memory_space<vmem>> -> memref<1x8x128xi32, #tpu.memory_space<vmem>>
    %dma_wait3A_498 = tpu.memref_squeeze %dma_wait3A_497 : memref<1x8x128xi32, #tpu.memory_space<vmem>> -> memref<8x128xi32, #tpu.memory_space<vmem>>
    %dma_wait3A_499 = arith.constant 0 : i32
    %dma_wait3A_500 = arith.constant 0 : i32
    %dma_wait3A_501 = tpu.memref_slice %arg4[%dma_wait3A_499, %dma_wait3A_500] : memref<2592x128xi32, #tpu.memory_space<hbm>> -> memref<8x128xi32, #tpu.memory_space<hbm>>
    tpu.wait_dma2 semaphore(%arg11 : memref<!tpu.dma_semaphore, #tpu.memory_space<semaphore_mem>>) src(%dma_wait3A_501 : memref<8x128xi32, #tpu.memory_space<hbm>>) dst(%dma_wait3A_498 : memref<8x128xi32, #tpu.memory_space<vmem>>)
    %scan3A = arith.constant 0 : i32
    %scan3A_502 = arith.constant 1 : i32
    %scan3A_503 = arith.constant 0 : i32
    %scan3A_504 = arith.constant 0 : i32
    %scan3A_505 = arith.constant 1 : i32
    %scan3A_506 = arith.constant 0 : i32
    %scan3A_507 = arith.constant 0 : i32
    %scan3A_508 = arith.constant 0 : i32
    %scan3A_509 = arith.constant 0 : i32
    %scan3A_510 = arith.constant 0 : i32
    %scan3A_511 = arith.constant 0 : i32
    %scan3A_512 = arith.constant 9 : i32
    %scan3A_513 = arith.addi %scan3A_511, %scan3A_512 : i32
    %scan3A_514 = arith.constant 1 : i32
    scf.for %scan3A_549 = %scan3A_511 to %scan3A_513 step %scan3A_514  : i32 {
      %mul3A_550 = arith.constant 1 : i32
      %mul3A_551 = arith.muli %scan3A_549, %mul3A_550 : i32
      %add3A_552 = arith.constant 1 : i32
      %add3A_553 = arith.addi %add3A_552, %mul3A_551 : i32
      %rem3A = arith.constant 3 : i32
      %rem3A_554 = arith.remsi %add3A_553, %rem3A : i32
      %add3A_555 = arith.constant 1 : i32
      %add3A_556 = arith.addi %add3A_553, %add3A_555 : i32
      %rem3A_557 = arith.constant 3 : i32
      %rem3A_558 = arith.remsi %add3A_556, %rem3A_557 : i32
      %add3A_559 = arith.constant 2 : i32
      %add3A_560 = arith.addi %add3A_553, %add3A_559 : i32
      %rem3A_561 = arith.constant 3 : i32
      %rem3A_562 = arith.remsi %add3A_560, %rem3A_561 : i32
      %dma_wait3A_563 = arith.constant 0 : i32
      %dma_wait3A_564 = arith.constant 0 : i32
      %dma_wait3A_565 = tpu.memref_slice %arg9[%scan3A, %dma_wait3A_563, %dma_wait3A_564] : memref<2x128x128xf32, #tpu.memory_space<vmem>> -> memref<1x128x128xf32, #tpu.memory_space<vmem>>
      %dma_wait3A_566 = tpu.memref_squeeze %dma_wait3A_565 : memref<1x128x128xf32, #tpu.memory_space<vmem>> -> memref<128x128xf32, #tpu.memory_space<vmem>>
      %dma_wait3A_567 = arith.constant 0 : i32
      %dma_wait3A_568 = arith.constant 0 : i32
      %dma_wait3A_569 = tpu.memref_slice %arg2[%dma_wait3A_567, %dma_wait3A_568] : memref<20224x128xf32, #tpu.memory_space<hbm>> -> memref<128x128xf32, #tpu.memory_space<hbm>>
      %dma_wait3A_570 = arith.constant 0 : i32
      %dma_wait3A_571 = arith.constant 0 : i32
      %dma_wait3A_572 = tpu.memref_slice %arg9[%scan3A, %dma_wait3A_570, %dma_wait3A_571] : memref<2x128x128xf32, #tpu.memory_space<vmem>> -> memref<1x128x128xf32, #tpu.memory_space<vmem>>
      %dma_wait3A_573 = tpu.memref_squeeze %dma_wait3A_572 : memref<1x128x128xf32, #tpu.memory_space<vmem>> -> memref<128x128xf32, #tpu.memory_space<vmem>>
      %dma_wait3A_574 = arith.constant 0 : i32
      %dma_wait3A_575 = arith.constant 0 : i32
      %dma_wait3A_576 = tpu.memref_slice %arg2[%dma_wait3A_574, %dma_wait3A_575] : memref<20224x128xf32, #tpu.memory_space<hbm>> -> memref<128x128xf32, #tpu.memory_space<hbm>>
      tpu.wait_dma2 semaphore(%arg12 : memref<!tpu.dma_semaphore, #tpu.memory_space<semaphore_mem>>) src(%dma_wait3A_576 : memref<128x128xf32, #tpu.memory_space<hbm>>) dst(%dma_wait3A_573 : memref<128x128xf32, #tpu.memory_space<vmem>>)
      %dma_start3A_577 = arith.constant 0 : i32
      %dma_start3A_578 = arith.constant 0 : i32
      %dma_start3A_579 = arith.constant 0 : i32
      %dma_start3A_580 = arith.constant 0 : i32
      %dma_start3A_581 = tpu.memref_slice %arg9[%dma_start3A_577, %dma_start3A_579, %dma_start3A_580] : memref<2x128x128xf32, #tpu.memory_space<vmem>> -> memref<1x128x128xf32, #tpu.memory_space<vmem>>
      %dma_start3A_582 = tpu.memref_squeeze %dma_start3A_581 : memref<1x128x128xf32, #tpu.memory_space<vmem>> -> memref<128x128xf32, #tpu.memory_space<vmem>>
      %dma_start3A_583 = arith.constant 0 : i32
      %dma_start3A_584 = tpu.memref_slice %arg8[%rem3A_554, %dma_start3A_578, %dma_start3A_583] : memref<3x8x128xi32, #tpu.memory_space<vmem>> -> memref<1x1x128xi32, #tpu.memory_space<vmem>>
      %dma_start3A_585 = tpu.memref_squeeze %dma_start3A_584 : memref<1x1x128xi32, #tpu.memory_space<vmem>> -> memref<128xi32, #tpu.memory_space<vmem>>
      %dma_start3A_586 = arith.constant 0 : i32
      %dma_start3A_587 = arith.constant 0 : i32
      %dma_start3A_588 = tpu.memref_slice %arg10[%dma_start3A_586, %dma_start3A_587] : memref<10112x128xf32, #tpu.memory_space<vmem_shared>> -> memref<10112x128xf32, #tpu.memory_space<vmem_shared>>
      tpu.enqueue_indirect_dma source(%dma_start3A_582 : memref<128x128xf32, #tpu.memory_space<vmem>>) target(%dma_start3A_588 : memref<10112x128xf32, #tpu.memory_space<vmem_shared>>) offsets(%dma_start3A_585 : memref<128xi32, #tpu.memory_space<vmem>>) semaphore(%arg14 : memref<!tpu.dma_semaphore, #tpu.memory_space<semaphore_mem>>) {add = true}
      %dma_wait3A_589 = arith.constant 0 : i32
      %dma_wait3A_590 = arith.constant 0 : i32
      %dma_wait3A_591 = tpu.memref_slice %arg9[%scan3A_502, %dma_wait3A_589, %dma_wait3A_590] : memref<2x128x128xf32, #tpu.memory_space<vmem>> -> memref<1x128x128xf32, #tpu.memory_space<vmem>>
      %dma_wait3A_592 = tpu.memref_squeeze %dma_wait3A_591 : memref<1x128x128xf32, #tpu.memory_space<vmem>> -> memref<128x128xf32, #tpu.memory_space<vmem>>
      %dma_wait3A_593 = arith.constant 0 : i32
      %dma_wait3A_594 = tpu.memref_slice %arg8[%scan3A_503, %scan3A_504, %dma_wait3A_593] : memref<3x8x128xi32, #tpu.memory_space<vmem>> -> memref<1x1x128xi32, #tpu.memory_space<vmem>>
      %dma_wait3A_595 = tpu.memref_squeeze %dma_wait3A_594 : memref<1x1x128xi32, #tpu.memory_space<vmem>> -> memref<128xi32, #tpu.memory_space<vmem>>
      %dma_wait3A_596 = arith.constant 0 : i32
      %dma_wait3A_597 = arith.constant 0 : i32
      %dma_wait3A_598 = tpu.memref_slice %arg10[%dma_wait3A_596, %dma_wait3A_597] : memref<10112x128xf32, #tpu.memory_space<vmem_shared>> -> memref<10112x128xf32, #tpu.memory_space<vmem_shared>>
      tpu.wait_indirect_dma semaphore(%arg15 : memref<!tpu.dma_semaphore, #tpu.memory_space<semaphore_mem>>) src(%dma_wait3A_592 : memref<128x128xf32, #tpu.memory_space<vmem>>) dst(%dma_wait3A_598 : memref<10112x128xf32, #tpu.memory_space<vmem_shared>>)
      %add3A_599 = arith.constant 2 : i32
      %add3A_600 = arith.addi %add3A_553, %add3A_599 : i32
      %mul3A_601 = arith.constant 8 : i32
      %mul3A_602 = arith.muli %add3A_600, %mul3A_601 : i32
      %add3A_603 = arith.addi %add3A, %mul3A_602 : i32
      %dma_start3A_604 = arith.constant 0 : i32
      %dma_start3A_605 = arith.constant 0 : i32
      %dma_start3A_606 = tpu.memref_slice %arg7[%rem3A_562, %dma_start3A_604, %dma_start3A_605] : memref<3x8x128xi32, #tpu.memory_space<vmem>> -> memref<1x8x128xi32, #tpu.memory_space<vmem>>
      %dma_start3A_607 = tpu.memref_squeeze %dma_start3A_606 : memref<1x8x128xi32, #tpu.memory_space<vmem>> -> memref<8x128xi32, #tpu.memory_space<vmem>>
      %dma_start3A_608 = arith.constant 0 : i32
      %dma_start3A_609 = tpu.memref_slice %arg3[%add3A_603, %dma_start3A_608] : memref<2592x128xi32, #tpu.memory_space<hbm>> -> memref<8x128xi32, #tpu.memory_space<hbm>>
      %dma_start3A_610 = arith.constant 0 : i32
      %dma_start3A_611 = arith.constant 0 : i32
      %dma_start3A_612 = tpu.memref_slice %arg7[%rem3A_562, %dma_start3A_610, %dma_start3A_611] : memref<3x8x128xi32, #tpu.memory_space<vmem>> -> memref<1x8x128xi32, #tpu.memory_space<vmem>>
      %dma_start3A_613 = tpu.memref_squeeze %dma_start3A_612 : memref<1x8x128xi32, #tpu.memory_space<vmem>> -> memref<8x128xi32, #tpu.memory_space<vmem>>
      %dma_start3A_614 = arith.constant 0 : i32
      %dma_start3A_615 = tpu.memref_slice %arg3[%add3A_603, %dma_start3A_614] : memref<2592x128xi32, #tpu.memory_space<hbm>> -> memref<8x128xi32, #tpu.memory_space<hbm>>
      tpu.enqueue_dma source(%dma_start3A_615 : memref<8x128xi32, #tpu.memory_space<hbm>>) target(%dma_start3A_613 : memref<8x128xi32, #tpu.memory_space<vmem>>) target_semaphore(%arg11 : memref<!tpu.dma_semaphore, #tpu.memory_space<semaphore_mem>>)
      %dma_start3A_616 = arith.constant 0 : i32
      %dma_start3A_617 = arith.constant 0 : i32
      %dma_start3A_618 = tpu.memref_slice %arg8[%rem3A_562, %dma_start3A_616, %dma_start3A_617] : memref<3x8x128xi32, #tpu.memory_space<vmem>> -> memref<1x8x128xi32, #tpu.memory_space<vmem>>
      %dma_start3A_619 = tpu.memref_squeeze %dma_start3A_618 : memref<1x8x128xi32, #tpu.memory_space<vmem>> -> memref<8x128xi32, #tpu.memory_space<vmem>>
      %dma_start3A_620 = arith.constant 0 : i32
      %dma_start3A_621 = tpu.memref_slice %arg4[%add3A_603, %dma_start3A_620] : memref<2592x128xi32, #tpu.memory_space<hbm>> -> memref<8x128xi32, #tpu.memory_space<hbm>>
      %dma_start3A_622 = arith.constant 0 : i32
      %dma_start3A_623 = arith.constant 0 : i32
      %dma_start3A_624 = tpu.memref_slice %arg8[%rem3A_562, %dma_start3A_622, %dma_start3A_623] : memref<3x8x128xi32, #tpu.memory_space<vmem>> -> memref<1x8x128xi32, #tpu.memory_space<vmem>>
      %dma_start3A_625 = tpu.memref_squeeze %dma_start3A_624 : memref<1x8x128xi32, #tpu.memory_space<vmem>> -> memref<8x128xi32, #tpu.memory_space<vmem>>
      %dma_start3A_626 = arith.constant 0 : i32
      %dma_start3A_627 = tpu.memref_slice %arg4[%add3A_603, %dma_start3A_626] : memref<2592x128xi32, #tpu.memory_space<hbm>> -> memref<8x128xi32, #tpu.memory_space<hbm>>
      tpu.enqueue_dma source(%dma_start3A_627 : memref<8x128xi32, #tpu.memory_space<hbm>>) target(%dma_start3A_625 : memref<8x128xi32, #tpu.memory_space<vmem>>) target_semaphore(%arg11 : memref<!tpu.dma_semaphore, #tpu.memory_space<semaphore_mem>>)
      %dma_start3A_628 = arith.constant 1 : i32
      %dma_start3A_629 = arith.constant 1 : i32
      %dma_start3A_630 = arith.constant 0 : i32
      %dma_start3A_631 = arith.constant 0 : i32
      %dma_start3A_632 = tpu.memref_slice %arg9[%dma_start3A_629, %dma_start3A_630, %dma_start3A_631] : memref<2x128x128xf32, #tpu.memory_space<vmem>> -> memref<1x128x128xf32, #tpu.memory_space<vmem>>
      %dma_start3A_633 = tpu.memref_squeeze %dma_start3A_632 : memref<1x128x128xf32, #tpu.memory_space<vmem>> -> memref<128x128xf32, #tpu.memory_space<vmem>>
      %dma_start3A_634 = arith.constant 0 : i32
      %dma_start3A_635 = tpu.memref_slice %arg7[%rem3A_554, %dma_start3A_628, %dma_start3A_634] : memref<3x8x128xi32, #tpu.memory_space<vmem>> -> memref<1x1x128xi32, #tpu.memory_space<vmem>>
      %dma_start3A_636 = tpu.memref_squeeze %dma_start3A_635 : memref<1x1x128xi32, #tpu.memory_space<vmem>> -> memref<128xi32, #tpu.memory_space<vmem>>
      %dma_start3A_637 = arith.constant 0 : i32
      %dma_start3A_638 = arith.constant 0 : i32
      %dma_start3A_639 = tpu.memref_slice %arg2[%dma_start3A_637, %dma_start3A_638] : memref<20224x128xf32, #tpu.memory_space<hbm>> -> memref<20224x128xf32, #tpu.memory_space<hbm>>
      tpu.enqueue_indirect_dma source(%dma_start3A_639 : memref<20224x128xf32, #tpu.memory_space<hbm>>) target(%dma_start3A_633 : memref<128x128xf32, #tpu.memory_space<vmem>>) offsets(%dma_start3A_636 : memref<128xi32, #tpu.memory_space<vmem>>) semaphore(%arg13 : memref<!tpu.dma_semaphore, #tpu.memory_space<semaphore_mem>>)
      %dma_wait3A_640 = arith.constant 0 : i32
      %dma_wait3A_641 = arith.constant 0 : i32
      %dma_wait3A_642 = tpu.memref_slice %arg9[%scan3A_505, %dma_wait3A_640, %dma_wait3A_641] : memref<2x128x128xf32, #tpu.memory_space<vmem>> -> memref<1x128x128xf32, #tpu.memory_space<vmem>>
      %dma_wait3A_643 = tpu.memref_squeeze %dma_wait3A_642 : memref<1x128x128xf32, #tpu.memory_space<vmem>> -> memref<128x128xf32, #tpu.memory_space<vmem>>
      %dma_wait3A_644 = arith.constant 0 : i32
      %dma_wait3A_645 = arith.constant 0 : i32
      %dma_wait3A_646 = tpu.memref_slice %arg2[%dma_wait3A_644, %dma_wait3A_645] : memref<20224x128xf32, #tpu.memory_space<hbm>> -> memref<128x128xf32, #tpu.memory_space<hbm>>
      %dma_wait3A_647 = arith.constant 0 : i32
      %dma_wait3A_648 = arith.constant 0 : i32
      %dma_wait3A_649 = tpu.memref_slice %arg9[%scan3A_505, %dma_wait3A_647, %dma_wait3A_648] : memref<2x128x128xf32, #tpu.memory_space<vmem>> -> memref<1x128x128xf32, #tpu.memory_space<vmem>>
      %dma_wait3A_650 = tpu.memref_squeeze %dma_wait3A_649 : memref<1x128x128xf32, #tpu.memory_space<vmem>> -> memref<128x128xf32, #tpu.memory_space<vmem>>
      %dma_wait3A_651 = arith.constant 0 : i32
      %dma_wait3A_652 = arith.constant 0 : i32
      %dma_wait3A_653 = tpu.memref_slice %arg2[%dma_wait3A_651, %dma_wait3A_652] : memref<20224x128xf32, #tpu.memory_space<hbm>> -> memref<128x128xf32, #tpu.memory_space<hbm>>
      tpu.wait_dma2 semaphore(%arg13 : memref<!tpu.dma_semaphore, #tpu.memory_space<semaphore_mem>>) src(%dma_wait3A_653 : memref<128x128xf32, #tpu.memory_space<hbm>>) dst(%dma_wait3A_650 : memref<128x128xf32, #tpu.memory_space<vmem>>)
      %dma_start3A_654 = arith.constant 1 : i32
      %dma_start3A_655 = arith.constant 1 : i32
      %dma_start3A_656 = arith.constant 0 : i32
      %dma_start3A_657 = arith.constant 0 : i32
      %dma_start3A_658 = tpu.memref_slice %arg9[%dma_start3A_654, %dma_start3A_656, %dma_start3A_657] : memref<2x128x128xf32, #tpu.memory_space<vmem>> -> memref<1x128x128xf32, #tpu.memory_space<vmem>>
      %dma_start3A_659 = tpu.memref_squeeze %dma_start3A_658 : memref<1x128x128xf32, #tpu.memory_space<vmem>> -> memref<128x128xf32, #tpu.memory_space<vmem>>
      %dma_start3A_660 = arith.constant 0 : i32
      %dma_start3A_661 = tpu.memref_slice %arg8[%rem3A_554, %dma_start3A_655, %dma_start3A_660] : memref<3x8x128xi32, #tpu.memory_space<vmem>> -> memref<1x1x128xi32, #tpu.memory_space<vmem>>
      %dma_start3A_662 = tpu.memref_squeeze %dma_start3A_661 : memref<1x1x128xi32, #tpu.memory_space<vmem>> -> memref<128xi32, #tpu.memory_space<vmem>>
      %dma_start3A_663 = arith.constant 0 : i32
      %dma_start3A_664 = arith.constant 0 : i32
      %dma_start3A_665 = tpu.memref_slice %arg10[%dma_start3A_663, %dma_start3A_664] : memref<10112x128xf32, #tpu.memory_space<vmem_shared>> -> memref<10112x128xf32, #tpu.memory_space<vmem_shared>>
      tpu.enqueue_indirect_dma source(%dma_start3A_659 : memref<128x128xf32, #tpu.memory_space<vmem>>) target(%dma_start3A_665 : memref<10112x128xf32, #tpu.memory_space<vmem_shared>>) offsets(%dma_start3A_662 : memref<128xi32, #tpu.memory_space<vmem>>) semaphore(%arg15 : memref<!tpu.dma_semaphore, #tpu.memory_space<semaphore_mem>>) {add = true}
      %dma_wait3A_666 = arith.constant 0 : i32
      %dma_wait3A_667 = arith.constant 0 : i32
      %dma_wait3A_668 = tpu.memref_slice %arg9[%scan3A_506, %dma_wait3A_666, %dma_wait3A_667] : memref<2x128x128xf32, #tpu.memory_space<vmem>> -> memref<1x128x128xf32, #tpu.memory_space<vmem>>
      %dma_wait3A_669 = tpu.memref_squeeze %dma_wait3A_668 : memref<1x128x128xf32, #tpu.memory_space<vmem>> -> memref<128x128xf32, #tpu.memory_space<vmem>>
      %dma_wait3A_670 = arith.constant 0 : i32
      %dma_wait3A_671 = tpu.memref_slice %arg8[%scan3A_507, %scan3A_508, %dma_wait3A_670] : memref<3x8x128xi32, #tpu.memory_space<vmem>> -> memref<1x1x128xi32, #tpu.memory_space<vmem>>
      %dma_wait3A_672 = tpu.memref_squeeze %dma_wait3A_671 : memref<1x1x128xi32, #tpu.memory_space<vmem>> -> memref<128xi32, #tpu.memory_space<vmem>>
      %dma_wait3A_673 = arith.constant 0 : i32
      %dma_wait3A_674 = arith.constant 0 : i32
      %dma_wait3A_675 = tpu.memref_slice %arg10[%dma_wait3A_673, %dma_wait3A_674] : memref<10112x128xf32, #tpu.memory_space<vmem_shared>> -> memref<10112x128xf32, #tpu.memory_space<vmem_shared>>
      tpu.wait_indirect_dma semaphore(%arg14 : memref<!tpu.dma_semaphore, #tpu.memory_space<semaphore_mem>>) src(%dma_wait3A_669 : memref<128x128xf32, #tpu.memory_space<vmem>>) dst(%dma_wait3A_675 : memref<10112x128xf32, #tpu.memory_space<vmem_shared>>)
      %dma_start3A_676 = arith.constant 2 : i32
      %dma_start3A_677 = arith.constant 0 : i32
      %dma_start3A_678 = arith.constant 0 : i32
      %dma_start3A_679 = arith.constant 0 : i32
      %dma_start3A_680 = tpu.memref_slice %arg9[%dma_start3A_677, %dma_start3A_678, %dma_start3A_679] : memref<2x128x128xf32, #tpu.memory_space<vmem>> -> memref<1x128x128xf32, #tpu.memory_space<vmem>>
      %dma_start3A_681 = tpu.memref_squeeze %dma_start3A_680 : memref<1x128x128xf32, #tpu.memory_space<vmem>> -> memref<128x128xf32, #tpu.memory_space<vmem>>
      %dma_start3A_682 = arith.constant 0 : i32
      %dma_start3A_683 = tpu.memref_slice %arg7[%rem3A_554, %dma_start3A_676, %dma_start3A_682] : memref<3x8x128xi32, #tpu.memory_space<vmem>> -> memref<1x1x128xi32, #tpu.memory_space<vmem>>
      %dma_start3A_684 = tpu.memref_squeeze %dma_start3A_683 : memref<1x1x128xi32, #tpu.memory_space<vmem>> -> memref<128xi32, #tpu.memory_space<vmem>>
      %dma_start3A_685 = arith.constant 0 : i32
      %dma_start3A_686 = arith.constant 0 : i32
      %dma_start3A_687 = tpu.memref_slice %arg2[%dma_start3A_685, %dma_start3A_686] : memref<20224x128xf32, #tpu.memory_space<hbm>> -> memref<20224x128xf32, #tpu.memory_space<hbm>>
      tpu.enqueue_indirect_dma source(%dma_start3A_687 : memref<20224x128xf32, #tpu.memory_space<hbm>>) target(%dma_start3A_681 : memref<128x128xf32, #tpu.memory_space<vmem>>) offsets(%dma_start3A_684 : memref<128xi32, #tpu.memory_space<vmem>>) semaphore(%arg12 : memref<!tpu.dma_semaphore, #tpu.memory_space<semaphore_mem>>)
      %dma_wait3A_688 = arith.constant 0 : i32
      %dma_wait3A_689 = arith.constant 0 : i32
      %dma_wait3A_690 = tpu.memref_slice %arg9[%scan3A, %dma_wait3A_688, %dma_wait3A_689] : memref<2x128x128xf32, #tpu.memory_space<vmem>> -> memref<1x128x128xf32, #tpu.memory_space<vmem>>
      %dma_wait3A_691 = tpu.memref_squeeze %dma_wait3A_690 : memref<1x128x128xf32, #tpu.memory_space<vmem>> -> memref<128x128xf32, #tpu.memory_space<vmem>>
      %dma_wait3A_692 = arith.constant 0 : i32
      %dma_wait3A_693 = arith.constant 0 : i32
      %dma_wait3A_694 = tpu.memref_slice %arg2[%dma_wait3A_692, %dma_wait3A_693] : memref<20224x128xf32, #tpu.memory_space<hbm>> -> memref<128x128xf32, #tpu.memory_space<hbm>>
      %dma_wait3A_695 = arith.constant 0 : i32
      %dma_wait3A_696 = arith.constant 0 : i32
      %dma_wait3A_697 = tpu.memref_slice %arg9[%scan3A, %dma_wait3A_695, %dma_wait3A_696] : memref<2x128x128xf32, #tpu.memory_space<vmem>> -> memref<1x128x128xf32, #tpu.memory_space<vmem>>
      %dma_wait3A_698 = tpu.memref_squeeze %dma_wait3A_697 : memref<1x128x128xf32, #tpu.memory_space<vmem>> -> memref<128x128xf32, #tpu.memory_space<vmem>>
      %dma_wait3A_699 = arith.constant 0 : i32
      %dma_wait3A_700 = arith.constant 0 : i32
      %dma_wait3A_701 = tpu.memref_slice %arg2[%dma_wait3A_699, %dma_wait3A_700] : memref<20224x128xf32, #tpu.memory_space<hbm>> -> memref<128x128xf32, #tpu.memory_space<hbm>>
      tpu.wait_dma2 semaphore(%arg12 : memref<!tpu.dma_semaphore, #tpu.memory_space<semaphore_mem>>) src(%dma_wait3A_701 : memref<128x128xf32, #tpu.memory_space<hbm>>) dst(%dma_wait3A_698 : memref<128x128xf32, #tpu.memory_space<vmem>>)
      %dma_start3A_702 = arith.constant 0 : i32
      %dma_start3A_703 = arith.constant 2 : i32
      %dma_start3A_704 = arith.constant 0 : i32
      %dma_start3A_705 = arith.constant 0 : i32
      %dma_start3A_706 = tpu.memref_slice %arg9[%dma_start3A_702, %dma_start3A_704, %dma_start3A_705] : memref<2x128x128xf32, #tpu.memory_space<vmem>> -> memref<1x128x128xf32, #tpu.memory_space<vmem>>
      %dma_start3A_707 = tpu.memref_squeeze %dma_start3A_706 : memref<1x128x128xf32, #tpu.memory_space<vmem>> -> memref<128x128xf32, #tpu.memory_space<vmem>>
      %dma_start3A_708 = arith.constant 0 : i32
      %dma_start3A_709 = tpu.memref_slice %arg8[%rem3A_554, %dma_start3A_703, %dma_start3A_708] : memref<3x8x128xi32, #tpu.memory_space<vmem>> -> memref<1x1x128xi32, #tpu.memory_space<vmem>>
      %dma_start3A_710 = tpu.memref_squeeze %dma_start3A_709 : memref<1x1x128xi32, #tpu.memory_space<vmem>> -> memref<128xi32, #tpu.memory_space<vmem>>
      %dma_start3A_711 = arith.constant 0 : i32
      %dma_start3A_712 = arith.constant 0 : i32
      %dma_start3A_713 = tpu.memref_slice %arg10[%dma_start3A_711, %dma_start3A_712] : memref<10112x128xf32, #tpu.memory_space<vmem_shared>> -> memref<10112x128xf32, #tpu.memory_space<vmem_shared>>
      tpu.enqueue_indirect_dma source(%dma_start3A_707 : memref<128x128xf32, #tpu.memory_space<vmem>>) target(%dma_start3A_713 : memref<10112x128xf32, #tpu.memory_space<vmem_shared>>) offsets(%dma_start3A_710 : memref<128xi32, #tpu.memory_space<vmem>>) semaphore(%arg14 : memref<!tpu.dma_semaphore, #tpu.memory_space<semaphore_mem>>) {add = true}
      %dma_wait3A_714 = arith.constant 0 : i32
      %dma_wait3A_715 = arith.constant 0 : i32
      %dma_wait3A_716 = tpu.memref_slice %arg9[%scan3A_502, %dma_wait3A_714, %dma_wait3A_715] : memref<2x128x128xf32, #tpu.memory_space<vmem>> -> memref<1x128x128xf32, #tpu.memory_space<vmem>>
      %dma_wait3A_717 = tpu.memref_squeeze %dma_wait3A_716 : memref<1x128x128xf32, #tpu.memory_space<vmem>> -> memref<128x128xf32, #tpu.memory_space<vmem>>
      %dma_wait3A_718 = arith.constant 0 : i32
      %dma_wait3A_719 = tpu.memref_slice %arg8[%scan3A_503, %scan3A_504, %dma_wait3A_718] : memref<3x8x128xi32, #tpu.memory_space<vmem>> -> memref<1x1x128xi32, #tpu.memory_space<vmem>>
      %dma_wait3A_720 = tpu.memref_squeeze %dma_wait3A_719 : memref<1x1x128xi32, #tpu.memory_space<vmem>> -> memref<128xi32, #tpu.memory_space<vmem>>
      %dma_wait3A_721 = arith.constant 0 : i32
      %dma_wait3A_722 = arith.constant 0 : i32
      %dma_wait3A_723 = tpu.memref_slice %arg10[%dma_wait3A_721, %dma_wait3A_722] : memref<10112x128xf32, #tpu.memory_space<vmem_shared>> -> memref<10112x128xf32, #tpu.memory_space<vmem_shared>>
      tpu.wait_indirect_dma semaphore(%arg15 : memref<!tpu.dma_semaphore, #tpu.memory_space<semaphore_mem>>) src(%dma_wait3A_717 : memref<128x128xf32, #tpu.memory_space<vmem>>) dst(%dma_wait3A_723 : memref<10112x128xf32, #tpu.memory_space<vmem_shared>>)
      %dma_start3A_724 = arith.constant 3 : i32
      %dma_start3A_725 = arith.constant 1 : i32
      %dma_start3A_726 = arith.constant 0 : i32
      %dma_start3A_727 = arith.constant 0 : i32
      %dma_start3A_728 = tpu.memref_slice %arg9[%dma_start3A_725, %dma_start3A_726, %dma_start3A_727] : memref<2x128x128xf32, #tpu.memory_space<vmem>> -> memref<1x128x128xf32, #tpu.memory_space<vmem>>
      %dma_start3A_729 = tpu.memref_squeeze %dma_start3A_728 : memref<1x128x128xf32, #tpu.memory_space<vmem>> -> memref<128x128xf32, #tpu.memory_space<vmem>>
      %dma_start3A_730 = arith.constant 0 : i32
      %dma_start3A_731 = tpu.memref_slice %arg7[%rem3A_554, %dma_start3A_724, %dma_start3A_730] : memref<3x8x128xi32, #tpu.memory_space<vmem>> -> memref<1x1x128xi32, #tpu.memory_space<vmem>>
      %dma_start3A_732 = tpu.memref_squeeze %dma_start3A_731 : memref<1x1x128xi32, #tpu.memory_space<vmem>> -> memref<128xi32, #tpu.memory_space<vmem>>
      %dma_start3A_733 = arith.constant 0 : i32
      %dma_start3A_734 = arith.constant 0 : i32
      %dma_start3A_735 = tpu.memref_slice %arg2[%dma_start3A_733, %dma_start3A_734] : memref<20224x128xf32, #tpu.memory_space<hbm>> -> memref<20224x128xf32, #tpu.memory_space<hbm>>
      tpu.enqueue_indirect_dma source(%dma_start3A_735 : memref<20224x128xf32, #tpu.memory_space<hbm>>) target(%dma_start3A_729 : memref<128x128xf32, #tpu.memory_space<vmem>>) offsets(%dma_start3A_732 : memref<128xi32, #tpu.memory_space<vmem>>) semaphore(%arg13 : memref<!tpu.dma_semaphore, #tpu.memory_space<semaphore_mem>>)
      %dma_wait3A_736 = arith.constant 0 : i32
      %dma_wait3A_737 = arith.constant 0 : i32
      %dma_wait3A_738 = tpu.memref_slice %arg9[%scan3A_505, %dma_wait3A_736, %dma_wait3A_737] : memref<2x128x128xf32, #tpu.memory_space<vmem>> -> memref<1x128x128xf32, #tpu.memory_space<vmem>>
      %dma_wait3A_739 = tpu.memref_squeeze %dma_wait3A_738 : memref<1x128x128xf32, #tpu.memory_space<vmem>> -> memref<128x128xf32, #tpu.memory_space<vmem>>
      %dma_wait3A_740 = arith.constant 0 : i32
      %dma_wait3A_741 = arith.constant 0 : i32
      %dma_wait3A_742 = tpu.memref_slice %arg2[%dma_wait3A_740, %dma_wait3A_741] : memref<20224x128xf32, #tpu.memory_space<hbm>> -> memref<128x128xf32, #tpu.memory_space<hbm>>
      %dma_wait3A_743 = arith.constant 0 : i32
      %dma_wait3A_744 = arith.constant 0 : i32
      %dma_wait3A_745 = tpu.memref_slice %arg9[%scan3A_505, %dma_wait3A_743, %dma_wait3A_744] : memref<2x128x128xf32, #tpu.memory_space<vmem>> -> memref<1x128x128xf32, #tpu.memory_space<vmem>>
      %dma_wait3A_746 = tpu.memref_squeeze %dma_wait3A_745 : memref<1x128x128xf32, #tpu.memory_space<vmem>> -> memref<128x128xf32, #tpu.memory_space<vmem>>
      %dma_wait3A_747 = arith.constant 0 : i32
      %dma_wait3A_748 = arith.constant 0 : i32
      %dma_wait3A_749 = tpu.memref_slice %arg2[%dma_wait3A_747, %dma_wait3A_748] : memref<20224x128xf32, #tpu.memory_space<hbm>> -> memref<128x128xf32, #tpu.memory_space<hbm>>
      tpu.wait_dma2 semaphore(%arg13 : memref<!tpu.dma_semaphore, #tpu.memory_space<semaphore_mem>>) src(%dma_wait3A_749 : memref<128x128xf32, #tpu.memory_space<hbm>>) dst(%dma_wait3A_746 : memref<128x128xf32, #tpu.memory_space<vmem>>)
      %dma_start3A_750 = arith.constant 1 : i32
      %dma_start3A_751 = arith.constant 3 : i32
      %dma_start3A_752 = arith.constant 0 : i32
      %dma_start3A_753 = arith.constant 0 : i32
      %dma_start3A_754 = tpu.memref_slice %arg9[%dma_start3A_750, %dma_start3A_752, %dma_start3A_753] : memref<2x128x128xf32, #tpu.memory_space<vmem>> -> memref<1x128x128xf32, #tpu.memory_space<vmem>>
      %dma_start3A_755 = tpu.memref_squeeze %dma_start3A_754 : memref<1x128x128xf32, #tpu.memory_space<vmem>> -> memref<128x128xf32, #tpu.memory_space<vmem>>
      %dma_start3A_756 = arith.constant 0 : i32
      %dma_start3A_757 = tpu.memref_slice %arg8[%rem3A_554, %dma_start3A_751, %dma_start3A_756] : memref<3x8x128xi32, #tpu.memory_space<vmem>> -> memref<1x1x128xi32, #tpu.memory_space<vmem>>
      %dma_start3A_758 = tpu.memref_squeeze %dma_start3A_757 : memref<1x1x128xi32, #tpu.memory_space<vmem>> -> memref<128xi32, #tpu.memory_space<vmem>>
      %dma_start3A_759 = arith.constant 0 : i32
      %dma_start3A_760 = arith.constant 0 : i32
      %dma_start3A_761 = tpu.memref_slice %arg10[%dma_start3A_759, %dma_start3A_760] : memref<10112x128xf32, #tpu.memory_space<vmem_shared>> -> memref<10112x128xf32, #tpu.memory_space<vmem_shared>>
      tpu.enqueue_indirect_dma source(%dma_start3A_755 : memref<128x128xf32, #tpu.memory_space<vmem>>) target(%dma_start3A_761 : memref<10112x128xf32, #tpu.memory_space<vmem_shared>>) offsets(%dma_start3A_758 : memref<128xi32, #tpu.memory_space<vmem>>) semaphore(%arg15 : memref<!tpu.dma_semaphore, #tpu.memory_space<semaphore_mem>>) {add = true}
      %dma_wait3A_762 = arith.constant 0 : i32
      %dma_wait3A_763 = arith.constant 0 : i32
      %dma_wait3A_764 = tpu.memref_slice %arg9[%scan3A_506, %dma_wait3A_762, %dma_wait3A_763] : memref<2x128x128xf32, #tpu.memory_space<vmem>> -> memref<1x128x128xf32, #tpu.memory_space<vmem>>
      %dma_wait3A_765 = tpu.memref_squeeze %dma_wait3A_764 : memref<1x128x128xf32, #tpu.memory_space<vmem>> -> memref<128x128xf32, #tpu.memory_space<vmem>>
      %dma_wait3A_766 = arith.constant 0 : i32
      %dma_wait3A_767 = tpu.memref_slice %arg8[%scan3A_507, %scan3A_508, %dma_wait3A_766] : memref<3x8x128xi32, #tpu.memory_space<vmem>> -> memref<1x1x128xi32, #tpu.memory_space<vmem>>
      %dma_wait3A_768 = tpu.memref_squeeze %dma_wait3A_767 : memref<1x1x128xi32, #tpu.memory_space<vmem>> -> memref<128xi32, #tpu.memory_space<vmem>>
      %dma_wait3A_769 = arith.constant 0 : i32
      %dma_wait3A_770 = arith.constant 0 : i32
      %dma_wait3A_771 = tpu.memref_slice %arg10[%dma_wait3A_769, %dma_wait3A_770] : memref<10112x128xf32, #tpu.memory_space<vmem_shared>> -> memref<10112x128xf32, #tpu.memory_space<vmem_shared>>
      tpu.wait_indirect_dma semaphore(%arg14 : memref<!tpu.dma_semaphore, #tpu.memory_space<semaphore_mem>>) src(%dma_wait3A_765 : memref<128x128xf32, #tpu.memory_space<vmem>>) dst(%dma_wait3A_771 : memref<10112x128xf32, #tpu.memory_space<vmem_shared>>)
      %dma_start3A_772 = arith.constant 4 : i32
      %dma_start3A_773 = arith.constant 0 : i32
      %dma_start3A_774 = arith.constant 0 : i32
      %dma_start3A_775 = arith.constant 0 : i32
      %dma_start3A_776 = tpu.memref_slice %arg9[%dma_start3A_773, %dma_start3A_774, %dma_start3A_775] : memref<2x128x128xf32, #tpu.memory_space<vmem>> -> memref<1x128x128xf32, #tpu.memory_space<vmem>>
      %dma_start3A_777 = tpu.memref_squeeze %dma_start3A_776 : memref<1x128x128xf32, #tpu.memory_space<vmem>> -> memref<128x128xf32, #tpu.memory_space<vmem>>
      %dma_start3A_778 = arith.constant 0 : i32
      %dma_start3A_779 = tpu.memref_slice %arg7[%rem3A_554, %dma_start3A_772, %dma_start3A_778] : memref<3x8x128xi32, #tpu.memory_space<vmem>> -> memref<1x1x128xi32, #tpu.memory_space<vmem>>
      %dma_start3A_780 = tpu.memref_squeeze %dma_start3A_779 : memref<1x1x128xi32, #tpu.memory_space<vmem>> -> memref<128xi32, #tpu.memory_space<vmem>>
      %dma_start3A_781 = arith.constant 0 : i32
      %dma_start3A_782 = arith.constant 0 : i32
      %dma_start3A_783 = tpu.memref_slice %arg2[%dma_start3A_781, %dma_start3A_782] : memref<20224x128xf32, #tpu.memory_space<hbm>> -> memref<20224x128xf32, #tpu.memory_space<hbm>>
      tpu.enqueue_indirect_dma source(%dma_start3A_783 : memref<20224x128xf32, #tpu.memory_space<hbm>>) target(%dma_start3A_777 : memref<128x128xf32, #tpu.memory_space<vmem>>) offsets(%dma_start3A_780 : memref<128xi32, #tpu.memory_space<vmem>>) semaphore(%arg12 : memref<!tpu.dma_semaphore, #tpu.memory_space<semaphore_mem>>)
      %dma_wait3A_784 = arith.constant 0 : i32
      %dma_wait3A_785 = arith.constant 0 : i32
      %dma_wait3A_786 = tpu.memref_slice %arg9[%scan3A, %dma_wait3A_784, %dma_wait3A_785] : memref<2x128x128xf32, #tpu.memory_space<vmem>> -> memref<1x128x128xf32, #tpu.memory_space<vmem>>
      %dma_wait3A_787 = tpu.memref_squeeze %dma_wait3A_786 : memref<1x128x128xf32, #tpu.memory_space<vmem>> -> memref<128x128xf32, #tpu.memory_space<vmem>>
      %dma_wait3A_788 = arith.constant 0 : i32
      %dma_wait3A_789 = arith.constant 0 : i32
      %dma_wait3A_790 = tpu.memref_slice %arg2[%dma_wait3A_788, %dma_wait3A_789] : memref<20224x128xf32, #tpu.memory_space<hbm>> -> memref<128x128xf32, #tpu.memory_space<hbm>>
      %dma_wait3A_791 = arith.constant 0 : i32
      %dma_wait3A_792 = arith.constant 0 : i32
      %dma_wait3A_793 = tpu.memref_slice %arg9[%scan3A, %dma_wait3A_791, %dma_wait3A_792] : memref<2x128x128xf32, #tpu.memory_space<vmem>> -> memref<1x128x128xf32, #tpu.memory_space<vmem>>
      %dma_wait3A_794 = tpu.memref_squeeze %dma_wait3A_793 : memref<1x128x128xf32, #tpu.memory_space<vmem>> -> memref<128x128xf32, #tpu.memory_space<vmem>>
      %dma_wait3A_795 = arith.constant 0 : i32
      %dma_wait3A_796 = arith.constant 0 : i32
      %dma_wait3A_797 = tpu.memref_slice %arg2[%dma_wait3A_795, %dma_wait3A_796] : memref<20224x128xf32, #tpu.memory_space<hbm>> -> memref<128x128xf32, #tpu.memory_space<hbm>>
      tpu.wait_dma2 semaphore(%arg12 : memref<!tpu.dma_semaphore, #tpu.memory_space<semaphore_mem>>) src(%dma_wait3A_797 : memref<128x128xf32, #tpu.memory_space<hbm>>) dst(%dma_wait3A_794 : memref<128x128xf32, #tpu.memory_space<vmem>>)
      %dma_start3A_798 = arith.constant 0 : i32
      %dma_start3A_799 = arith.constant 4 : i32
      %dma_start3A_800 = arith.constant 0 : i32
      %dma_start3A_801 = arith.constant 0 : i32
      %dma_start3A_802 = tpu.memref_slice %arg9[%dma_start3A_798, %dma_start3A_800, %dma_start3A_801] : memref<2x128x128xf32, #tpu.memory_space<vmem>> -> memref<1x128x128xf32, #tpu.memory_space<vmem>>
      %dma_start3A_803 = tpu.memref_squeeze %dma_start3A_802 : memref<1x128x128xf32, #tpu.memory_space<vmem>> -> memref<128x128xf32, #tpu.memory_space<vmem>>
      %dma_start3A_804 = arith.constant 0 : i32
      %dma_start3A_805 = tpu.memref_slice %arg8[%rem3A_554, %dma_start3A_799, %dma_start3A_804] : memref<3x8x128xi32, #tpu.memory_space<vmem>> -> memref<1x1x128xi32, #tpu.memory_space<vmem>>
      %dma_start3A_806 = tpu.memref_squeeze %dma_start3A_805 : memref<1x1x128xi32, #tpu.memory_space<vmem>> -> memref<128xi32, #tpu.memory_space<vmem>>
      %dma_start3A_807 = arith.constant 0 : i32
      %dma_start3A_808 = arith.constant 0 : i32
      %dma_start3A_809 = tpu.memref_slice %arg10[%dma_start3A_807, %dma_start3A_808] : memref<10112x128xf32, #tpu.memory_space<vmem_shared>> -> memref<10112x128xf32, #tpu.memory_space<vmem_shared>>
      tpu.enqueue_indirect_dma source(%dma_start3A_803 : memref<128x128xf32, #tpu.memory_space<vmem>>) target(%dma_start3A_809 : memref<10112x128xf32, #tpu.memory_space<vmem_shared>>) offsets(%dma_start3A_806 : memref<128xi32, #tpu.memory_space<vmem>>) semaphore(%arg14 : memref<!tpu.dma_semaphore, #tpu.memory_space<semaphore_mem>>) {add = true}
      %dma_wait3A_810 = arith.constant 0 : i32
      %dma_wait3A_811 = arith.constant 0 : i32
      %dma_wait3A_812 = tpu.memref_slice %arg9[%scan3A_502, %dma_wait3A_810, %dma_wait3A_811] : memref<2x128x128xf32, #tpu.memory_space<vmem>> -> memref<1x128x128xf32, #tpu.memory_space<vmem>>
      %dma_wait3A_813 = tpu.memref_squeeze %dma_wait3A_812 : memref<1x128x128xf32, #tpu.memory_space<vmem>> -> memref<128x128xf32, #tpu.memory_space<vmem>>
      %dma_wait3A_814 = arith.constant 0 : i32
      %dma_wait3A_815 = tpu.memref_slice %arg8[%scan3A_503, %scan3A_504, %dma_wait3A_814] : memref<3x8x128xi32, #tpu.memory_space<vmem>> -> memref<1x1x128xi32, #tpu.memory_space<vmem>>
      %dma_wait3A_816 = tpu.memref_squeeze %dma_wait3A_815 : memref<1x1x128xi32, #tpu.memory_space<vmem>> -> memref<128xi32, #tpu.memory_space<vmem>>
      %dma_wait3A_817 = arith.constant 0 : i32
      %dma_wait3A_818 = arith.constant 0 : i32
      %dma_wait3A_819 = tpu.memref_slice %arg10[%dma_wait3A_817, %dma_wait3A_818] : memref<10112x128xf32, #tpu.memory_space<vmem_shared>> -> memref<10112x128xf32, #tpu.memory_space<vmem_shared>>
      tpu.wait_indirect_dma semaphore(%arg15 : memref<!tpu.dma_semaphore, #tpu.memory_space<semaphore_mem>>) src(%dma_wait3A_813 : memref<128x128xf32, #tpu.memory_space<vmem>>) dst(%dma_wait3A_819 : memref<10112x128xf32, #tpu.memory_space<vmem_shared>>)
      %dma_start3A_820 = arith.constant 5 : i32
      %dma_start3A_821 = arith.constant 1 : i32
      %dma_start3A_822 = arith.constant 0 : i32
      %dma_start3A_823 = arith.constant 0 : i32
      %dma_start3A_824 = tpu.memref_slice %arg9[%dma_start3A_821, %dma_start3A_822, %dma_start3A_823] : memref<2x128x128xf32, #tpu.memory_space<vmem>> -> memref<1x128x128xf32, #tpu.memory_space<vmem>>
      %dma_start3A_825 = tpu.memref_squeeze %dma_start3A_824 : memref<1x128x128xf32, #tpu.memory_space<vmem>> -> memref<128x128xf32, #tpu.memory_space<vmem>>
      %dma_start3A_826 = arith.constant 0 : i32
      %dma_start3A_827 = tpu.memref_slice %arg7[%rem3A_554, %dma_start3A_820, %dma_start3A_826] : memref<3x8x128xi32, #tpu.memory_space<vmem>> -> memref<1x1x128xi32, #tpu.memory_space<vmem>>
      %dma_start3A_828 = tpu.memref_squeeze %dma_start3A_827 : memref<1x1x128xi32, #tpu.memory_space<vmem>> -> memref<128xi32, #tpu.memory_space<vmem>>
      %dma_start3A_829 = arith.constant 0 : i32
      %dma_start3A_830 = arith.constant 0 : i32
      %dma_start3A_831 = tpu.memref_slice %arg2[%dma_start3A_829, %dma_start3A_830] : memref<20224x128xf32, #tpu.memory_space<hbm>> -> memref<20224x128xf32, #tpu.memory_space<hbm>>
      tpu.enqueue_indirect_dma source(%dma_start3A_831 : memref<20224x128xf32, #tpu.memory_space<hbm>>) target(%dma_start3A_825 : memref<128x128xf32, #tpu.memory_space<vmem>>) offsets(%dma_start3A_828 : memref<128xi32, #tpu.memory_space<vmem>>) semaphore(%arg13 : memref<!tpu.dma_semaphore, #tpu.memory_space<semaphore_mem>>)
      %dma_wait3A_832 = arith.constant 0 : i32
      %dma_wait3A_833 = arith.constant 0 : i32
      %dma_wait3A_834 = tpu.memref_slice %arg9[%scan3A_505, %dma_wait3A_832, %dma_wait3A_833] : memref<2x128x128xf32, #tpu.memory_space<vmem>> -> memref<1x128x128xf32, #tpu.memory_space<vmem>>
      %dma_wait3A_835 = tpu.memref_squeeze %dma_wait3A_834 : memref<1x128x128xf32, #tpu.memory_space<vmem>> -> memref<128x128xf32, #tpu.memory_space<vmem>>
      %dma_wait3A_836 = arith.constant 0 : i32
      %dma_wait3A_837 = arith.constant 0 : i32
      %dma_wait3A_838 = tpu.memref_slice %arg2[%dma_wait3A_836, %dma_wait3A_837] : memref<20224x128xf32, #tpu.memory_space<hbm>> -> memref<128x128xf32, #tpu.memory_space<hbm>>
      %dma_wait3A_839 = arith.constant 0 : i32
      %dma_wait3A_840 = arith.constant 0 : i32
      %dma_wait3A_841 = tpu.memref_slice %arg9[%scan3A_505, %dma_wait3A_839, %dma_wait3A_840] : memref<2x128x128xf32, #tpu.memory_space<vmem>> -> memref<1x128x128xf32, #tpu.memory_space<vmem>>
      %dma_wait3A_842 = tpu.memref_squeeze %dma_wait3A_841 : memref<1x128x128xf32, #tpu.memory_space<vmem>> -> memref<128x128xf32, #tpu.memory_space<vmem>>
      %dma_wait3A_843 = arith.constant 0 : i32
      %dma_wait3A_844 = arith.constant 0 : i32
      %dma_wait3A_845 = tpu.memref_slice %arg2[%dma_wait3A_843, %dma_wait3A_844] : memref<20224x128xf32, #tpu.memory_space<hbm>> -> memref<128x128xf32, #tpu.memory_space<hbm>>
      tpu.wait_dma2 semaphore(%arg13 : memref<!tpu.dma_semaphore, #tpu.memory_space<semaphore_mem>>) src(%dma_wait3A_845 : memref<128x128xf32, #tpu.memory_space<hbm>>) dst(%dma_wait3A_842 : memref<128x128xf32, #tpu.memory_space<vmem>>)
      %dma_start3A_846 = arith.constant 1 : i32
      %dma_start3A_847 = arith.constant 5 : i32
      %dma_start3A_848 = arith.constant 0 : i32
      %dma_start3A_849 = arith.constant 0 : i32
      %dma_start3A_850 = tpu.memref_slice %arg9[%dma_start3A_846, %dma_start3A_848, %dma_start3A_849] : memref<2x128x128xf32, #tpu.memory_space<vmem>> -> memref<1x128x128xf32, #tpu.memory_space<vmem>>
      %dma_start3A_851 = tpu.memref_squeeze %dma_start3A_850 : memref<1x128x128xf32, #tpu.memory_space<vmem>> -> memref<128x128xf32, #tpu.memory_space<vmem>>
      %dma_start3A_852 = arith.constant 0 : i32
      %dma_start3A_853 = tpu.memref_slice %arg8[%rem3A_554, %dma_start3A_847, %dma_start3A_852] : memref<3x8x128xi32, #tpu.memory_space<vmem>> -> memref<1x1x128xi32, #tpu.memory_space<vmem>>
      %dma_start3A_854 = tpu.memref_squeeze %dma_start3A_853 : memref<1x1x128xi32, #tpu.memory_space<vmem>> -> memref<128xi32, #tpu.memory_space<vmem>>
      %dma_start3A_855 = arith.constant 0 : i32
      %dma_start3A_856 = arith.constant 0 : i32
      %dma_start3A_857 = tpu.memref_slice %arg10[%dma_start3A_855, %dma_start3A_856] : memref<10112x128xf32, #tpu.memory_space<vmem_shared>> -> memref<10112x128xf32, #tpu.memory_space<vmem_shared>>
      tpu.enqueue_indirect_dma source(%dma_start3A_851 : memref<128x128xf32, #tpu.memory_space<vmem>>) target(%dma_start3A_857 : memref<10112x128xf32, #tpu.memory_space<vmem_shared>>) offsets(%dma_start3A_854 : memref<128xi32, #tpu.memory_space<vmem>>) semaphore(%arg15 : memref<!tpu.dma_semaphore, #tpu.memory_space<semaphore_mem>>) {add = true}
      %dma_wait3A_858 = arith.constant 0 : i32
      %dma_wait3A_859 = arith.constant 0 : i32
      %dma_wait3A_860 = tpu.memref_slice %arg9[%scan3A_506, %dma_wait3A_858, %dma_wait3A_859] : memref<2x128x128xf32, #tpu.memory_space<vmem>> -> memref<1x128x128xf32, #tpu.memory_space<vmem>>
      %dma_wait3A_861 = tpu.memref_squeeze %dma_wait3A_860 : memref<1x128x128xf32, #tpu.memory_space<vmem>> -> memref<128x128xf32, #tpu.memory_space<vmem>>
      %dma_wait3A_862 = arith.constant 0 : i32
      %dma_wait3A_863 = tpu.memref_slice %arg8[%scan3A_507, %scan3A_508, %dma_wait3A_862] : memref<3x8x128xi32, #tpu.memory_space<vmem>> -> memref<1x1x128xi32, #tpu.memory_space<vmem>>
      %dma_wait3A_864 = tpu.memref_squeeze %dma_wait3A_863 : memref<1x1x128xi32, #tpu.memory_space<vmem>> -> memref<128xi32, #tpu.memory_space<vmem>>
      %dma_wait3A_865 = arith.constant 0 : i32
      %dma_wait3A_866 = arith.constant 0 : i32
      %dma_wait3A_867 = tpu.memref_slice %arg10[%dma_wait3A_865, %dma_wait3A_866] : memref<10112x128xf32, #tpu.memory_space<vmem_shared>> -> memref<10112x128xf32, #tpu.memory_space<vmem_shared>>
      tpu.wait_indirect_dma semaphore(%arg14 : memref<!tpu.dma_semaphore, #tpu.memory_space<semaphore_mem>>) src(%dma_wait3A_861 : memref<128x128xf32, #tpu.memory_space<vmem>>) dst(%dma_wait3A_867 : memref<10112x128xf32, #tpu.memory_space<vmem_shared>>)
      %dma_start3A_868 = arith.constant 6 : i32
      %dma_start3A_869 = arith.constant 0 : i32
      %dma_start3A_870 = arith.constant 0 : i32
      %dma_start3A_871 = arith.constant 0 : i32
      %dma_start3A_872 = tpu.memref_slice %arg9[%dma_start3A_869, %dma_start3A_870, %dma_start3A_871] : memref<2x128x128xf32, #tpu.memory_space<vmem>> -> memref<1x128x128xf32, #tpu.memory_space<vmem>>
      %dma_start3A_873 = tpu.memref_squeeze %dma_start3A_872 : memref<1x128x128xf32, #tpu.memory_space<vmem>> -> memref<128x128xf32, #tpu.memory_space<vmem>>
      %dma_start3A_874 = arith.constant 0 : i32
      %dma_start3A_875 = tpu.memref_slice %arg7[%rem3A_554, %dma_start3A_868, %dma_start3A_874] : memref<3x8x128xi32, #tpu.memory_space<vmem>> -> memref<1x1x128xi32, #tpu.memory_space<vmem>>
      %dma_start3A_876 = tpu.memref_squeeze %dma_start3A_875 : memref<1x1x128xi32, #tpu.memory_space<vmem>> -> memref<128xi32, #tpu.memory_space<vmem>>
      %dma_start3A_877 = arith.constant 0 : i32
      %dma_start3A_878 = arith.constant 0 : i32
      %dma_start3A_879 = tpu.memref_slice %arg2[%dma_start3A_877, %dma_start3A_878] : memref<20224x128xf32, #tpu.memory_space<hbm>> -> memref<20224x128xf32, #tpu.memory_space<hbm>>
      tpu.enqueue_indirect_dma source(%dma_start3A_879 : memref<20224x128xf32, #tpu.memory_space<hbm>>) target(%dma_start3A_873 : memref<128x128xf32, #tpu.memory_space<vmem>>) offsets(%dma_start3A_876 : memref<128xi32, #tpu.memory_space<vmem>>) semaphore(%arg12 : memref<!tpu.dma_semaphore, #tpu.memory_space<semaphore_mem>>)
      %dma_wait3A_880 = arith.constant 0 : i32
      %dma_wait3A_881 = arith.constant 0 : i32
      %dma_wait3A_882 = tpu.memref_slice %arg9[%scan3A, %dma_wait3A_880, %dma_wait3A_881] : memref<2x128x128xf32, #tpu.memory_space<vmem>> -> memref<1x128x128xf32, #tpu.memory_space<vmem>>
      %dma_wait3A_883 = tpu.memref_squeeze %dma_wait3A_882 : memref<1x128x128xf32, #tpu.memory_space<vmem>> -> memref<128x128xf32, #tpu.memory_space<vmem>>
      %dma_wait3A_884 = arith.constant 0 : i32
      %dma_wait3A_885 = arith.constant 0 : i32
      %dma_wait3A_886 = tpu.memref_slice %arg2[%dma_wait3A_884, %dma_wait3A_885] : memref<20224x128xf32, #tpu.memory_space<hbm>> -> memref<128x128xf32, #tpu.memory_space<hbm>>
      %dma_wait3A_887 = arith.constant 0 : i32
      %dma_wait3A_888 = arith.constant 0 : i32
      %dma_wait3A_889 = tpu.memref_slice %arg9[%scan3A, %dma_wait3A_887, %dma_wait3A_888] : memref<2x128x128xf32, #tpu.memory_space<vmem>> -> memref<1x128x128xf32, #tpu.memory_space<vmem>>
      %dma_wait3A_890 = tpu.memref_squeeze %dma_wait3A_889 : memref<1x128x128xf32, #tpu.memory_space<vmem>> -> memref<128x128xf32, #tpu.memory_space<vmem>>
      %dma_wait3A_891 = arith.constant 0 : i32
      %dma_wait3A_892 = arith.constant 0 : i32
      %dma_wait3A_893 = tpu.memref_slice %arg2[%dma_wait3A_891, %dma_wait3A_892] : memref<20224x128xf32, #tpu.memory_space<hbm>> -> memref<128x128xf32, #tpu.memory_space<hbm>>
      tpu.wait_dma2 semaphore(%arg12 : memref<!tpu.dma_semaphore, #tpu.memory_space<semaphore_mem>>) src(%dma_wait3A_893 : memref<128x128xf32, #tpu.memory_space<hbm>>) dst(%dma_wait3A_890 : memref<128x128xf32, #tpu.memory_space<vmem>>)
      %dma_start3A_894 = arith.constant 0 : i32
      %dma_start3A_895 = arith.constant 6 : i32
      %dma_start3A_896 = arith.constant 0 : i32
      %dma_start3A_897 = arith.constant 0 : i32
      %dma_start3A_898 = tpu.memref_slice %arg9[%dma_start3A_894, %dma_start3A_896, %dma_start3A_897] : memref<2x128x128xf32, #tpu.memory_space<vmem>> -> memref<1x128x128xf32, #tpu.memory_space<vmem>>
      %dma_start3A_899 = tpu.memref_squeeze %dma_start3A_898 : memref<1x128x128xf32, #tpu.memory_space<vmem>> -> memref<128x128xf32, #tpu.memory_space<vmem>>
      %dma_start3A_900 = arith.constant 0 : i32
      %dma_start3A_901 = tpu.memref_slice %arg8[%rem3A_554, %dma_start3A_895, %dma_start3A_900] : memref<3x8x128xi32, #tpu.memory_space<vmem>> -> memref<1x1x128xi32, #tpu.memory_space<vmem>>
      %dma_start3A_902 = tpu.memref_squeeze %dma_start3A_901 : memref<1x1x128xi32, #tpu.memory_space<vmem>> -> memref<128xi32, #tpu.memory_space<vmem>>
      %dma_start3A_903 = arith.constant 0 : i32
      %dma_start3A_904 = arith.constant 0 : i32
      %dma_start3A_905 = tpu.memref_slice %arg10[%dma_start3A_903, %dma_start3A_904] : memref<10112x128xf32, #tpu.memory_space<vmem_shared>> -> memref<10112x128xf32, #tpu.memory_space<vmem_shared>>
      tpu.enqueue_indirect_dma source(%dma_start3A_899 : memref<128x128xf32, #tpu.memory_space<vmem>>) target(%dma_start3A_905 : memref<10112x128xf32, #tpu.memory_space<vmem_shared>>) offsets(%dma_start3A_902 : memref<128xi32, #tpu.memory_space<vmem>>) semaphore(%arg14 : memref<!tpu.dma_semaphore, #tpu.memory_space<semaphore_mem>>) {add = true}
      %dma_wait3A_906 = arith.constant 0 : i32
      %dma_wait3A_907 = arith.constant 0 : i32
      %dma_wait3A_908 = tpu.memref_slice %arg9[%scan3A_502, %dma_wait3A_906, %dma_wait3A_907] : memref<2x128x128xf32, #tpu.memory_space<vmem>> -> memref<1x128x128xf32, #tpu.memory_space<vmem>>
      %dma_wait3A_909 = tpu.memref_squeeze %dma_wait3A_908 : memref<1x128x128xf32, #tpu.memory_space<vmem>> -> memref<128x128xf32, #tpu.memory_space<vmem>>
      %dma_wait3A_910 = arith.constant 0 : i32
      %dma_wait3A_911 = tpu.memref_slice %arg8[%scan3A_503, %scan3A_504, %dma_wait3A_910] : memref<3x8x128xi32, #tpu.memory_space<vmem>> -> memref<1x1x128xi32, #tpu.memory_space<vmem>>
      %dma_wait3A_912 = tpu.memref_squeeze %dma_wait3A_911 : memref<1x1x128xi32, #tpu.memory_space<vmem>> -> memref<128xi32, #tpu.memory_space<vmem>>
      %dma_wait3A_913 = arith.constant 0 : i32
      %dma_wait3A_914 = arith.constant 0 : i32
      %dma_wait3A_915 = tpu.memref_slice %arg10[%dma_wait3A_913, %dma_wait3A_914] : memref<10112x128xf32, #tpu.memory_space<vmem_shared>> -> memref<10112x128xf32, #tpu.memory_space<vmem_shared>>
      tpu.wait_indirect_dma semaphore(%arg15 : memref<!tpu.dma_semaphore, #tpu.memory_space<semaphore_mem>>) src(%dma_wait3A_909 : memref<128x128xf32, #tpu.memory_space<vmem>>) dst(%dma_wait3A_915 : memref<10112x128xf32, #tpu.memory_space<vmem_shared>>)
      %dma_start3A_916 = arith.constant 7 : i32
      %dma_start3A_917 = arith.constant 1 : i32
      %dma_start3A_918 = arith.constant 0 : i32
      %dma_start3A_919 = arith.constant 0 : i32
      %dma_start3A_920 = tpu.memref_slice %arg9[%dma_start3A_917, %dma_start3A_918, %dma_start3A_919] : memref<2x128x128xf32, #tpu.memory_space<vmem>> -> memref<1x128x128xf32, #tpu.memory_space<vmem>>
      %dma_start3A_921 = tpu.memref_squeeze %dma_start3A_920 : memref<1x128x128xf32, #tpu.memory_space<vmem>> -> memref<128x128xf32, #tpu.memory_space<vmem>>
      %dma_start3A_922 = arith.constant 0 : i32
      %dma_start3A_923 = tpu.memref_slice %arg7[%rem3A_554, %dma_start3A_916, %dma_start3A_922] : memref<3x8x128xi32, #tpu.memory_space<vmem>> -> memref<1x1x128xi32, #tpu.memory_space<vmem>>
      %dma_start3A_924 = tpu.memref_squeeze %dma_start3A_923 : memref<1x1x128xi32, #tpu.memory_space<vmem>> -> memref<128xi32, #tpu.memory_space<vmem>>
      %dma_start3A_925 = arith.constant 0 : i32
      %dma_start3A_926 = arith.constant 0 : i32
      %dma_start3A_927 = tpu.memref_slice %arg2[%dma_start3A_925, %dma_start3A_926] : memref<20224x128xf32, #tpu.memory_space<hbm>> -> memref<20224x128xf32, #tpu.memory_space<hbm>>
      tpu.enqueue_indirect_dma source(%dma_start3A_927 : memref<20224x128xf32, #tpu.memory_space<hbm>>) target(%dma_start3A_921 : memref<128x128xf32, #tpu.memory_space<vmem>>) offsets(%dma_start3A_924 : memref<128xi32, #tpu.memory_space<vmem>>) semaphore(%arg13 : memref<!tpu.dma_semaphore, #tpu.memory_space<semaphore_mem>>)
      %dma_wait3A_928 = arith.constant 0 : i32
      %dma_wait3A_929 = arith.constant 0 : i32
      %dma_wait3A_930 = tpu.memref_slice %arg9[%scan3A_505, %dma_wait3A_928, %dma_wait3A_929] : memref<2x128x128xf32, #tpu.memory_space<vmem>> -> memref<1x128x128xf32, #tpu.memory_space<vmem>>
      %dma_wait3A_931 = tpu.memref_squeeze %dma_wait3A_930 : memref<1x128x128xf32, #tpu.memory_space<vmem>> -> memref<128x128xf32, #tpu.memory_space<vmem>>
      %dma_wait3A_932 = arith.constant 0 : i32
      %dma_wait3A_933 = arith.constant 0 : i32
      %dma_wait3A_934 = tpu.memref_slice %arg2[%dma_wait3A_932, %dma_wait3A_933] : memref<20224x128xf32, #tpu.memory_space<hbm>> -> memref<128x128xf32, #tpu.memory_space<hbm>>
      %dma_wait3A_935 = arith.constant 0 : i32
      %dma_wait3A_936 = arith.constant 0 : i32
      %dma_wait3A_937 = tpu.memref_slice %arg9[%scan3A_505, %dma_wait3A_935, %dma_wait3A_936] : memref<2x128x128xf32, #tpu.memory_space<vmem>> -> memref<1x128x128xf32, #tpu.memory_space<vmem>>
      %dma_wait3A_938 = tpu.memref_squeeze %dma_wait3A_937 : memref<1x128x128xf32, #tpu.memory_space<vmem>> -> memref<128x128xf32, #tpu.memory_space<vmem>>
      %dma_wait3A_939 = arith.constant 0 : i32
      %dma_wait3A_940 = arith.constant 0 : i32
      %dma_wait3A_941 = tpu.memref_slice %arg2[%dma_wait3A_939, %dma_wait3A_940] : memref<20224x128xf32, #tpu.memory_space<hbm>> -> memref<128x128xf32, #tpu.memory_space<hbm>>
      tpu.wait_dma2 semaphore(%arg13 : memref<!tpu.dma_semaphore, #tpu.memory_space<semaphore_mem>>) src(%dma_wait3A_941 : memref<128x128xf32, #tpu.memory_space<hbm>>) dst(%dma_wait3A_938 : memref<128x128xf32, #tpu.memory_space<vmem>>)
      %dma_start3A_942 = arith.constant 1 : i32
      %dma_start3A_943 = arith.constant 7 : i32
      %dma_start3A_944 = arith.constant 0 : i32
      %dma_start3A_945 = arith.constant 0 : i32
      %dma_start3A_946 = tpu.memref_slice %arg9[%dma_start3A_942, %dma_start3A_944, %dma_start3A_945] : memref<2x128x128xf32, #tpu.memory_space<vmem>> -> memref<1x128x128xf32, #tpu.memory_space<vmem>>
      %dma_start3A_947 = tpu.memref_squeeze %dma_start3A_946 : memref<1x128x128xf32, #tpu.memory_space<vmem>> -> memref<128x128xf32, #tpu.memory_space<vmem>>
      %dma_start3A_948 = arith.constant 0 : i32
      %dma_start3A_949 = tpu.memref_slice %arg8[%rem3A_554, %dma_start3A_943, %dma_start3A_948] : memref<3x8x128xi32, #tpu.memory_space<vmem>> -> memref<1x1x128xi32, #tpu.memory_space<vmem>>
      %dma_start3A_950 = tpu.memref_squeeze %dma_start3A_949 : memref<1x1x128xi32, #tpu.memory_space<vmem>> -> memref<128xi32, #tpu.memory_space<vmem>>
      %dma_start3A_951 = arith.constant 0 : i32
      %dma_start3A_952 = arith.constant 0 : i32
      %dma_start3A_953 = tpu.memref_slice %arg10[%dma_start3A_951, %dma_start3A_952] : memref<10112x128xf32, #tpu.memory_space<vmem_shared>> -> memref<10112x128xf32, #tpu.memory_space<vmem_shared>>
      tpu.enqueue_indirect_dma source(%dma_start3A_947 : memref<128x128xf32, #tpu.memory_space<vmem>>) target(%dma_start3A_953 : memref<10112x128xf32, #tpu.memory_space<vmem_shared>>) offsets(%dma_start3A_950 : memref<128xi32, #tpu.memory_space<vmem>>) semaphore(%arg15 : memref<!tpu.dma_semaphore, #tpu.memory_space<semaphore_mem>>) {add = true}
      %dma_wait3A_954 = arith.constant 0 : i32
      %dma_wait3A_955 = arith.constant 0 : i32
      %dma_wait3A_956 = tpu.memref_slice %arg9[%scan3A_506, %dma_wait3A_954, %dma_wait3A_955] : memref<2x128x128xf32, #tpu.memory_space<vmem>> -> memref<1x128x128xf32, #tpu.memory_space<vmem>>
      %dma_wait3A_957 = tpu.memref_squeeze %dma_wait3A_956 : memref<1x128x128xf32, #tpu.memory_space<vmem>> -> memref<128x128xf32, #tpu.memory_space<vmem>>
      %dma_wait3A_958 = arith.constant 0 : i32
      %dma_wait3A_959 = tpu.memref_slice %arg8[%scan3A_507, %scan3A_508, %dma_wait3A_958] : memref<3x8x128xi32, #tpu.memory_space<vmem>> -> memref<1x1x128xi32, #tpu.memory_space<vmem>>
      %dma_wait3A_960 = tpu.memref_squeeze %dma_wait3A_959 : memref<1x1x128xi32, #tpu.memory_space<vmem>> -> memref<128xi32, #tpu.memory_space<vmem>>
      %dma_wait3A_961 = arith.constant 0 : i32
      %dma_wait3A_962 = arith.constant 0 : i32
      %dma_wait3A_963 = tpu.memref_slice %arg10[%dma_wait3A_961, %dma_wait3A_962] : memref<10112x128xf32, #tpu.memory_space<vmem_shared>> -> memref<10112x128xf32, #tpu.memory_space<vmem_shared>>
      tpu.wait_indirect_dma semaphore(%arg14 : memref<!tpu.dma_semaphore, #tpu.memory_space<semaphore_mem>>) src(%dma_wait3A_957 : memref<128x128xf32, #tpu.memory_space<vmem>>) dst(%dma_wait3A_963 : memref<10112x128xf32, #tpu.memory_space<vmem_shared>>)
      %dma_start3A_964 = arith.constant 0 : i32
      %dma_start3A_965 = arith.constant 0 : i32
      %dma_start3A_966 = arith.constant 0 : i32
      %dma_start3A_967 = arith.constant 0 : i32
      %dma_start3A_968 = tpu.memref_slice %arg9[%dma_start3A_965, %dma_start3A_966, %dma_start3A_967] : memref<2x128x128xf32, #tpu.memory_space<vmem>> -> memref<1x128x128xf32, #tpu.memory_space<vmem>>
      %dma_start3A_969 = tpu.memref_squeeze %dma_start3A_968 : memref<1x128x128xf32, #tpu.memory_space<vmem>> -> memref<128x128xf32, #tpu.memory_space<vmem>>
      %dma_start3A_970 = arith.constant 0 : i32
      %dma_start3A_971 = tpu.memref_slice %arg7[%rem3A_558, %dma_start3A_964, %dma_start3A_970] : memref<3x8x128xi32, #tpu.memory_space<vmem>> -> memref<1x1x128xi32, #tpu.memory_space<vmem>>
      %dma_start3A_972 = tpu.memref_squeeze %dma_start3A_971 : memref<1x1x128xi32, #tpu.memory_space<vmem>> -> memref<128xi32, #tpu.memory_space<vmem>>
      %dma_start3A_973 = arith.constant 0 : i32
      %dma_start3A_974 = arith.constant 0 : i32
      %dma_start3A_975 = tpu.memref_slice %arg2[%dma_start3A_973, %dma_start3A_974] : memref<20224x128xf32, #tpu.memory_space<hbm>> -> memref<20224x128xf32, #tpu.memory_space<hbm>>
      tpu.enqueue_indirect_dma source(%dma_start3A_975 : memref<20224x128xf32, #tpu.memory_space<hbm>>) target(%dma_start3A_969 : memref<128x128xf32, #tpu.memory_space<vmem>>) offsets(%dma_start3A_972 : memref<128xi32, #tpu.memory_space<vmem>>) semaphore(%arg12 : memref<!tpu.dma_semaphore, #tpu.memory_space<semaphore_mem>>)
      %dma_wait3A_976 = arith.constant 0 : i32
      %dma_wait3A_977 = arith.constant 0 : i32
      %dma_wait3A_978 = tpu.memref_slice %arg7[%scan3A_509, %dma_wait3A_976, %dma_wait3A_977] : memref<3x8x128xi32, #tpu.memory_space<vmem>> -> memref<1x8x128xi32, #tpu.memory_space<vmem>>
      %dma_wait3A_979 = tpu.memref_squeeze %dma_wait3A_978 : memref<1x8x128xi32, #tpu.memory_space<vmem>> -> memref<8x128xi32, #tpu.memory_space<vmem>>
      %dma_wait3A_980 = arith.constant 0 : i32
      %dma_wait3A_981 = arith.constant 0 : i32
      %dma_wait3A_982 = tpu.memref_slice %arg3[%dma_wait3A_980, %dma_wait3A_981] : memref<2592x128xi32, #tpu.memory_space<hbm>> -> memref<8x128xi32, #tpu.memory_space<hbm>>
      %dma_wait3A_983 = arith.constant 0 : i32
      %dma_wait3A_984 = arith.constant 0 : i32
      %dma_wait3A_985 = tpu.memref_slice %arg7[%scan3A_509, %dma_wait3A_983, %dma_wait3A_984] : memref<3x8x128xi32, #tpu.memory_space<vmem>> -> memref<1x8x128xi32, #tpu.memory_space<vmem>>
      %dma_wait3A_986 = tpu.memref_squeeze %dma_wait3A_985 : memref<1x8x128xi32, #tpu.memory_space<vmem>> -> memref<8x128xi32, #tpu.memory_space<vmem>>
      %dma_wait3A_987 = arith.constant 0 : i32
      %dma_wait3A_988 = arith.constant 0 : i32
      %dma_wait3A_989 = tpu.memref_slice %arg3[%dma_wait3A_987, %dma_wait3A_988] : memref<2592x128xi32, #tpu.memory_space<hbm>> -> memref<8x128xi32, #tpu.memory_space<hbm>>
      tpu.wait_dma2 semaphore(%arg11 : memref<!tpu.dma_semaphore, #tpu.memory_space<semaphore_mem>>) src(%dma_wait3A_989 : memref<8x128xi32, #tpu.memory_space<hbm>>) dst(%dma_wait3A_986 : memref<8x128xi32, #tpu.memory_space<vmem>>)
      %dma_wait3A_990 = arith.constant 0 : i32
      %dma_wait3A_991 = arith.constant 0 : i32
      %dma_wait3A_992 = tpu.memref_slice %arg8[%scan3A_510, %dma_wait3A_990, %dma_wait3A_991] : memref<3x8x128xi32, #tpu.memory_space<vmem>> -> memref<1x8x128xi32, #tpu.memory_space<vmem>>
      %dma_wait3A_993 = tpu.memref_squeeze %dma_wait3A_992 : memref<1x8x128xi32, #tpu.memory_space<vmem>> -> memref<8x128xi32, #tpu.memory_space<vmem>>
      %dma_wait3A_994 = arith.constant 0 : i32
      %dma_wait3A_995 = arith.constant 0 : i32
      %dma_wait3A_996 = tpu.memref_slice %arg4[%dma_wait3A_994, %dma_wait3A_995] : memref<2592x128xi32, #tpu.memory_space<hbm>> -> memref<8x128xi32, #tpu.memory_space<hbm>>
      %dma_wait3A_997 = arith.constant 0 : i32
      %dma_wait3A_998 = arith.constant 0 : i32
      %dma_wait3A_999 = tpu.memref_slice %arg8[%scan3A_510, %dma_wait3A_997, %dma_wait3A_998] : memref<3x8x128xi32, #tpu.memory_space<vmem>> -> memref<1x8x128xi32, #tpu.memory_space<vmem>>
      %dma_wait3A_1000 = tpu.memref_squeeze %dma_wait3A_999 : memref<1x8x128xi32, #tpu.memory_space<vmem>> -> memref<8x128xi32, #tpu.memory_space<vmem>>
      %dma_wait3A_1001 = arith.constant 0 : i32
      %dma_wait3A_1002 = arith.constant 0 : i32
      %dma_wait3A_1003 = tpu.memref_slice %arg4[%dma_wait3A_1001, %dma_wait3A_1002] : memref<2592x128xi32, #tpu.memory_space<hbm>> -> memref<8x128xi32, #tpu.memory_space<hbm>>
      tpu.wait_dma2 semaphore(%arg11 : memref<!tpu.dma_semaphore, #tpu.memory_space<semaphore_mem>>) src(%dma_wait3A_1003 : memref<8x128xi32, #tpu.memory_space<hbm>>) dst(%dma_wait3A_1000 : memref<8x128xi32, #tpu.memory_space<vmem>>)
    }
    %scan3A_515 = arith.constant 9 : i32
    %dma_wait3A_516 = arith.constant 1 : i32
    %dma_wait3A_517 = arith.constant 0 : i32
    %dma_wait3A_518 = arith.constant 0 : i32
    %dma_wait3A_519 = arith.constant 0 : i32
    %dma_wait3A_520 = arith.constant 0 : i32
    %dma_wait3A_521 = tpu.memref_slice %arg9[%dma_wait3A_516, %dma_wait3A_519, %dma_wait3A_520] : memref<2x128x128xf32, #tpu.memory_space<vmem>> -> memref<1x128x128xf32, #tpu.memory_space<vmem>>
    %dma_wait3A_522 = tpu.memref_squeeze %dma_wait3A_521 : memref<1x128x128xf32, #tpu.memory_space<vmem>> -> memref<128x128xf32, #tpu.memory_space<vmem>>
    %dma_wait3A_523 = arith.constant 0 : i32
    %dma_wait3A_524 = tpu.memref_slice %arg8[%dma_wait3A_517, %dma_wait3A_518, %dma_wait3A_523] : memref<3x8x128xi32, #tpu.memory_space<vmem>> -> memref<1x1x128xi32, #tpu.memory_space<vmem>>
    %dma_wait3A_525 = tpu.memref_squeeze %dma_wait3A_524 : memref<1x1x128xi32, #tpu.memory_space<vmem>> -> memref<128xi32, #tpu.memory_space<vmem>>
    %dma_wait3A_526 = arith.constant 0 : i32
    %dma_wait3A_527 = arith.constant 0 : i32
    %dma_wait3A_528 = tpu.memref_slice %arg10[%dma_wait3A_526, %dma_wait3A_527] : memref<10112x128xf32, #tpu.memory_space<vmem_shared>> -> memref<10112x128xf32, #tpu.memory_space<vmem_shared>>
    tpu.wait_indirect_dma semaphore(%arg15 : memref<!tpu.dma_semaphore, #tpu.memory_space<semaphore_mem>>) src(%dma_wait3A_522 : memref<128x128xf32, #tpu.memory_space<vmem>>) dst(%dma_wait3A_528 : memref<10112x128xf32, #tpu.memory_space<vmem_shared>>)
    %dma_wait3A_529 = arith.constant 0 : i32
    %dma_wait3A_530 = arith.constant 0 : i32
    %dma_wait3A_531 = arith.constant 0 : i32
    %dma_wait3A_532 = tpu.memref_slice %arg9[%dma_wait3A_529, %dma_wait3A_530, %dma_wait3A_531] : memref<2x128x128xf32, #tpu.memory_space<vmem>> -> memref<1x128x128xf32, #tpu.memory_space<vmem>>
    %dma_wait3A_533 = tpu.memref_squeeze %dma_wait3A_532 : memref<1x128x128xf32, #tpu.memory_space<vmem>> -> memref<128x128xf32, #tpu.memory_space<vmem>>
    %dma_wait3A_534 = arith.constant 0 : i32
    %dma_wait3A_535 = arith.constant 0 : i32
    %dma_wait3A_536 = tpu.memref_slice %arg2[%dma_wait3A_534, %dma_wait3A_535] : memref<20224x128xf32, #tpu.memory_space<hbm>> -> memref<128x128xf32, #tpu.memory_space<hbm>>
    %dma_wait3A_537 = arith.constant 0 : i32
    %dma_wait3A_538 = arith.constant 0 : i32
    %dma_wait3A_539 = tpu.memref_slice %arg9[%dma_wait3A_529, %dma_wait3A_537, %dma_wait3A_538] : memref<2x128x128xf32, #tpu.memory_space<vmem>> -> memref<1x128x128xf32, #tpu.memory_space<vmem>>
    %dma_wait3A_540 = tpu.memref_squeeze %dma_wait3A_539 : memref<1x128x128xf32, #tpu.memory_space<vmem>> -> memref<128x128xf32, #tpu.memory_space<vmem>>
    %dma_wait3A_541 = arith.constant 0 : i32
    %dma_wait3A_542 = arith.constant 0 : i32
    %dma_wait3A_543 = tpu.memref_slice %arg2[%dma_wait3A_541, %dma_wait3A_542] : memref<20224x128xf32, #tpu.memory_space<hbm>> -> memref<128x128xf32, #tpu.memory_space<hbm>>
    tpu.wait_dma2 semaphore(%arg12 : memref<!tpu.dma_semaphore, #tpu.memory_space<semaphore_mem>>) src(%dma_wait3A_543 : memref<128x128xf32, #tpu.memory_space<hbm>>) dst(%dma_wait3A_540 : memref<128x128xf32, #tpu.memory_space<vmem>>)
    %barrier3A_544 = arith.constant 0 : index
    tpu.barrier barrier_id(%barrier3A_544)
    %mul3A_545 = arith.constant 632 : i32
    %mul3A_546 = arith.muli %arg1, %mul3A_545 : i32
    %mul3A_547 = arith.constant 632 : i32
    %mul3A_548 = arith.muli %arg1, %mul3A_547 : i32
    "tpu.region"() ({
      %run_scoped3A_549 = tpu.sem_alloc : memref<!tpu.dma_semaphore, #tpu.memory_space<semaphore_mem>>
      %dma_start3A_550 = arith.constant 0 : i32
      %dma_start3A_551 = tpu.memref_slice %arg6[%arg0, %mul3A_548, %dma_start3A_550] : memref<2x10112x128xf32, #tpu.memory_space<hbm>> -> memref<1x632x128xf32, #tpu.memory_space<hbm>>
      %dma_start3A_552 = tpu.memref_squeeze %dma_start3A_551 : memref<1x632x128xf32, #tpu.memory_space<hbm>> -> memref<632x128xf32, #tpu.memory_space<hbm>>
      %dma_start3A_553 = arith.constant 0 : i32
      %dma_start3A_554 = tpu.memref_slice %arg10[%mul3A_546, %dma_start3A_553] : memref<10112x128xf32, #tpu.memory_space<vmem_shared>> -> memref<632x128xf32, #tpu.memory_space<vmem_shared>>
      tpu.enqueue_dma source(%dma_start3A_554 : memref<632x128xf32, #tpu.memory_space<vmem_shared>>) target(%dma_start3A_552 : memref<632x128xf32, #tpu.memory_space<hbm>>) target_semaphore(%run_scoped3A_549 : memref<!tpu.dma_semaphore, #tpu.memory_space<semaphore_mem>>)
      %dma_wait3A_555 = arith.constant 0 : i32
      %dma_wait3A_556 = tpu.memref_slice %arg6[%arg0, %mul3A_548, %dma_wait3A_555] : memref<2x10112x128xf32, #tpu.memory_space<hbm>> -> memref<1x632x128xf32, #tpu.memory_space<hbm>>
      %dma_wait3A_557 = tpu.memref_squeeze %dma_wait3A_556 : memref<1x632x128xf32, #tpu.memory_space<hbm>> -> memref<632x128xf32, #tpu.memory_space<hbm>>
      %dma_wait3A_558 = arith.constant 0 : i32
      %dma_wait3A_559 = tpu.memref_slice %arg10[%mul3A_546, %dma_wait3A_558] : memref<10112x128xf32, #tpu.memory_space<vmem_shared>> -> memref<632x128xf32, #tpu.memory_space<vmem_shared>>
      tpu.wait_dma2 semaphore(%run_scoped3A_549 : memref<!tpu.dma_semaphore, #tpu.memory_space<semaphore_mem>>) src(%dma_wait3A_559 : memref<632x128xf32, #tpu.memory_space<vmem_shared>>) dst(%dma_wait3A_557 : memref<632x128xf32, #tpu.memory_space<hbm>>)
      tpu.yield
    }) : () -> ()
    return
  }
}

module attributes {stable_mosaic.version = 14 : i64} {
  func.func @_tc1_body(%arg0: i32, %arg1: memref<2000x128xf32, #tpu.memory_space<vmem>>, %arg2: memref<2x2000x1xf32, #tpu.memory_space<vmem>>, %arg3: memref<2x2000x128xf32, #tpu.memory_space<vmem>>, %arg4: memref<2000x1xf32, #tpu.memory_space<vmem>>) attributes {dimension_semantics = [#tpu.dimension_semantics<arbitrary>], iteration_bounds = array<i64: 5>, scalar_prefetch = 0 : i64, scratch_operands = 0 : i64, tpu.core_type = #tpu.core_type<tc>, window_params = [{transform_indices = @transform_0, window_bounds = array<i64: 2000, 128>}, {transform_indices = @transform_1, window_bounds = array<i64: 2, 2000, 1>}, {transform_indices = @transform_2, window_bounds = array<i64: 2, 2000, 128>}, {transform_indices = @transform_3, window_bounds = array<i64: 2000, 1>}]} {
    %get3A = arith.constant 0 : index
    %get3A_0 = arith.constant 0 : index
    %get3A_1 = arith.constant 0 : index
    %get3A_2 = vector.load %arg2[%get3A, %get3A_0, %get3A_1] : memref<2x2000x1xf32, #tpu.memory_space<vmem>>, vector<1x2000x1xf32>
    %get3A_3 = vector.shape_cast %get3A_2 : vector<1x2000x1xf32> to vector<2000x1xf32>
    %get3A_4 = arith.constant 1 : index
    %get3A_5 = arith.constant 0 : index
    %get3A_6 = arith.constant 0 : index
    %get3A_7 = vector.load %arg2[%get3A_4, %get3A_5, %get3A_6] : memref<2x2000x1xf32, #tpu.memory_space<vmem>>, vector<1x2000x1xf32>
    %get3A_8 = vector.shape_cast %get3A_7 : vector<1x2000x1xf32> to vector<2000x1xf32>
    %add3A = arith.addf %get3A_3, %get3A_8 : vector<2000x1xf32>
    %add3A_9 = arith.constant 1.000000e+00 : f32
    %add3A_10 = vector.broadcast %add3A_9 : f32 to vector<2000x1xf32>
    %add3A_11 = arith.addf %add3A, %add3A_10 : vector<2000x1xf32>
    %rsqrt3A = math.rsqrt %add3A_11 : vector<2000x1xf32>
    %swap3A = arith.constant 0 : index
    %swap3A_12 = arith.constant 0 : index
    %swap3A_13 = vector.load %arg4[%swap3A, %swap3A_12] : memref<2000x1xf32, #tpu.memory_space<vmem>>, vector<2000x1xf32>
    tpu.vector_store %arg4[%swap3A, %swap3A_12], %rsqrt3A {strides = array<i32>} : memref<2000x1xf32, #tpu.memory_space<vmem>>, vector<2000x1xf32>,
    %get3A_14 = arith.constant 0 : index
    %get3A_15 = arith.constant 0 : index
    %get3A_16 = vector.load %arg1[%get3A_14, %get3A_15] : memref<2000x128xf32, #tpu.memory_space<vmem>>, vector<2000x128xf32>
    %mul3A = vector.broadcast %rsqrt3A : vector<2000x1xf32> to vector<2000x128xf32>
    %mul3A_17 = arith.mulf %get3A_16, %mul3A : vector<2000x128xf32>
    %swap3A_18 = arith.constant 0 : index
    %swap3A_19 = arith.constant 0 : index
    %swap3A_20 = arith.constant 0 : index
    %swap3A_21 = vector.load %arg3[%swap3A_18, %swap3A_19, %swap3A_20] : memref<2x2000x128xf32, #tpu.memory_space<vmem>>, vector<1x2000x128xf32>
    %swap3A_22 = vector.shape_cast %swap3A_21 : vector<1x2000x128xf32> to vector<2000x128xf32>
    %swap3A_23 = vector.shape_cast %mul3A_17 : vector<2000x128xf32> to vector<1x2000x128xf32>
    tpu.vector_store %arg3[%swap3A_18, %swap3A_19, %swap3A_20], %swap3A_23 {strides = array<i32>} : memref<2x2000x128xf32, #tpu.memory_space<vmem>>, vector<1x2000x128xf32>,
    %swap3A_24 = arith.constant 1 : index
    %swap3A_25 = arith.constant 0 : index
    %swap3A_26 = arith.constant 0 : index
    %swap3A_27 = vector.load %arg3[%swap3A_24, %swap3A_25, %swap3A_26] : memref<2x2000x128xf32, #tpu.memory_space<vmem>>, vector<1x2000x128xf32>
    %swap3A_28 = vector.shape_cast %swap3A_27 : vector<1x2000x128xf32> to vector<2000x128xf32>
    %swap3A_29 = vector.shape_cast %mul3A_17 : vector<2000x128xf32> to vector<1x2000x128xf32>
    tpu.vector_store %arg3[%swap3A_24, %swap3A_25, %swap3A_26], %swap3A_29 {strides = array<i32>} : memref<2x2000x128xf32, #tpu.memory_space<vmem>>, vector<1x2000x128xf32>,
    return
  }
  func.func @transform_0(%arg0: i32) -> (i32, i32) {
    %c0_i32 = arith.constant 0 : i32
    %c0_i32_0 = arith.constant 0 : i32
    return %arg0, %c0_i32 : i32, i32
  }
  func.func @transform_1(%arg0: i32) -> (i32, i32, i32) {
    %c0_i32 = arith.constant 0 : i32
    %c0_i32_0 = arith.constant 0 : i32
    %c0_i32_1 = arith.constant 0 : i32
    return %c0_i32, %arg0, %c0_i32_0 : i32, i32, i32
  }
  func.func @transform_2(%arg0: i32) -> (i32, i32, i32) {
    %c0_i32 = arith.constant 0 : i32
    %c0_i32_0 = arith.constant 0 : i32
    %c0_i32_1 = arith.constant 0 : i32
    return %c0_i32, %arg0, %c0_i32_0 : i32, i32, i32
  }
  func.func @transform_3(%arg0: i32) -> (i32, i32) {
    %c0_i32 = arith.constant 0 : i32
    %c0_i32_0 = arith.constant 0 : i32
    return %arg0, %c0_i32 : i32, i32
  }
}

module attributes {stable_mosaic.version = 14 : i64} {
  func.func @_tc2_body(%arg0: i32, %arg1: memref<2x2000x128xf32, #tpu.memory_space<vmem>>, %arg2: memref<1x2000x128xf32, #tpu.memory_space<vmem>>, %arg3: memref<2000x1xf32, #tpu.memory_space<vmem>>, %arg4: memref<128x256xf32, #tpu.memory_space<vmem>>, %arg5: memref<1x256xf32, #tpu.memory_space<vmem>>, %arg6: memref<256x128xf32, #tpu.memory_space<vmem>>, %arg7: memref<2x2000x128xf32, #tpu.memory_space<vmem>>) attributes {dimension_semantics = [#tpu.dimension_semantics<arbitrary>], iteration_bounds = array<i64: 5>, scalar_prefetch = 0 : i64, scratch_operands = 0 : i64, tpu.core_type = #tpu.core_type<tc>, window_params = [{transform_indices = @transform_0, window_bounds = array<i64: 2, 2000, 128>}, {transform_indices = @transform_1, window_bounds = array<i64: 1, 2000, 128>}, {transform_indices = @transform_2, window_bounds = array<i64: 2000, 1>}, {pipeline_mode = #tpu.pipeline_mode<synchronous>, transform_indices = @transform_3, window_bounds = array<i64: 128, 256>}, {pipeline_mode = #tpu.pipeline_mode<synchronous>, transform_indices = @transform_4, window_bounds = array<i64: 1, 256>}, {pipeline_mode = #tpu.pipeline_mode<synchronous>, transform_indices = @transform_5, window_bounds = array<i64: 256, 128>}, {transform_indices = @transform_6, window_bounds = array<i64: 2, 2000, 128>}]} {
    %get3A = arith.constant 0 : index
    %get3A_0 = arith.constant 0 : index
    %get3A_1 = vector.load %arg3[%get3A, %get3A_0] : memref<2000x1xf32, #tpu.memory_space<vmem>>, vector<2000x1xf32>
    %get3A_2 = arith.constant 0 : index
    %get3A_3 = arith.constant 0 : index
    %get3A_4 = arith.constant 0 : index
    %get3A_5 = vector.load %arg1[%get3A_2, %get3A_3, %get3A_4] : memref<2x2000x128xf32, #tpu.memory_space<vmem>>, vector<1x2000x128xf32>
    %get3A_6 = vector.shape_cast %get3A_5 : vector<1x2000x128xf32> to vector<2000x128xf32>
    %get3A_7 = arith.constant 1 : index
    %get3A_8 = arith.constant 0 : index
    %get3A_9 = arith.constant 0 : index
    %get3A_10 = vector.load %arg1[%get3A_7, %get3A_8, %get3A_9] : memref<2x2000x128xf32, #tpu.memory_space<vmem>>, vector<1x2000x128xf32>
    %get3A_11 = vector.shape_cast %get3A_10 : vector<1x2000x128xf32> to vector<2000x128xf32>
    %add3A = arith.addf %get3A_6, %get3A_11 : vector<2000x128xf32>
    %get3A_12 = arith.constant 0 : index
    %get3A_13 = arith.constant 0 : index
    %get3A_14 = arith.constant 0 : index
    %get3A_15 = vector.load %arg2[%get3A_12, %get3A_13, %get3A_14] : memref<1x2000x128xf32, #tpu.memory_space<vmem>>, vector<1x2000x128xf32>
    %get3A_16 = vector.shape_cast %get3A_15 : vector<1x2000x128xf32> to vector<2000x128xf32>
    %add3A_17 = arith.addf %add3A, %get3A_16 : vector<2000x128xf32>
    %mul3A = vector.broadcast %get3A_1 : vector<2000x1xf32> to vector<2000x128xf32>
    %mul3A_18 = arith.mulf %add3A_17, %mul3A : vector<2000x128xf32>
    %get3A_19 = arith.constant 0 : index
    %get3A_20 = arith.constant 0 : index
    %get3A_21 = vector.load %arg4[%get3A_19, %get3A_20] : memref<128x256xf32, #tpu.memory_space<vmem>>, vector<128x256xf32>
    %dot_general3A = arith.constant dense<0.000000e+00> : vector<2000x256xf32>
    %dot_general3A_22 = tpu.matmul %mul3A_18, %get3A_21, %dot_general3A {dimension_numbers = #tpu.dot_dimension_numbers<[1], [0], [0], [1], [0, 0, 1, 1], [], []>, transpose_lhs_hint = false} : vector<2000x128xf32>, vector<128x256xf32>, vector<2000x256xf32> -> vector<2000x256xf32>
    %get3A_23 = arith.constant 0 : index
    %get3A_24 = arith.constant 0 : index
    %get3A_25 = vector.load %arg5[%get3A_23, %get3A_24] : memref<1x256xf32, #tpu.memory_space<vmem>>, vector<1x256xf32>
    %add3A_26 = vector.broadcast %get3A_25 : vector<1x256xf32> to vector<2000x256xf32>
    %add3A_27 = arith.addf %dot_general3A_22, %add3A_26 : vector<2000x256xf32>
    %max3A = arith.constant 0.000000e+00 : f32
    %max3A_28 = vector.broadcast %max3A : f32 to vector<2000x256xf32>
    %max3A_29 = arith.maximumf %add3A_27, %max3A_28 : vector<2000x256xf32>
    %get3A_30 = arith.constant 0 : index
    %get3A_31 = arith.constant 0 : index
    %get3A_32 = vector.load %arg6[%get3A_30, %get3A_31] : memref<256x128xf32, #tpu.memory_space<vmem>>, vector<256x128xf32>
    %dot_general3A_33 = arith.constant dense<0.000000e+00> : vector<2000x128xf32>
    %dot_general3A_34 = tpu.matmul %max3A_29, %get3A_32, %dot_general3A_33 {dimension_numbers = #tpu.dot_dimension_numbers<[1], [0], [0], [1], [0, 0, 1, 1], [], []>, transpose_lhs_hint = false} : vector<2000x256xf32>, vector<256x128xf32>, vector<2000x128xf32> -> vector<2000x128xf32>
    %mul3A_35 = vector.broadcast %get3A_1 : vector<2000x1xf32> to vector<2000x128xf32>
    %mul3A_36 = arith.mulf %dot_general3A_34, %mul3A_35 : vector<2000x128xf32>
    %swap3A = arith.constant 0 : index
    %swap3A_37 = arith.constant 0 : index
    %swap3A_38 = arith.constant 0 : index
    %swap3A_39 = vector.load %arg7[%swap3A, %swap3A_37, %swap3A_38] : memref<2x2000x128xf32, #tpu.memory_space<vmem>>, vector<1x2000x128xf32>
    %swap3A_40 = vector.shape_cast %swap3A_39 : vector<1x2000x128xf32> to vector<2000x128xf32>
    %swap3A_41 = vector.shape_cast %mul3A_36 : vector<2000x128xf32> to vector<1x2000x128xf32>
    tpu.vector_store %arg7[%swap3A, %swap3A_37, %swap3A_38], %swap3A_41 {strides = array<i32>} : memref<2x2000x128xf32, #tpu.memory_space<vmem>>, vector<1x2000x128xf32>,
    %swap3A_42 = arith.constant 1 : index
    %swap3A_43 = arith.constant 0 : index
    %swap3A_44 = arith.constant 0 : index
    %swap3A_45 = vector.load %arg7[%swap3A_42, %swap3A_43, %swap3A_44] : memref<2x2000x128xf32, #tpu.memory_space<vmem>>, vector<1x2000x128xf32>
    %swap3A_46 = vector.shape_cast %swap3A_45 : vector<1x2000x128xf32> to vector<2000x128xf32>
    %swap3A_47 = vector.shape_cast %mul3A_36 : vector<2000x128xf32> to vector<1x2000x128xf32>
    tpu.vector_store %arg7[%swap3A_42, %swap3A_43, %swap3A_44], %swap3A_47 {strides = array<i32>} : memref<2x2000x128xf32, #tpu.memory_space<vmem>>, vector<1x2000x128xf32>,
    return
  }
  func.func @transform_0(%arg0: i32) -> (i32, i32, i32) {
    %c0_i32 = arith.constant 0 : i32
    %c0_i32_0 = arith.constant 0 : i32
    %c0_i32_1 = arith.constant 0 : i32
    return %c0_i32, %arg0, %c0_i32_0 : i32, i32, i32
  }
  func.func @transform_1(%arg0: i32) -> (i32, i32, i32) {
    %c0_i32 = arith.constant 0 : i32
    %c0_i32_0 = arith.constant 0 : i32
    %c0_i32_1 = arith.constant 0 : i32
    return %c0_i32, %arg0, %c0_i32_0 : i32, i32, i32
  }
  func.func @transform_2(%arg0: i32) -> (i32, i32) {
    %c0_i32 = arith.constant 0 : i32
    %c0_i32_0 = arith.constant 0 : i32
    return %arg0, %c0_i32 : i32, i32
  }
  func.func @transform_3(%arg0: i32) -> (i32, i32) {
    %c0_i32 = arith.constant 0 : i32
    %c0_i32_0 = arith.constant 0 : i32
    %c0_i32_1 = arith.constant 0 : i32
    return %c0_i32, %c0_i32_0 : i32, i32
  }
  func.func @transform_4(%arg0: i32) -> (i32, i32) {
    %c0_i32 = arith.constant 0 : i32
    %c0_i32_0 = arith.constant 0 : i32
    %c0_i32_1 = arith.constant 0 : i32
    return %c0_i32, %c0_i32_0 : i32, i32
  }
  func.func @transform_5(%arg0: i32) -> (i32, i32) {
    %c0_i32 = arith.constant 0 : i32
    %c0_i32_0 = arith.constant 0 : i32
    %c0_i32_1 = arith.constant 0 : i32
    return %c0_i32, %c0_i32_0 : i32, i32
  }
  func.func @transform_6(%arg0: i32) -> (i32, i32, i32) {
    %c0_i32 = arith.constant 0 : i32
    %c0_i32_0 = arith.constant 0 : i32
    %c0_i32_1 = arith.constant 0 : i32
    return %c0_i32, %arg0, %c0_i32_0 : i32, i32, i32
  }
}

module attributes {stable_mosaic.version = 14 : i64} {
  func.func @_tc3_body(%arg0: i32, %arg1: memref<2x2000x128xf32, #tpu.memory_space<vmem>>, %arg2: memref<1x2000x128xf32, #tpu.memory_space<vmem>>, %arg3: memref<2000x1xf32, #tpu.memory_space<vmem>>, %arg4: memref<1x128xf32, #tpu.memory_space<vmem>>, %arg5: memref<128x4xf32, #tpu.memory_space<vmem>>, %arg6: memref<1x4xf32, #tpu.memory_space<vmem>>, %arg7: memref<2000x4xf32, #tpu.memory_space<vmem>>) attributes {dimension_semantics = [#tpu.dimension_semantics<arbitrary>], iteration_bounds = array<i64: 5>, scalar_prefetch = 0 : i64, scratch_operands = 0 : i64, tpu.core_type = #tpu.core_type<tc>, window_params = [{transform_indices = @transform_0, window_bounds = array<i64: 2, 2000, 128>}, {transform_indices = @transform_1, window_bounds = array<i64: 1, 2000, 128>}, {transform_indices = @transform_2, window_bounds = array<i64: 2000, 1>}, {pipeline_mode = #tpu.pipeline_mode<synchronous>, transform_indices = @transform_3, window_bounds = array<i64: 1, 128>}, {pipeline_mode = #tpu.pipeline_mode<synchronous>, transform_indices = @transform_4, window_bounds = array<i64: 128, 4>}, {pipeline_mode = #tpu.pipeline_mode<synchronous>, transform_indices = @transform_5, window_bounds = array<i64: 1, 4>}, {transform_indices = @transform_6, window_bounds = array<i64: 2000, 4>}]} {
    %get3A = arith.constant 0 : index
    %get3A_0 = arith.constant 0 : index
    %get3A_1 = arith.constant 0 : index
    %get3A_2 = vector.load %arg1[%get3A, %get3A_0, %get3A_1] : memref<2x2000x128xf32, #tpu.memory_space<vmem>>, vector<1x2000x128xf32>
    %get3A_3 = vector.shape_cast %get3A_2 : vector<1x2000x128xf32> to vector<2000x128xf32>
    %get3A_4 = arith.constant 1 : index
    %get3A_5 = arith.constant 0 : index
    %get3A_6 = arith.constant 0 : index
    %get3A_7 = vector.load %arg1[%get3A_4, %get3A_5, %get3A_6] : memref<2x2000x128xf32, #tpu.memory_space<vmem>>, vector<1x2000x128xf32>
    %get3A_8 = vector.shape_cast %get3A_7 : vector<1x2000x128xf32> to vector<2000x128xf32>
    %add3A = arith.addf %get3A_3, %get3A_8 : vector<2000x128xf32>
    %get3A_9 = arith.constant 0 : index
    %get3A_10 = arith.constant 0 : index
    %get3A_11 = arith.constant 0 : index
    %get3A_12 = vector.load %arg2[%get3A_9, %get3A_10, %get3A_11] : memref<1x2000x128xf32, #tpu.memory_space<vmem>>, vector<1x2000x128xf32>
    %get3A_13 = vector.shape_cast %get3A_12 : vector<1x2000x128xf32> to vector<2000x128xf32>
    %add3A_14 = arith.addf %add3A, %get3A_13 : vector<2000x128xf32>
    %get3A_15 = arith.constant 0 : index
    %get3A_16 = arith.constant 0 : index
    %get3A_17 = vector.load %arg3[%get3A_15, %get3A_16] : memref<2000x1xf32, #tpu.memory_space<vmem>>, vector<2000x1xf32>
    %mul3A = vector.broadcast %get3A_17 : vector<2000x1xf32> to vector<2000x128xf32>
    %mul3A_18 = arith.mulf %add3A_14, %mul3A : vector<2000x128xf32>
    %get3A_19 = arith.constant 0 : index
    %get3A_20 = arith.constant 0 : index
    %get3A_21 = vector.load %arg4[%get3A_19, %get3A_20] : memref<1x128xf32, #tpu.memory_space<vmem>>, vector<1x128xf32>
    %add3A_22 = vector.broadcast %get3A_21 : vector<1x128xf32> to vector<2000x128xf32>
    %add3A_23 = arith.addf %mul3A_18, %add3A_22 : vector<2000x128xf32>
    %max3A = arith.constant 0.000000e+00 : f32
    %max3A_24 = vector.broadcast %max3A : f32 to vector<2000x128xf32>
    %max3A_25 = arith.maximumf %add3A_23, %max3A_24 : vector<2000x128xf32>
    %get3A_26 = arith.constant 0 : index
    %get3A_27 = arith.constant 0 : index
    %get3A_28 = vector.load %arg5[%get3A_26, %get3A_27] : memref<128x4xf32, #tpu.memory_space<vmem>>, vector<128x4xf32>
    %dot_general3A = arith.constant dense<0.000000e+00> : vector<2000x4xf32>
    %dot_general3A_29 = tpu.matmul %max3A_25, %get3A_28, %dot_general3A {dimension_numbers = #tpu.dot_dimension_numbers<[1], [0], [0], [1], [0, 0, 1, 1], [], []>, transpose_lhs_hint = false} : vector<2000x128xf32>, vector<128x4xf32>, vector<2000x4xf32> -> vector<2000x4xf32>
    %get3A_30 = arith.constant 0 : index
    %get3A_31 = arith.constant 0 : index
    %get3A_32 = vector.load %arg6[%get3A_30, %get3A_31] : memref<1x4xf32, #tpu.memory_space<vmem>>, vector<1x4xf32>
    %add3A_33 = vector.broadcast %get3A_32 : vector<1x4xf32> to vector<2000x4xf32>
    %add3A_34 = arith.addf %dot_general3A_29, %add3A_33 : vector<2000x4xf32>
    %reduce_max3A = arith.constant dense<0xFF800000> : vector<2000xf32>
    %reduce_max3A_35 = vector.multi_reduction <maximumf>, %add3A_34, %reduce_max3A [1] : vector<2000x4xf32> to vector<2000xf32>
    %broadcast_in_dim3A = vector.shape_cast %reduce_max3A_35 : vector<2000xf32> to vector<2000x1xf32>
    %sub3A = vector.broadcast %broadcast_in_dim3A : vector<2000x1xf32> to vector<2000x4xf32>
    %sub3A_36 = arith.subf %add3A_34, %sub3A : vector<2000x4xf32>
    %exp3A = math.exp %sub3A_36 : vector<2000x4xf32>
    %reduce_sum3A = arith.constant dense<0.000000e+00> : vector<2000xf32>
    %reduce_sum3A_37 = vector.multi_reduction <add>, %exp3A, %reduce_sum3A [1] : vector<2000x4xf32> to vector<2000xf32>
    %broadcast_in_dim3A_38 = vector.shape_cast %reduce_sum3A_37 : vector<2000xf32> to vector<2000x1xf32>
    %log3A = math.log %broadcast_in_dim3A_38 : vector<2000x1xf32>
    %add3A_39 = arith.addf %broadcast_in_dim3A, %log3A : vector<2000x1xf32>
    %sub3A_40 = vector.broadcast %add3A_39 : vector<2000x1xf32> to vector<2000x4xf32>
    %sub3A_41 = arith.subf %add3A_34, %sub3A_40 : vector<2000x4xf32>
    %swap3A = arith.constant 0 : index
    %swap3A_42 = arith.constant 0 : index
    %swap3A_43 = vector.load %arg7[%swap3A, %swap3A_42] : memref<2000x4xf32, #tpu.memory_space<vmem>>, vector<2000x4xf32>
    tpu.vector_store %arg7[%swap3A, %swap3A_42], %sub3A_41 {strides = array<i32>} : memref<2000x4xf32, #tpu.memory_space<vmem>>, vector<2000x4xf32>,
    return
  }
  func.func @transform_0(%arg0: i32) -> (i32, i32, i32) {
    %c0_i32 = arith.constant 0 : i32
    %c0_i32_0 = arith.constant 0 : i32
    %c0_i32_1 = arith.constant 0 : i32
    return %c0_i32, %arg0, %c0_i32_0 : i32, i32, i32
  }
  func.func @transform_1(%arg0: i32) -> (i32, i32, i32) {
    %c0_i32 = arith.constant 0 : i32
    %c0_i32_0 = arith.constant 0 : i32
    %c0_i32_1 = arith.constant 0 : i32
    return %c0_i32, %arg0, %c0_i32_0 : i32, i32, i32
  }
  func.func @transform_2(%arg0: i32) -> (i32, i32) {
    %c0_i32 = arith.constant 0 : i32
    %c0_i32_0 = arith.constant 0 : i32
    return %arg0, %c0_i32 : i32, i32
  }
  func.func @transform_3(%arg0: i32) -> (i32, i32) {
    %c0_i32 = arith.constant 0 : i32
    %c0_i32_0 = arith.constant 0 : i32
    %c0_i32_1 = arith.constant 0 : i32
    return %c0_i32, %c0_i32_0 : i32, i32
  }
  func.func @transform_4(%arg0: i32) -> (i32, i32) {
    %c0_i32 = arith.constant 0 : i32
    %c0_i32_0 = arith.constant 0 : i32
    %c0_i32_1 = arith.constant 0 : i32
    return %c0_i32, %c0_i32_0 : i32, i32
  }
  func.func @transform_5(%arg0: i32) -> (i32, i32) {
    %c0_i32 = arith.constant 0 : i32
    %c0_i32_0 = arith.constant 0 : i32
    %c0_i32_1 = arith.constant 0 : i32
    return %c0_i32, %c0_i32_0 : i32, i32
  }
  func.func @transform_6(%arg0: i32) -> (i32, i32) {
    %c0_i32 = arith.constant 0 : i32
    %c0_i32_0 = arith.constant 0 : i32
    return %arg0, %c0_i32 : i32, i32
  }
}

</mosaic_0001>

<sc_bundles>
// kernel: kernel.11.cloned.1.call-start
scs
__scs_entry_jumppad:
0x0: {  	(pc) =	sbr.rel $0x88, $3  }
0x1: {  	(tag) =	ssettag $0x0;
	lr =	simm.s32 $0x1  }
0x2: {  	[smem:$0x3F99] =	sst lr;
	_ =	strace $0xD0000000  }
0x3: {  	_ = 	snop  }
0x4: {  	_ = 	snop  }
0x5: {  	_ = 	snop  }
0x6: {  	_ = 	snop  }
0x7: {  	_ = 	snop  }
__scs_overlays_trampoline_lowered:
0x8: {  	[smem:$0x3FA8] =	sst s0  }
0x9: {  	[smem:$0x3FA9] =	sst s1  }
0xa: {  	[smem:$0x3FAA] =	sst s2  }
0xb: {  	[smem:$0x3FAB] =	sst s3  }
0xc: {  	[smem:$0x3FAC] =	sst s4  }
0xd: {  	[smem:$0x3FAD] =	sst s5  }
0xe: {  	[smem:$0x3FAE] =	sst s6  }
0xf: {  	[smem:$0x3FAF] =	sst s7  }
0x10: {  	[smem:$0x3FB0] =	sst s8  }
0x11: {  	[smem:$0x3FB1] =	sst s9;
	s0 =	simm.s32 @!p0 $0x0  }
0x12: {  	s1 =	sld [smem:$0x3F97];
	s0 =	simm.s32 @p0 $0x1  }
0x13: {  	[smem:$0x3FB2] =	sst s0;
	s0 =	simm.s32 @!p1 $0x0  }
0x14: {  	s2 =	sld [smem:$0x3F96];
	s0 =	simm.s32 @p1 $0x1  }
0x15: {  	[smem:$0x3FB3] =	sst s0;
	s0 =	simm.s32 @!p2 $0x0  }
0x16: {  	s3 =	sld [smem:$0x3FDB];
	s0 =	simm.s32 @p2 $0x1  }
0x17: {  	s4 =	simm.s32 $0x1BF5;
	[smem:$0x3FB5] =	sst s0  }
0x18: {  	s0 =	sld [smem:$0x3F98];
	_ =	swait.ge [sflag:s4], $0x0  }
0x19: {  	s7 =	sld [smem:$0x3F99]  }
0x1a: {  	s8 =	sadd.s32 $0xFFFFE003, lr  }
0x1b: {  	s9 =	sadd.s32 $0xFFFFFEF7, lr;
	s5 =	simm.s32 $0xFFFFFFFF;
	p2 =	slt.u32 s8, $0xFFFFF086  }
0x1c: {  	p1 =	slt.u32 s9, $0xF7A;
	s5 =	simm.s32 @!p2 $0x0  }
0x1d: {  	s5 =	simm.s32 @p1 $0x1;
	p0 =	seq.s32 s7, s2  }
0x1e: {  	s7 =	smul.u32 @!p0 $0xF7A, s2;
	p2 =	seq.s32 @!p0 s5, $0x0  }
0x1f: {  	s9 =	smul.u32 $0xF7A, s1;
	s8 =	simm.s32 @!p0 $0x1BF5;
	p2 =	por !p2, p0  }
0x20: {  	[sflag:s8] =	ssyncset.s32 @!p0 $0xFFFFF086;
	s6 =	sadd.s32 @!p0 s3, s7;
	s7 =	simm.s32 @!p0 $0x108  }
0x21: {  	s3 =	sadd.s32 s3, s9;
	s6 =	sadd.s32 @!p0 $0x88, s6;
	s7 =	simm.s32 @p2 $0x1082  }
0x22: {  	[simem:s7], [sflag:s8] =	dma.local @!p0 [hbm:s6], $0xF7A  }
0x23: {  	s9 =	sor.u32 $0xD0000000, s2;
	s6 =	simm.s32 $0x108;
	_ =	swait.ge @!p0 [sflag:s8], $0x0  }
0x24: {  	s3 =	sadd.s32 $0x88, s3;
	s6 =	simm.s32 @!p1 $0x1082;
	[sflag:s4] =	ssyncset.s32 $0xFFFFF086  }
0x25: {  	[simem:s6], [sflag:s4] =	dma.local [hbm:s3], $0xF7A  }
0x26: {  	[smem:$0x3F99] =	sst s1;
	(tag) =	ssettag s2;
	_ =	strace s9  }
0x27: {  	s1 =	sld [smem:$0x3FA9]  }
0x28: {  	s2 =	sld [smem:$0x3FAA]  }
0x29: {  	s4 =	sld [smem:$0x3FAC]  }
0x2a: {  	p0 =	seq.s32 s5, $0x0;
	s5 =	sld [smem:$0x3FAD]  }
0x2b: {  	s6 =	sld [smem:$0x3FAE]  }
0x2c: {  	s7 =	sld [smem:$0x3FAF]  }
0x2d: {  	s3 =	simm.s32 $0x108;
	s8 =	sld [smem:$0x3FB0]  }
0x2e: {  	s3 =	simm.s32 @!p0 $0x1082;
	s9 =	sld [smem:$0x3FB1]  }
0x2f: {  	lr =	sadd.s32 s0, s3;
	s0 =	sld [smem:$0x3FA8]  }
0x30: {  	s3 =	sld [smem:$0x3FAB]  }
0x31: {  	[smem:$0x3FB4] =	sst s10  }
0x32: {  	s10 =	sld [smem:$0x3FB2];
	_ =	sdelay $0x3  }
0x33: {  	p0 =	seq.s32 s10, $0x1;
	s10 =	sld [smem:$0x3FB4];
	_ =	sdelay $0x3  }
0x34: {  	[smem:$0x3FB4] =	sst s10  }
0x35: {  	s10 =	sld [smem:$0x3FB3];
	_ =	sdelay $0x3  }
0x36: {  	p1 =	seq.s32 s10, $0x1;
	s10 =	sld [smem:$0x3FB4];
	_ =	sdelay $0x3  }
0x37: {  	[smem:$0x3FB4] =	sst s10  }
0x38: {  	s10 =	sld [smem:$0x3FB5]  }
0x39: {  	_ = 	snop;
	(pc) =	sbr.ind lr, $3  }
0x3a: {  	_ = 	snop  }
0x3b: {  	_ = 	snop  }
0x3c: {  	p2 =	seq.s32 s10, $0x1;
	s10 =	sld [smem:$0x3FB4]  }
0x3d: {  	_ =	shalt  }
0x3e: {  	_ =	shalt  }
0x3f: {  	_ =	shalt  }
0x40: {  	_ =	shalt  }
0x41: {  	_ =	shalt  }
0x42: {  	_ =	shalt  }
0x43: {  	_ =	shalt  }
0x44: {  	_ =	shalt  }
0x45: {  	_ =	shalt  }
0x46: {  	_ =	shalt  }
0x47: {  	_ =	shalt  }
0x48: {  	_ =	shalt  }
0x49: {  	_ =	shalt  }
0x4a: {  	_ =	shalt  }
0x4b: {  	_ =	shalt  }
0x4c: {  	_ =	shalt  }
0x4d: {  	_ =	shalt  }
0x4e: {  	_ =	shalt  }
0x4f: {  	_ =	shalt  }
0x50: {  	_ =	shalt  }
0x51: {  	_ =	shalt  }
0x52: {  	_ =	shalt  }
0x53: {  	_ =	shalt  }
0x54: {  	_ =	shalt  }
0x55: {  	_ =	shalt  }
0x56: {  	_ =	shalt  }
0x57: {  	_ =	shalt  }
0x58: {  	_ =	shalt  }
0x59: {  	_ =	shalt  }
0x5a: {  	_ =	shalt  }
0x5b: {  	_ =	shalt  }
0x5c: {  	_ =	shalt  }
0x5d: {  	_ =	shalt  }
0x5e: {  	_ =	shalt  }
0x5f: {  	_ =	shalt  }
0x60: {  	_ =	shalt  }
0x61: {  	_ =	shalt  }
0x62: {  	_ =	shalt  }
0x63: {  	_ =	shalt  }
0x64: {  	_ =	shalt  }
0x65: {  	_ =	shalt  }
0x66: {  	_ =	shalt  }
0x67: {  	_ =	shalt  }
0x68: {  	_ =	shalt  }
0x69: {  	_ =	shalt  }
0x6a: {  	_ =	shalt  }
0x6b: {  	_ =	shalt  }
0x6c: {  	_ =	shalt  }
0x6d: {  	_ =	shalt  }
0x6e: {  	_ =	shalt  }
0x6f: {  	_ =	shalt  }
0x70: {  	_ =	shalt  }
0x71: {  	_ =	shalt  }
0x72: {  	_ =	shalt  }
0x73: {  	_ =	shalt  }
0x74: {  	_ =	shalt  }
0x75: {  	_ =	shalt  }
0x76: {  	_ =	shalt  }
0x77: {  	_ =	shalt  }
0x78: {  	_ =	shalt  }
0x79: {  	_ =	shalt  }
0x7a: {  	_ =	shalt  }
0x7b: {  	_ =	shalt  }
0x7c: {  	_ =	shalt  }
0x7d: {  	_ =	shalt  }
0x7e: {  	_ =	shalt  }
0x7f: {  	_ =	shalt  }
0x80: {  	_ =	shalt  }
0x81: {  	_ =	shalt  }
0x82: {  	_ =	shalt  }
0x83: {  	_ =	shalt  }
0x84: {  	_ =	shalt  }
0x85: {  	_ =	shalt  }
0x86: {  	_ =	shalt  }
0x87: {  	_ =	shalt  }
.Lfunc_end0:
.L_simem_size_0:
called_computation.1_lowered:
.L_overlay_start_0:
0x88: {  	s2 =	sld [smem:$0x3FD9]  }
0x89: {  	s3 =	sld [smem:$0x3FFE];
	_ =	sdelay $0x1  }
0x8a: {  	s1 =	srdreg.scid  }
0x8b: {  	s0 =	sand.u32 $0x1, s1  }
0x8c: {  	s16 =	sshll.u32 s0, $0xA;
	s2 =	sadd.s32 s3, s2  }
0x8d: {  	s2 =	sadd.s32 s2, s16  }
0x8e: {  	[smem:$0x3FC0] =	sst s2  }
0x8f: {  	_ = 	snop  }
0x90: {  	(tm) =	ssettm $0x1  }
0x91: {  	s17 =	sld [smem:$0x3FFB];
	_ =	sdelay $0x3  }
0x92: {  	_ =	strace s17  }
0x93: {  	s2 =	sld [smem:$0x3FFC];
	_ =	sdelay $0x3  }
0x94: {  	_ =	strace s2  }
0x95: {  	s2 =	sld [smem:$0x3FFD];
	_ =	sdelay $0x3  }
0x96: {  	_ =	strace s2  }
0x97: {  	_ =	strace $0x8FFFFFFF  }
0x98: {  	s18 =	sld [smem:$0x3FDB];
	_ =	sdelay $0x1  }
0x99: {  	s19 =	simm.s32 $_scs_section_size  }
0x9a: {  	s4 =	simm.s32 $_size__tile_overlayer_lowered;
	s5 =	simm.s32 $_tile_overlayer_lowered  }
0x9b: {  	s22 =	simm.s32 $0x1BFF;
	s21 =	sshll.u32 s5, $0x1;
	s2 =	sadd.s32 s19, s18  }
0x9c: {  	s6 =	simm.s32 $0x0;
	s20 =	sshll.u32 s4, $0x1;
	s4 =	sadd.s32 s21, s2  }
0x9d: {  	[timem:s6], [sflag:s22] =	dma.local [hbm:s4], s20  }
0x9e: {  	_ =	swait.ge [sflag:s22], s20  }
0x9f: {  	s3 =	ssub.s32 $0x0, s20;
	[sflag:s22] =	ssyncset.done $0x0  }
0xa0: {  	[sflag:s22] =	ssyncadd.s32 s3;
	_ =	sdelay $0x1  }
0xa1: {  	s23 =	simm.s32 $0x1B8B  }
0xa2: {  	_ =	swait.ge [sflag:s23], $0x1  }
0xa3: {  	[sflag:s23] =	ssyncset.done $0x0  }
0xa4: {  	s25 =	simm.s32 $0x1B8E;
	s24 =	sld [smem:$0x3FFE];
	[sflag:s23] =	ssyncadd.s32 $0xFFFFFFFF  }
0xa5: {  	s26 =	simm.s32 $execute0_lowered;
	[smem:$0x3FD2] =	sst s25  }
0xa6: {  	s4 =	sshll.u32 s26, $0x1;
	_ =	strace $0x80000049;
	[dreg:$0x1] =	wrdreg $0xFFFFFFFF  }
0xa7: {  	s28 =	simm.s32 $_size_execute0_lowered;
	s2 =	sadd.s32 s2, s4;
	[dreg:$0x0] =	wrdreg $0x0  }
0xa8: {  	s4 =	sshll.u32 s28, $0x1;
	[dreg:$0x2] =	wrdreg s2  }
0xa9: {  	[dreg:$0x3] =	wrdreg s4  }
0xaa: {  	[dreg:$0x4] =	wrdreg $0xC0  }
0xab: {  	_ =	task [dreg:s6], $0x5FFFF  }
0xac: {  	[dreg:$0x1] =	wrdreg $0xFFFFFFFF  }
0xad: {  	[dreg:$0x0] =	wrdreg $0x60  }
0xae: {  	[dreg:$0x2] =	wrdreg s24  }
0xaf: {  	[dreg:$0x3] =	wrdreg $0x98000  }
0xb0: {  	[dreg:$0x4] =	wrdreg $0x9  }
0xb1: {  	_ =	task.clear_ibuf [dreg:s6], $0x5FFFF;
	_ =	strace $0x90000049  }
0xb2: {  	s29 =	simm.s32 $0x9;
	_ =	strace $0x8000004B  }
0xb3: {  	_ =	swait.ge [sflag:s29], $0x1  }
0xb4: {  	[sflag:s29] =	ssyncadd.s32 $0xFFFFFFFF  }
0xb5: {  	_ =	strace $0x9000004B  }
0xb6: {  	_ =	sfence  }
0xb7: {  	s30 =	sld [smem:$0x0];
	_ =	sdelay $0x2  }
0xb8: {  	s31 =	sshll.u32 s1, $0xD;
	s1 =	sshrl.u32 s1, $0x2  }
0xb9: {  	s3 =	sand.u32 $0x4000, s31;
	s1 =	sadd.s32 s1, s30  }
0xba: {  	s0 =	sor.u32 s3, s0;
	s1 =	sshll.u32 s1, $0x11  }
0xbb: {  	s0 =	sor.u32 s1, s0  }
0xbc: {  	s0 =	sadd.s32 $0x8F2B, s0  }
0xbd: {  	[sflag:s0] =	ssyncadd.remote.s32 $0x1  }
0xbe: {  	_ =	sfence.sel $0xFFFF  }
0xbf: {  	[dreg:$0x0] =	wrdreg $0xFFFFFFFF;
	(pc) =	sbr.abs _section_cstart, $3  }
0xc0: {  	[dreg:$0x1] =	wrdreg $0xFFFFFFFF  }
0xc1: {  	_ =	task.clear_ibuf [dreg:s6], $0x2FFFF;
	_ =	strace $0x9FFFFFFF  }
0xc2: {  	(tm) =	ssettm $0x7FFFFFFF  }
0xc3: {  	_ =	shalt  }
tec
execute0_lowered:
.L_overlay_start_1:
0x0: {  	(tag) =	ssettag $0x1  }
0x1: {  	s0 =	rddreg [dreg:$0x0]  }
0x2: {  	s2 =	rddreg [dreg:$0x1]  }
0x3: {  	s3 =	simm.s32 $0x0;
	s13 =	stileid.u32;
	s1 =	srdreg.scid  }
0x4: {  	s28 =	simm.s32 $0x5800;
	s30 =	simm.s32 $0x4;
	s5 =	smul.u32 $0x13C00, s13  }
0x5: {  	s31 =	simm.s32 $0x1;
	[smem:$0x7FF] =	sst s3;
	s12 =	smul.u32 $0x50, s13  }
0x6: {  	s1 =	sand.u32 $0x1, s1;
	s4 =	sadd.s32 $0x16600, s0;
	s15 =	smul.u32 $0x500, s13  }
0x7: {  	s7 =	sadd.s32 $0xC400, s0;
	s8 =	sadd.s32 $0x1C00, s0;
	s6 =	smul.u32 $0x13C000, s1  }
0x8: {  	s19 =	sshll.u32 s13, $0x6;
	_ =	strace $0x8000004A;
	s10 =	smul.u32 $0x510, s1  }
0x9: {  	s11 =	ssub.s32 $0x2, s1;
	s1 =	smul.u32 $0x5100, s1;
	s9 =	sshrl.u32 s5, $0x3  }
0xa: {  	s17 =	sshrl.u32 s11, $0x1;
	s6 =	sadd.s32 s5, s6;
	s9 =	sadd.s32 s9, s0  }
0xb: {  	s14 =	ssub.s32 s11, s17;
	s18 =	sadd.s32 s12, s10;
	s5 =	sadd.s32 s5, s2  }
0xc: {  	s6 =	sshrl.u32 s6, $0x3;
	s9 =	sadd.s32 $0x65600, s9;
	s20 =	sshll.u32 s18, $0x4  }
0xd: {  	s14 =	smax.u32 s14, $0x1;
	s17 =	sshrl.u32 s5, $0x3;
	s18 =	simm.s32 $0x6  }
0xe: {  	s0 =	sadd.s32 s6, s0;
	[dreg:$0x3] =	wrdreg s9;
	s6 =	sor.u32 $0x1C06, s19  }
0xf: {  	s21 =	sadd.s32 s7, s20;
	s22 =	sor.u32 $0x80, s20;
	s23 =	sadd.s32 s8, s20  }
0x10: {  	s25 =	sadd.s32 $0x100, s20;
	s19 =	simm.s32 $0xC00;
	[dreg:$0x4] =	wrdreg s21  }
0x11: {  	s20 =	simm.s32 $0x400;
	[dreg:$0x5] =	wrdreg s23;
	s24 =	sadd.s32 s7, s22  }
0x12: {  	s9 =	sadd.s32 s8, s22;
	s11 =	sadd.s32 s7, s25;
	s12 =	sadd.s32 s8, s25  }
0x13: {  	s7 =	sadd.s32 s1, s7;
	s13 =	sadd.s32 $0x8CE00, s0;
	s1 =	sadd.s32 s1, s8  }
0x14: {  	s22 =	simm.s32 $0x80;
	s23 =	simm.s32 $0x1800;
	[dreg:$0x6] =	wrdreg s24  }
0x15: {  	s0 =	simm.s32 $0x3;
	s21 =	simm.s32 $0x0;
	[dreg:$0x7] =	wrdreg s9  }
0x16: {  	s26 =	sadd.s32 s15, s7;
	s29 =	sadd.s32 s15, s1;
	s24 =	simm.s32 $0x2  }
0x17: {  	s1 =	simm.s32 $0x5;
	s25 =	sadd.s32 $0x180, s26;
	s26 =	sadd.s32 $0x180, s29  }
.LBB2_1:
0x18: {  	s5 =	rddreg [dreg:$0x3]  }
0x19: {  	[spmem:s17], [sflag:s6] =	dma.local [hbm:s5], $0x2780  }
0x1a: {  	_ =	swait.ge [sflag:s18], $0x2780  }
0x1b: {  	[sflag:s18] =	ssyncset.done $0x0  }
0x1c: {  	s10 =	rddreg [dreg:$0x4];
	[sflag:s18] =	ssyncadd.s32 $0xFFFFD880  }
0x1d: {  	[tilespmem:s3], [sflag:$0x6] =	stream.linear.gather [hbm4b:s10+s3], $0x400, $0x38;
	[tilespmem:$0x1D400] =	vst v63  }
0x1e: {  	_ =	swait.ge [sflag:s18], $0x400  }
0x1f: {  	[sflag:s18] =	ssyncset.done $0x0  }
0x20: {  	s15 =	rddreg [dreg:$0x5];
	[sflag:s18] =	ssyncadd.s32 $0xFFFFFC00  }
0x21: {  	[tilespmem:s19], [sflag:$0x6] =	stream.linear.gather [hbm4b:s15+s3], $0x400, $0x38;
	[tilespmem:$0x1D400] =	vst v63  }
0x22: {  	_ =	swait.ge [sflag:s18], $0x400  }
0x23: {  	[sflag:s18] =	ssyncset.done $0x0  }
0x24: {  	s16 =	rddreg [dreg:$0x6];
	[sflag:s18] =	ssyncadd.s32 $0xFFFFFC00  }
0x25: {  	[tilespmem:s20], [sflag:$0x6] =	stream.linear.gather [hbm4b:s16+s3], $0x400, $0x38;
	[tilespmem:$0x1D400] =	vst v63  }
0x26: {  	_ =	swait.ge [sflag:s18], $0x400  }
0x27: {  	[sflag:s18] =	ssyncset.done $0x0  }
0x28: {  	s7 =	simm.s32 $0x1000;
	s29 =	rddreg [dreg:$0x7];
	[sflag:s18] =	ssyncadd.s32 $0xFFFFFC00  }
0x29: {  	[tilespmem:s7], [sflag:$0x6] =	stream.linear.gather [hbm4b:s29+s3], $0x400, $0x38;
	[tilespmem:$0x1D400] =	vst v63  }
0x2a: {  	_ =	swait.ge [sflag:s18], $0x400  }
0x2b: {  	[sflag:s18] =	ssyncset.done $0x0  }
0x2c: {  	[sflag:s18] =	ssyncadd.s32 $0xFFFFFC00  }
0x2d: {  	[bflag:$0x0] =	sbarrier.arrive $0xFFFF  }
0x2e: {  	[tilespmem:s23], [sflag:$0x2] =	stream.indirect.gather [hbm4b:s4+s22], $0x80, s3, s22, $0xb8;
	[tilespmem:$0x1D400] =	vst v63  }
0x2f: {  	_ =	swait.ge [sflag:s24], $0x4000  }
0x30: {  	[sflag:s24] =	ssyncset.done $0x0  }
0x31: {  	[sflag:s24] =	ssyncadd.s32 $0xFFFFC000  }
0x32: {  	[spmem:s2] =	stream.indirect.scatter.add.f32 [tilespmem:s23], [sflag:$0x4], $0x80, s19, s22, $0xb8;
	[tilespmem:$0x1D400] =	vst v63  }
0x33: {  	s7 =	simm.s32 $0x800  }
0x34: {  	[tilespmem:s7], [sflag:$0x1] =	stream.linear.gather [hbm4b:s11+s3], $0x400, $0x38;
	[tilespmem:$0x1D400] =	vst v63  }
0x35: {  	s8 =	simm.s32 $0x1400  }
0x36: {  	[tilespmem:s8], [sflag:$0x1] =	stream.linear.gather [hbm4b:s12+s3], $0x400, $0x38;
	[tilespmem:$0x1D400] =	vst v63  }
0x37: {  	_ = 	snop  }
0x38: {  	[tilespmem:s28], [sflag:$0x3] =	stream.indirect.gather [hbm4b:s4+s22], $0x80, s22, s22, $0xb8;
	[tilespmem:$0x1D400] =	vst v63  }
0x39: {  	_ =	swait.ge [sflag:s0], $0x4000  }
0x3a: {  	[sflag:s0] =	ssyncset.done $0x0  }
0x3b: {  	s9 =	simm.s32 $0xC80;
	[sflag:s0] =	ssyncadd.s32 $0xFFFFC000  }
0x3c: {  	[spmem:s2] =	stream.indirect.scatter.add.f32 [tilespmem:s28], [sflag:$0x5], $0x80, s9, s22, $0xb8;
	[tilespmem:$0x1D400] =	vst v63  }
0x3d: {  	_ =	swait.ge [sflag:s30], $0x4000  }
0x3e: {  	[sflag:s30] =	ssyncset.done $0x0  }
0x3f: {  	s10 =	simm.s32 $0x100;
	[sflag:s30] =	ssyncadd.s32 $0xFFFFC000  }
0x40: {  	[tilespmem:s23], [sflag:$0x2] =	stream.indirect.gather [hbm4b:s4+s22], $0x80, s10, s22, $0xb8;
	[tilespmem:$0x1D400] =	vst v63  }
0x41: {  	_ =	swait.ge [sflag:s24], $0x4000  }
0x42: {  	[sflag:s24] =	ssyncset.done $0x0  }
0x43: {  	s15 =	simm.s32 $0xD00;
	[sflag:s24] =	ssyncadd.s32 $0xFFFFC000  }
0x44: {  	[spmem:s2] =	stream.indirect.scatter.add.f32 [tilespmem:s23], [sflag:$0x4], $0x80, s15, s22, $0xb8;
	[tilespmem:$0x1D400] =	vst v63  }
0x45: {  	_ =	swait.ge [sflag:s1], $0x4000  }
0x46: {  	[sflag:s1] =	ssyncset.done $0x0  }
0x47: {  	s16 =	simm.s32 $0x180;
	[sflag:s1] =	ssyncadd.s32 $0xFFFFC000  }
0x48: {  	[tilespmem:s28], [sflag:$0x3] =	stream.indirect.gather [hbm4b:s4+s22], $0x80, s16, s22, $0xb8;
	[tilespmem:$0x1D400] =	vst v63  }
0x49: {  	_ =	swait.ge [sflag:s0], $0x4000  }
0x4a: {  	[sflag:s0] =	ssyncset.done $0x0  }
0x4b: {  	s29 =	simm.s32 $0xD80;
	[sflag:s0] =	ssyncadd.s32 $0xFFFFC000  }
0x4c: {  	[spmem:s2] =	stream.indirect.scatter.add.f32 [tilespmem:s28], [sflag:$0x5], $0x80, s29, s22, $0xb8;
	[tilespmem:$0x1D400] =	vst v63  }
0x4d: {  	_ =	swait.ge [sflag:s30], $0x4000  }
0x4e: {  	[sflag:s30] =	ssyncset.done $0x0  }
0x4f: {  	s7 =	simm.s32 $0x200;
	[sflag:s30] =	ssyncadd.s32 $0xFFFFC000  }
0x50: {  	[tilespmem:s23], [sflag:$0x2] =	stream.indirect.gather [hbm4b:s4+s22], $0x80, s7, s22, $0xb8;
	[tilespmem:$0x1D400] =	vst v63  }
0x51: {  	_ =	swait.ge [sflag:s24], $0x4000  }
0x52: {  	[sflag:s24] =	ssyncset.done $0x0  }
0x53: {  	s8 =	simm.s32 $0xE00;
	[sflag:s24] =	ssyncadd.s32 $0xFFFFC000  }
0x54: {  	[spmem:s2] =	stream.indirect.scatter.add.f32 [tilespmem:s23], [sflag:$0x4], $0x80, s8, s22, $0xb8;
	[tilespmem:$0x1D400] =	vst v63  }
0x55: {  	_ =	swait.ge [sflag:s1], $0x4000  }
0x56: {  	[sflag:s1] =	ssyncset.done $0x0  }
0x57: {  	s9 =	simm.s32 $0x280;
	[sflag:s1] =	ssyncadd.s32 $0xFFFFC000  }
0x58: {  	[tilespmem:s28], [sflag:$0x3] =	stream.indirect.gather [hbm4b:s4+s22], $0x80, s9, s22, $0xb8;
	[tilespmem:$0x1D400] =	vst v63  }
0x59: {  	_ =	swait.ge [sflag:s0], $0x4000  }
0x5a: {  	[sflag:s0] =	ssyncset.done $0x0  }
0x5b: {  	s10 =	simm.s32 $0xE80;
	[sflag:s0] =	ssyncadd.s32 $0xFFFFC000  }
0x5c: {  	[spmem:s2] =	stream.indirect.scatter.add.f32 [tilespmem:s28], [sflag:$0x5], $0x80, s10, s22, $0xb8;
	[tilespmem:$0x1D400] =	vst v63  }
0x5d: {  	_ =	swait.ge [sflag:s30], $0x4000  }
0x5e: {  	[sflag:s30] =	ssyncset.done $0x0  }
0x5f: {  	s15 =	simm.s32 $0x300;
	[sflag:s30] =	ssyncadd.s32 $0xFFFFC000  }
0x60: {  	[tilespmem:s23], [sflag:$0x2] =	stream.indirect.gather [hbm4b:s4+s22], $0x80, s15, s22, $0xb8;
	[tilespmem:$0x1D400] =	vst v63  }
0x61: {  	_ =	swait.ge [sflag:s24], $0x4000  }
0x62: {  	[sflag:s24] =	ssyncset.done $0x0  }
0x63: {  	s16 =	simm.s32 $0xF00;
	[sflag:s24] =	ssyncadd.s32 $0xFFFFC000  }
0x64: {  	[spmem:s2] =	stream.indirect.scatter.add.f32 [tilespmem:s23], [sflag:$0x4], $0x80, s16, s22, $0xb8;
	[tilespmem:$0x1D400] =	vst v63  }
0x65: {  	_ =	swait.ge [sflag:s1], $0x4000  }
0x66: {  	[sflag:s1] =	ssyncset.done $0x0  }
0x67: {  	s29 =	simm.s32 $0x380;
	[sflag:s1] =	ssyncadd.s32 $0xFFFFC000  }
0x68: {  	[tilespmem:s28], [sflag:$0x3] =	stream.indirect.gather [hbm4b:s4+s22], $0x80, s29, s22, $0xb8;
	[tilespmem:$0x1D400] =	vst v63  }
0x69: {  	_ =	swait.ge [sflag:s0], $0x4000  }
0x6a: {  	[sflag:s0] =	ssyncset.done $0x0  }
0x6b: {  	s7 =	simm.s32 $0xF80;
	[sflag:s0] =	ssyncadd.s32 $0xFFFFC000  }
0x6c: {  	[spmem:s2] =	stream.indirect.scatter.add.f32 [tilespmem:s28], [sflag:$0x5], $0x80, s7, s22, $0xb8;
	[tilespmem:$0x1D400] =	vst v63  }
0x6d: {  	s8 =	smul.u32 $0xAB, s0;
	_ =	swait.ge [sflag:s30], $0x4000  }
0x6e: {  	[sflag:s30] =	ssyncset.done $0x0  }
0x6f: {  	s9 =	sadd.s32 $0xFFFFFEAA, s8;
	[sflag:s30] =	ssyncadd.s32 $0xFFFFC000  }
0x70: {  	[tilespmem:s23], [sflag:$0x2] =	stream.indirect.gather [hbm4b:s4+s22], $0x80, s20, s22, $0xb8;
	[tilespmem:$0x1D400] =	vst v63  }
0x71: {  	s7 =	sshrl.u32 s9, $0x9;
	_ =	swait.ge [sflag:s31], $0x400  }
0x72: {  	s7 =	sand.u32 $0x7F, s7;
	[sflag:s31] =	ssyncset.done $0x0  }
0x73: {  	s7 =	smul.u32 $0x3, s7;
	[sflag:s31] =	ssyncadd.s32 $0xFFFFFC00  }
0x74: {  	_ =	swait.ge [sflag:s31], $0x400  }
0x75: {  	s7 =	ssub.s32 $0x3, s7;
	[sflag:s31] =	ssyncset.done $0x0  }
0x76: {  	s7 =	sadd.s32 $0xFFFFFFFE, s7;
	[sflag:s31] =	ssyncadd.s32 $0xFFFFFC00  }
0x77: {  	s5 =	sshrl.u32 s8, $0x9;
	s7 =	sand.u32 $0xFF, s7;
	_ =	swait.ge [sflag:s24], $0x4000  }
0x78: {  	s8 =	sand.u32 $0x7F, s5;
	s5 =	sshll.u32 s7, $0xA;
	[sflag:s24] =	ssyncset.done $0x0  }
0x79: {  	s10 =	smul.u32 $0x3, s8;
	s15 =	sadd.s32 $0xC00, s5;
	[sflag:s24] =	ssyncadd.s32 $0xFFFFC000  }
0x7a: {  	[spmem:s2] =	stream.indirect.scatter.add.f32 [tilespmem:s23], [sflag:$0x4], $0x80, s15, s22, $0xb8;
	[tilespmem:$0x1D400] =	vst v63  }
0x7b: {  	s7 =	ssub.s32 $0x3, s10;
	_ =	swait.ge [sflag:s1], $0x4000  }
0x7c: {  	s7 =	sand.u32 $0xFF, s7;
	[sflag:s1] =	ssyncset.done $0x0  }
0x7d: {  	s7 =	sshll.u32 s7, $0xA;
	[sflag:s1] =	ssyncadd.s32 $0xFFFFC000  }
0x7e: {  	[tilespmem:s7], [sflag:$0x1] =	stream.linear.gather [hbm4b:s25+s3], $0x400, $0x38;
	[tilespmem:$0x1D400] =	vst v63  }
0x7f: {  	s7 =	sadd.s32 $0xC00, s7  }
0x80: {  	[tilespmem:s7], [sflag:$0x1] =	stream.linear.gather [hbm4b:s26+s3], $0x400, $0x38;
	[tilespmem:$0x1D400] =	vst v63  }
0x81: {  	s16 =	sor.u32 $0x80, s5  }
0x82: {  	[tilespmem:s28], [sflag:$0x3] =	stream.indirect.gather [hbm4b:s4+s22], $0x80, s16, s22, $0xb8;
	[tilespmem:$0x1D400] =	vst v63  }
0x83: {  	_ =	swait.ge [sflag:s0], $0x4000  }
0x84: {  	[sflag:s0] =	ssyncset.done $0x0  }
0x85: {  	s29 =	sadd.s32 $0xC80, s5;
	[sflag:s0] =	ssyncadd.s32 $0xFFFFC000  }
0x86: {  	[spmem:s2] =	stream.indirect.scatter.add.f32 [tilespmem:s28], [sflag:$0x5], $0x80, s29, s22, $0xb8;
	[tilespmem:$0x1D400] =	vst v63  }
0x87: {  	_ =	swait.ge [sflag:s30], $0x4000  }
0x88: {  	[sflag:s30] =	ssyncset.done $0x0  }
0x89: {  	s8 =	sor.u32 $0x100, s5;
	[sflag:s30] =	ssyncadd.s32 $0xFFFFC000  }
0x8a: {  	[tilespmem:s23], [sflag:$0x2] =	stream.indirect.gather [hbm4b:s4+s22], $0x80, s8, s22, $0xb8;
	[tilespmem:$0x1D400] =	vst v63  }
0x8b: {  	_ =	swait.ge [sflag:s24], $0x4000  }
0x8c: {  	[sflag:s24] =	ssyncset.done $0x0  }
0x8d: {  	s9 =	sadd.s32 $0xD00, s5;
	[sflag:s24] =	ssyncadd.s32 $0xFFFFC000  }
0x8e: {  	[spmem:s2] =	stream.indirect.scatter.add.f32 [tilespmem:s23], [sflag:$0x4], $0x80, s9, s22, $0xb8;
	[tilespmem:$0x1D400] =	vst v63  }
0x8f: {  	_ =	swait.ge [sflag:s1], $0x4000  }
0x90: {  	[sflag:s1] =	ssyncset.done $0x0  }
0x91: {  	s10 =	sor.u32 $0x180, s5;
	[sflag:s1] =	ssyncadd.s32 $0xFFFFC000  }
0x92: {  	[tilespmem:s28], [sflag:$0x3] =	stream.indirect.gather [hbm4b:s4+s22], $0x80, s10, s22, $0xb8;
	[tilespmem:$0x1D400] =	vst v63  }
0x93: {  	_ =	swait.ge [sflag:s0], $0x4000  }
0x94: {  	[sflag:s0] =	ssyncset.done $0x0  }
0x95: {  	s15 =	sadd.s32 $0xD80, s5;
	[sflag:s0] =	ssyncadd.s32 $0xFFFFC000  }
0x96: {  	[spmem:s2] =	stream.indirect.scatter.add.f32 [tilespmem:s28], [sflag:$0x5], $0x80, s15, s22, $0xb8;
	[tilespmem:$0x1D400] =	vst v63  }
0x97: {  	_ =	swait.ge [sflag:s30], $0x4000  }
0x98: {  	[sflag:s30] =	ssyncset.done $0x0  }
0x99: {  	s16 =	sor.u32 $0x200, s5;
	[sflag:s30] =	ssyncadd.s32 $0xFFFFC000  }
0x9a: {  	[tilespmem:s23], [sflag:$0x2] =	stream.indirect.gather [hbm4b:s4+s22], $0x80, s16, s22, $0xb8;
	[tilespmem:$0x1D400] =	vst v63  }
0x9b: {  	_ =	swait.ge [sflag:s24], $0x4000  }
0x9c: {  	[sflag:s24] =	ssyncset.done $0x0  }
0x9d: {  	s29 =	sadd.s32 $0xE00, s5;
	[sflag:s24] =	ssyncadd.s32 $0xFFFFC000  }
0x9e: {  	[spmem:s2] =	stream.indirect.scatter.add.f32 [tilespmem:s23], [sflag:$0x4], $0x80, s29, s22, $0xb8;
	[tilespmem:$0x1D400] =	vst v63  }
0x9f: {  	_ =	swait.ge [sflag:s1], $0x4000  }
0xa0: {  	[sflag:s1] =	ssyncset.done $0x0  }
0xa1: {  	s8 =	sor.u32 $0x280, s5;
	[sflag:s1] =	ssyncadd.s32 $0xFFFFC000  }
0xa2: {  	[tilespmem:s28], [sflag:$0x3] =	stream.indirect.gather [hbm4b:s4+s22], $0x80, s8, s22, $0xb8;
	[tilespmem:$0x1D400] =	vst v63  }
0xa3: {  	_ =	swait.ge [sflag:s0], $0x4000  }
0xa4: {  	[sflag:s0] =	ssyncset.done $0x0  }
0xa5: {  	s9 =	sadd.s32 $0xE80, s5;
	[sflag:s0] =	ssyncadd.s32 $0xFFFFC000  }
0xa6: {  	[spmem:s2] =	stream.indirect.scatter.add.f32 [tilespmem:s28], [sflag:$0x5], $0x80, s9, s22, $0xb8;
	[tilespmem:$0x1D400] =	vst v63  }
0xa7: {  	_ =	swait.ge [sflag:s30], $0x4000  }
0xa8: {  	[sflag:s30] =	ssyncset.done $0x0  }
0xa9: {  	s10 =	sor.u32 $0x300, s5;
	[sflag:s30] =	ssyncadd.s32 $0xFFFFC000  }
0xaa: {  	[tilespmem:s23], [sflag:$0x2] =	stream.indirect.gather [hbm4b:s4+s22], $0x80, s10, s22, $0xb8;
	[tilespmem:$0x1D400] =	vst v63  }
0xab: {  	s7 =	simm.s32 $0x2;
	_ =	swait.ge [sflag:s24], $0x4000  }
0xac: {  	s16 =	sand.u32 $0xFF, s7;
	[sflag:s24] =	ssyncset.done $0x0  }
0xad: {  	s15 =	sadd.s32 $0xF00, s5;
	s9 =	smul.u32 $0xAB, s16;
	[sflag:s24] =	ssyncadd.s32 $0xFFFFC000  }
0xae: {  	[spmem:s2] =	stream.indirect.scatter.add.f32 [tilespmem:s23], [sflag:$0x4], $0x80, s15, s22, $0xb8;
	[tilespmem:$0x1D400] =	vst v63  }
0xaf: {  	s29 =	sor.u32 $0x380, s5;
	_ =	swait.ge [sflag:s1], $0x4000  }
0xb0: {  	s5 =	sadd.s32 $0xF80, s5;
	s9 =	sshrl.u32 s9, $0x9;
	[sflag:s1] =	ssyncset.done $0x0  }
0xb1: {  	s8 =	simm.s32 $0x4;
	s9 =	smul.u32 $0x3, s9;
	[sflag:s1] =	ssyncadd.s32 $0xFFFFC000  }
0xb2: {  	[tilespmem:s28], [sflag:$0x3] =	stream.indirect.gather [hbm4b:s4+s22], $0x80, s29, s22, $0xb8;
	[tilespmem:$0x1D400] =	vst v63  }
0xb3: {  	s16 =	smov.u32 s26;
	s15 =	smov.u32 s25;
	_ =	swait.ge [sflag:s0], $0x4000  }
.LBB2_2:
0xb4: {  	s9 =	ssub.s32 s7, s9  }
0xb5: {  	[sflag:s0] =	ssyncset.done $0x0;
	s7 =	smov.u32 s8;
	s29 =	sadd.s32 $0x1, s8  }
0xb6: {  	s10 =	smul.u32 $0xAB, s7;
	s9 =	sand.u32 $0xFF, s9;
	[sflag:s0] =	ssyncadd.s32 $0xFFFFC000  }
0xb7: {  	[spmem:s2] =	stream.indirect.scatter.add.f32 [tilespmem:s28], [sflag:$0x5], $0x80, s5, s22, $0xb8;
	[tilespmem:$0x1D400] =	vst v63  }
0xb8: {  	s5 =	sadd.s32 $0xFFFFFEAA, s10;
	s10 =	sshrl.u32 s10, $0x9;
	_ =	swait.ge [sflag:s30], $0x4000  }
0xb9: {  	s5 =	sshrl.u32 s5, $0x9;
	s10 =	sand.u32 $0x7F, s10;
	[sflag:s30] =	ssyncset.done $0x0  }
0xba: {  	s5 =	sand.u32 $0x7F, s5;
	s10 =	smul.u32 $0x3, s10;
	[sflag:s30] =	ssyncadd.s32 $0xFFFFC000  }
0xbb: {  	p0 =	sne.s32 s8, $0xB;
	s8 =	sshll.u32 s9, $0xA;
	s5 =	smul.u32 $0x3, s5  }
0xbc: {  	[tilespmem:s23], [sflag:$0x2] =	stream.indirect.gather [hbm4b:s4+s22], $0x80, s8, s22, $0xb8;
	[tilespmem:$0x1D400] =	vst v63  }
0xbd: {  	s8 =	ssub.s32 s7, s10;
	s5 =	ssub.s32 s7, s5;
	_ =	swait.ge [sflag:s31], $0x400  }
0xbe: {  	s9 =	sand.u32 $0xFF, s8;
	s5 =	sadd.s32 $0xFFFFFFFE, s5;
	[sflag:s31] =	ssyncset.done $0x0  }
0xbf: {  	s5 =	sand.u32 $0xFF, s5;
	[sflag:s31] =	ssyncadd.s32 $0xFFFFFC00  }
0xc0: {  	s8 =	sshll.u32 s5, $0xA;
	_ =	swait.ge [sflag:s31], $0x400  }
0xc1: {  	s5 =	sadd.s32 $0xF80, s8;
	[sflag:s31] =	ssyncset.done $0x0  }
0xc2: {  	s10 =	sadd.s32 $0xC00, s8;
	[sflag:s31] =	ssyncadd.s32 $0xFFFFFC00  }
0xc3: {  	_ =	swait.ge [sflag:s24], $0x4000  }
0xc4: {  	s15 =	sadd.s32 $0x80, s15;
	[sflag:s24] =	ssyncset.done $0x0  }
0xc5: {  	s16 =	sadd.s32 $0x80, s16;
	[sflag:s24] =	ssyncadd.s32 $0xFFFFC000  }
0xc6: {  	[spmem:s2] =	stream.indirect.scatter.add.f32 [tilespmem:s23], [sflag:$0x4], $0x80, s10, s22, $0xb8;
	[tilespmem:$0x1D400] =	vst v63  }
0xc7: {  	_ =	swait.ge [sflag:s1], $0x4000  }
0xc8: {  	[sflag:s1] =	ssyncset.done $0x0  }
0xc9: {  	s9 =	sshll.u32 s9, $0xA;
	[sflag:s1] =	ssyncadd.s32 $0xFFFFC000  }
0xca: {  	[tilespmem:s9], [sflag:$0x1] =	stream.linear.gather [hbm4b:s15+s3], $0x400, $0x38;
	[tilespmem:$0x1D400] =	vst v63  }
0xcb: {  	s9 =	sadd.s32 $0xC00, s9  }
0xcc: {  	[tilespmem:s9], [sflag:$0x1] =	stream.linear.gather [hbm4b:s16+s3], $0x400, $0x38;
	[tilespmem:$0x1D400] =	vst v63  }
0xcd: {  	s9 =	sor.u32 $0x80, s8  }
0xce: {  	[tilespmem:s28], [sflag:$0x3] =	stream.indirect.gather [hbm4b:s4+s22], $0x80, s9, s22, $0xb8;
	[tilespmem:$0x1D400] =	vst v63  }
0xcf: {  	_ =	swait.ge [sflag:s0], $0x4000  }
0xd0: {  	[sflag:s0] =	ssyncset.done $0x0  }
0xd1: {  	s9 =	sadd.s32 $0xC80, s8;
	[sflag:s0] =	ssyncadd.s32 $0xFFFFC000  }
0xd2: {  	[spmem:s2] =	stream.indirect.scatter.add.f32 [tilespmem:s28], [sflag:$0x5], $0x80, s9, s22, $0xb8;
	[tilespmem:$0x1D400] =	vst v63  }
0xd3: {  	_ =	swait.ge [sflag:s30], $0x4000  }
0xd4: {  	[sflag:s30] =	ssyncset.done $0x0  }
0xd5: {  	s9 =	sor.u32 $0x100, s8;
	[sflag:s30] =	ssyncadd.s32 $0xFFFFC000  }
0xd6: {  	[tilespmem:s23], [sflag:$0x2] =	stream.indirect.gather [hbm4b:s4+s22], $0x80, s9, s22, $0xb8;
	[tilespmem:$0x1D400] =	vst v63  }
0xd7: {  	_ =	swait.ge [sflag:s24], $0x4000  }
0xd8: {  	[sflag:s24] =	ssyncset.done $0x0  }
0xd9: {  	s9 =	sadd.s32 $0xD00, s8;
	[sflag:s24] =	ssyncadd.s32 $0xFFFFC000  }
0xda: {  	[spmem:s2] =	stream.indirect.scatter.add.f32 [tilespmem:s23], [sflag:$0x4], $0x80, s9, s22, $0xb8;
	[tilespmem:$0x1D400] =	vst v63  }
0xdb: {  	_ =	swait.ge [sflag:s1], $0x4000  }
0xdc: {  	[sflag:s1] =	ssyncset.done $0x0  }
0xdd: {  	s9 =	sor.u32 $0x180, s8;
	[sflag:s1] =	ssyncadd.s32 $0xFFFFC000  }
0xde: {  	[tilespmem:s28], [sflag:$0x3] =	stream.indirect.gather [hbm4b:s4+s22], $0x80, s9, s22, $0xb8;
	[tilespmem:$0x1D400] =	vst v63  }
0xdf: {  	_ =	swait.ge [sflag:s0], $0x4000  }
0xe0: {  	[sflag:s0] =	ssyncset.done $0x0  }
0xe1: {  	s9 =	sadd.s32 $0xD80, s8;
	[sflag:s0] =	ssyncadd.s32 $0xFFFFC000  }
0xe2: {  	[spmem:s2] =	stream.indirect.scatter.add.f32 [tilespmem:s28], [sflag:$0x5], $0x80, s9, s22, $0xb8;
	[tilespmem:$0x1D400] =	vst v63  }
0xe3: {  	_ =	swait.ge [sflag:s30], $0x4000  }
0xe4: {  	[sflag:s30] =	ssyncset.done $0x0  }
0xe5: {  	s9 =	sor.u32 $0x200, s8;
	[sflag:s30] =	ssyncadd.s32 $0xFFFFC000  }
0xe6: {  	[tilespmem:s23], [sflag:$0x2] =	stream.indirect.gather [hbm4b:s4+s22], $0x80, s9, s22, $0xb8;
	[tilespmem:$0x1D400] =	vst v63  }
0xe7: {  	_ =	swait.ge [sflag:s24], $0x4000  }
0xe8: {  	[sflag:s24] =	ssyncset.done $0x0  }
0xe9: {  	s9 =	sadd.s32 $0xE00, s8;
	[sflag:s24] =	ssyncadd.s32 $0xFFFFC000  }
0xea: {  	[spmem:s2] =	stream.indirect.scatter.add.f32 [tilespmem:s23], [sflag:$0x4], $0x80, s9, s22, $0xb8;
	[tilespmem:$0x1D400] =	vst v63  }
0xeb: {  	_ =	swait.ge [sflag:s1], $0x4000  }
0xec: {  	[sflag:s1] =	ssyncset.done $0x0  }
0xed: {  	s9 =	sor.u32 $0x280, s8;
	[sflag:s1] =	ssyncadd.s32 $0xFFFFC000  }
0xee: {  	[tilespmem:s28], [sflag:$0x3] =	stream.indirect.gather [hbm4b:s4+s22], $0x80, s9, s22, $0xb8;
	[tilespmem:$0x1D400] =	vst v63  }
0xef: {  	_ =	swait.ge [sflag:s0], $0x4000  }
0xf0: {  	[sflag:s0] =	ssyncset.done $0x0  }
0xf1: {  	s9 =	sadd.s32 $0xE80, s8;
	[sflag:s0] =	ssyncadd.s32 $0xFFFFC000  }
0xf2: {  	[spmem:s2] =	stream.indirect.scatter.add.f32 [tilespmem:s28], [sflag:$0x5], $0x80, s9, s22, $0xb8;
	[tilespmem:$0x1D400] =	vst v63  }
0xf3: {  	_ =	swait.ge [sflag:s30], $0x4000  }
0xf4: {  	[sflag:s30] =	ssyncset.done $0x0  }
0xf5: {  	s9 =	sor.u32 $0x300, s8;
	[sflag:s30] =	ssyncadd.s32 $0xFFFFC000  }
0xf6: {  	[tilespmem:s23], [sflag:$0x2] =	stream.indirect.gather [hbm4b:s4+s22], $0x80, s9, s22, $0xb8;
	[tilespmem:$0x1D400] =	vst v63  }
0xf7: {  	s7 =	sadd.s32 $0xFFFFFFFF, s7;
	_ =	swait.ge [sflag:s24], $0x4000  }
0xf8: {  	s9 =	sand.u32 $0xFF, s7;
	[sflag:s24] =	ssyncset.done $0x0  }
0xf9: {  	s10 =	sadd.s32 $0xF00, s8;
	s9 =	smul.u32 $0xAB, s9;
	[sflag:s24] =	ssyncadd.s32 $0xFFFFC000  }
0xfa: {  	[spmem:s2] =	stream.indirect.scatter.add.f32 [tilespmem:s23], [sflag:$0x4], $0x80, s10, s22, $0xb8;
	[tilespmem:$0x1D400] =	vst v63  }
.Ltmp0:
0xfb: {  	_ =	swait.ge [sflag:s1], $0x4000;
	(pc) =	sbr.rel @p0 .LBB2_2-.Ltmp0, $4  }
0xfc: {  	s9 =	sshrl.u32 s9, $0x9;
	[sflag:s1] =	ssyncset.done $0x0  }
0xfd: {  	s8 =	sor.u32 $0x380, s8;
	s9 =	smul.u32 $0x3, s9;
	[sflag:s1] =	ssyncadd.s32 $0xFFFFC000  }
0xfe: {  	[tilespmem:s28], [sflag:$0x3] =	stream.indirect.gather [hbm4b:s4+s22], $0x80, s8, s22, $0xb8;
	[tilespmem:$0x1D400] =	vst v63  }
0xff: {  	s8 =	smov.u32 s29;
	_ =	swait.ge [sflag:s0], $0x4000  }
0x100: {  	[sflag:s0] =	ssyncset.done $0x0  }
0x101: {  	[sflag:s0] =	ssyncadd.s32 $0xFFFFC000  }
0x102: {  	[spmem:s2] =	stream.indirect.scatter.add.f32 [tilespmem:s28], [sflag:$0x5], $0x80, s5, s22, $0xb8;
	[tilespmem:$0x1D400] =	vst v63  }
0x103: {  	s29 =	ssub.s32 s7, s9;
	_ =	swait.ge [sflag:s30], $0x4000  }
0x104: {  	s5 =	sand.u32 $0xFF, s29;
	[sflag:s30] =	ssyncset.done $0x0  }
0x105: {  	s5 =	sshll.u32 s5, $0xA;
	[sflag:s30] =	ssyncadd.s32 $0xFFFFC000  }
0x106: {  	[tilespmem:s23], [sflag:$0x2] =	stream.indirect.gather [hbm4b:s4+s22], $0x80, s5, s22, $0xb8;
	[tilespmem:$0x1D400] =	vst v63  }
0x107: {  	_ =	swait.ge [sflag:s31], $0x400  }
0x108: {  	[sflag:s31] =	ssyncset.done $0x0  }
0x109: {  	[sflag:s31] =	ssyncadd.s32 $0xFFFFFC00  }
0x10a: {  	_ =	swait.ge [sflag:s31], $0x400  }
0x10b: {  	[sflag:s31] =	ssyncset.done $0x0  }
0x10c: {  	[sflag:s31] =	ssyncadd.s32 $0xFFFFFC00  }
0x10d: {  	_ =	swait.ge [sflag:s1], $0x4000  }
0x10e: {  	[sflag:s1] =	ssyncset.done $0x0  }
0x10f: {  	[sflag:s1] =	ssyncadd.s32 $0xFFFFC000  }
0x110: {  	_ =	swait.ge [sflag:s24], $0x4000  }
0x111: {  	s21 =	sadd.s32 $0x1, s21;
	[sflag:s24] =	ssyncset.done $0x0  }
0x112: {  	p0 =	sne.s32 s21, s14;
	[sflag:s24] =	ssyncadd.s32 $0xFFFFC000  }
.Ltmp1:
0x113: {  	[bflag:$0x0] =	sbarrier.arrive $0xFFFF;
	(pc) =	sbr.rel @p0 .LBB2_1-.Ltmp1, $4  }
0x114: {  	[hbm:s13], [sflag:s6] =	dma.local [spmem:s17], $0x2780  }
0x115: {  	_ =	swait.ge [sflag:s18], $0x2780  }
0x116: {  	[sflag:s18] =	ssyncset.done $0x0  }
0x117: {  	[sflag:s18] =	ssyncadd.s32 $0xFFFFD880  }
0x118: {  	_ =	sfence.sel $0x180000  }
0x119: {  	[bflag:$0x0] =	sbarrier.arrive $0xFFFF  }
0x11a: {  	_ =	strace $0x9000004A  }
0x11b: {  	s0 =	stileid.u32;
	[bflag:$0x2] =	sbarrier.arrive $0xFFFF  }
0x11c: {  	p0 =	sne.s32 s0, $0x0;
	s0 =	rddreg [dreg:$0x2]  }
0x11d: {  	s0 =	sadd.s32 @!p0 $0x100000, s0  }
0x11e: {  	[sflag:s0] =	ssyncadd.tile.s32 @!p0 $0x1;
	_ =	shalt  }
.Lfunc_end2:
_tile_overlayer_lowered:
.L_overlay_start_2:
0x11f: {  	(tag) =	ssettag $0x2  }
0x120: {  	s0 =	rddreg [dreg:$0x0];
	s2 =	stileid.u32  }
0x121: {  	s1 =	rddreg [dreg:$0x1];
	p0 =	sne.s32 s2, $0x0  }
0x122: {  	s3 =	rddreg [dreg:$0x2];
	[bflag:$0x3] =	sbarrier.arrive $0xFFFF;
	s2 =	simm.s32 @!p0 $0x1C06  }
0x123: {  	[timem:s3], [sflag:s2] =	dma.local @!p0 [hbm:s0], s1  }
0x124: {  	s0 =	simm.s32 @!p0 $0x6  }
0x125: {  	_ =	swait.ge @!p0 [sflag:s0], s1  }
0x126: {  	s1 =	ssub.s32 @!p0 $0x0, s1;
	[sflag:s0] =	ssyncset.done @!p0 $0x0  }
0x127: {  	[sflag:s0] =	ssyncadd.s32 @!p0 s1  }
0x128: {  	[bflag:$0x3] =	sbarrier.arrive $0xFFFF  }
0x129: {  	_ =	shalt  }

// kernel: kernel.14.cloned.1.call-start
scs
__scs_entry_jumppad:
0x0: {  	(pc) =	sbr.rel $0x88, $3  }
0x1: {  	(tag) =	ssettag $0x0;
	lr =	simm.s32 $0x1  }
0x2: {  	[smem:$0x3F99] =	sst lr;
	_ =	strace $0xD0000000  }
0x3: {  	_ = 	snop  }
0x4: {  	_ = 	snop  }
0x5: {  	_ = 	snop  }
0x6: {  	_ = 	snop  }
0x7: {  	_ = 	snop  }
__scs_overlays_trampoline_lowered:
0x8: {  	[smem:$0x3FA8] =	sst s0  }
0x9: {  	[smem:$0x3FA9] =	sst s1  }
0xa: {  	[smem:$0x3FAA] =	sst s2  }
0xb: {  	[smem:$0x3FAB] =	sst s3  }
0xc: {  	[smem:$0x3FAC] =	sst s4  }
0xd: {  	[smem:$0x3FAD] =	sst s5  }
0xe: {  	[smem:$0x3FAE] =	sst s6  }
0xf: {  	[smem:$0x3FAF] =	sst s7  }
0x10: {  	[smem:$0x3FB0] =	sst s8  }
0x11: {  	[smem:$0x3FB1] =	sst s9;
	s0 =	simm.s32 @!p0 $0x0  }
0x12: {  	s1 =	sld [smem:$0x3F97];
	s0 =	simm.s32 @p0 $0x1  }
0x13: {  	[smem:$0x3FB2] =	sst s0;
	s0 =	simm.s32 @!p1 $0x0  }
0x14: {  	s2 =	sld [smem:$0x3F96];
	s0 =	simm.s32 @p1 $0x1  }
0x15: {  	[smem:$0x3FB3] =	sst s0;
	s0 =	simm.s32 @!p2 $0x0  }
0x16: {  	s3 =	sld [smem:$0x3FDB];
	s0 =	simm.s32 @p2 $0x1  }
0x17: {  	s4 =	simm.s32 $0x1BF5;
	[smem:$0x3FB5] =	sst s0  }
0x18: {  	s0 =	sld [smem:$0x3F98];
	_ =	swait.ge [sflag:s4], $0x0  }
0x19: {  	s7 =	sld [smem:$0x3F99]  }
0x1a: {  	s8 =	sadd.s32 $0xFFFFE003, lr  }
0x1b: {  	s9 =	sadd.s32 $0xFFFFFEF7, lr;
	s5 =	simm.s32 $0xFFFFFFFF;
	p2 =	slt.u32 s8, $0xFFFFF086  }
0x1c: {  	p1 =	slt.u32 s9, $0xF7A;
	s5 =	simm.s32 @!p2 $0x0  }
0x1d: {  	s5 =	simm.s32 @p1 $0x1;
	p0 =	seq.s32 s7, s2  }
0x1e: {  	s7 =	smul.u32 @!p0 $0xF7A, s2;
	p2 =	seq.s32 @!p0 s5, $0x0  }
0x1f: {  	s9 =	smul.u32 $0xF7A, s1;
	s8 =	simm.s32 @!p0 $0x1BF5;
	p2 =	por !p2, p0  }
0x20: {  	[sflag:s8] =	ssyncset.s32 @!p0 $0xFFFFF086;
	s6 =	sadd.s32 @!p0 s3, s7;
	s7 =	simm.s32 @!p0 $0x108  }
0x21: {  	s3 =	sadd.s32 s3, s9;
	s6 =	sadd.s32 @!p0 $0x88, s6;
	s7 =	simm.s32 @p2 $0x1082  }
0x22: {  	[simem:s7], [sflag:s8] =	dma.local @!p0 [hbm:s6], $0xF7A  }
0x23: {  	s9 =	sor.u32 $0xD0000000, s2;
	s6 =	simm.s32 $0x108;
	_ =	swait.ge @!p0 [sflag:s8], $0x0  }
0x24: {  	s3 =	sadd.s32 $0x88, s3;
	s6 =	simm.s32 @!p1 $0x1082;
	[sflag:s4] =	ssyncset.s32 $0xFFFFF086  }
0x25: {  	[simem:s6], [sflag:s4] =	dma.local [hbm:s3], $0xF7A  }
0x26: {  	[smem:$0x3F99] =	sst s1;
	(tag) =	ssettag s2;
	_ =	strace s9  }
0x27: {  	s1 =	sld [smem:$0x3FA9]  }
0x28: {  	s2 =	sld [smem:$0x3FAA]  }
0x29: {  	s4 =	sld [smem:$0x3FAC]  }
0x2a: {  	p0 =	seq.s32 s5, $0x0;
	s5 =	sld [smem:$0x3FAD]  }
0x2b: {  	s6 =	sld [smem:$0x3FAE]  }
0x2c: {  	s7 =	sld [smem:$0x3FAF]  }
0x2d: {  	s3 =	simm.s32 $0x108;
	s8 =	sld [smem:$0x3FB0]  }
0x2e: {  	s3 =	simm.s32 @!p0 $0x1082;
	s9 =	sld [smem:$0x3FB1]  }
0x2f: {  	lr =	sadd.s32 s0, s3;
	s0 =	sld [smem:$0x3FA8]  }
0x30: {  	s3 =	sld [smem:$0x3FAB]  }
0x31: {  	[smem:$0x3FB4] =	sst s10  }
0x32: {  	s10 =	sld [smem:$0x3FB2];
	_ =	sdelay $0x3  }
0x33: {  	p0 =	seq.s32 s10, $0x1;
	s10 =	sld [smem:$0x3FB4];
	_ =	sdelay $0x3  }
0x34: {  	[smem:$0x3FB4] =	sst s10  }
0x35: {  	s10 =	sld [smem:$0x3FB3];
	_ =	sdelay $0x3  }
0x36: {  	p1 =	seq.s32 s10, $0x1;
	s10 =	sld [smem:$0x3FB4];
	_ =	sdelay $0x3  }
0x37: {  	[smem:$0x3FB4] =	sst s10  }
0x38: {  	s10 =	sld [smem:$0x3FB5]  }
0x39: {  	_ = 	snop;
	(pc) =	sbr.ind lr, $3  }
0x3a: {  	_ = 	snop  }
0x3b: {  	_ = 	snop  }
0x3c: {  	p2 =	seq.s32 s10, $0x1;
	s10 =	sld [smem:$0x3FB4]  }
0x3d: {  	_ =	shalt  }
0x3e: {  	_ =	shalt  }
0x3f: {  	_ =	shalt  }
0x40: {  	_ =	shalt  }
0x41: {  	_ =	shalt  }
0x42: {  	_ =	shalt  }
0x43: {  	_ =	shalt  }
0x44: {  	_ =	shalt  }
0x45: {  	_ =	shalt  }
0x46: {  	_ =	shalt  }
0x47: {  	_ =	shalt  }
0x48: {  	_ =	shalt  }
0x49: {  	_ =	shalt  }
0x4a: {  	_ =	shalt  }
0x4b: {  	_ =	shalt  }
0x4c: {  	_ =	shalt  }
0x4d: {  	_ =	shalt  }
0x4e: {  	_ =	shalt  }
0x4f: {  	_ =	shalt  }
0x50: {  	_ =	shalt  }
0x51: {  	_ =	shalt  }
0x52: {  	_ =	shalt  }
0x53: {  	_ =	shalt  }
0x54: {  	_ =	shalt  }
0x55: {  	_ =	shalt  }
0x56: {  	_ =	shalt  }
0x57: {  	_ =	shalt  }
0x58: {  	_ =	shalt  }
0x59: {  	_ =	shalt  }
0x5a: {  	_ =	shalt  }
0x5b: {  	_ =	shalt  }
0x5c: {  	_ =	shalt  }
0x5d: {  	_ =	shalt  }
0x5e: {  	_ =	shalt  }
0x5f: {  	_ =	shalt  }
0x60: {  	_ =	shalt  }
0x61: {  	_ =	shalt  }
0x62: {  	_ =	shalt  }
0x63: {  	_ =	shalt  }
0x64: {  	_ =	shalt  }
0x65: {  	_ =	shalt  }
0x66: {  	_ =	shalt  }
0x67: {  	_ =	shalt  }
0x68: {  	_ =	shalt  }
0x69: {  	_ =	shalt  }
0x6a: {  	_ =	shalt  }
0x6b: {  	_ =	shalt  }
0x6c: {  	_ =	shalt  }
0x6d: {  	_ =	shalt  }
0x6e: {  	_ =	shalt  }
0x6f: {  	_ =	shalt  }
0x70: {  	_ =	shalt  }
0x71: {  	_ =	shalt  }
0x72: {  	_ =	shalt  }
0x73: {  	_ =	shalt  }
0x74: {  	_ =	shalt  }
0x75: {  	_ =	shalt  }
0x76: {  	_ =	shalt  }
0x77: {  	_ =	shalt  }
0x78: {  	_ =	shalt  }
0x79: {  	_ =	shalt  }
0x7a: {  	_ =	shalt  }
0x7b: {  	_ =	shalt  }
0x7c: {  	_ =	shalt  }
0x7d: {  	_ =	shalt  }
0x7e: {  	_ =	shalt  }
0x7f: {  	_ =	shalt  }
0x80: {  	_ =	shalt  }
0x81: {  	_ =	shalt  }
0x82: {  	_ =	shalt  }
0x83: {  	_ =	shalt  }
0x84: {  	_ =	shalt  }
0x85: {  	_ =	shalt  }
0x86: {  	_ =	shalt  }
0x87: {  	_ =	shalt  }
.Lfunc_end0:
.L_simem_size_0:
called_computation.2_lowered:
.L_overlay_start_0:
0x88: {  	s2 =	sld [smem:$0x3FD9]  }
0x89: {  	s3 =	sld [smem:$0x3FFE];
	_ =	sdelay $0x1  }
0x8a: {  	s1 =	srdreg.scid  }
0x8b: {  	s0 =	sand.u32 $0x1, s1  }
0x8c: {  	s16 =	sshll.u32 s0, $0xA;
	s2 =	sadd.s32 s3, s2  }
0x8d: {  	s2 =	sadd.s32 s2, s16  }
0x8e: {  	[smem:$0x3FC0] =	sst s2  }
0x8f: {  	_ = 	snop  }
0x90: {  	(tm) =	ssettm $0x1  }
0x91: {  	s17 =	sld [smem:$0x3FFB];
	_ =	sdelay $0x3  }
0x92: {  	_ =	strace s17  }
0x93: {  	s2 =	sld [smem:$0x3FFC];
	_ =	sdelay $0x3  }
0x94: {  	_ =	strace s2  }
0x95: {  	s2 =	sld [smem:$0x3FFD];
	_ =	sdelay $0x3  }
0x96: {  	_ =	strace s2  }
0x97: {  	_ =	strace $0x8FFFFFFF  }
0x98: {  	s18 =	sld [smem:$0x3FDB];
	_ =	sdelay $0x1  }
0x99: {  	s19 =	simm.s32 $_scs_section_size  }
0x9a: {  	s4 =	simm.s32 $_size__tile_overlayer_lowered;
	s5 =	simm.s32 $_tile_overlayer_lowered  }
0x9b: {  	s22 =	simm.s32 $0x1BFF;
	s21 =	sshll.u32 s5, $0x1;
	s2 =	sadd.s32 s19, s18  }
0x9c: {  	s6 =	simm.s32 $0x0;
	s20 =	sshll.u32 s4, $0x1;
	s4 =	sadd.s32 s21, s2  }
0x9d: {  	[timem:s6], [sflag:s22] =	dma.local [hbm:s4], s20  }
0x9e: {  	_ =	swait.ge [sflag:s22], s20  }
0x9f: {  	s3 =	ssub.s32 $0x0, s20;
	[sflag:s22] =	ssyncset.done $0x0  }
0xa0: {  	[sflag:s22] =	ssyncadd.s32 s3;
	_ =	sdelay $0x1  }
0xa1: {  	s23 =	simm.s32 $0x1B8B  }
0xa2: {  	_ =	swait.ge [sflag:s23], $0x1  }
0xa3: {  	[sflag:s23] =	ssyncset.done $0x0  }
0xa4: {  	s25 =	simm.s32 $0x1B8E;
	s24 =	sld [smem:$0x3FFE];
	[sflag:s23] =	ssyncadd.s32 $0xFFFFFFFF  }
0xa5: {  	s26 =	simm.s32 $execute0_lowered;
	[smem:$0x3FD2] =	sst s25  }
0xa6: {  	s4 =	sshll.u32 s26, $0x1;
	_ =	strace $0x8000004C;
	[dreg:$0x1] =	wrdreg $0xFFFFFFFF  }
0xa7: {  	s28 =	simm.s32 $_size_execute0_lowered;
	s2 =	sadd.s32 s2, s4;
	[dreg:$0x0] =	wrdreg $0x0  }
0xa8: {  	s4 =	sshll.u32 s28, $0x1;
	[dreg:$0x2] =	wrdreg s2  }
0xa9: {  	[dreg:$0x3] =	wrdreg s4  }
0xaa: {  	[dreg:$0x4] =	wrdreg $0xC0  }
0xab: {  	_ =	task [dreg:s6], $0x5FFFF  }
0xac: {  	[dreg:$0x1] =	wrdreg $0xFFFFFFFF  }
0xad: {  	[dreg:$0x0] =	wrdreg $0x60  }
0xae: {  	[dreg:$0x2] =	wrdreg s24  }
0xaf: {  	[dreg:$0x3] =	wrdreg $0x98000  }
0xb0: {  	[dreg:$0x4] =	wrdreg $0x9  }
0xb1: {  	_ =	task.clear_ibuf [dreg:s6], $0x5FFFF;
	_ =	strace $0x9000004C  }
0xb2: {  	s29 =	simm.s32 $0x9;
	_ =	strace $0x8000004E  }
0xb3: {  	_ =	swait.ge [sflag:s29], $0x1  }
0xb4: {  	[sflag:s29] =	ssyncadd.s32 $0xFFFFFFFF  }
0xb5: {  	_ =	strace $0x9000004E  }
0xb6: {  	_ =	sfence  }
0xb7: {  	s30 =	sld [smem:$0x0];
	_ =	sdelay $0x2  }
0xb8: {  	s31 =	sshll.u32 s1, $0xD;
	s1 =	sshrl.u32 s1, $0x2  }
0xb9: {  	s3 =	sand.u32 $0x4000, s31;
	s1 =	sadd.s32 s1, s30  }
0xba: {  	s0 =	sor.u32 s3, s0;
	s1 =	sshll.u32 s1, $0x11  }
0xbb: {  	s0 =	sor.u32 s1, s0  }
0xbc: {  	s0 =	sadd.s32 $0x8F2B, s0  }
0xbd: {  	[sflag:s0] =	ssyncadd.remote.s32 $0x1  }
0xbe: {  	_ =	sfence.sel $0xFFFF  }
0xbf: {  	[dreg:$0x0] =	wrdreg $0xFFFFFFFF;
	(pc) =	sbr.abs _section_cstart, $3  }
0xc0: {  	[dreg:$0x1] =	wrdreg $0xFFFFFFFF  }
0xc1: {  	_ =	task.clear_ibuf [dreg:s6], $0x2FFFF;
	_ =	strace $0x9FFFFFFF  }
0xc2: {  	(tm) =	ssettm $0x7FFFFFFF  }
0xc3: {  	_ =	shalt  }
tec
execute0_lowered:
.L_overlay_start_1:
0x0: {  	(tag) =	ssettag $0x1  }
0x1: {  	s0 =	rddreg [dreg:$0x0]  }
0x2: {  	s2 =	rddreg [dreg:$0x1]  }
0x3: {  	s3 =	simm.s32 $0x0;
	s13 =	stileid.u32;
	s1 =	srdreg.scid  }
0x4: {  	s28 =	simm.s32 $0x5800;
	s30 =	simm.s32 $0x4;
	s5 =	smul.u32 $0x13C00, s13  }
0x5: {  	s31 =	simm.s32 $0x1;
	[smem:$0x7FF] =	sst s3;
	s12 =	smul.u32 $0x50, s13  }
0x6: {  	s1 =	sand.u32 $0x1, s1;
	s4 =	sadd.s32 $0x16600, s0;
	s15 =	smul.u32 $0x500, s13  }
0x7: {  	s7 =	sadd.s32 $0xC400, s0;
	s8 =	sadd.s32 $0x1C00, s0;
	s6 =	smul.u32 $0x13C000, s1  }
0x8: {  	s19 =	sshll.u32 s13, $0x6;
	_ =	strace $0x8000004D;
	s10 =	smul.u32 $0x510, s1  }
0x9: {  	s11 =	ssub.s32 $0x2, s1;
	s1 =	smul.u32 $0x5100, s1;
	s9 =	sshrl.u32 s5, $0x3  }
0xa: {  	s17 =	sshrl.u32 s11, $0x1;
	s6 =	sadd.s32 s5, s6;
	s9 =	sadd.s32 s9, s0  }
0xb: {  	s14 =	ssub.s32 s11, s17;
	s18 =	sadd.s32 s12, s10;
	s5 =	sadd.s32 s5, s2  }
0xc: {  	s6 =	sshrl.u32 s6, $0x3;
	s9 =	sadd.s32 $0x65600, s9;
	s20 =	sshll.u32 s18, $0x4  }
0xd: {  	s14 =	smax.u32 s14, $0x1;
	s17 =	sshrl.u32 s5, $0x3;
	s18 =	simm.s32 $0x6  }
0xe: {  	s0 =	sadd.s32 s6, s0;
	[dreg:$0x3] =	wrdreg s9;
	s6 =	sor.u32 $0x1C06, s19  }
0xf: {  	s21 =	sadd.s32 s7, s20;
	s22 =	sor.u32 $0x80, s20;
	s23 =	sadd.s32 s8, s20  }
0x10: {  	s25 =	sadd.s32 $0x100, s20;
	s19 =	simm.s32 $0xC00;
	[dreg:$0x4] =	wrdreg s21  }
0x11: {  	s20 =	simm.s32 $0x400;
	[dreg:$0x5] =	wrdreg s23;
	s24 =	sadd.s32 s7, s22  }
0x12: {  	s9 =	sadd.s32 s8, s22;
	s11 =	sadd.s32 s7, s25;
	s12 =	sadd.s32 s8, s25  }
0x13: {  	s7 =	sadd.s32 s1, s7;
	s13 =	sadd.s32 $0x8CE00, s0;
	s1 =	sadd.s32 s1, s8  }
0x14: {  	s22 =	simm.s32 $0x80;
	s23 =	simm.s32 $0x1800;
	[dreg:$0x6] =	wrdreg s24  }
0x15: {  	s0 =	simm.s32 $0x3;
	s21 =	simm.s32 $0x0;
	[dreg:$0x7] =	wrdreg s9  }
0x16: {  	s26 =	sadd.s32 s15, s7;
	s29 =	sadd.s32 s15, s1;
	s24 =	simm.s32 $0x2  }
0x17: {  	s1 =	simm.s32 $0x5;
	s25 =	sadd.s32 $0x180, s26;
	s26 =	sadd.s32 $0x180, s29  }
.LBB2_1:
0x18: {  	s5 =	rddreg [dreg:$0x3]  }
0x19: {  	[spmem:s17], [sflag:s6] =	dma.local [hbm:s5], $0x2780  }
0x1a: {  	_ =	swait.ge [sflag:s18], $0x2780  }
0x1b: {  	[sflag:s18] =	ssyncset.done $0x0  }
0x1c: {  	s10 =	rddreg [dreg:$0x4];
	[sflag:s18] =	ssyncadd.s32 $0xFFFFD880  }
0x1d: {  	[tilespmem:s3], [sflag:$0x6] =	stream.linear.gather [hbm4b:s10+s3], $0x400, $0x38;
	[tilespmem:$0x1D400] =	vst v63  }
0x1e: {  	_ =	swait.ge [sflag:s18], $0x400  }
0x1f: {  	[sflag:s18] =	ssyncset.done $0x0  }
0x20: {  	s15 =	rddreg [dreg:$0x5];
	[sflag:s18] =	ssyncadd.s32 $0xFFFFFC00  }
0x21: {  	[tilespmem:s19], [sflag:$0x6] =	stream.linear.gather [hbm4b:s15+s3], $0x400, $0x38;
	[tilespmem:$0x1D400] =	vst v63  }
0x22: {  	_ =	swait.ge [sflag:s18], $0x400  }
0x23: {  	[sflag:s18] =	ssyncset.done $0x0  }
0x24: {  	s16 =	rddreg [dreg:$0x6];
	[sflag:s18] =	ssyncadd.s32 $0xFFFFFC00  }
0x25: {  	[tilespmem:s20], [sflag:$0x6] =	stream.linear.gather [hbm4b:s16+s3], $0x400, $0x38;
	[tilespmem:$0x1D400] =	vst v63  }
0x26: {  	_ =	swait.ge [sflag:s18], $0x400  }
0x27: {  	[sflag:s18] =	ssyncset.done $0x0  }
0x28: {  	s7 =	simm.s32 $0x1000;
	s29 =	rddreg [dreg:$0x7];
	[sflag:s18] =	ssyncadd.s32 $0xFFFFFC00  }
0x29: {  	[tilespmem:s7], [sflag:$0x6] =	stream.linear.gather [hbm4b:s29+s3], $0x400, $0x38;
	[tilespmem:$0x1D400] =	vst v63  }
0x2a: {  	_ =	swait.ge [sflag:s18], $0x400  }
0x2b: {  	[sflag:s18] =	ssyncset.done $0x0  }
0x2c: {  	[sflag:s18] =	ssyncadd.s32 $0xFFFFFC00  }
0x2d: {  	[bflag:$0x0] =	sbarrier.arrive $0xFFFF  }
0x2e: {  	[tilespmem:s23], [sflag:$0x2] =	stream.indirect.gather [hbm4b:s4+s22], $0x80, s3, s22, $0xb8;
	[tilespmem:$0x1D400] =	vst v63  }
0x2f: {  	_ =	swait.ge [sflag:s24], $0x4000  }
0x30: {  	[sflag:s24] =	ssyncset.done $0x0  }
0x31: {  	[sflag:s24] =	ssyncadd.s32 $0xFFFFC000  }
0x32: {  	[spmem:s2] =	stream.indirect.scatter.add.f32 [tilespmem:s23], [sflag:$0x4], $0x80, s19, s22, $0xb8;
	[tilespmem:$0x1D400] =	vst v63  }
0x33: {  	s7 =	simm.s32 $0x800  }
0x34: {  	[tilespmem:s7], [sflag:$0x1] =	stream.linear.gather [hbm4b:s11+s3], $0x400, $0x38;
	[tilespmem:$0x1D400] =	vst v63  }
0x35: {  	s8 =	simm.s32 $0x1400  }
0x36: {  	[tilespmem:s8], [sflag:$0x1] =	stream.linear.gather [hbm4b:s12+s3], $0x400, $0x38;
	[tilespmem:$0x1D400] =	vst v63  }
0x37: {  	_ = 	snop  }
0x38: {  	[tilespmem:s28], [sflag:$0x3] =	stream.indirect.gather [hbm4b:s4+s22], $0x80, s22, s22, $0xb8;
	[tilespmem:$0x1D400] =	vst v63  }
0x39: {  	_ =	swait.ge [sflag:s0], $0x4000  }
0x3a: {  	[sflag:s0] =	ssyncset.done $0x0  }
0x3b: {  	s9 =	simm.s32 $0xC80;
	[sflag:s0] =	ssyncadd.s32 $0xFFFFC000  }
0x3c: {  	[spmem:s2] =	stream.indirect.scatter.add.f32 [tilespmem:s28], [sflag:$0x5], $0x80, s9, s22, $0xb8;
	[tilespmem:$0x1D400] =	vst v63  }
0x3d: {  	_ =	swait.ge [sflag:s30], $0x4000  }
0x3e: {  	[sflag:s30] =	ssyncset.done $0x0  }
0x3f: {  	s10 =	simm.s32 $0x100;
	[sflag:s30] =	ssyncadd.s32 $0xFFFFC000  }
0x40: {  	[tilespmem:s23], [sflag:$0x2] =	stream.indirect.gather [hbm4b:s4+s22], $0x80, s10, s22, $0xb8;
	[tilespmem:$0x1D400] =	vst v63  }
0x41: {  	_ =	swait.ge [sflag:s24], $0x4000  }
0x42: {  	[sflag:s24] =	ssyncset.done $0x0  }
0x43: {  	s15 =	simm.s32 $0xD00;
	[sflag:s24] =	ssyncadd.s32 $0xFFFFC000  }
0x44: {  	[spmem:s2] =	stream.indirect.scatter.add.f32 [tilespmem:s23], [sflag:$0x4], $0x80, s15, s22, $0xb8;
	[tilespmem:$0x1D400] =	vst v63  }
0x45: {  	_ =	swait.ge [sflag:s1], $0x4000  }
0x46: {  	[sflag:s1] =	ssyncset.done $0x0  }
0x47: {  	s16 =	simm.s32 $0x180;
	[sflag:s1] =	ssyncadd.s32 $0xFFFFC000  }
0x48: {  	[tilespmem:s28], [sflag:$0x3] =	stream.indirect.gather [hbm4b:s4+s22], $0x80, s16, s22, $0xb8;
	[tilespmem:$0x1D400] =	vst v63  }
0x49: {  	_ =	swait.ge [sflag:s0], $0x4000  }
0x4a: {  	[sflag:s0] =	ssyncset.done $0x0  }
0x4b: {  	s29 =	simm.s32 $0xD80;
	[sflag:s0] =	ssyncadd.s32 $0xFFFFC000  }
0x4c: {  	[spmem:s2] =	stream.indirect.scatter.add.f32 [tilespmem:s28], [sflag:$0x5], $0x80, s29, s22, $0xb8;
	[tilespmem:$0x1D400] =	vst v63  }
0x4d: {  	_ =	swait.ge [sflag:s30], $0x4000  }
0x4e: {  	[sflag:s30] =	ssyncset.done $0x0  }
0x4f: {  	s7 =	simm.s32 $0x200;
	[sflag:s30] =	ssyncadd.s32 $0xFFFFC000  }
0x50: {  	[tilespmem:s23], [sflag:$0x2] =	stream.indirect.gather [hbm4b:s4+s22], $0x80, s7, s22, $0xb8;
	[tilespmem:$0x1D400] =	vst v63  }
0x51: {  	_ =	swait.ge [sflag:s24], $0x4000  }
0x52: {  	[sflag:s24] =	ssyncset.done $0x0  }
0x53: {  	s8 =	simm.s32 $0xE00;
	[sflag:s24] =	ssyncadd.s32 $0xFFFFC000  }
0x54: {  	[spmem:s2] =	stream.indirect.scatter.add.f32 [tilespmem:s23], [sflag:$0x4], $0x80, s8, s22, $0xb8;
	[tilespmem:$0x1D400] =	vst v63  }
0x55: {  	_ =	swait.ge [sflag:s1], $0x4000  }
0x56: {  	[sflag:s1] =	ssyncset.done $0x0  }
0x57: {  	s9 =	simm.s32 $0x280;
	[sflag:s1] =	ssyncadd.s32 $0xFFFFC000  }
0x58: {  	[tilespmem:s28], [sflag:$0x3] =	stream.indirect.gather [hbm4b:s4+s22], $0x80, s9, s22, $0xb8;
	[tilespmem:$0x1D400] =	vst v63  }
0x59: {  	_ =	swait.ge [sflag:s0], $0x4000  }
0x5a: {  	[sflag:s0] =	ssyncset.done $0x0  }
0x5b: {  	s10 =	simm.s32 $0xE80;
	[sflag:s0] =	ssyncadd.s32 $0xFFFFC000  }
0x5c: {  	[spmem:s2] =	stream.indirect.scatter.add.f32 [tilespmem:s28], [sflag:$0x5], $0x80, s10, s22, $0xb8;
	[tilespmem:$0x1D400] =	vst v63  }
0x5d: {  	_ =	swait.ge [sflag:s30], $0x4000  }
0x5e: {  	[sflag:s30] =	ssyncset.done $0x0  }
0x5f: {  	s15 =	simm.s32 $0x300;
	[sflag:s30] =	ssyncadd.s32 $0xFFFFC000  }
0x60: {  	[tilespmem:s23], [sflag:$0x2] =	stream.indirect.gather [hbm4b:s4+s22], $0x80, s15, s22, $0xb8;
	[tilespmem:$0x1D400] =	vst v63  }
0x61: {  	_ =	swait.ge [sflag:s24], $0x4000  }
0x62: {  	[sflag:s24] =	ssyncset.done $0x0  }
0x63: {  	s16 =	simm.s32 $0xF00;
	[sflag:s24] =	ssyncadd.s32 $0xFFFFC000  }
0x64: {  	[spmem:s2] =	stream.indirect.scatter.add.f32 [tilespmem:s23], [sflag:$0x4], $0x80, s16, s22, $0xb8;
	[tilespmem:$0x1D400] =	vst v63  }
0x65: {  	_ =	swait.ge [sflag:s1], $0x4000  }
0x66: {  	[sflag:s1] =	ssyncset.done $0x0  }
0x67: {  	s29 =	simm.s32 $0x380;
	[sflag:s1] =	ssyncadd.s32 $0xFFFFC000  }
0x68: {  	[tilespmem:s28], [sflag:$0x3] =	stream.indirect.gather [hbm4b:s4+s22], $0x80, s29, s22, $0xb8;
	[tilespmem:$0x1D400] =	vst v63  }
0x69: {  	_ =	swait.ge [sflag:s0], $0x4000  }
0x6a: {  	[sflag:s0] =	ssyncset.done $0x0  }
0x6b: {  	s7 =	simm.s32 $0xF80;
	[sflag:s0] =	ssyncadd.s32 $0xFFFFC000  }
0x6c: {  	[spmem:s2] =	stream.indirect.scatter.add.f32 [tilespmem:s28], [sflag:$0x5], $0x80, s7, s22, $0xb8;
	[tilespmem:$0x1D400] =	vst v63  }
0x6d: {  	s8 =	smul.u32 $0xAB, s0;
	_ =	swait.ge [sflag:s30], $0x4000  }
0x6e: {  	[sflag:s30] =	ssyncset.done $0x0  }
0x6f: {  	s9 =	sadd.s32 $0xFFFFFEAA, s8;
	[sflag:s30] =	ssyncadd.s32 $0xFFFFC000  }
0x70: {  	[tilespmem:s23], [sflag:$0x2] =	stream.indirect.gather [hbm4b:s4+s22], $0x80, s20, s22, $0xb8;
	[tilespmem:$0x1D400] =	vst v63  }
0x71: {  	s7 =	sshrl.u32 s9, $0x9;
	_ =	swait.ge [sflag:s31], $0x400  }
0x72: {  	s7 =	sand.u32 $0x7F, s7;
	[sflag:s31] =	ssyncset.done $0x0  }
0x73: {  	s7 =	smul.u32 $0x3, s7;
	[sflag:s31] =	ssyncadd.s32 $0xFFFFFC00  }
0x74: {  	_ =	swait.ge [sflag:s31], $0x400  }
0x75: {  	s7 =	ssub.s32 $0x3, s7;
	[sflag:s31] =	ssyncset.done $0x0  }
0x76: {  	s7 =	sadd.s32 $0xFFFFFFFE, s7;
	[sflag:s31] =	ssyncadd.s32 $0xFFFFFC00  }
0x77: {  	s5 =	sshrl.u32 s8, $0x9;
	s7 =	sand.u32 $0xFF, s7;
	_ =	swait.ge [sflag:s24], $0x4000  }
0x78: {  	s8 =	sand.u32 $0x7F, s5;
	s5 =	sshll.u32 s7, $0xA;
	[sflag:s24] =	ssyncset.done $0x0  }
0x79: {  	s10 =	smul.u32 $0x3, s8;
	s15 =	sadd.s32 $0xC00, s5;
	[sflag:s24] =	ssyncadd.s32 $0xFFFFC000  }
0x7a: {  	[spmem:s2] =	stream.indirect.scatter.add.f32 [tilespmem:s23], [sflag:$0x4], $0x80, s15, s22, $0xb8;
	[tilespmem:$0x1D400] =	vst v63  }
0x7b: {  	s7 =	ssub.s32 $0x3, s10;
	_ =	swait.ge [sflag:s1], $0x4000  }
0x7c: {  	s7 =	sand.u32 $0xFF, s7;
	[sflag:s1] =	ssyncset.done $0x0  }
0x7d: {  	s7 =	sshll.u32 s7, $0xA;
	[sflag:s1] =	ssyncadd.s32 $0xFFFFC000  }
0x7e: {  	[tilespmem:s7], [sflag:$0x1] =	stream.linear.gather [hbm4b:s25+s3], $0x400, $0x38;
	[tilespmem:$0x1D400] =	vst v63  }
0x7f: {  	s7 =	sadd.s32 $0xC00, s7  }
0x80: {  	[tilespmem:s7], [sflag:$0x1] =	stream.linear.gather [hbm4b:s26+s3], $0x400, $0x38;
	[tilespmem:$0x1D400] =	vst v63  }
0x81: {  	s16 =	sor.u32 $0x80, s5  }
0x82: {  	[tilespmem:s28], [sflag:$0x3] =	stream.indirect.gather [hbm4b:s4+s22], $0x80, s16, s22, $0xb8;
	[tilespmem:$0x1D400] =	vst v63  }
0x83: {  	_ =	swait.ge [sflag:s0], $0x4000  }
0x84: {  	[sflag:s0] =	ssyncset.done $0x0  }
0x85: {  	s29 =	sadd.s32 $0xC80, s5;
	[sflag:s0] =	ssyncadd.s32 $0xFFFFC000  }
0x86: {  	[spmem:s2] =	stream.indirect.scatter.add.f32 [tilespmem:s28], [sflag:$0x5], $0x80, s29, s22, $0xb8;
	[tilespmem:$0x1D400] =	vst v63  }
0x87: {  	_ =	swait.ge [sflag:s30], $0x4000  }
0x88: {  	[sflag:s30] =	ssyncset.done $0x0  }
0x89: {  	s8 =	sor.u32 $0x100, s5;
	[sflag:s30] =	ssyncadd.s32 $0xFFFFC000  }
0x8a: {  	[tilespmem:s23], [sflag:$0x2] =	stream.indirect.gather [hbm4b:s4+s22], $0x80, s8, s22, $0xb8;
	[tilespmem:$0x1D400] =	vst v63  }
0x8b: {  	_ =	swait.ge [sflag:s24], $0x4000  }
0x8c: {  	[sflag:s24] =	ssyncset.done $0x0  }
0x8d: {  	s9 =	sadd.s32 $0xD00, s5;
	[sflag:s24] =	ssyncadd.s32 $0xFFFFC000  }
0x8e: {  	[spmem:s2] =	stream.indirect.scatter.add.f32 [tilespmem:s23], [sflag:$0x4], $0x80, s9, s22, $0xb8;
	[tilespmem:$0x1D400] =	vst v63  }
0x8f: {  	_ =	swait.ge [sflag:s1], $0x4000  }
0x90: {  	[sflag:s1] =	ssyncset.done $0x0  }
0x91: {  	s10 =	sor.u32 $0x180, s5;
	[sflag:s1] =	ssyncadd.s32 $0xFFFFC000  }
0x92: {  	[tilespmem:s28], [sflag:$0x3] =	stream.indirect.gather [hbm4b:s4+s22], $0x80, s10, s22, $0xb8;
	[tilespmem:$0x1D400] =	vst v63  }
0x93: {  	_ =	swait.ge [sflag:s0], $0x4000  }
0x94: {  	[sflag:s0] =	ssyncset.done $0x0  }
0x95: {  	s15 =	sadd.s32 $0xD80, s5;
	[sflag:s0] =	ssyncadd.s32 $0xFFFFC000  }
0x96: {  	[spmem:s2] =	stream.indirect.scatter.add.f32 [tilespmem:s28], [sflag:$0x5], $0x80, s15, s22, $0xb8;
	[tilespmem:$0x1D400] =	vst v63  }
0x97: {  	_ =	swait.ge [sflag:s30], $0x4000  }
0x98: {  	[sflag:s30] =	ssyncset.done $0x0  }
0x99: {  	s16 =	sor.u32 $0x200, s5;
	[sflag:s30] =	ssyncadd.s32 $0xFFFFC000  }
0x9a: {  	[tilespmem:s23], [sflag:$0x2] =	stream.indirect.gather [hbm4b:s4+s22], $0x80, s16, s22, $0xb8;
	[tilespmem:$0x1D400] =	vst v63  }
0x9b: {  	_ =	swait.ge [sflag:s24], $0x4000  }
0x9c: {  	[sflag:s24] =	ssyncset.done $0x0  }
0x9d: {  	s29 =	sadd.s32 $0xE00, s5;
	[sflag:s24] =	ssyncadd.s32 $0xFFFFC000  }
0x9e: {  	[spmem:s2] =	stream.indirect.scatter.add.f32 [tilespmem:s23], [sflag:$0x4], $0x80, s29, s22, $0xb8;
	[tilespmem:$0x1D400] =	vst v63  }
0x9f: {  	_ =	swait.ge [sflag:s1], $0x4000  }
0xa0: {  	[sflag:s1] =	ssyncset.done $0x0  }
0xa1: {  	s8 =	sor.u32 $0x280, s5;
	[sflag:s1] =	ssyncadd.s32 $0xFFFFC000  }
0xa2: {  	[tilespmem:s28], [sflag:$0x3] =	stream.indirect.gather [hbm4b:s4+s22], $0x80, s8, s22, $0xb8;
	[tilespmem:$0x1D400] =	vst v63  }
0xa3: {  	_ =	swait.ge [sflag:s0], $0x4000  }
0xa4: {  	[sflag:s0] =	ssyncset.done $0x0  }
0xa5: {  	s9 =	sadd.s32 $0xE80, s5;
	[sflag:s0] =	ssyncadd.s32 $0xFFFFC000  }
0xa6: {  	[spmem:s2] =	stream.indirect.scatter.add.f32 [tilespmem:s28], [sflag:$0x5], $0x80, s9, s22, $0xb8;
	[tilespmem:$0x1D400] =	vst v63  }
0xa7: {  	_ =	swait.ge [sflag:s30], $0x4000  }
0xa8: {  	[sflag:s30] =	ssyncset.done $0x0  }
0xa9: {  	s10 =	sor.u32 $0x300, s5;
	[sflag:s30] =	ssyncadd.s32 $0xFFFFC000  }
0xaa: {  	[tilespmem:s23], [sflag:$0x2] =	stream.indirect.gather [hbm4b:s4+s22], $0x80, s10, s22, $0xb8;
	[tilespmem:$0x1D400] =	vst v63  }
0xab: {  	s7 =	simm.s32 $0x2;
	_ =	swait.ge [sflag:s24], $0x4000  }
0xac: {  	s16 =	sand.u32 $0xFF, s7;
	[sflag:s24] =	ssyncset.done $0x0  }
0xad: {  	s15 =	sadd.s32 $0xF00, s5;
	s9 =	smul.u32 $0xAB, s16;
	[sflag:s24] =	ssyncadd.s32 $0xFFFFC000  }
0xae: {  	[spmem:s2] =	stream.indirect.scatter.add.f32 [tilespmem:s23], [sflag:$0x4], $0x80, s15, s22, $0xb8;
	[tilespmem:$0x1D400] =	vst v63  }
0xaf: {  	s29 =	sor.u32 $0x380, s5;
	_ =	swait.ge [sflag:s1], $0x4000  }
0xb0: {  	s5 =	sadd.s32 $0xF80, s5;
	s9 =	sshrl.u32 s9, $0x9;
	[sflag:s1] =	ssyncset.done $0x0  }
0xb1: {  	s8 =	simm.s32 $0x4;
	s9 =	smul.u32 $0x3, s9;
	[sflag:s1] =	ssyncadd.s32 $0xFFFFC000  }
0xb2: {  	[tilespmem:s28], [sflag:$0x3] =	stream.indirect.gather [hbm4b:s4+s22], $0x80, s29, s22, $0xb8;
	[tilespmem:$0x1D400] =	vst v63  }
0xb3: {  	s16 =	smov.u32 s26;
	s15 =	smov.u32 s25;
	_ =	swait.ge [sflag:s0], $0x4000  }
.LBB2_2:
0xb4: {  	s9 =	ssub.s32 s7, s9  }
0xb5: {  	[sflag:s0] =	ssyncset.done $0x0;
	s7 =	smov.u32 s8;
	s29 =	sadd.s32 $0x1, s8  }
0xb6: {  	s10 =	smul.u32 $0xAB, s7;
	s9 =	sand.u32 $0xFF, s9;
	[sflag:s0] =	ssyncadd.s32 $0xFFFFC000  }
0xb7: {  	[spmem:s2] =	stream.indirect.scatter.add.f32 [tilespmem:s28], [sflag:$0x5], $0x80, s5, s22, $0xb8;
	[tilespmem:$0x1D400] =	vst v63  }
0xb8: {  	s5 =	sadd.s32 $0xFFFFFEAA, s10;
	s10 =	sshrl.u32 s10, $0x9;
	_ =	swait.ge [sflag:s30], $0x4000  }
0xb9: {  	s5 =	sshrl.u32 s5, $0x9;
	s10 =	sand.u32 $0x7F, s10;
	[sflag:s30] =	ssyncset.done $0x0  }
0xba: {  	s5 =	sand.u32 $0x7F, s5;
	s10 =	smul.u32 $0x3, s10;
	[sflag:s30] =	ssyncadd.s32 $0xFFFFC000  }
0xbb: {  	p0 =	sne.s32 s8, $0xB;
	s8 =	sshll.u32 s9, $0xA;
	s5 =	smul.u32 $0x3, s5  }
0xbc: {  	[tilespmem:s23], [sflag:$0x2] =	stream.indirect.gather [hbm4b:s4+s22], $0x80, s8, s22, $0xb8;
	[tilespmem:$0x1D400] =	vst v63  }
0xbd: {  	s8 =	ssub.s32 s7, s10;
	s5 =	ssub.s32 s7, s5;
	_ =	swait.ge [sflag:s31], $0x400  }
0xbe: {  	s9 =	sand.u32 $0xFF, s8;
	s5 =	sadd.s32 $0xFFFFFFFE, s5;
	[sflag:s31] =	ssyncset.done $0x0  }
0xbf: {  	s5 =	sand.u32 $0xFF, s5;
	[sflag:s31] =	ssyncadd.s32 $0xFFFFFC00  }
0xc0: {  	s8 =	sshll.u32 s5, $0xA;
	_ =	swait.ge [sflag:s31], $0x400  }
0xc1: {  	s5 =	sadd.s32 $0xF80, s8;
	[sflag:s31] =	ssyncset.done $0x0  }
0xc2: {  	s10 =	sadd.s32 $0xC00, s8;
	[sflag:s31] =	ssyncadd.s32 $0xFFFFFC00  }
0xc3: {  	_ =	swait.ge [sflag:s24], $0x4000  }
0xc4: {  	s15 =	sadd.s32 $0x80, s15;
	[sflag:s24] =	ssyncset.done $0x0  }
0xc5: {  	s16 =	sadd.s32 $0x80, s16;
	[sflag:s24] =	ssyncadd.s32 $0xFFFFC000  }
0xc6: {  	[spmem:s2] =	stream.indirect.scatter.add.f32 [tilespmem:s23], [sflag:$0x4], $0x80, s10, s22, $0xb8;
	[tilespmem:$0x1D400] =	vst v63  }
0xc7: {  	_ =	swait.ge [sflag:s1], $0x4000  }
0xc8: {  	[sflag:s1] =	ssyncset.done $0x0  }
0xc9: {  	s9 =	sshll.u32 s9, $0xA;
	[sflag:s1] =	ssyncadd.s32 $0xFFFFC000  }
0xca: {  	[tilespmem:s9], [sflag:$0x1] =	stream.linear.gather [hbm4b:s15+s3], $0x400, $0x38;
	[tilespmem:$0x1D400] =	vst v63  }
0xcb: {  	s9 =	sadd.s32 $0xC00, s9  }
0xcc: {  	[tilespmem:s9], [sflag:$0x1] =	stream.linear.gather [hbm4b:s16+s3], $0x400, $0x38;
	[tilespmem:$0x1D400] =	vst v63  }
0xcd: {  	s9 =	sor.u32 $0x80, s8  }
0xce: {  	[tilespmem:s28], [sflag:$0x3] =	stream.indirect.gather [hbm4b:s4+s22], $0x80, s9, s22, $0xb8;
	[tilespmem:$0x1D400] =	vst v63  }
0xcf: {  	_ =	swait.ge [sflag:s0], $0x4000  }
0xd0: {  	[sflag:s0] =	ssyncset.done $0x0  }
0xd1: {  	s9 =	sadd.s32 $0xC80, s8;
	[sflag:s0] =	ssyncadd.s32 $0xFFFFC000  }
0xd2: {  	[spmem:s2] =	stream.indirect.scatter.add.f32 [tilespmem:s28], [sflag:$0x5], $0x80, s9, s22, $0xb8;
	[tilespmem:$0x1D400] =	vst v63  }
0xd3: {  	_ =	swait.ge [sflag:s30], $0x4000  }
0xd4: {  	[sflag:s30] =	ssyncset.done $0x0  }
0xd5: {  	s9 =	sor.u32 $0x100, s8;
	[sflag:s30] =	ssyncadd.s32 $0xFFFFC000  }
0xd6: {  	[tilespmem:s23], [sflag:$0x2] =	stream.indirect.gather [hbm4b:s4+s22], $0x80, s9, s22, $0xb8;
	[tilespmem:$0x1D400] =	vst v63  }
0xd7: {  	_ =	swait.ge [sflag:s24], $0x4000  }
0xd8: {  	[sflag:s24] =	ssyncset.done $0x0  }
0xd9: {  	s9 =	sadd.s32 $0xD00, s8;
	[sflag:s24] =	ssyncadd.s32 $0xFFFFC000  }
0xda: {  	[spmem:s2] =	stream.indirect.scatter.add.f32 [tilespmem:s23], [sflag:$0x4], $0x80, s9, s22, $0xb8;
	[tilespmem:$0x1D400] =	vst v63  }
0xdb: {  	_ =	swait.ge [sflag:s1], $0x4000  }
0xdc: {  	[sflag:s1] =	ssyncset.done $0x0  }
0xdd: {  	s9 =	sor.u32 $0x180, s8;
	[sflag:s1] =	ssyncadd.s32 $0xFFFFC000  }
0xde: {  	[tilespmem:s28], [sflag:$0x3] =	stream.indirect.gather [hbm4b:s4+s22], $0x80, s9, s22, $0xb8;
	[tilespmem:$0x1D400] =	vst v63  }
0xdf: {  	_ =	swait.ge [sflag:s0], $0x4000  }
0xe0: {  	[sflag:s0] =	ssyncset.done $0x0  }
0xe1: {  	s9 =	sadd.s32 $0xD80, s8;
	[sflag:s0] =	ssyncadd.s32 $0xFFFFC000  }
0xe2: {  	[spmem:s2] =	stream.indirect.scatter.add.f32 [tilespmem:s28], [sflag:$0x5], $0x80, s9, s22, $0xb8;
	[tilespmem:$0x1D400] =	vst v63  }
0xe3: {  	_ =	swait.ge [sflag:s30], $0x4000  }
0xe4: {  	[sflag:s30] =	ssyncset.done $0x0  }
0xe5: {  	s9 =	sor.u32 $0x200, s8;
	[sflag:s30] =	ssyncadd.s32 $0xFFFFC000  }
0xe6: {  	[tilespmem:s23], [sflag:$0x2] =	stream.indirect.gather [hbm4b:s4+s22], $0x80, s9, s22, $0xb8;
	[tilespmem:$0x1D400] =	vst v63  }
0xe7: {  	_ =	swait.ge [sflag:s24], $0x4000  }
0xe8: {  	[sflag:s24] =	ssyncset.done $0x0  }
0xe9: {  	s9 =	sadd.s32 $0xE00, s8;
	[sflag:s24] =	ssyncadd.s32 $0xFFFFC000  }
0xea: {  	[spmem:s2] =	stream.indirect.scatter.add.f32 [tilespmem:s23], [sflag:$0x4], $0x80, s9, s22, $0xb8;
	[tilespmem:$0x1D400] =	vst v63  }
0xeb: {  	_ =	swait.ge [sflag:s1], $0x4000  }
0xec: {  	[sflag:s1] =	ssyncset.done $0x0  }
0xed: {  	s9 =	sor.u32 $0x280, s8;
	[sflag:s1] =	ssyncadd.s32 $0xFFFFC000  }
0xee: {  	[tilespmem:s28], [sflag:$0x3] =	stream.indirect.gather [hbm4b:s4+s22], $0x80, s9, s22, $0xb8;
	[tilespmem:$0x1D400] =	vst v63  }
0xef: {  	_ =	swait.ge [sflag:s0], $0x4000  }
0xf0: {  	[sflag:s0] =	ssyncset.done $0x0  }
0xf1: {  	s9 =	sadd.s32 $0xE80, s8;
	[sflag:s0] =	ssyncadd.s32 $0xFFFFC000  }
0xf2: {  	[spmem:s2] =	stream.indirect.scatter.add.f32 [tilespmem:s28], [sflag:$0x5], $0x80, s9, s22, $0xb8;
	[tilespmem:$0x1D400] =	vst v63  }
0xf3: {  	_ =	swait.ge [sflag:s30], $0x4000  }
0xf4: {  	[sflag:s30] =	ssyncset.done $0x0  }
0xf5: {  	s9 =	sor.u32 $0x300, s8;
	[sflag:s30] =	ssyncadd.s32 $0xFFFFC000  }
0xf6: {  	[tilespmem:s23], [sflag:$0x2] =	stream.indirect.gather [hbm4b:s4+s22], $0x80, s9, s22, $0xb8;
	[tilespmem:$0x1D400] =	vst v63  }
0xf7: {  	s7 =	sadd.s32 $0xFFFFFFFF, s7;
	_ =	swait.ge [sflag:s24], $0x4000  }
0xf8: {  	s9 =	sand.u32 $0xFF, s7;
	[sflag:s24] =	ssyncset.done $0x0  }
0xf9: {  	s10 =	sadd.s32 $0xF00, s8;
	s9 =	smul.u32 $0xAB, s9;
	[sflag:s24] =	ssyncadd.s32 $0xFFFFC000  }
0xfa: {  	[spmem:s2] =	stream.indirect.scatter.add.f32 [tilespmem:s23], [sflag:$0x4], $0x80, s10, s22, $0xb8;
	[tilespmem:$0x1D400] =	vst v63  }
.Ltmp0:
0xfb: {  	_ =	swait.ge [sflag:s1], $0x4000;
	(pc) =	sbr.rel @p0 .LBB2_2-.Ltmp0, $4  }
0xfc: {  	s9 =	sshrl.u32 s9, $0x9;
	[sflag:s1] =	ssyncset.done $0x0  }
0xfd: {  	s8 =	sor.u32 $0x380, s8;
	s9 =	smul.u32 $0x3, s9;
	[sflag:s1] =	ssyncadd.s32 $0xFFFFC000  }
0xfe: {  	[tilespmem:s28], [sflag:$0x3] =	stream.indirect.gather [hbm4b:s4+s22], $0x80, s8, s22, $0xb8;
	[tilespmem:$0x1D400] =	vst v63  }
0xff: {  	s8 =	smov.u32 s29;
	_ =	swait.ge [sflag:s0], $0x4000  }
0x100: {  	[sflag:s0] =	ssyncset.done $0x0  }
0x101: {  	[sflag:s0] =	ssyncadd.s32 $0xFFFFC000  }
0x102: {  	[spmem:s2] =	stream.indirect.scatter.add.f32 [tilespmem:s28], [sflag:$0x5], $0x80, s5, s22, $0xb8;
	[tilespmem:$0x1D400] =	vst v63  }
0x103: {  	s29 =	ssub.s32 s7, s9;
	_ =	swait.ge [sflag:s30], $0x4000  }
0x104: {  	s5 =	sand.u32 $0xFF, s29;
	[sflag:s30] =	ssyncset.done $0x0  }
0x105: {  	s5 =	sshll.u32 s5, $0xA;
	[sflag:s30] =	ssyncadd.s32 $0xFFFFC000  }
0x106: {  	[tilespmem:s23], [sflag:$0x2] =	stream.indirect.gather [hbm4b:s4+s22], $0x80, s5, s22, $0xb8;
	[tilespmem:$0x1D400] =	vst v63  }
0x107: {  	_ =	swait.ge [sflag:s31], $0x400  }
0x108: {  	[sflag:s31] =	ssyncset.done $0x0  }
0x109: {  	[sflag:s31] =	ssyncadd.s32 $0xFFFFFC00  }
0x10a: {  	_ =	swait.ge [sflag:s31], $0x400  }
0x10b: {  	[sflag:s31] =	ssyncset.done $0x0  }
0x10c: {  	[sflag:s31] =	ssyncadd.s32 $0xFFFFFC00  }
0x10d: {  	_ =	swait.ge [sflag:s1], $0x4000  }
0x10e: {  	[sflag:s1] =	ssyncset.done $0x0  }
0x10f: {  	[sflag:s1] =	ssyncadd.s32 $0xFFFFC000  }
0x110: {  	_ =	swait.ge [sflag:s24], $0x4000  }
0x111: {  	s21 =	sadd.s32 $0x1, s21;
	[sflag:s24] =	ssyncset.done $0x0  }
0x112: {  	p0 =	sne.s32 s21, s14;
	[sflag:s24] =	ssyncadd.s32 $0xFFFFC000  }
.Ltmp1:
0x113: {  	[bflag:$0x0] =	sbarrier.arrive $0xFFFF;
	(pc) =	sbr.rel @p0 .LBB2_1-.Ltmp1, $4  }
0x114: {  	[hbm:s13], [sflag:s6] =	dma.local [spmem:s17], $0x2780  }
0x115: {  	_ =	swait.ge [sflag:s18], $0x2780  }
0x116: {  	[sflag:s18] =	ssyncset.done $0x0  }
0x117: {  	[sflag:s18] =	ssyncadd.s32 $0xFFFFD880  }
0x118: {  	_ =	sfence.sel $0x180000  }
0x119: {  	[bflag:$0x0] =	sbarrier.arrive $0xFFFF  }
0x11a: {  	_ =	strace $0x9000004D  }
0x11b: {  	s0 =	stileid.u32;
	[bflag:$0x2] =	sbarrier.arrive $0xFFFF  }
0x11c: {  	p0 =	sne.s32 s0, $0x0;
	s0 =	rddreg [dreg:$0x2]  }
0x11d: {  	s0 =	sadd.s32 @!p0 $0x100000, s0  }
0x11e: {  	[sflag:s0] =	ssyncadd.tile.s32 @!p0 $0x1;
	_ =	shalt  }
.Lfunc_end2:
_tile_overlayer_lowered:
.L_overlay_start_2:
0x11f: {  	(tag) =	ssettag $0x2  }
0x120: {  	s0 =	rddreg [dreg:$0x0];
	s2 =	stileid.u32  }
0x121: {  	s1 =	rddreg [dreg:$0x1];
	p0 =	sne.s32 s2, $0x0  }
0x122: {  	s3 =	rddreg [dreg:$0x2];
	[bflag:$0x3] =	sbarrier.arrive $0xFFFF;
	s2 =	simm.s32 @!p0 $0x1C06  }
0x123: {  	[timem:s3], [sflag:s2] =	dma.local @!p0 [hbm:s0], s1  }
0x124: {  	s0 =	simm.s32 @!p0 $0x6  }
0x125: {  	_ =	swait.ge @!p0 [sflag:s0], s1  }
0x126: {  	s1 =	ssub.s32 @!p0 $0x0, s1;
	[sflag:s0] =	ssyncset.done @!p0 $0x0  }
0x127: {  	[sflag:s0] =	ssyncadd.s32 @!p0 s1  }
0x128: {  	[bflag:$0x3] =	sbarrier.arrive $0xFFFF  }
0x129: {  	_ =	shalt  }

// kernel: kernel.8.cloned.1.call-start
scs
__scs_entry_jumppad:
0x0: {  	(pc) =	sbr.rel $0x88, $3  }
0x1: {  	(tag) =	ssettag $0x0;
	lr =	simm.s32 $0x1  }
0x2: {  	[smem:$0x3F99] =	sst lr;
	_ =	strace $0xD0000000  }
0x3: {  	_ = 	snop  }
0x4: {  	_ = 	snop  }
0x5: {  	_ = 	snop  }
0x6: {  	_ = 	snop  }
0x7: {  	_ = 	snop  }
__scs_overlays_trampoline_lowered:
0x8: {  	[smem:$0x3FA8] =	sst s0  }
0x9: {  	[smem:$0x3FA9] =	sst s1  }
0xa: {  	[smem:$0x3FAA] =	sst s2  }
0xb: {  	[smem:$0x3FAB] =	sst s3  }
0xc: {  	[smem:$0x3FAC] =	sst s4  }
0xd: {  	[smem:$0x3FAD] =	sst s5  }
0xe: {  	[smem:$0x3FAE] =	sst s6  }
0xf: {  	[smem:$0x3FAF] =	sst s7  }
0x10: {  	[smem:$0x3FB0] =	sst s8  }
0x11: {  	[smem:$0x3FB1] =	sst s9;
	s0 =	simm.s32 @!p0 $0x0  }
0x12: {  	s1 =	sld [smem:$0x3F97];
	s0 =	simm.s32 @p0 $0x1  }
0x13: {  	[smem:$0x3FB2] =	sst s0;
	s0 =	simm.s32 @!p1 $0x0  }
0x14: {  	s2 =	sld [smem:$0x3F96];
	s0 =	simm.s32 @p1 $0x1  }
0x15: {  	[smem:$0x3FB3] =	sst s0;
	s0 =	simm.s32 @!p2 $0x0  }
0x16: {  	s3 =	sld [smem:$0x3FDB];
	s0 =	simm.s32 @p2 $0x1  }
0x17: {  	s4 =	simm.s32 $0x1BF5;
	[smem:$0x3FB5] =	sst s0  }
0x18: {  	s0 =	sld [smem:$0x3F98];
	_ =	swait.ge [sflag:s4], $0x0  }
0x19: {  	s7 =	sld [smem:$0x3F99]  }
0x1a: {  	s8 =	sadd.s32 $0xFFFFE003, lr  }
0x1b: {  	s9 =	sadd.s32 $0xFFFFFEF7, lr;
	s5 =	simm.s32 $0xFFFFFFFF;
	p2 =	slt.u32 s8, $0xFFFFF086  }
0x1c: {  	p1 =	slt.u32 s9, $0xF7A;
	s5 =	simm.s32 @!p2 $0x0  }
0x1d: {  	s5 =	simm.s32 @p1 $0x1;
	p0 =	seq.s32 s7, s2  }
0x1e: {  	s7 =	smul.u32 @!p0 $0xF7A, s2;
	p2 =	seq.s32 @!p0 s5, $0x0  }
0x1f: {  	s9 =	smul.u32 $0xF7A, s1;
	s8 =	simm.s32 @!p0 $0x1BF5;
	p2 =	por !p2, p0  }
0x20: {  	[sflag:s8] =	ssyncset.s32 @!p0 $0xFFFFF086;
	s6 =	sadd.s32 @!p0 s3, s7;
	s7 =	simm.s32 @!p0 $0x108  }
0x21: {  	s3 =	sadd.s32 s3, s9;
	s6 =	sadd.s32 @!p0 $0x88, s6;
	s7 =	simm.s32 @p2 $0x1082  }
0x22: {  	[simem:s7], [sflag:s8] =	dma.local @!p0 [hbm:s6], $0xF7A  }
0x23: {  	s9 =	sor.u32 $0xD0000000, s2;
	s6 =	simm.s32 $0x108;
	_ =	swait.ge @!p0 [sflag:s8], $0x0  }
0x24: {  	s3 =	sadd.s32 $0x88, s3;
	s6 =	simm.s32 @!p1 $0x1082;
	[sflag:s4] =	ssyncset.s32 $0xFFFFF086  }
0x25: {  	[simem:s6], [sflag:s4] =	dma.local [hbm:s3], $0xF7A  }
0x26: {  	[smem:$0x3F99] =	sst s1;
	(tag) =	ssettag s2;
	_ =	strace s9  }
0x27: {  	s1 =	sld [smem:$0x3FA9]  }
0x28: {  	s2 =	sld [smem:$0x3FAA]  }
0x29: {  	s4 =	sld [smem:$0x3FAC]  }
0x2a: {  	p0 =	seq.s32 s5, $0x0;
	s5 =	sld [smem:$0x3FAD]  }
0x2b: {  	s6 =	sld [smem:$0x3FAE]  }
0x2c: {  	s7 =	sld [smem:$0x3FAF]  }
0x2d: {  	s3 =	simm.s32 $0x108;
	s8 =	sld [smem:$0x3FB0]  }
0x2e: {  	s3 =	simm.s32 @!p0 $0x1082;
	s9 =	sld [smem:$0x3FB1]  }
0x2f: {  	lr =	sadd.s32 s0, s3;
	s0 =	sld [smem:$0x3FA8]  }
0x30: {  	s3 =	sld [smem:$0x3FAB]  }
0x31: {  	[smem:$0x3FB4] =	sst s10  }
0x32: {  	s10 =	sld [smem:$0x3FB2];
	_ =	sdelay $0x3  }
0x33: {  	p0 =	seq.s32 s10, $0x1;
	s10 =	sld [smem:$0x3FB4];
	_ =	sdelay $0x3  }
0x34: {  	[smem:$0x3FB4] =	sst s10  }
0x35: {  	s10 =	sld [smem:$0x3FB3];
	_ =	sdelay $0x3  }
0x36: {  	p1 =	seq.s32 s10, $0x1;
	s10 =	sld [smem:$0x3FB4];
	_ =	sdelay $0x3  }
0x37: {  	[smem:$0x3FB4] =	sst s10  }
0x38: {  	s10 =	sld [smem:$0x3FB5]  }
0x39: {  	_ = 	snop;
	(pc) =	sbr.ind lr, $3  }
0x3a: {  	_ = 	snop  }
0x3b: {  	_ = 	snop  }
0x3c: {  	p2 =	seq.s32 s10, $0x1;
	s10 =	sld [smem:$0x3FB4]  }
0x3d: {  	_ =	shalt  }
0x3e: {  	_ =	shalt  }
0x3f: {  	_ =	shalt  }
0x40: {  	_ =	shalt  }
0x41: {  	_ =	shalt  }
0x42: {  	_ =	shalt  }
0x43: {  	_ =	shalt  }
0x44: {  	_ =	shalt  }
0x45: {  	_ =	shalt  }
0x46: {  	_ =	shalt  }
0x47: {  	_ =	shalt  }
0x48: {  	_ =	shalt  }
0x49: {  	_ =	shalt  }
0x4a: {  	_ =	shalt  }
0x4b: {  	_ =	shalt  }
0x4c: {  	_ =	shalt  }
0x4d: {  	_ =	shalt  }
0x4e: {  	_ =	shalt  }
0x4f: {  	_ =	shalt  }
0x50: {  	_ =	shalt  }
0x51: {  	_ =	shalt  }
0x52: {  	_ =	shalt  }
0x53: {  	_ =	shalt  }
0x54: {  	_ =	shalt  }
0x55: {  	_ =	shalt  }
0x56: {  	_ =	shalt  }
0x57: {  	_ =	shalt  }
0x58: {  	_ =	shalt  }
0x59: {  	_ =	shalt  }
0x5a: {  	_ =	shalt  }
0x5b: {  	_ =	shalt  }
0x5c: {  	_ =	shalt  }
0x5d: {  	_ =	shalt  }
0x5e: {  	_ =	shalt  }
0x5f: {  	_ =	shalt  }
0x60: {  	_ =	shalt  }
0x61: {  	_ =	shalt  }
0x62: {  	_ =	shalt  }
0x63: {  	_ =	shalt  }
0x64: {  	_ =	shalt  }
0x65: {  	_ =	shalt  }
0x66: {  	_ =	shalt  }
0x67: {  	_ =	shalt  }
0x68: {  	_ =	shalt  }
0x69: {  	_ =	shalt  }
0x6a: {  	_ =	shalt  }
0x6b: {  	_ =	shalt  }
0x6c: {  	_ =	shalt  }
0x6d: {  	_ =	shalt  }
0x6e: {  	_ =	shalt  }
0x6f: {  	_ =	shalt  }
0x70: {  	_ =	shalt  }
0x71: {  	_ =	shalt  }
0x72: {  	_ =	shalt  }
0x73: {  	_ =	shalt  }
0x74: {  	_ =	shalt  }
0x75: {  	_ =	shalt  }
0x76: {  	_ =	shalt  }
0x77: {  	_ =	shalt  }
0x78: {  	_ =	shalt  }
0x79: {  	_ =	shalt  }
0x7a: {  	_ =	shalt  }
0x7b: {  	_ =	shalt  }
0x7c: {  	_ =	shalt  }
0x7d: {  	_ =	shalt  }
0x7e: {  	_ =	shalt  }
0x7f: {  	_ =	shalt  }
0x80: {  	_ =	shalt  }
0x81: {  	_ =	shalt  }
0x82: {  	_ =	shalt  }
0x83: {  	_ =	shalt  }
0x84: {  	_ =	shalt  }
0x85: {  	_ =	shalt  }
0x86: {  	_ =	shalt  }
0x87: {  	_ =	shalt  }
.Lfunc_end0:
.L_simem_size_0:
called_computation_lowered:
.L_overlay_start_0:
0x88: {  	s2 =	sld [smem:$0x3FD9]  }
0x89: {  	s3 =	sld [smem:$0x3FFE];
	_ =	sdelay $0x1  }
0x8a: {  	s1 =	srdreg.scid  }
0x8b: {  	s0 =	sand.u32 $0x1, s1  }
0x8c: {  	s17 =	sshll.u32 s0, $0xA;
	s2 =	sadd.s32 s3, s2  }
0x8d: {  	s2 =	sadd.s32 s2, s17  }
0x8e: {  	[smem:$0x3FC0] =	sst s2  }
0x8f: {  	_ = 	snop  }
0x90: {  	s2 =	sld [smem:$0x3FD0];
	(tm) =	ssettm $0x1  }
0x91: {  	s18 =	sld [smem:$0x3FFB];
	_ =	sdelay $0x3  }
0x92: {  	_ =	strace s18  }
0x93: {  	s3 =	sld [smem:$0x3FFC];
	_ =	sdelay $0x3  }
0x94: {  	_ =	strace s3  }
0x95: {  	s3 =	sld [smem:$0x3FFD];
	_ =	sdelay $0x3  }
0x96: {  	_ =	strace s3  }
0x97: {  	_ =	strace $0x8FFFFFFF  }
0x98: {  	s19 =	sld [smem:$0x3FDB];
	_ =	sdelay $0x1  }
0x99: {  	s4 =	simm.s32 $_scs_section_size  }
0x9a: {  	s5 =	simm.s32 $_size__tile_overlayer_lowered;
	s6 =	simm.s32 $_tile_overlayer_lowered  }
0x9b: {  	s22 =	simm.s32 $0x1BFF;
	s21 =	sshll.u32 s6, $0x1;
	s3 =	sadd.s32 s4, s19  }
0x9c: {  	s7 =	simm.s32 $0x0;
	s20 =	sshll.u32 s5, $0x1;
	s5 =	sadd.s32 s21, s3  }
0x9d: {  	[timem:s7], [sflag:s22] =	dma.local [hbm:s5], s20  }
0x9e: {  	_ =	swait.ge [sflag:s22], s20  }
0x9f: {  	s4 =	ssub.s32 $0x0, s20;
	[sflag:s22] =	ssyncset.done $0x0  }
0xa0: {  	[sflag:s22] =	ssyncadd.s32 s4;
	_ =	sdelay $0x1  }
0xa1: {  	s23 =	simm.s32 $0x1B8B  }
0xa2: {  	_ =	swait.ge [sflag:s23], $0x1  }
0xa3: {  	[sflag:s23] =	ssyncset.done $0x0  }
0xa4: {  	s25 =	simm.s32 $0x1B8E;
	s24 =	sld [smem:$0x3FFE];
	[sflag:s23] =	ssyncadd.s32 $0xFFFFFFFF  }
0xa5: {  	s26 =	simm.s32 $execute0_lowered;
	[smem:$0x3FD2] =	sst s25  }
0xa6: {  	s5 =	sshll.u32 s26, $0x1;
	_ =	strace $0x80000046;
	[dreg:$0x1] =	wrdreg $0xFFFFFFFF  }
0xa7: {  	s28 =	simm.s32 $_size_execute0_lowered;
	s3 =	sadd.s32 s3, s5;
	[dreg:$0x0] =	wrdreg $0x0  }
0xa8: {  	s5 =	sshll.u32 s28, $0x1;
	[dreg:$0x2] =	wrdreg s3  }
0xa9: {  	[dreg:$0x3] =	wrdreg s5  }
0xaa: {  	[dreg:$0x4] =	wrdreg $0xC0  }
0xab: {  	_ =	task [dreg:s7], $0x5FFFF  }
0xac: {  	[dreg:$0x1] =	wrdreg $0xFFFFFFFF  }
0xad: {  	[dreg:$0x0] =	wrdreg $0x60  }
0xae: {  	[dreg:$0x2] =	wrdreg s24  }
0xaf: {  	[dreg:$0x3] =	wrdreg s2  }
0xb0: {  	[dreg:$0x4] =	wrdreg $0x28800  }
0xb1: {  	[dreg:$0x5] =	wrdreg $0x9  }
0xb2: {  	_ =	task.clear_ibuf [dreg:s7], $0x6FFFF;
	_ =	strace $0x90000046  }
0xb3: {  	s29 =	simm.s32 $0x9;
	_ =	strace $0x80000048  }
0xb4: {  	_ =	swait.ge [sflag:s29], $0x1  }
0xb5: {  	[sflag:s29] =	ssyncadd.s32 $0xFFFFFFFF  }
0xb6: {  	_ =	strace $0x90000048  }
0xb7: {  	_ =	sfence  }
0xb8: {  	s30 =	sld [smem:$0x0];
	_ =	sdelay $0x2  }
0xb9: {  	s31 =	sshll.u32 s1, $0xD;
	s1 =	sshrl.u32 s1, $0x2  }
0xba: {  	s3 =	sand.u32 $0x4000, s31;
	s1 =	sadd.s32 s1, s30  }
0xbb: {  	s0 =	sor.u32 s3, s0;
	s1 =	sshll.u32 s1, $0x11  }
0xbc: {  	s0 =	sor.u32 s1, s0  }
0xbd: {  	s0 =	sadd.s32 $0x8F2B, s0  }
0xbe: {  	[sflag:s0] =	ssyncadd.remote.s32 $0x1  }
0xbf: {  	_ =	sfence.sel $0xFFFF  }
0xc0: {  	[dreg:$0x0] =	wrdreg $0xFFFFFFFF;
	(pc) =	sbr.abs _section_cstart, $3  }
0xc1: {  	[dreg:$0x1] =	wrdreg $0xFFFFFFFF  }
0xc2: {  	_ =	task.clear_ibuf [dreg:s7], $0x2FFFF;
	_ =	strace $0x9FFFFFFF  }
0xc3: {  	(tm) =	ssettm $0x7FFFFFFF  }
tec
execute0_lowered:
.L_overlay_start_1:
0x0: {  	(tag) =	ssettag $0x1  }
0x1: {  	s4 =	rddreg [dreg:$0x0]  }
0x2: {  	s7 =	rddreg [dreg:$0x1]  }
0x3: {  	s0 =	srdreg.scid;
	s2 =	rddreg [dreg:$0x2]  }
0x4: {  	s1 =	stileid.u32;
	s3 =	simm.s32 $0x0;
	s12 =	simm.s32 $0x2800  }
0x5: {  	s13 =	simm.s32 $0x20;
	s14 =	simm.s32 $0x10;
	s15 =	simm.s32 $0x0  }
0x6: {  	s5 =	sand.u32 $0x1, s0;
	s0 =	rddreg [dreg:$0x3];
	s8 =	smul.u32 $0x500, s1  }
0x7: {  	[smem:$0x7FF] =	sst s3;
	s9 =	smul.u32 $0x280, s1;
	s31 =	sshll.u32 s1, $0x6  }
0x8: {  	s6 =	smul.u32 $0x5100, s5;
	_ =	strace $0x80000047;
	s11 =	ssub.s32 $0x2, s5  }
0x9: {  	s5 =	sshll.u32 s5, $0x7;
	s10 =	sshrl.u32 s9, $0x3;
	s30 =	sshrl.u32 s11, $0x1  }
0xa: {  	s9 =	sadd.s32 s9, s2;
	s6 =	sadd.s32 s8, s6;
	s8 =	sor.u32 s5, s8  }
0xb: {  	s5 =	sor.u32 $0x1C01, s31;
	s9 =	sshrl.u32 s9, $0x3;
	s6 =	sadd.s32 s6, s4  }
0xc: {  	s4 =	sadd.s32 s10, s4;
	s10 =	ssub.s32 s11, s30;
	s8 =	sshrl.u32 s8, $0x3  }
0xd: {  	s11 =	simm.s32 $0x80;
	s4 =	sadd.s32 $0xBE00, s4;
	s6 =	sadd.s32 $0x1C00, s6  }
0xe: {  	v0 =	vimm.f32 $1.000000000e+00;
	s7 =	sadd.s32 s7, s8;
	s8 =	smax.u32 s10, $0x1;
	s10 =	simm.s32 $0x1  }
.LBB2_1:
0xf: {  	[spmem:s9], [sflag:s5] =	dma.local [hbm:s4], $0x50  }
0x10: {  	_ =	swait.ge [sflag:s10], $0x50  }
0x11: {  	[sflag:s10] =	ssyncset.done $0x0  }
0x12: {  	[sflag:s10] =	ssyncadd.s32 $0xFFFFFFB0  }
0x13: {  	[tilespmem:s3], [sflag:$0x1] =	stream.linear.gather [hbm4b:s6+s3], $0x2800, $0x38;
	[tilespmem:$0x2B00] =	vst v63  }
0x14: {  	_ =	swait.ge [sflag:s10], $0x2800  }
0x15: {  	[sflag:s10] =	ssyncset.done $0x0  }
0x16: {  	[sflag:s10] =	ssyncadd.s32 $0xFFFFD800  }
0x17: {  	[tilespmem:$0x2800] =	vst v0  }
0x18: {  	[tilespmem:$0x2810] =	vst v0  }
0x19: {  	[tilespmem:$0x2820] =	vst v0  }
0x1a: {  	[tilespmem:$0x2830] =	vst v0  }
0x1b: {  	[tilespmem:$0x2840] =	vst v0  }
0x1c: {  	[tilespmem:$0x2850] =	vst v0  }
0x1d: {  	[tilespmem:$0x2860] =	vst v0  }
0x1e: {  	[tilespmem:$0x2870] =	vst v0  }
0x1f: {  	s16 =	simm.s32 $0x0;
	[bflag:$0x0] =	sbarrier.arrive $0xFFFF  }
0x20: {  	[spmem:s2] =	stream.indirect.scatter.add.f32 [tilespmem:s12], [sflag:$0x1], $0x1, s16, s11, $0xb8;
	[tilespmem:$0x2B00] =	vst v63  }
0x21: {  	_ =	swait.ge [sflag:s10], $0x80  }
0x22: {  	s16 =	simm.s32 $0x200;
	[sflag:s10] =	ssyncset.done $0x0  }
.LBB2_2:
0x23: {  	s17 =	sshra.s32 s16, $0x2;
	[sflag:s10] =	ssyncadd.s32 $0xFFFFFF80;
	p0 =	sne.s32 s16, $0x9E00  }
0x24: {  	[spmem:s2] =	stream.indirect.scatter.add.f32 [tilespmem:s12], [sflag:$0x1], $0x1, s17, s11, $0xb8;
	[tilespmem:$0x2B00] =	vst v63  }
.Ltmp0:
0x25: {  	_ = 	snop;
	(pc) =	sbr.rel @p0 .LBB2_2-.Ltmp0, $4  }
0x26: {  	_ = 	snop  }
0x27: {  	s16 =	sadd.s32 $0x200, s16  }
0x28: {  	_ =	swait.ge [sflag:s10], $0x80  }
0x29: {  	[sflag:s10] =	ssyncset.done $0x0  }
0x2a: {  	s15 =	sadd.s32 $0x1, s15  }
0x2b: {  	[sflag:s10] =	ssyncadd.s32 $0xFFFFFF80;
	p0 =	sne.s32 s15, s8  }
.Ltmp1:
0x2c: {  	[bflag:$0x0] =	sbarrier.arrive $0xFFFF;
	(pc) =	sbr.rel @p0 .LBB2_1-.Ltmp1, $4  }
0x2d: {  	[hbm:s7@s13], [sflag:s5] =	dma.strided [spmem:s9@s14], $0x50, s10, $0x10   }
0x2e: {  	_ =	swait.ge [sflag:s10], $0x50  }
0x2f: {  	[sflag:s10] =	ssyncset.done $0x0  }
0x30: {  	[sflag:s10] =	ssyncadd.s32 $0xFFFFFFB0  }
0x31: {  	_ =	sfence.sel $0x180000  }
0x32: {  	[bflag:$0x0] =	sbarrier.arrive $0xFFFF  }
0x33: {  	p0 =	sne.s32 s1, $0x0;
	_ =	strace $0x90000047  }
0x34: {  	s0 =	sadd.s32 @!p0 $0x100000, s0;
	[bflag:$0x2] =	sbarrier.arrive $0xFFFF  }
0x35: {  	[sflag:s0] =	ssyncadd.tile.s32 @!p0 $0x1;
	_ =	shalt  }
.Lfunc_end2:
_tile_overlayer_lowered:
.L_overlay_start_2:
0x36: {  	(tag) =	ssettag $0x2  }
0x37: {  	s0 =	rddreg [dreg:$0x0];
	s2 =	stileid.u32  }
0x38: {  	s1 =	rddreg [dreg:$0x1];
	p0 =	sne.s32 s2, $0x0  }
0x39: {  	s3 =	rddreg [dreg:$0x2];
	[bflag:$0x3] =	sbarrier.arrive $0xFFFF;
	s2 =	simm.s32 @!p0 $0x1C01  }
0x3a: {  	[timem:s3], [sflag:s2] =	dma.local @!p0 [hbm:s0], s1  }
0x3b: {  	s0 =	simm.s32 @!p0 $0x1  }
0x3c: {  	_ =	swait.ge @!p0 [sflag:s0], s1  }
0x3d: {  	s1 =	ssub.s32 @!p0 $0x0, s1;
	[sflag:s0] =	ssyncset.done @!p0 $0x0  }
0x3e: {  	[sflag:s0] =	ssyncadd.s32 @!p0 s1  }
0x3f: {  	[bflag:$0x3] =	sbarrier.arrive $0xFFFF  }
0x40: {  	_ =	shalt  }

</sc_bundles>
